<compile_context>
chip_gen: v7x
topology: tpu7x:2x2x1
jax: 0.10.2.dev20260603
libtpu: 0.0.44.dev20260713+nightly
codegen_flags: <defaults>
</compile_context>

<pallas_src>
import functools

import jax
import jax.numpy as jnp
from jax import lax
from jax.experimental import pallas as pl
from jax.experimental.pallas import tpu as pltpu
from jax.experimental.pallas import tpu_sc as plsc

NC = 2
NS = 16
CHUNK = 128
NBUF = 8
NHALF = 2



def _sc_agg_body(npad, ch, hst, idx3, zer, out, idx_v, *rest):
    rows = rest[0:NBUF]
    sem_g = rest[NBUF:2 * NBUF]
    sem_s = rest[2 * NBUF:3 * NBUF]
    acc_sh = rest[3 * NBUF]
    c = lax.axis_index("c")
    s = lax.axis_index("s")
    rps = npad // NS
    ch2 = ch // NHALF
    groups = ch2 // NBUF
    h_c = hst.at[c]

    pltpu.sync_copy(zer.at[pl.ds(s * rps, rps)], acc_sh.at[pl.ds(s * rps, rps)])
    plsc.subcore_barrier()

    for half in range(NHALF):
        pltpu.sync_copy(idx3.at[pl.ds(s * ch + half * ch2, ch2)], idx_v)

        for b in range(NBUF):
            pltpu.async_copy(h_c.at[idx_v.at[b, 0]], rows[b], sem_g[b])

        def step(g, carry):
            base = g * NBUF
            descs = []
            for b in range(NBUF):
                j = base + b
                pltpu.make_async_copy(
                    h_c.at[idx_v.at[j, 0]], rows[b], sem_g[b]).wait()
                descs.append(pltpu.async_copy(
                    rows[b], acc_sh.at[idx_v.at[j, 1]], sem_s[b], add=True))
            for b in range(NBUF):
                descs[b].wait()

                @pl.when(g < groups - 1)
                def _():
                    pltpu.async_copy(
                        h_c.at[idx_v.at[base + NBUF + b, 0]], rows[b], sem_g[b])
            return carry

        lax.fori_loop(0, groups, step, 0)

    plsc.subcore_barrier()
    pltpu.sync_copy(acc_sh.at[pl.ds(s * rps, rps)],
                    out.at[c, pl.ds(s * rps, rps)])


def _sc_aggregate(hst, idx3, zer, npad, ch):
    hd = hst.shape[2]
    body = functools.partial(_sc_agg_body, npad, ch)
    return pl.kernel(
        body,
        out_type=jax.ShapeDtypeStruct((NC, npad, hd), jnp.float32),
        mesh=plsc.VectorSubcoreMesh(core_axis_name="c", subcore_axis_name="s"),
        compiler_params=pltpu.CompilerParams(use_tc_tiling_on_sc=False),
        scratch_types=[
            pltpu.VMEM((ch // NHALF, 2, CHUNK), jnp.int32),
            *[pltpu.VMEM((CHUNK, hd), jnp.float32) for _ in range(NBUF)],
            *[pltpu.SemaphoreType.DMA for _ in range(2 * NBUF)],
            pltpu.VMEM_SHARED((npad, hd), jnp.float32),
        ],
    )(hst, idx3, zer)



def _tc_layer_body(n, aggp, hst, scale, W1, b1, W2, b2, hout, sin, sout):
    hd = aggp.shape[2]
    agg = jnp.concatenate([aggp[0, :n, :], aggp[1, :n, :]], axis=1)
    hv = jnp.concatenate([hst[0], hst[1]], axis=1)
    u = agg + scale[0, 0] * hv
    a1 = jnp.maximum(
        jnp.dot(u, W1[...], preferred_element_type=jnp.float32) + b1[...], 0.0)
    u2 = jnp.dot(a1, W2[...], preferred_element_type=jnp.float32) + b2[...]
    m = jnp.mean(u2, axis=0, keepdims=True)
    var = jnp.mean(u2 * u2, axis=0, keepdims=True) - m * m
    hn = jnp.maximum((u2 - m) * lax.rsqrt(var + 1e-5), 0.0)
    hout[0, :, :] = hn[:, :hd]
    hout[1, :, :] = hn[:, hd:]
    sin[...] = jnp.sum(hv, axis=0, keepdims=True)
    sout[...] = jnp.sum(hn, axis=0, keepdims=True)


def _tc_layer(aggp, hst, scale, W1, b1, W2, b2):
    _, n, hd = hst.shape
    d = 2 * hd
    hdim = W1.shape[1]
    return pl.pallas_call(
        functools.partial(_tc_layer_body, n),
        out_shape=[
            jax.ShapeDtypeStruct((2, n, hdim // 2), jnp.float32),
            jax.ShapeDtypeStruct((1, d), jnp.float32),
            jax.ShapeDtypeStruct((1, hdim), jnp.float32),
        ],
        in_specs=[
            pl.BlockSpec(memory_space=pltpu.VMEM),
            pl.BlockSpec(memory_space=pltpu.VMEM),
            pl.BlockSpec(memory_space=pltpu.SMEM),
            pl.BlockSpec(memory_space=pltpu.VMEM),
            pl.BlockSpec(memory_space=pltpu.VMEM),
            pl.BlockSpec(memory_space=pltpu.VMEM),
            pl.BlockSpec(memory_space=pltpu.VMEM),
        ],
        out_specs=[
            pl.BlockSpec(memory_space=pltpu.VMEM),
            pl.BlockSpec(memory_space=pltpu.VMEM),
            pl.BlockSpec(memory_space=pltpu.VMEM),
        ],
    )(aggp, hst, scale, W1, b1, W2, b2)


def _tc_layer2_body(n, aggp, hst, scale, W1, b1, W2, b2, sx, s1, pw, pb, out):
    agg = jnp.concatenate([aggp[0, :n, :], aggp[1, :n, :]], axis=1)
    hv = jnp.concatenate([hst[0], hst[1]], axis=1)
    u = agg + scale[0, 0] * hv
    a1 = jnp.maximum(
        jnp.dot(u, W1[...], preferred_element_type=jnp.float32) + b1[...], 0.0)
    u2 = jnp.dot(a1, W2[...], preferred_element_type=jnp.float32) + b2[...]
    m = jnp.mean(u2, axis=0, keepdims=True)
    var = jnp.mean(u2 * u2, axis=0, keepdims=True) - m * m
    hn = jnp.maximum((u2 - m) * lax.rsqrt(var + 1e-5), 0.0)
    s2 = jnp.sum(hn, axis=0, keepdims=True)
    out[...] = (jnp.dot(sx[...], pw[0], preferred_element_type=jnp.float32)
                + jnp.dot(s1[...], pw[1], preferred_element_type=jnp.float32)
                + jnp.dot(s2, pw[2], preferred_element_type=jnp.float32)
                + pb[...])


def _tc_layer2(aggp, hst, scale, W1, b1, W2, b2, sx, s1, pw, pb):
    n = hst.shape[1]
    d = pw.shape[2]
    return pl.pallas_call(
        functools.partial(_tc_layer2_body, n),
        out_shape=jax.ShapeDtypeStruct((1, d), jnp.float32),
        in_specs=[
            pl.BlockSpec(memory_space=pltpu.VMEM),
            pl.BlockSpec(memory_space=pltpu.VMEM),
            pl.BlockSpec(memory_space=pltpu.SMEM),
            pl.BlockSpec(memory_space=pltpu.VMEM),
            pl.BlockSpec(memory_space=pltpu.VMEM),
            pl.BlockSpec(memory_space=pltpu.VMEM),
            pl.BlockSpec(memory_space=pltpu.VMEM),
            pl.BlockSpec(memory_space=pltpu.VMEM),
            pl.BlockSpec(memory_space=pltpu.VMEM),
            pl.BlockSpec(memory_space=pltpu.VMEM),
            pl.BlockSpec(memory_space=pltpu.VMEM),
        ],
        out_specs=pl.BlockSpec(memory_space=pltpu.VMEM),
    )(aggp, hst, scale, W1, b1, W2, b2, sx, s1, pw, pb)



def kernel(x, edge_index, eps, W1_0, b1_0, W2_0, b2_0, W1_1, b1_1, W2_1, b2_1,
           pW0, pb0, pW1, pb1, pW2, pb2):
    n, d = x.shape
    hd = d // 2
    e = edge_index.shape[1]
    o = pW0.shape[1]

    rows = -(-e // CHUNK)
    q = NS * max(8, NHALF * NBUF)
    rows_pad = -(-rows // q) * q
    ch = rows_pad // NS
    epad = rows_pad * CHUNK
    npad = -(-(n + 1) // (NS * 8)) * (NS * 8)

    srcr = jnp.concatenate(
        [edge_index[0], jnp.zeros((epad - e,), jnp.int32)]).reshape(rows_pad, CHUNK)
    dstr = jnp.concatenate(
        [edge_index[1], jnp.full((epad - e,), n, jnp.int32)]).reshape(rows_pad, CHUNK)
    idx3 = jnp.stack([srcr, dstr], axis=1)
    zer = jnp.zeros((npad, hd), jnp.float32)
    xst = x.reshape(n, 2, hd).swapaxes(0, 1)

    scale0 = (1.0 + eps[0]).reshape(1, 1)
    scale1 = (1.0 + eps[1]).reshape(1, 1)
    b1_0r, b2_0r = b1_0.reshape(1, -1), b2_0.reshape(1, -1)
    b1_1r, b2_1r = b1_1.reshape(1, -1), b2_1.reshape(1, -1)

    pw = jnp.stack([
        jnp.pad(pW0, ((0, 0), (0, d - o))),
        jnp.pad(pW1, ((0, 0), (0, d - o))),
        jnp.pad(pW2, ((0, 0), (0, d - o))),
    ])
    pb = jnp.pad(pb0 + pb1 + pb2, (0, d - o)).reshape(1, d)

    agg0 = _sc_aggregate(xst, idx3, zer, npad, ch)
    h1st, sx, s1 = _tc_layer(agg0, xst, scale0, W1_0, b1_0r, W2_0, b2_0r)
    agg1 = _sc_aggregate(h1st, idx3, zer, npad, ch)
    score = _tc_layer2(agg1, h1st, scale1, W1_1, b1_1r, W2_1, b2_1r,
                       sx, s1, pw, pb)
    return score[0, :o]

# --- scband reference (transcript-rebuilt; emitter-appended) ---
"""Pipeline reference for scband-graph-cnn-59090160059061 (READ-ONLY COPY).

The authoritative reference and input builder live on the scoring server;
editing this copy changes nothing except your own understanding.
"""

import jax, jax.numpy as jnp
import numpy as np

N, E, D, H, O = 10000, 320000, 128, 128, 10

def setup_inputs(seed: int = 0) -> dict:
    key = jax.random.key(seed)
    ks = jax.random.split(key, 20)
    x = jax.random.normal(ks[0], (N, D), dtype=jnp.float32)
    edge_index = jax.random.randint(ks[1], (2, E), 0, N, dtype=jnp.int32)
    s = 0.05
    inp = {
        'x': x,
        'edge_index': edge_index,
        'eps': jnp.zeros((2,), dtype=jnp.float32),
        'W1_0': jax.random.normal(ks[2], (D, H), dtype=jnp.float32) * s,
        'b1_0': jnp.zeros((H,), dtype=jnp.float32),
        'W2_0': jax.random.normal(ks[3], (H, H), dtype=jnp.float32) * s,
        'b2_0': jnp.zeros((H,), dtype=jnp.float32),
        'W1_1': jax.random.normal(ks[4], (H, H), dtype=jnp.float32) * s,
        'b1_1': jnp.zeros((H,), dtype=jnp.float32),
        'W2_1': jax.random.normal(ks[5], (H, H), dtype=jnp.float32) * s,
        'b2_1': jnp.zeros((H,), dtype=jnp.float32),
        'pW0': jax.random.normal(ks[6], (D, O), dtype=jnp.float32) * s,
        'pb0': jnp.zeros((O,), dtype=jnp.float32),
        'pW1': jax.random.normal(ks[7], (H, O), dtype=jnp.float32) * s,
        'pb1': jnp.zeros((O,), dtype=jnp.float32),
        'pW2': jax.random.normal(ks[8], (H, O), dtype=jnp.float32) * s,
        'pb2': jnp.zeros((O,), dtype=jnp.float32),
    }
    return inp


def _mlp(h, W1, b1, W2, b2):
    h = jax.nn.relu(h @ W1 + b1)
    return h @ W2 + b2


def _bn(h):
    m = jnp.mean(h, axis=0)
    v = jnp.var(h, axis=0)
    return (h - m) / jnp.sqrt(v + 1e-5)


def reference(x, edge_index, eps, W1_0, b1_0, W2_0, b2_0, W1_1, b1_1, W2_1, b2_1, pW0, pb0, pW1, pb1, pW2, pb2):
    # GIN-style message passing (neighbor_pooling_type='sum', learn_eps=True)
    src = edge_index[0]
    dst = edge_index[1]
    num_nodes = x.shape[0]
    layer_params = [(W1_0, b1_0, W2_0, b2_0), (W1_1, b1_1, W2_1, b2_1)]
    hidden_rep = [x]
    h = x
    for layer in range(2):
        # sparse neighbor aggregation: scatter-add messages gathered from src into dst
        agg = jax.ops.segment_sum(h[src], dst, num_segments=num_nodes)
        h = agg + (1.0 + eps[layer]) * h
        W1, b1, W2, b2 = layer_params[layer]
        h = jax.nn.relu(_bn(_mlp(h, W1, b1, W2, b2)))
        hidden_rep.append(h)
    # graph_pooling_type='sum': sum over all nodes, jumping-knowledge readout
    preds = [(pW0, pb0), (pW1, pb1), (pW2, pb2)]
    score = jnp.zeros((O,), dtype=jnp.float32)
    for layer, hrep in enumerate(hidden_rep):
        pooled = jnp.sum(hrep, axis=0)
        W, b = preds[layer]
        score = score + pooled @ W + b
    return score

if __name__ == "__main__":
    import jax
    _d = setup_inputs()
    print(jax.jit(kernel)(*tuple(_d.values())))

</pallas_src>

<mosaic_0001>
#map = affine_map<(d0, d1) -> (0, 0, 0)>
#map1 = affine_map<(d0, d1) -> (0, 0)>
module attributes {stable_mosaic.version = 14 : i64} {
  func.func @_sc_agg_body(%arg0: i32, %arg1: i32, %arg2: memref<2x10000x64xf32, #tpu.memory_space<hbm>>, %arg3: memref<2560x2x128xi32, #tpu.memory_space<hbm>>, %arg4: memref<10112x64xf32, #tpu.memory_space<hbm>>, %arg5: memref<2x10112x64xf32, #tpu.memory_space<hbm>>, %arg6: memref<80x2x128xi32, #tpu.memory_space<vmem>>, %arg7: memref<128x64xf32, #tpu.memory_space<vmem>>, %arg8: memref<128x64xf32, #tpu.memory_space<vmem>>, %arg9: memref<128x64xf32, #tpu.memory_space<vmem>>, %arg10: memref<128x64xf32, #tpu.memory_space<vmem>>, %arg11: memref<128x64xf32, #tpu.memory_space<vmem>>, %arg12: memref<128x64xf32, #tpu.memory_space<vmem>>, %arg13: memref<128x64xf32, #tpu.memory_space<vmem>>, %arg14: memref<128x64xf32, #tpu.memory_space<vmem>>, %arg15: memref<!tpu.dma_semaphore, #tpu.memory_space<semaphore_mem>>, %arg16: memref<!tpu.dma_semaphore, #tpu.memory_space<semaphore_mem>>, %arg17: memref<!tpu.dma_semaphore, #tpu.memory_space<semaphore_mem>>, %arg18: memref<!tpu.dma_semaphore, #tpu.memory_space<semaphore_mem>>, %arg19: memref<!tpu.dma_semaphore, #tpu.memory_space<semaphore_mem>>, %arg20: memref<!tpu.dma_semaphore, #tpu.memory_space<semaphore_mem>>, %arg21: memref<!tpu.dma_semaphore, #tpu.memory_space<semaphore_mem>>, %arg22: memref<!tpu.dma_semaphore, #tpu.memory_space<semaphore_mem>>, %arg23: memref<!tpu.dma_semaphore, #tpu.memory_space<semaphore_mem>>, %arg24: memref<!tpu.dma_semaphore, #tpu.memory_space<semaphore_mem>>, %arg25: memref<!tpu.dma_semaphore, #tpu.memory_space<semaphore_mem>>, %arg26: memref<!tpu.dma_semaphore, #tpu.memory_space<semaphore_mem>>, %arg27: memref<!tpu.dma_semaphore, #tpu.memory_space<semaphore_mem>>, %arg28: memref<!tpu.dma_semaphore, #tpu.memory_space<semaphore_mem>>, %arg29: memref<!tpu.dma_semaphore, #tpu.memory_space<semaphore_mem>>, %arg30: memref<!tpu.dma_semaphore, #tpu.memory_space<semaphore_mem>>, %arg31: memref<10112x64xf32, #tpu.memory_space<vmem_shared>>) attributes {dimension_semantics = [#tpu.dimension_semantics<core_parallel>, #tpu.dimension_semantics<subcore_parallel>], iteration_bounds = array<i64: 2, 16>, scalar_prefetch = 0 : i64, scratch_operands = 26 : i64, tpu.core_type = #tpu.core_type<sc_vector_subcore>, window_params = [{transform_indices = #map}, {transform_indices = #map}, {transform_indices = #map1}, {transform_indices = #map}]} {
    %mul3A = arith.constant 632 : i32
    %mul3A_0 = arith.muli %arg1, %mul3A : i32
    %mul3A_1 = arith.constant 632 : i32
    %mul3A_2 = arith.muli %arg1, %mul3A_1 : i32
    "tpu.region"() ({
      %run_scoped3A = tpu.sem_alloc : memref<!tpu.dma_semaphore, #tpu.memory_space<semaphore_mem>>
      %dma_start3A_217 = arith.constant 0 : i32
      %dma_start3A_218 = tpu.memref_slice %arg31[%mul3A_2, %dma_start3A_217] : memref<10112x64xf32, #tpu.memory_space<vmem_shared>> -> memref<632x64xf32, #tpu.memory_space<vmem_shared>>
      %dma_start3A_219 = arith.constant 0 : i32
      %dma_start3A_220 = tpu.memref_slice %arg4[%mul3A_0, %dma_start3A_219] : memref<10112x64xf32, #tpu.memory_space<hbm>> -> memref<632x64xf32, #tpu.memory_space<hbm>>
      tpu.enqueue_dma source(%dma_start3A_220 : memref<632x64xf32, #tpu.memory_space<hbm>>) target(%dma_start3A_218 : memref<632x64xf32, #tpu.memory_space<vmem_shared>>) target_semaphore(%run_scoped3A : memref<!tpu.dma_semaphore, #tpu.memory_space<semaphore_mem>>)
      %dma_wait3A = arith.constant 0 : i32
      %dma_wait3A_221 = tpu.memref_slice %arg31[%mul3A_2, %dma_wait3A] : memref<10112x64xf32, #tpu.memory_space<vmem_shared>> -> memref<632x64xf32, #tpu.memory_space<vmem_shared>>
      %dma_wait3A_222 = arith.constant 0 : i32
      %dma_wait3A_223 = tpu.memref_slice %arg4[%mul3A_0, %dma_wait3A_222] : memref<10112x64xf32, #tpu.memory_space<hbm>> -> memref<632x64xf32, #tpu.memory_space<hbm>>
      tpu.wait_dma2 semaphore(%run_scoped3A : memref<!tpu.dma_semaphore, #tpu.memory_space<semaphore_mem>>) src(%dma_wait3A_223 : memref<632x64xf32, #tpu.memory_space<hbm>>) dst(%dma_wait3A_221 : memref<632x64xf32, #tpu.memory_space<vmem_shared>>)
      tpu.yield
    }) : () -> ()
    %barrier3A = arith.constant 0 : index
    tpu.barrier barrier_id(%barrier3A)
    %mul3A_3 = arith.constant 160 : i32
    %mul3A_4 = arith.muli %arg1, %mul3A_3 : i32
    %add3A = arith.constant 0 : i32
    %add3A_5 = arith.addi %mul3A_4, %add3A : i32
    "tpu.region"() ({
      %run_scoped3A = tpu.sem_alloc : memref<!tpu.dma_semaphore, #tpu.memory_space<semaphore_mem>>
      %dma_start3A_217 = arith.constant 0 : i32
      %dma_start3A_218 = arith.constant 0 : i32
      %dma_start3A_219 = tpu.memref_slice %arg3[%add3A_5, %dma_start3A_217, %dma_start3A_218] : memref<2560x2x128xi32, #tpu.memory_space<hbm>> -> memref<80x2x128xi32, #tpu.memory_space<hbm>>
      %dma_start3A_220 = arith.constant 0 : i32
      %dma_start3A_221 = arith.constant 0 : i32
      %dma_start3A_222 = tpu.memref_slice %arg3[%add3A_5, %dma_start3A_220, %dma_start3A_221] : memref<2560x2x128xi32, #tpu.memory_space<hbm>> -> memref<80x2x128xi32, #tpu.memory_space<hbm>>
      tpu.enqueue_dma source(%dma_start3A_222 : memref<80x2x128xi32, #tpu.memory_space<hbm>>) target(%arg6 : memref<80x2x128xi32, #tpu.memory_space<vmem>>) target_semaphore(%run_scoped3A : memref<!tpu.dma_semaphore, #tpu.memory_space<semaphore_mem>>)
      %dma_wait3A = arith.constant 0 : i32
      %dma_wait3A_223 = arith.constant 0 : i32
      %dma_wait3A_224 = tpu.memref_slice %arg3[%add3A_5, %dma_wait3A, %dma_wait3A_223] : memref<2560x2x128xi32, #tpu.memory_space<hbm>> -> memref<80x2x128xi32, #tpu.memory_space<hbm>>
      %dma_wait3A_225 = arith.constant 0 : i32
      %dma_wait3A_226 = arith.constant 0 : i32
      %dma_wait3A_227 = tpu.memref_slice %arg3[%add3A_5, %dma_wait3A_225, %dma_wait3A_226] : memref<2560x2x128xi32, #tpu.memory_space<hbm>> -> memref<80x2x128xi32, #tpu.memory_space<hbm>>
      tpu.wait_dma2 semaphore(%run_scoped3A : memref<!tpu.dma_semaphore, #tpu.memory_space<semaphore_mem>>) src(%dma_wait3A_227 : memref<80x2x128xi32, #tpu.memory_space<hbm>>) dst(%arg6 : memref<80x2x128xi32, #tpu.memory_space<vmem>>)
      tpu.yield
    }) : () -> ()
    %dma_start3A = arith.constant 0 : i32
    %dma_start3A_6 = arith.constant 0 : i32
    %dma_start3A_7 = arith.constant 0 : i32
    %dma_start3A_8 = tpu.memref_slice %arg6[%dma_start3A, %dma_start3A_6, %dma_start3A_7] : memref<80x2x128xi32, #tpu.memory_space<vmem>> -> memref<1x1x128xi32, #tpu.memory_space<vmem>>
    %dma_start3A_9 = tpu.memref_squeeze %dma_start3A_8 : memref<1x1x128xi32, #tpu.memory_space<vmem>> -> memref<128xi32, #tpu.memory_space<vmem>>
    %dma_start3A_10 = arith.constant 0 : i32
    %dma_start3A_11 = arith.constant 0 : i32
    %dma_start3A_12 = tpu.memref_slice %arg2[%arg0, %dma_start3A_10, %dma_start3A_11] : memref<2x10000x64xf32, #tpu.memory_space<hbm>> -> memref<1x10000x64xf32, #tpu.memory_space<hbm>>
    %dma_start3A_13 = tpu.memref_squeeze %dma_start3A_12 : memref<1x10000x64xf32, #tpu.memory_space<hbm>> -> memref<10000x64xf32, #tpu.memory_space<hbm>>
    %dma_start3A_14 = arith.constant 0 : i32
    %dma_start3A_15 = arith.constant 0 : i32
    %dma_start3A_16 = tpu.memref_slice %dma_start3A_13[%dma_start3A_14, %dma_start3A_15] : memref<10000x64xf32, #tpu.memory_space<hbm>> -> memref<10000x64xf32, #tpu.memory_space<hbm>>
    tpu.enqueue_indirect_dma source(%dma_start3A_16 : memref<10000x64xf32, #tpu.memory_space<hbm>>) target(%arg7 : memref<128x64xf32, #tpu.memory_space<vmem>>) offsets(%dma_start3A_9 : memref<128xi32, #tpu.memory_space<vmem>>) semaphore(%arg15 : memref<!tpu.dma_semaphore, #tpu.memory_space<semaphore_mem>>)
    %dma_start3A_17 = arith.constant 1 : i32
    %dma_start3A_18 = arith.constant 0 : i32
    %dma_start3A_19 = arith.constant 0 : i32
    %dma_start3A_20 = tpu.memref_slice %arg6[%dma_start3A_17, %dma_start3A_18, %dma_start3A_19] : memref<80x2x128xi32, #tpu.memory_space<vmem>> -> memref<1x1x128xi32, #tpu.memory_space<vmem>>
    %dma_start3A_21 = tpu.memref_squeeze %dma_start3A_20 : memref<1x1x128xi32, #tpu.memory_space<vmem>> -> memref<128xi32, #tpu.memory_space<vmem>>
    %dma_start3A_22 = arith.constant 0 : i32
    %dma_start3A_23 = arith.constant 0 : i32
    %dma_start3A_24 = tpu.memref_slice %arg2[%arg0, %dma_start3A_22, %dma_start3A_23] : memref<2x10000x64xf32, #tpu.memory_space<hbm>> -> memref<1x10000x64xf32, #tpu.memory_space<hbm>>
    %dma_start3A_25 = tpu.memref_squeeze %dma_start3A_24 : memref<1x10000x64xf32, #tpu.memory_space<hbm>> -> memref<10000x64xf32, #tpu.memory_space<hbm>>
    %dma_start3A_26 = arith.constant 0 : i32
    %dma_start3A_27 = arith.constant 0 : i32
    %dma_start3A_28 = tpu.memref_slice %dma_start3A_25[%dma_start3A_26, %dma_start3A_27] : memref<10000x64xf32, #tpu.memory_space<hbm>> -> memref<10000x64xf32, #tpu.memory_space<hbm>>
    tpu.enqueue_indirect_dma source(%dma_start3A_28 : memref<10000x64xf32, #tpu.memory_space<hbm>>) target(%arg8 : memref<128x64xf32, #tpu.memory_space<vmem>>) offsets(%dma_start3A_21 : memref<128xi32, #tpu.memory_space<vmem>>) semaphore(%arg16 : memref<!tpu.dma_semaphore, #tpu.memory_space<semaphore_mem>>)
    %dma_start3A_29 = arith.constant 2 : i32
    %dma_start3A_30 = arith.constant 0 : i32
    %dma_start3A_31 = arith.constant 0 : i32
    %dma_start3A_32 = tpu.memref_slice %arg6[%dma_start3A_29, %dma_start3A_30, %dma_start3A_31] : memref<80x2x128xi32, #tpu.memory_space<vmem>> -> memref<1x1x128xi32, #tpu.memory_space<vmem>>
    %dma_start3A_33 = tpu.memref_squeeze %dma_start3A_32 : memref<1x1x128xi32, #tpu.memory_space<vmem>> -> memref<128xi32, #tpu.memory_space<vmem>>
    %dma_start3A_34 = arith.constant 0 : i32
    %dma_start3A_35 = arith.constant 0 : i32
    %dma_start3A_36 = tpu.memref_slice %arg2[%arg0, %dma_start3A_34, %dma_start3A_35] : memref<2x10000x64xf32, #tpu.memory_space<hbm>> -> memref<1x10000x64xf32, #tpu.memory_space<hbm>>
    %dma_start3A_37 = tpu.memref_squeeze %dma_start3A_36 : memref<1x10000x64xf32, #tpu.memory_space<hbm>> -> memref<10000x64xf32, #tpu.memory_space<hbm>>
    %dma_start3A_38 = arith.constant 0 : i32
    %dma_start3A_39 = arith.constant 0 : i32
    %dma_start3A_40 = tpu.memref_slice %dma_start3A_37[%dma_start3A_38, %dma_start3A_39] : memref<10000x64xf32, #tpu.memory_space<hbm>> -> memref<10000x64xf32, #tpu.memory_space<hbm>>
    tpu.enqueue_indirect_dma source(%dma_start3A_40 : memref<10000x64xf32, #tpu.memory_space<hbm>>) target(%arg9 : memref<128x64xf32, #tpu.memory_space<vmem>>) offsets(%dma_start3A_33 : memref<128xi32, #tpu.memory_space<vmem>>) semaphore(%arg17 : memref<!tpu.dma_semaphore, #tpu.memory_space<semaphore_mem>>)
    %dma_start3A_41 = arith.constant 3 : i32
    %dma_start3A_42 = arith.constant 0 : i32
    %dma_start3A_43 = arith.constant 0 : i32
    %dma_start3A_44 = tpu.memref_slice %arg6[%dma_start3A_41, %dma_start3A_42, %dma_start3A_43] : memref<80x2x128xi32, #tpu.memory_space<vmem>> -> memref<1x1x128xi32, #tpu.memory_space<vmem>>
    %dma_start3A_45 = tpu.memref_squeeze %dma_start3A_44 : memref<1x1x128xi32, #tpu.memory_space<vmem>> -> memref<128xi32, #tpu.memory_space<vmem>>
    %dma_start3A_46 = arith.constant 0 : i32
    %dma_start3A_47 = arith.constant 0 : i32
    %dma_start3A_48 = tpu.memref_slice %arg2[%arg0, %dma_start3A_46, %dma_start3A_47] : memref<2x10000x64xf32, #tpu.memory_space<hbm>> -> memref<1x10000x64xf32, #tpu.memory_space<hbm>>
    %dma_start3A_49 = tpu.memref_squeeze %dma_start3A_48 : memref<1x10000x64xf32, #tpu.memory_space<hbm>> -> memref<10000x64xf32, #tpu.memory_space<hbm>>
    %dma_start3A_50 = arith.constant 0 : i32
    %dma_start3A_51 = arith.constant 0 : i32
    %dma_start3A_52 = tpu.memref_slice %dma_start3A_49[%dma_start3A_50, %dma_start3A_51] : memref<10000x64xf32, #tpu.memory_space<hbm>> -> memref<10000x64xf32, #tpu.memory_space<hbm>>
    tpu.enqueue_indirect_dma source(%dma_start3A_52 : memref<10000x64xf32, #tpu.memory_space<hbm>>) target(%arg10 : memref<128x64xf32, #tpu.memory_space<vmem>>) offsets(%dma_start3A_45 : memref<128xi32, #tpu.memory_space<vmem>>) semaphore(%arg18 : memref<!tpu.dma_semaphore, #tpu.memory_space<semaphore_mem>>)
    %dma_start3A_53 = arith.constant 4 : i32
    %dma_start3A_54 = arith.constant 0 : i32
    %dma_start3A_55 = arith.constant 0 : i32
    %dma_start3A_56 = tpu.memref_slice %arg6[%dma_start3A_53, %dma_start3A_54, %dma_start3A_55] : memref<80x2x128xi32, #tpu.memory_space<vmem>> -> memref<1x1x128xi32, #tpu.memory_space<vmem>>
    %dma_start3A_57 = tpu.memref_squeeze %dma_start3A_56 : memref<1x1x128xi32, #tpu.memory_space<vmem>> -> memref<128xi32, #tpu.memory_space<vmem>>
    %dma_start3A_58 = arith.constant 0 : i32
    %dma_start3A_59 = arith.constant 0 : i32
    %dma_start3A_60 = tpu.memref_slice %arg2[%arg0, %dma_start3A_58, %dma_start3A_59] : memref<2x10000x64xf32, #tpu.memory_space<hbm>> -> memref<1x10000x64xf32, #tpu.memory_space<hbm>>
    %dma_start3A_61 = tpu.memref_squeeze %dma_start3A_60 : memref<1x10000x64xf32, #tpu.memory_space<hbm>> -> memref<10000x64xf32, #tpu.memory_space<hbm>>
    %dma_start3A_62 = arith.constant 0 : i32
    %dma_start3A_63 = arith.constant 0 : i32
    %dma_start3A_64 = tpu.memref_slice %dma_start3A_61[%dma_start3A_62, %dma_start3A_63] : memref<10000x64xf32, #tpu.memory_space<hbm>> -> memref<10000x64xf32, #tpu.memory_space<hbm>>
    tpu.enqueue_indirect_dma source(%dma_start3A_64 : memref<10000x64xf32, #tpu.memory_space<hbm>>) target(%arg11 : memref<128x64xf32, #tpu.memory_space<vmem>>) offsets(%dma_start3A_57 : memref<128xi32, #tpu.memory_space<vmem>>) semaphore(%arg19 : memref<!tpu.dma_semaphore, #tpu.memory_space<semaphore_mem>>)
    %dma_start3A_65 = arith.constant 5 : i32
    %dma_start3A_66 = arith.constant 0 : i32
    %dma_start3A_67 = arith.constant 0 : i32
    %dma_start3A_68 = tpu.memref_slice %arg6[%dma_start3A_65, %dma_start3A_66, %dma_start3A_67] : memref<80x2x128xi32, #tpu.memory_space<vmem>> -> memref<1x1x128xi32, #tpu.memory_space<vmem>>
    %dma_start3A_69 = tpu.memref_squeeze %dma_start3A_68 : memref<1x1x128xi32, #tpu.memory_space<vmem>> -> memref<128xi32, #tpu.memory_space<vmem>>
    %dma_start3A_70 = arith.constant 0 : i32
    %dma_start3A_71 = arith.constant 0 : i32
    %dma_start3A_72 = tpu.memref_slice %arg2[%arg0, %dma_start3A_70, %dma_start3A_71] : memref<2x10000x64xf32, #tpu.memory_space<hbm>> -> memref<1x10000x64xf32, #tpu.memory_space<hbm>>
    %dma_start3A_73 = tpu.memref_squeeze %dma_start3A_72 : memref<1x10000x64xf32, #tpu.memory_space<hbm>> -> memref<10000x64xf32, #tpu.memory_space<hbm>>
    %dma_start3A_74 = arith.constant 0 : i32
    %dma_start3A_75 = arith.constant 0 : i32
    %dma_start3A_76 = tpu.memref_slice %dma_start3A_73[%dma_start3A_74, %dma_start3A_75] : memref<10000x64xf32, #tpu.memory_space<hbm>> -> memref<10000x64xf32, #tpu.memory_space<hbm>>
    tpu.enqueue_indirect_dma source(%dma_start3A_76 : memref<10000x64xf32, #tpu.memory_space<hbm>>) target(%arg12 : memref<128x64xf32, #tpu.memory_space<vmem>>) offsets(%dma_start3A_69 : memref<128xi32, #tpu.memory_space<vmem>>) semaphore(%arg20 : memref<!tpu.dma_semaphore, #tpu.memory_space<semaphore_mem>>)
    %dma_start3A_77 = arith.constant 6 : i32
    %dma_start3A_78 = arith.constant 0 : i32
    %dma_start3A_79 = arith.constant 0 : i32
    %dma_start3A_80 = tpu.memref_slice %arg6[%dma_start3A_77, %dma_start3A_78, %dma_start3A_79] : memref<80x2x128xi32, #tpu.memory_space<vmem>> -> memref<1x1x128xi32, #tpu.memory_space<vmem>>
    %dma_start3A_81 = tpu.memref_squeeze %dma_start3A_80 : memref<1x1x128xi32, #tpu.memory_space<vmem>> -> memref<128xi32, #tpu.memory_space<vmem>>
    %dma_start3A_82 = arith.constant 0 : i32
    %dma_start3A_83 = arith.constant 0 : i32
    %dma_start3A_84 = tpu.memref_slice %arg2[%arg0, %dma_start3A_82, %dma_start3A_83] : memref<2x10000x64xf32, #tpu.memory_space<hbm>> -> memref<1x10000x64xf32, #tpu.memory_space<hbm>>
    %dma_start3A_85 = tpu.memref_squeeze %dma_start3A_84 : memref<1x10000x64xf32, #tpu.memory_space<hbm>> -> memref<10000x64xf32, #tpu.memory_space<hbm>>
    %dma_start3A_86 = arith.constant 0 : i32
    %dma_start3A_87 = arith.constant 0 : i32
    %dma_start3A_88 = tpu.memref_slice %dma_start3A_85[%dma_start3A_86, %dma_start3A_87] : memref<10000x64xf32, #tpu.memory_space<hbm>> -> memref<10000x64xf32, #tpu.memory_space<hbm>>
    tpu.enqueue_indirect_dma source(%dma_start3A_88 : memref<10000x64xf32, #tpu.memory_space<hbm>>) target(%arg13 : memref<128x64xf32, #tpu.memory_space<vmem>>) offsets(%dma_start3A_81 : memref<128xi32, #tpu.memory_space<vmem>>) semaphore(%arg21 : memref<!tpu.dma_semaphore, #tpu.memory_space<semaphore_mem>>)
    %dma_start3A_89 = arith.constant 7 : i32
    %dma_start3A_90 = arith.constant 0 : i32
    %dma_start3A_91 = arith.constant 0 : i32
    %dma_start3A_92 = tpu.memref_slice %arg6[%dma_start3A_89, %dma_start3A_90, %dma_start3A_91] : memref<80x2x128xi32, #tpu.memory_space<vmem>> -> memref<1x1x128xi32, #tpu.memory_space<vmem>>
    %dma_start3A_93 = tpu.memref_squeeze %dma_start3A_92 : memref<1x1x128xi32, #tpu.memory_space<vmem>> -> memref<128xi32, #tpu.memory_space<vmem>>
    %dma_start3A_94 = arith.constant 0 : i32
    %dma_start3A_95 = arith.constant 0 : i32
    %dma_start3A_96 = tpu.memref_slice %arg2[%arg0, %dma_start3A_94, %dma_start3A_95] : memref<2x10000x64xf32, #tpu.memory_space<hbm>> -> memref<1x10000x64xf32, #tpu.memory_space<hbm>>
    %dma_start3A_97 = tpu.memref_squeeze %dma_start3A_96 : memref<1x10000x64xf32, #tpu.memory_space<hbm>> -> memref<10000x64xf32, #tpu.memory_space<hbm>>
    %dma_start3A_98 = arith.constant 0 : i32
    %dma_start3A_99 = arith.constant 0 : i32
    %dma_start3A_100 = tpu.memref_slice %dma_start3A_97[%dma_start3A_98, %dma_start3A_99] : memref<10000x64xf32, #tpu.memory_space<hbm>> -> memref<10000x64xf32, #tpu.memory_space<hbm>>
    tpu.enqueue_indirect_dma source(%dma_start3A_100 : memref<10000x64xf32, #tpu.memory_space<hbm>>) target(%arg14 : memref<128x64xf32, #tpu.memory_space<vmem>>) offsets(%dma_start3A_93 : memref<128xi32, #tpu.memory_space<vmem>>) semaphore(%arg22 : memref<!tpu.dma_semaphore, #tpu.memory_space<semaphore_mem>>)
    %scan3A = arith.constant 0 : i32
    %scan3A_101 = arith.constant 0 : i32
    %scan3A_102 = arith.constant 10 : i32
    %scan3A_103 = arith.addi %scan3A_101, %scan3A_102 : i32
    %scan3A_104 = arith.constant 1 : i32
    scf.for %scan3A_217 = %scan3A_101 to %scan3A_103 step %scan3A_104  : i32 {
      %mul3A_218 = arith.constant 8 : i32
      %mul3A_219 = arith.muli %scan3A_217, %mul3A_218 : i32
      %add3A_220 = arith.constant 0 : i32
      %add3A_221 = arith.addi %mul3A_219, %add3A_220 : i32
      %dma_wait3A = arith.constant 0 : i32
      %dma_wait3A_222 = arith.constant 0 : i32
      %dma_wait3A_223 = tpu.memref_slice %arg6[%add3A_221, %dma_wait3A, %dma_wait3A_222] : memref<80x2x128xi32, #tpu.memory_space<vmem>> -> memref<1x1x128xi32, #tpu.memory_space<vmem>>
      %dma_wait3A_224 = tpu.memref_squeeze %dma_wait3A_223 : memref<1x1x128xi32, #tpu.memory_space<vmem>> -> memref<128xi32, #tpu.memory_space<vmem>>
      %dma_wait3A_225 = arith.constant 0 : i32
      %dma_wait3A_226 = arith.constant 0 : i32
      %dma_wait3A_227 = tpu.memref_slice %arg2[%arg0, %dma_wait3A_225, %dma_wait3A_226] : memref<2x10000x64xf32, #tpu.memory_space<hbm>> -> memref<1x10000x64xf32, #tpu.memory_space<hbm>>
      %dma_wait3A_228 = tpu.memref_squeeze %dma_wait3A_227 : memref<1x10000x64xf32, #tpu.memory_space<hbm>> -> memref<10000x64xf32, #tpu.memory_space<hbm>>
      %dma_wait3A_229 = arith.constant 0 : i32
      %dma_wait3A_230 = arith.constant 0 : i32
      %dma_wait3A_231 = tpu.memref_slice %dma_wait3A_228[%dma_wait3A_229, %dma_wait3A_230] : memref<10000x64xf32, #tpu.memory_space<hbm>> -> memref<10000x64xf32, #tpu.memory_space<hbm>>
      tpu.wait_indirect_dma semaphore(%arg15 : memref<!tpu.dma_semaphore, #tpu.memory_space<semaphore_mem>>) src(%dma_wait3A_231 : memref<10000x64xf32, #tpu.memory_space<hbm>>) dst(%arg7 : memref<128x64xf32, #tpu.memory_space<vmem>>)
      %dma_start3A_232 = arith.constant 1 : i32
      %dma_start3A_233 = arith.constant 0 : i32
      %dma_start3A_234 = tpu.memref_slice %arg6[%add3A_221, %dma_start3A_232, %dma_start3A_233] : memref<80x2x128xi32, #tpu.memory_space<vmem>> -> memref<1x1x128xi32, #tpu.memory_space<vmem>>
      %dma_start3A_235 = tpu.memref_squeeze %dma_start3A_234 : memref<1x1x128xi32, #tpu.memory_space<vmem>> -> memref<128xi32, #tpu.memory_space<vmem>>
      %dma_start3A_236 = arith.constant 0 : i32
      %dma_start3A_237 = arith.constant 0 : i32
      %dma_start3A_238 = tpu.memref_slice %arg31[%dma_start3A_236, %dma_start3A_237] : memref<10112x64xf32, #tpu.memory_space<vmem_shared>> -> memref<10112x64xf32, #tpu.memory_space<vmem_shared>>
      tpu.enqueue_indirect_dma source(%arg7 : memref<128x64xf32, #tpu.memory_space<vmem>>) target(%dma_start3A_238 : memref<10112x64xf32, #tpu.memory_space<vmem_shared>>) offsets(%dma_start3A_235 : memref<128xi32, #tpu.memory_space<vmem>>) semaphore(%arg23 : memref<!tpu.dma_semaphore, #tpu.memory_space<semaphore_mem>>) {add = true}
      %add3A_239 = arith.constant 1 : i32
      %add3A_240 = arith.addi %mul3A_219, %add3A_239 : i32
      %dma_wait3A_241 = arith.constant 0 : i32
      %dma_wait3A_242 = arith.constant 0 : i32
      %dma_wait3A_243 = tpu.memref_slice %arg6[%add3A_240, %dma_wait3A_241, %dma_wait3A_242] : memref<80x2x128xi32, #tpu.memory_space<vmem>> -> memref<1x1x128xi32, #tpu.memory_space<vmem>>
      %dma_wait3A_244 = tpu.memref_squeeze %dma_wait3A_243 : memref<1x1x128xi32, #tpu.memory_space<vmem>> -> memref<128xi32, #tpu.memory_space<vmem>>
      %dma_wait3A_245 = arith.constant 0 : i32
      %dma_wait3A_246 = arith.constant 0 : i32
      %dma_wait3A_247 = tpu.memref_slice %arg2[%arg0, %dma_wait3A_245, %dma_wait3A_246] : memref<2x10000x64xf32, #tpu.memory_space<hbm>> -> memref<1x10000x64xf32, #tpu.memory_space<hbm>>
      %dma_wait3A_248 = tpu.memref_squeeze %dma_wait3A_247 : memref<1x10000x64xf32, #tpu.memory_space<hbm>> -> memref<10000x64xf32, #tpu.memory_space<hbm>>
      %dma_wait3A_249 = arith.constant 0 : i32
      %dma_wait3A_250 = arith.constant 0 : i32
      %dma_wait3A_251 = tpu.memref_slice %dma_wait3A_248[%dma_wait3A_249, %dma_wait3A_250] : memref<10000x64xf32, #tpu.memory_space<hbm>> -> memref<10000x64xf32, #tpu.memory_space<hbm>>
      tpu.wait_indirect_dma semaphore(%arg16 : memref<!tpu.dma_semaphore, #tpu.memory_space<semaphore_mem>>) src(%dma_wait3A_251 : memref<10000x64xf32, #tpu.memory_space<hbm>>) dst(%arg8 : memref<128x64xf32, #tpu.memory_space<vmem>>)
      %dma_start3A_252 = arith.constant 1 : i32
      %dma_start3A_253 = arith.constant 0 : i32
      %dma_start3A_254 = tpu.memref_slice %arg6[%add3A_240, %dma_start3A_252, %dma_start3A_253] : memref<80x2x128xi32, #tpu.memory_space<vmem>> -> memref<1x1x128xi32, #tpu.memory_space<vmem>>
      %dma_start3A_255 = tpu.memref_squeeze %dma_start3A_254 : memref<1x1x128xi32, #tpu.memory_space<vmem>> -> memref<128xi32, #tpu.memory_space<vmem>>
      %dma_start3A_256 = arith.constant 0 : i32
      %dma_start3A_257 = arith.constant 0 : i32
      %dma_start3A_258 = tpu.memref_slice %arg31[%dma_start3A_256, %dma_start3A_257] : memref<10112x64xf32, #tpu.memory_space<vmem_shared>> -> memref<10112x64xf32, #tpu.memory_space<vmem_shared>>
      tpu.enqueue_indirect_dma source(%arg8 : memref<128x64xf32, #tpu.memory_space<vmem>>) target(%dma_start3A_258 : memref<10112x64xf32, #tpu.memory_space<vmem_shared>>) offsets(%dma_start3A_255 : memref<128xi32, #tpu.memory_space<vmem>>) semaphore(%arg24 : memref<!tpu.dma_semaphore, #tpu.memory_space<semaphore_mem>>) {add = true}
      %add3A_259 = arith.constant 2 : i32
      %add3A_260 = arith.addi %mul3A_219, %add3A_259 : i32
      %dma_wait3A_261 = arith.constant 0 : i32
      %dma_wait3A_262 = arith.constant 0 : i32
      %dma_wait3A_263 = tpu.memref_slice %arg6[%add3A_260, %dma_wait3A_261, %dma_wait3A_262] : memref<80x2x128xi32, #tpu.memory_space<vmem>> -> memref<1x1x128xi32, #tpu.memory_space<vmem>>
      %dma_wait3A_264 = tpu.memref_squeeze %dma_wait3A_263 : memref<1x1x128xi32, #tpu.memory_space<vmem>> -> memref<128xi32, #tpu.memory_space<vmem>>
      %dma_wait3A_265 = arith.constant 0 : i32
      %dma_wait3A_266 = arith.constant 0 : i32
      %dma_wait3A_267 = tpu.memref_slice %arg2[%arg0, %dma_wait3A_265, %dma_wait3A_266] : memref<2x10000x64xf32, #tpu.memory_space<hbm>> -> memref<1x10000x64xf32, #tpu.memory_space<hbm>>
      %dma_wait3A_268 = tpu.memref_squeeze %dma_wait3A_267 : memref<1x10000x64xf32, #tpu.memory_space<hbm>> -> memref<10000x64xf32, #tpu.memory_space<hbm>>
      %dma_wait3A_269 = arith.constant 0 : i32
      %dma_wait3A_270 = arith.constant 0 : i32
      %dma_wait3A_271 = tpu.memref_slice %dma_wait3A_268[%dma_wait3A_269, %dma_wait3A_270] : memref<10000x64xf32, #tpu.memory_space<hbm>> -> memref<10000x64xf32, #tpu.memory_space<hbm>>
      tpu.wait_indirect_dma semaphore(%arg17 : memref<!tpu.dma_semaphore, #tpu.memory_space<semaphore_mem>>) src(%dma_wait3A_271 : memref<10000x64xf32, #tpu.memory_space<hbm>>) dst(%arg9 : memref<128x64xf32, #tpu.memory_space<vmem>>)
      %dma_start3A_272 = arith.constant 1 : i32
      %dma_start3A_273 = arith.constant 0 : i32
      %dma_start3A_274 = tpu.memref_slice %arg6[%add3A_260, %dma_start3A_272, %dma_start3A_273] : memref<80x2x128xi32, #tpu.memory_space<vmem>> -> memref<1x1x128xi32, #tpu.memory_space<vmem>>
      %dma_start3A_275 = tpu.memref_squeeze %dma_start3A_274 : memref<1x1x128xi32, #tpu.memory_space<vmem>> -> memref<128xi32, #tpu.memory_space<vmem>>
      %dma_start3A_276 = arith.constant 0 : i32
      %dma_start3A_277 = arith.constant 0 : i32
      %dma_start3A_278 = tpu.memref_slice %arg31[%dma_start3A_276, %dma_start3A_277] : memref<10112x64xf32, #tpu.memory_space<vmem_shared>> -> memref<10112x64xf32, #tpu.memory_space<vmem_shared>>
      tpu.enqueue_indirect_dma source(%arg9 : memref<128x64xf32, #tpu.memory_space<vmem>>) target(%dma_start3A_278 : memref<10112x64xf32, #tpu.memory_space<vmem_shared>>) offsets(%dma_start3A_275 : memref<128xi32, #tpu.memory_space<vmem>>) semaphore(%arg25 : memref<!tpu.dma_semaphore, #tpu.memory_space<semaphore_mem>>) {add = true}
      %add3A_279 = arith.constant 3 : i32
      %add3A_280 = arith.addi %mul3A_219, %add3A_279 : i32
      %dma_wait3A_281 = arith.constant 0 : i32
      %dma_wait3A_282 = arith.constant 0 : i32
      %dma_wait3A_283 = tpu.memref_slice %arg6[%add3A_280, %dma_wait3A_281, %dma_wait3A_282] : memref<80x2x128xi32, #tpu.memory_space<vmem>> -> memref<1x1x128xi32, #tpu.memory_space<vmem>>
      %dma_wait3A_284 = tpu.memref_squeeze %dma_wait3A_283 : memref<1x1x128xi32, #tpu.memory_space<vmem>> -> memref<128xi32, #tpu.memory_space<vmem>>
      %dma_wait3A_285 = arith.constant 0 : i32
      %dma_wait3A_286 = arith.constant 0 : i32
      %dma_wait3A_287 = tpu.memref_slice %arg2[%arg0, %dma_wait3A_285, %dma_wait3A_286] : memref<2x10000x64xf32, #tpu.memory_space<hbm>> -> memref<1x10000x64xf32, #tpu.memory_space<hbm>>
      %dma_wait3A_288 = tpu.memref_squeeze %dma_wait3A_287 : memref<1x10000x64xf32, #tpu.memory_space<hbm>> -> memref<10000x64xf32, #tpu.memory_space<hbm>>
      %dma_wait3A_289 = arith.constant 0 : i32
      %dma_wait3A_290 = arith.constant 0 : i32
      %dma_wait3A_291 = tpu.memref_slice %dma_wait3A_288[%dma_wait3A_289, %dma_wait3A_290] : memref<10000x64xf32, #tpu.memory_space<hbm>> -> memref<10000x64xf32, #tpu.memory_space<hbm>>
      tpu.wait_indirect_dma semaphore(%arg18 : memref<!tpu.dma_semaphore, #tpu.memory_space<semaphore_mem>>) src(%dma_wait3A_291 : memref<10000x64xf32, #tpu.memory_space<hbm>>) dst(%arg10 : memref<128x64xf32, #tpu.memory_space<vmem>>)
      %dma_start3A_292 = arith.constant 1 : i32
      %dma_start3A_293 = arith.constant 0 : i32
      %dma_start3A_294 = tpu.memref_slice %arg6[%add3A_280, %dma_start3A_292, %dma_start3A_293] : memref<80x2x128xi32, #tpu.memory_space<vmem>> -> memref<1x1x128xi32, #tpu.memory_space<vmem>>
      %dma_start3A_295 = tpu.memref_squeeze %dma_start3A_294 : memref<1x1x128xi32, #tpu.memory_space<vmem>> -> memref<128xi32, #tpu.memory_space<vmem>>
      %dma_start3A_296 = arith.constant 0 : i32
      %dma_start3A_297 = arith.constant 0 : i32
      %dma_start3A_298 = tpu.memref_slice %arg31[%dma_start3A_296, %dma_start3A_297] : memref<10112x64xf32, #tpu.memory_space<vmem_shared>> -> memref<10112x64xf32, #tpu.memory_space<vmem_shared>>
      tpu.enqueue_indirect_dma source(%arg10 : memref<128x64xf32, #tpu.memory_space<vmem>>) target(%dma_start3A_298 : memref<10112x64xf32, #tpu.memory_space<vmem_shared>>) offsets(%dma_start3A_295 : memref<128xi32, #tpu.memory_space<vmem>>) semaphore(%arg26 : memref<!tpu.dma_semaphore, #tpu.memory_space<semaphore_mem>>) {add = true}
      %add3A_299 = arith.constant 4 : i32
      %add3A_300 = arith.addi %mul3A_219, %add3A_299 : i32
      %dma_wait3A_301 = arith.constant 0 : i32
      %dma_wait3A_302 = arith.constant 0 : i32
      %dma_wait3A_303 = tpu.memref_slice %arg6[%add3A_300, %dma_wait3A_301, %dma_wait3A_302] : memref<80x2x128xi32, #tpu.memory_space<vmem>> -> memref<1x1x128xi32, #tpu.memory_space<vmem>>
      %dma_wait3A_304 = tpu.memref_squeeze %dma_wait3A_303 : memref<1x1x128xi32, #tpu.memory_space<vmem>> -> memref<128xi32, #tpu.memory_space<vmem>>
      %dma_wait3A_305 = arith.constant 0 : i32
      %dma_wait3A_306 = arith.constant 0 : i32
      %dma_wait3A_307 = tpu.memref_slice %arg2[%arg0, %dma_wait3A_305, %dma_wait3A_306] : memref<2x10000x64xf32, #tpu.memory_space<hbm>> -> memref<1x10000x64xf32, #tpu.memory_space<hbm>>
      %dma_wait3A_308 = tpu.memref_squeeze %dma_wait3A_307 : memref<1x10000x64xf32, #tpu.memory_space<hbm>> -> memref<10000x64xf32, #tpu.memory_space<hbm>>
      %dma_wait3A_309 = arith.constant 0 : i32
      %dma_wait3A_310 = arith.constant 0 : i32
      %dma_wait3A_311 = tpu.memref_slice %dma_wait3A_308[%dma_wait3A_309, %dma_wait3A_310] : memref<10000x64xf32, #tpu.memory_space<hbm>> -> memref<10000x64xf32, #tpu.memory_space<hbm>>
      tpu.wait_indirect_dma semaphore(%arg19 : memref<!tpu.dma_semaphore, #tpu.memory_space<semaphore_mem>>) src(%dma_wait3A_311 : memref<10000x64xf32, #tpu.memory_space<hbm>>) dst(%arg11 : memref<128x64xf32, #tpu.memory_space<vmem>>)
      %dma_start3A_312 = arith.constant 1 : i32
      %dma_start3A_313 = arith.constant 0 : i32
      %dma_start3A_314 = tpu.memref_slice %arg6[%add3A_300, %dma_start3A_312, %dma_start3A_313] : memref<80x2x128xi32, #tpu.memory_space<vmem>> -> memref<1x1x128xi32, #tpu.memory_space<vmem>>
      %dma_start3A_315 = tpu.memref_squeeze %dma_start3A_314 : memref<1x1x128xi32, #tpu.memory_space<vmem>> -> memref<128xi32, #tpu.memory_space<vmem>>
      %dma_start3A_316 = arith.constant 0 : i32
      %dma_start3A_317 = arith.constant 0 : i32
      %dma_start3A_318 = tpu.memref_slice %arg31[%dma_start3A_316, %dma_start3A_317] : memref<10112x64xf32, #tpu.memory_space<vmem_shared>> -> memref<10112x64xf32, #tpu.memory_space<vmem_shared>>
      tpu.enqueue_indirect_dma source(%arg11 : memref<128x64xf32, #tpu.memory_space<vmem>>) target(%dma_start3A_318 : memref<10112x64xf32, #tpu.memory_space<vmem_shared>>) offsets(%dma_start3A_315 : memref<128xi32, #tpu.memory_space<vmem>>) semaphore(%arg27 : memref<!tpu.dma_semaphore, #tpu.memory_space<semaphore_mem>>) {add = true}
      %add3A_319 = arith.constant 5 : i32
      %add3A_320 = arith.addi %mul3A_219, %add3A_319 : i32
      %dma_wait3A_321 = arith.constant 0 : i32
      %dma_wait3A_322 = arith.constant 0 : i32
      %dma_wait3A_323 = tpu.memref_slice %arg6[%add3A_320, %dma_wait3A_321, %dma_wait3A_322] : memref<80x2x128xi32, #tpu.memory_space<vmem>> -> memref<1x1x128xi32, #tpu.memory_space<vmem>>
      %dma_wait3A_324 = tpu.memref_squeeze %dma_wait3A_323 : memref<1x1x128xi32, #tpu.memory_space<vmem>> -> memref<128xi32, #tpu.memory_space<vmem>>
      %dma_wait3A_325 = arith.constant 0 : i32
      %dma_wait3A_326 = arith.constant 0 : i32
      %dma_wait3A_327 = tpu.memref_slice %arg2[%arg0, %dma_wait3A_325, %dma_wait3A_326] : memref<2x10000x64xf32, #tpu.memory_space<hbm>> -> memref<1x10000x64xf32, #tpu.memory_space<hbm>>
      %dma_wait3A_328 = tpu.memref_squeeze %dma_wait3A_327 : memref<1x10000x64xf32, #tpu.memory_space<hbm>> -> memref<10000x64xf32, #tpu.memory_space<hbm>>
      %dma_wait3A_329 = arith.constant 0 : i32
      %dma_wait3A_330 = arith.constant 0 : i32
      %dma_wait3A_331 = tpu.memref_slice %dma_wait3A_328[%dma_wait3A_329, %dma_wait3A_330] : memref<10000x64xf32, #tpu.memory_space<hbm>> -> memref<10000x64xf32, #tpu.memory_space<hbm>>
      tpu.wait_indirect_dma semaphore(%arg20 : memref<!tpu.dma_semaphore, #tpu.memory_space<semaphore_mem>>) src(%dma_wait3A_331 : memref<10000x64xf32, #tpu.memory_space<hbm>>) dst(%arg12 : memref<128x64xf32, #tpu.memory_space<vmem>>)
      %dma_start3A_332 = arith.constant 1 : i32
      %dma_start3A_333 = arith.constant 0 : i32
      %dma_start3A_334 = tpu.memref_slice %arg6[%add3A_320, %dma_start3A_332, %dma_start3A_333] : memref<80x2x128xi32, #tpu.memory_space<vmem>> -> memref<1x1x128xi32, #tpu.memory_space<vmem>>
      %dma_start3A_335 = tpu.memref_squeeze %dma_start3A_334 : memref<1x1x128xi32, #tpu.memory_space<vmem>> -> memref<128xi32, #tpu.memory_space<vmem>>
      %dma_start3A_336 = arith.constant 0 : i32
      %dma_start3A_337 = arith.constant 0 : i32
      %dma_start3A_338 = tpu.memref_slice %arg31[%dma_start3A_336, %dma_start3A_337] : memref<10112x64xf32, #tpu.memory_space<vmem_shared>> -> memref<10112x64xf32, #tpu.memory_space<vmem_shared>>
      tpu.enqueue_indirect_dma source(%arg12 : memref<128x64xf32, #tpu.memory_space<vmem>>) target(%dma_start3A_338 : memref<10112x64xf32, #tpu.memory_space<vmem_shared>>) offsets(%dma_start3A_335 : memref<128xi32, #tpu.memory_space<vmem>>) semaphore(%arg28 : memref<!tpu.dma_semaphore, #tpu.memory_space<semaphore_mem>>) {add = true}
      %add3A_339 = arith.constant 6 : i32
      %add3A_340 = arith.addi %mul3A_219, %add3A_339 : i32
      %dma_wait3A_341 = arith.constant 0 : i32
      %dma_wait3A_342 = arith.constant 0 : i32
      %dma_wait3A_343 = tpu.memref_slice %arg6[%add3A_340, %dma_wait3A_341, %dma_wait3A_342] : memref<80x2x128xi32, #tpu.memory_space<vmem>> -> memref<1x1x128xi32, #tpu.memory_space<vmem>>
      %dma_wait3A_344 = tpu.memref_squeeze %dma_wait3A_343 : memref<1x1x128xi32, #tpu.memory_space<vmem>> -> memref<128xi32, #tpu.memory_space<vmem>>
      %dma_wait3A_345 = arith.constant 0 : i32
      %dma_wait3A_346 = arith.constant 0 : i32
      %dma_wait3A_347 = tpu.memref_slice %arg2[%arg0, %dma_wait3A_345, %dma_wait3A_346] : memref<2x10000x64xf32, #tpu.memory_space<hbm>> -> memref<1x10000x64xf32, #tpu.memory_space<hbm>>
      %dma_wait3A_348 = tpu.memref_squeeze %dma_wait3A_347 : memref<1x10000x64xf32, #tpu.memory_space<hbm>> -> memref<10000x64xf32, #tpu.memory_space<hbm>>
      %dma_wait3A_349 = arith.constant 0 : i32
      %dma_wait3A_350 = arith.constant 0 : i32
      %dma_wait3A_351 = tpu.memref_slice %dma_wait3A_348[%dma_wait3A_349, %dma_wait3A_350] : memref<10000x64xf32, #tpu.memory_space<hbm>> -> memref<10000x64xf32, #tpu.memory_space<hbm>>
      tpu.wait_indirect_dma semaphore(%arg21 : memref<!tpu.dma_semaphore, #tpu.memory_space<semaphore_mem>>) src(%dma_wait3A_351 : memref<10000x64xf32, #tpu.memory_space<hbm>>) dst(%arg13 : memref<128x64xf32, #tpu.memory_space<vmem>>)
      %dma_start3A_352 = arith.constant 1 : i32
      %dma_start3A_353 = arith.constant 0 : i32
      %dma_start3A_354 = tpu.memref_slice %arg6[%add3A_340, %dma_start3A_352, %dma_start3A_353] : memref<80x2x128xi32, #tpu.memory_space<vmem>> -> memref<1x1x128xi32, #tpu.memory_space<vmem>>
      %dma_start3A_355 = tpu.memref_squeeze %dma_start3A_354 : memref<1x1x128xi32, #tpu.memory_space<vmem>> -> memref<128xi32, #tpu.memory_space<vmem>>
      %dma_start3A_356 = arith.constant 0 : i32
      %dma_start3A_357 = arith.constant 0 : i32
      %dma_start3A_358 = tpu.memref_slice %arg31[%dma_start3A_356, %dma_start3A_357] : memref<10112x64xf32, #tpu.memory_space<vmem_shared>> -> memref<10112x64xf32, #tpu.memory_space<vmem_shared>>
      tpu.enqueue_indirect_dma source(%arg13 : memref<128x64xf32, #tpu.memory_space<vmem>>) target(%dma_start3A_358 : memref<10112x64xf32, #tpu.memory_space<vmem_shared>>) offsets(%dma_start3A_355 : memref<128xi32, #tpu.memory_space<vmem>>) semaphore(%arg29 : memref<!tpu.dma_semaphore, #tpu.memory_space<semaphore_mem>>) {add = true}
      %add3A_359 = arith.constant 7 : i32
      %add3A_360 = arith.addi %mul3A_219, %add3A_359 : i32
      %dma_wait3A_361 = arith.constant 0 : i32
      %dma_wait3A_362 = arith.constant 0 : i32
      %dma_wait3A_363 = tpu.memref_slice %arg6[%add3A_360, %dma_wait3A_361, %dma_wait3A_362] : memref<80x2x128xi32, #tpu.memory_space<vmem>> -> memref<1x1x128xi32, #tpu.memory_space<vmem>>
      %dma_wait3A_364 = tpu.memref_squeeze %dma_wait3A_363 : memref<1x1x128xi32, #tpu.memory_space<vmem>> -> memref<128xi32, #tpu.memory_space<vmem>>
      %dma_wait3A_365 = arith.constant 0 : i32
      %dma_wait3A_366 = arith.constant 0 : i32
      %dma_wait3A_367 = tpu.memref_slice %arg2[%arg0, %dma_wait3A_365, %dma_wait3A_366] : memref<2x10000x64xf32, #tpu.memory_space<hbm>> -> memref<1x10000x64xf32, #tpu.memory_space<hbm>>
      %dma_wait3A_368 = tpu.memref_squeeze %dma_wait3A_367 : memref<1x10000x64xf32, #tpu.memory_space<hbm>> -> memref<10000x64xf32, #tpu.memory_space<hbm>>
      %dma_wait3A_369 = arith.constant 0 : i32
      %dma_wait3A_370 = arith.constant 0 : i32
      %dma_wait3A_371 = tpu.memref_slice %dma_wait3A_368[%dma_wait3A_369, %dma_wait3A_370] : memref<10000x64xf32, #tpu.memory_space<hbm>> -> memref<10000x64xf32, #tpu.memory_space<hbm>>
      tpu.wait_indirect_dma semaphore(%arg22 : memref<!tpu.dma_semaphore, #tpu.memory_space<semaphore_mem>>) src(%dma_wait3A_371 : memref<10000x64xf32, #tpu.memory_space<hbm>>) dst(%arg14 : memref<128x64xf32, #tpu.memory_space<vmem>>)
      %dma_start3A_372 = arith.constant 1 : i32
      %dma_start3A_373 = arith.constant 0 : i32
      %dma_start3A_374 = tpu.memref_slice %arg6[%add3A_360, %dma_start3A_372, %dma_start3A_373] : memref<80x2x128xi32, #tpu.memory_space<vmem>> -> memref<1x1x128xi32, #tpu.memory_space<vmem>>
      %dma_start3A_375 = tpu.memref_squeeze %dma_start3A_374 : memref<1x1x128xi32, #tpu.memory_space<vmem>> -> memref<128xi32, #tpu.memory_space<vmem>>
      %dma_start3A_376 = arith.constant 0 : i32
      %dma_start3A_377 = arith.constant 0 : i32
      %dma_start3A_378 = tpu.memref_slice %arg31[%dma_start3A_376, %dma_start3A_377] : memref<10112x64xf32, #tpu.memory_space<vmem_shared>> -> memref<10112x64xf32, #tpu.memory_space<vmem_shared>>
      tpu.enqueue_indirect_dma source(%arg14 : memref<128x64xf32, #tpu.memory_space<vmem>>) target(%dma_start3A_378 : memref<10112x64xf32, #tpu.memory_space<vmem_shared>>) offsets(%dma_start3A_375 : memref<128xi32, #tpu.memory_space<vmem>>) semaphore(%arg30 : memref<!tpu.dma_semaphore, #tpu.memory_space<semaphore_mem>>) {add = true}
      %dma_wait3A_379 = arith.constant 1 : i32
      %dma_wait3A_380 = arith.constant 0 : i32
      %dma_wait3A_381 = tpu.memref_slice %arg6[%add3A_221, %dma_wait3A_379, %dma_wait3A_380] : memref<80x2x128xi32, #tpu.memory_space<vmem>> -> memref<1x1x128xi32, #tpu.memory_space<vmem>>
      %dma_wait3A_382 = tpu.memref_squeeze %dma_wait3A_381 : memref<1x1x128xi32, #tpu.memory_space<vmem>> -> memref<128xi32, #tpu.memory_space<vmem>>
      %dma_wait3A_383 = arith.constant 0 : i32
      %dma_wait3A_384 = arith.constant 0 : i32
      %dma_wait3A_385 = tpu.memref_slice %arg31[%dma_wait3A_383, %dma_wait3A_384] : memref<10112x64xf32, #tpu.memory_space<vmem_shared>> -> memref<10112x64xf32, #tpu.memory_space<vmem_shared>>
      tpu.wait_indirect_dma semaphore(%arg23 : memref<!tpu.dma_semaphore, #tpu.memory_space<semaphore_mem>>) src(%arg7 : memref<128x64xf32, #tpu.memory_space<vmem>>) dst(%dma_wait3A_385 : memref<10112x64xf32, #tpu.memory_space<vmem_shared>>)
      %lt3A = arith.constant 9 : i32
      %lt3A_386 = arith.cmpi slt, %scan3A_217, %lt3A : i32
      %convert_element_type3A = arith.extui %lt3A_386 : i1 to i32
      %cond3A = arith.constant 0 : i32
      %cond3A_387 = arith.cmpi ne, %convert_element_type3A, %cond3A : i32
      scf.if %cond3A_387 {
        %add3A_472 = arith.constant 8 : i32
        %add3A_473 = arith.addi %mul3A_219, %add3A_472 : i32
        %add3A_474 = arith.constant 0 : i32
        %add3A_475 = arith.addi %add3A_473, %add3A_474 : i32
        %dma_start3A_476 = arith.constant 0 : i32
        %dma_start3A_477 = arith.constant 0 : i32
        %dma_start3A_478 = tpu.memref_slice %arg6[%add3A_475, %dma_start3A_476, %dma_start3A_477] : memref<80x2x128xi32, #tpu.memory_space<vmem>> -> memref<1x1x128xi32, #tpu.memory_space<vmem>>
        %dma_start3A_479 = tpu.memref_squeeze %dma_start3A_478 : memref<1x1x128xi32, #tpu.memory_space<vmem>> -> memref<128xi32, #tpu.memory_space<vmem>>
        %dma_start3A_480 = arith.constant 0 : i32
        %dma_start3A_481 = arith.constant 0 : i32
        %dma_start3A_482 = tpu.memref_slice %arg2[%arg0, %dma_start3A_480, %dma_start3A_481] : memref<2x10000x64xf32, #tpu.memory_space<hbm>> -> memref<1x10000x64xf32, #tpu.memory_space<hbm>>
        %dma_start3A_483 = tpu.memref_squeeze %dma_start3A_482 : memref<1x10000x64xf32, #tpu.memory_space<hbm>> -> memref<10000x64xf32, #tpu.memory_space<hbm>>
        %dma_start3A_484 = arith.constant 0 : i32
        %dma_start3A_485 = arith.constant 0 : i32
        %dma_start3A_486 = tpu.memref_slice %dma_start3A_483[%dma_start3A_484, %dma_start3A_485] : memref<10000x64xf32, #tpu.memory_space<hbm>> -> memref<10000x64xf32, #tpu.memory_space<hbm>>
        tpu.enqueue_indirect_dma source(%dma_start3A_486 : memref<10000x64xf32, #tpu.memory_space<hbm>>) target(%arg7 : memref<128x64xf32, #tpu.memory_space<vmem>>) offsets(%dma_start3A_479 : memref<128xi32, #tpu.memory_space<vmem>>) semaphore(%arg15 : memref<!tpu.dma_semaphore, #tpu.memory_space<semaphore_mem>>)
      } else {
      }
      %dma_wait3A_388 = arith.constant 1 : i32
      %dma_wait3A_389 = arith.constant 0 : i32
      %dma_wait3A_390 = tpu.memref_slice %arg6[%add3A_240, %dma_wait3A_388, %dma_wait3A_389] : memref<80x2x128xi32, #tpu.memory_space<vmem>> -> memref<1x1x128xi32, #tpu.memory_space<vmem>>
      %dma_wait3A_391 = tpu.memref_squeeze %dma_wait3A_390 : memref<1x1x128xi32, #tpu.memory_space<vmem>> -> memref<128xi32, #tpu.memory_space<vmem>>
      %dma_wait3A_392 = arith.constant 0 : i32
      %dma_wait3A_393 = arith.constant 0 : i32
      %dma_wait3A_394 = tpu.memref_slice %arg31[%dma_wait3A_392, %dma_wait3A_393] : memref<10112x64xf32, #tpu.memory_space<vmem_shared>> -> memref<10112x64xf32, #tpu.memory_space<vmem_shared>>
      tpu.wait_indirect_dma semaphore(%arg24 : memref<!tpu.dma_semaphore, #tpu.memory_space<semaphore_mem>>) src(%arg8 : memref<128x64xf32, #tpu.memory_space<vmem>>) dst(%dma_wait3A_394 : memref<10112x64xf32, #tpu.memory_space<vmem_shared>>)
      %lt3A_395 = arith.constant 9 : i32
      %lt3A_396 = arith.cmpi slt, %scan3A_217, %lt3A_395 : i32
      %convert_element_type3A_397 = arith.extui %lt3A_396 : i1 to i32
      %cond3A_398 = arith.constant 0 : i32
      %cond3A_399 = arith.cmpi ne, %convert_element_type3A_397, %cond3A_398 : i32
      scf.if %cond3A_399 {
        %add3A_472 = arith.constant 8 : i32
        %add3A_473 = arith.addi %mul3A_219, %add3A_472 : i32
        %add3A_474 = arith.constant 1 : i32
        %add3A_475 = arith.addi %add3A_473, %add3A_474 : i32
        %dma_start3A_476 = arith.constant 0 : i32
        %dma_start3A_477 = arith.constant 0 : i32
        %dma_start3A_478 = tpu.memref_slice %arg6[%add3A_475, %dma_start3A_476, %dma_start3A_477] : memref<80x2x128xi32, #tpu.memory_space<vmem>> -> memref<1x1x128xi32, #tpu.memory_space<vmem>>
        %dma_start3A_479 = tpu.memref_squeeze %dma_start3A_478 : memref<1x1x128xi32, #tpu.memory_space<vmem>> -> memref<128xi32, #tpu.memory_space<vmem>>
        %dma_start3A_480 = arith.constant 0 : i32
        %dma_start3A_481 = arith.constant 0 : i32
        %dma_start3A_482 = tpu.memref_slice %arg2[%arg0, %dma_start3A_480, %dma_start3A_481] : memref<2x10000x64xf32, #tpu.memory_space<hbm>> -> memref<1x10000x64xf32, #tpu.memory_space<hbm>>
        %dma_start3A_483 = tpu.memref_squeeze %dma_start3A_482 : memref<1x10000x64xf32, #tpu.memory_space<hbm>> -> memref<10000x64xf32, #tpu.memory_space<hbm>>
        %dma_start3A_484 = arith.constant 0 : i32
        %dma_start3A_485 = arith.constant 0 : i32
        %dma_start3A_486 = tpu.memref_slice %dma_start3A_483[%dma_start3A_484, %dma_start3A_485] : memref<10000x64xf32, #tpu.memory_space<hbm>> -> memref<10000x64xf32, #tpu.memory_space<hbm>>
        tpu.enqueue_indirect_dma source(%dma_start3A_486 : memref<10000x64xf32, #tpu.memory_space<hbm>>) target(%arg8 : memref<128x64xf32, #tpu.memory_space<vmem>>) offsets(%dma_start3A_479 : memref<128xi32, #tpu.memory_space<vmem>>) semaphore(%arg16 : memref<!tpu.dma_semaphore, #tpu.memory_space<semaphore_mem>>)
      } else {
      }
      %dma_wait3A_400 = arith.constant 1 : i32
      %dma_wait3A_401 = arith.constant 0 : i32
      %dma_wait3A_402 = tpu.memref_slice %arg6[%add3A_260, %dma_wait3A_400, %dma_wait3A_401] : memref<80x2x128xi32, #tpu.memory_space<vmem>> -> memref<1x1x128xi32, #tpu.memory_space<vmem>>
      %dma_wait3A_403 = tpu.memref_squeeze %dma_wait3A_402 : memref<1x1x128xi32, #tpu.memory_space<vmem>> -> memref<128xi32, #tpu.memory_space<vmem>>
      %dma_wait3A_404 = arith.constant 0 : i32
      %dma_wait3A_405 = arith.constant 0 : i32
      %dma_wait3A_406 = tpu.memref_slice %arg31[%dma_wait3A_404, %dma_wait3A_405] : memref<10112x64xf32, #tpu.memory_space<vmem_shared>> -> memref<10112x64xf32, #tpu.memory_space<vmem_shared>>
      tpu.wait_indirect_dma semaphore(%arg25 : memref<!tpu.dma_semaphore, #tpu.memory_space<semaphore_mem>>) src(%arg9 : memref<128x64xf32, #tpu.memory_space<vmem>>) dst(%dma_wait3A_406 : memref<10112x64xf32, #tpu.memory_space<vmem_shared>>)
      %lt3A_407 = arith.constant 9 : i32
      %lt3A_408 = arith.cmpi slt, %scan3A_217, %lt3A_407 : i32
      %convert_element_type3A_409 = arith.extui %lt3A_408 : i1 to i32
      %cond3A_410 = arith.constant 0 : i32
      %cond3A_411 = arith.cmpi ne, %convert_element_type3A_409, %cond3A_410 : i32
      scf.if %cond3A_411 {
        %add3A_472 = arith.constant 8 : i32
        %add3A_473 = arith.addi %mul3A_219, %add3A_472 : i32
        %add3A_474 = arith.constant 2 : i32
        %add3A_475 = arith.addi %add3A_473, %add3A_474 : i32
        %dma_start3A_476 = arith.constant 0 : i32
        %dma_start3A_477 = arith.constant 0 : i32
        %dma_start3A_478 = tpu.memref_slice %arg6[%add3A_475, %dma_start3A_476, %dma_start3A_477] : memref<80x2x128xi32, #tpu.memory_space<vmem>> -> memref<1x1x128xi32, #tpu.memory_space<vmem>>
        %dma_start3A_479 = tpu.memref_squeeze %dma_start3A_478 : memref<1x1x128xi32, #tpu.memory_space<vmem>> -> memref<128xi32, #tpu.memory_space<vmem>>
        %dma_start3A_480 = arith.constant 0 : i32
        %dma_start3A_481 = arith.constant 0 : i32
        %dma_start3A_482 = tpu.memref_slice %arg2[%arg0, %dma_start3A_480, %dma_start3A_481] : memref<2x10000x64xf32, #tpu.memory_space<hbm>> -> memref<1x10000x64xf32, #tpu.memory_space<hbm>>
        %dma_start3A_483 = tpu.memref_squeeze %dma_start3A_482 : memref<1x10000x64xf32, #tpu.memory_space<hbm>> -> memref<10000x64xf32, #tpu.memory_space<hbm>>
        %dma_start3A_484 = arith.constant 0 : i32
        %dma_start3A_485 = arith.constant 0 : i32
        %dma_start3A_486 = tpu.memref_slice %dma_start3A_483[%dma_start3A_484, %dma_start3A_485] : memref<10000x64xf32, #tpu.memory_space<hbm>> -> memref<10000x64xf32, #tpu.memory_space<hbm>>
        tpu.enqueue_indirect_dma source(%dma_start3A_486 : memref<10000x64xf32, #tpu.memory_space<hbm>>) target(%arg9 : memref<128x64xf32, #tpu.memory_space<vmem>>) offsets(%dma_start3A_479 : memref<128xi32, #tpu.memory_space<vmem>>) semaphore(%arg17 : memref<!tpu.dma_semaphore, #tpu.memory_space<semaphore_mem>>)
      } else {
      }
      %dma_wait3A_412 = arith.constant 1 : i32
      %dma_wait3A_413 = arith.constant 0 : i32
      %dma_wait3A_414 = tpu.memref_slice %arg6[%add3A_280, %dma_wait3A_412, %dma_wait3A_413] : memref<80x2x128xi32, #tpu.memory_space<vmem>> -> memref<1x1x128xi32, #tpu.memory_space<vmem>>
      %dma_wait3A_415 = tpu.memref_squeeze %dma_wait3A_414 : memref<1x1x128xi32, #tpu.memory_space<vmem>> -> memref<128xi32, #tpu.memory_space<vmem>>
      %dma_wait3A_416 = arith.constant 0 : i32
      %dma_wait3A_417 = arith.constant 0 : i32
      %dma_wait3A_418 = tpu.memref_slice %arg31[%dma_wait3A_416, %dma_wait3A_417] : memref<10112x64xf32, #tpu.memory_space<vmem_shared>> -> memref<10112x64xf32, #tpu.memory_space<vmem_shared>>
      tpu.wait_indirect_dma semaphore(%arg26 : memref<!tpu.dma_semaphore, #tpu.memory_space<semaphore_mem>>) src(%arg10 : memref<128x64xf32, #tpu.memory_space<vmem>>) dst(%dma_wait3A_418 : memref<10112x64xf32, #tpu.memory_space<vmem_shared>>)
      %lt3A_419 = arith.constant 9 : i32
      %lt3A_420 = arith.cmpi slt, %scan3A_217, %lt3A_419 : i32
      %convert_element_type3A_421 = arith.extui %lt3A_420 : i1 to i32
      %cond3A_422 = arith.constant 0 : i32
      %cond3A_423 = arith.cmpi ne, %convert_element_type3A_421, %cond3A_422 : i32
      scf.if %cond3A_423 {
        %add3A_472 = arith.constant 8 : i32
        %add3A_473 = arith.addi %mul3A_219, %add3A_472 : i32
        %add3A_474 = arith.constant 3 : i32
        %add3A_475 = arith.addi %add3A_473, %add3A_474 : i32
        %dma_start3A_476 = arith.constant 0 : i32
        %dma_start3A_477 = arith.constant 0 : i32
        %dma_start3A_478 = tpu.memref_slice %arg6[%add3A_475, %dma_start3A_476, %dma_start3A_477] : memref<80x2x128xi32, #tpu.memory_space<vmem>> -> memref<1x1x128xi32, #tpu.memory_space<vmem>>
        %dma_start3A_479 = tpu.memref_squeeze %dma_start3A_478 : memref<1x1x128xi32, #tpu.memory_space<vmem>> -> memref<128xi32, #tpu.memory_space<vmem>>
        %dma_start3A_480 = arith.constant 0 : i32
        %dma_start3A_481 = arith.constant 0 : i32
        %dma_start3A_482 = tpu.memref_slice %arg2[%arg0, %dma_start3A_480, %dma_start3A_481] : memref<2x10000x64xf32, #tpu.memory_space<hbm>> -> memref<1x10000x64xf32, #tpu.memory_space<hbm>>
        %dma_start3A_483 = tpu.memref_squeeze %dma_start3A_482 : memref<1x10000x64xf32, #tpu.memory_space<hbm>> -> memref<10000x64xf32, #tpu.memory_space<hbm>>
        %dma_start3A_484 = arith.constant 0 : i32
        %dma_start3A_485 = arith.constant 0 : i32
        %dma_start3A_486 = tpu.memref_slice %dma_start3A_483[%dma_start3A_484, %dma_start3A_485] : memref<10000x64xf32, #tpu.memory_space<hbm>> -> memref<10000x64xf32, #tpu.memory_space<hbm>>
        tpu.enqueue_indirect_dma source(%dma_start3A_486 : memref<10000x64xf32, #tpu.memory_space<hbm>>) target(%arg10 : memref<128x64xf32, #tpu.memory_space<vmem>>) offsets(%dma_start3A_479 : memref<128xi32, #tpu.memory_space<vmem>>) semaphore(%arg18 : memref<!tpu.dma_semaphore, #tpu.memory_space<semaphore_mem>>)
      } else {
      }
      %dma_wait3A_424 = arith.constant 1 : i32
      %dma_wait3A_425 = arith.constant 0 : i32
      %dma_wait3A_426 = tpu.memref_slice %arg6[%add3A_300, %dma_wait3A_424, %dma_wait3A_425] : memref<80x2x128xi32, #tpu.memory_space<vmem>> -> memref<1x1x128xi32, #tpu.memory_space<vmem>>
      %dma_wait3A_427 = tpu.memref_squeeze %dma_wait3A_426 : memref<1x1x128xi32, #tpu.memory_space<vmem>> -> memref<128xi32, #tpu.memory_space<vmem>>
      %dma_wait3A_428 = arith.constant 0 : i32
      %dma_wait3A_429 = arith.constant 0 : i32
      %dma_wait3A_430 = tpu.memref_slice %arg31[%dma_wait3A_428, %dma_wait3A_429] : memref<10112x64xf32, #tpu.memory_space<vmem_shared>> -> memref<10112x64xf32, #tpu.memory_space<vmem_shared>>
      tpu.wait_indirect_dma semaphore(%arg27 : memref<!tpu.dma_semaphore, #tpu.memory_space<semaphore_mem>>) src(%arg11 : memref<128x64xf32, #tpu.memory_space<vmem>>) dst(%dma_wait3A_430 : memref<10112x64xf32, #tpu.memory_space<vmem_shared>>)
      %lt3A_431 = arith.constant 9 : i32
      %lt3A_432 = arith.cmpi slt, %scan3A_217, %lt3A_431 : i32
      %convert_element_type3A_433 = arith.extui %lt3A_432 : i1 to i32
      %cond3A_434 = arith.constant 0 : i32
      %cond3A_435 = arith.cmpi ne, %convert_element_type3A_433, %cond3A_434 : i32
      scf.if %cond3A_435 {
        %add3A_472 = arith.constant 8 : i32
        %add3A_473 = arith.addi %mul3A_219, %add3A_472 : i32
        %add3A_474 = arith.constant 4 : i32
        %add3A_475 = arith.addi %add3A_473, %add3A_474 : i32
        %dma_start3A_476 = arith.constant 0 : i32
        %dma_start3A_477 = arith.constant 0 : i32
        %dma_start3A_478 = tpu.memref_slice %arg6[%add3A_475, %dma_start3A_476, %dma_start3A_477] : memref<80x2x128xi32, #tpu.memory_space<vmem>> -> memref<1x1x128xi32, #tpu.memory_space<vmem>>
        %dma_start3A_479 = tpu.memref_squeeze %dma_start3A_478 : memref<1x1x128xi32, #tpu.memory_space<vmem>> -> memref<128xi32, #tpu.memory_space<vmem>>
        %dma_start3A_480 = arith.constant 0 : i32
        %dma_start3A_481 = arith.constant 0 : i32
        %dma_start3A_482 = tpu.memref_slice %arg2[%arg0, %dma_start3A_480, %dma_start3A_481] : memref<2x10000x64xf32, #tpu.memory_space<hbm>> -> memref<1x10000x64xf32, #tpu.memory_space<hbm>>
        %dma_start3A_483 = tpu.memref_squeeze %dma_start3A_482 : memref<1x10000x64xf32, #tpu.memory_space<hbm>> -> memref<10000x64xf32, #tpu.memory_space<hbm>>
        %dma_start3A_484 = arith.constant 0 : i32
        %dma_start3A_485 = arith.constant 0 : i32
        %dma_start3A_486 = tpu.memref_slice %dma_start3A_483[%dma_start3A_484, %dma_start3A_485] : memref<10000x64xf32, #tpu.memory_space<hbm>> -> memref<10000x64xf32, #tpu.memory_space<hbm>>
        tpu.enqueue_indirect_dma source(%dma_start3A_486 : memref<10000x64xf32, #tpu.memory_space<hbm>>) target(%arg11 : memref<128x64xf32, #tpu.memory_space<vmem>>) offsets(%dma_start3A_479 : memref<128xi32, #tpu.memory_space<vmem>>) semaphore(%arg19 : memref<!tpu.dma_semaphore, #tpu.memory_space<semaphore_mem>>)
      } else {
      }
      %dma_wait3A_436 = arith.constant 1 : i32
      %dma_wait3A_437 = arith.constant 0 : i32
      %dma_wait3A_438 = tpu.memref_slice %arg6[%add3A_320, %dma_wait3A_436, %dma_wait3A_437] : memref<80x2x128xi32, #tpu.memory_space<vmem>> -> memref<1x1x128xi32, #tpu.memory_space<vmem>>
      %dma_wait3A_439 = tpu.memref_squeeze %dma_wait3A_438 : memref<1x1x128xi32, #tpu.memory_space<vmem>> -> memref<128xi32, #tpu.memory_space<vmem>>
      %dma_wait3A_440 = arith.constant 0 : i32
      %dma_wait3A_441 = arith.constant 0 : i32
      %dma_wait3A_442 = tpu.memref_slice %arg31[%dma_wait3A_440, %dma_wait3A_441] : memref<10112x64xf32, #tpu.memory_space<vmem_shared>> -> memref<10112x64xf32, #tpu.memory_space<vmem_shared>>
      tpu.wait_indirect_dma semaphore(%arg28 : memref<!tpu.dma_semaphore, #tpu.memory_space<semaphore_mem>>) src(%arg12 : memref<128x64xf32, #tpu.memory_space<vmem>>) dst(%dma_wait3A_442 : memref<10112x64xf32, #tpu.memory_space<vmem_shared>>)
      %lt3A_443 = arith.constant 9 : i32
      %lt3A_444 = arith.cmpi slt, %scan3A_217, %lt3A_443 : i32
      %convert_element_type3A_445 = arith.extui %lt3A_444 : i1 to i32
      %cond3A_446 = arith.constant 0 : i32
      %cond3A_447 = arith.cmpi ne, %convert_element_type3A_445, %cond3A_446 : i32
      scf.if %cond3A_447 {
        %add3A_472 = arith.constant 8 : i32
        %add3A_473 = arith.addi %mul3A_219, %add3A_472 : i32
        %add3A_474 = arith.constant 5 : i32
        %add3A_475 = arith.addi %add3A_473, %add3A_474 : i32
        %dma_start3A_476 = arith.constant 0 : i32
        %dma_start3A_477 = arith.constant 0 : i32
        %dma_start3A_478 = tpu.memref_slice %arg6[%add3A_475, %dma_start3A_476, %dma_start3A_477] : memref<80x2x128xi32, #tpu.memory_space<vmem>> -> memref<1x1x128xi32, #tpu.memory_space<vmem>>
        %dma_start3A_479 = tpu.memref_squeeze %dma_start3A_478 : memref<1x1x128xi32, #tpu.memory_space<vmem>> -> memref<128xi32, #tpu.memory_space<vmem>>
        %dma_start3A_480 = arith.constant 0 : i32
        %dma_start3A_481 = arith.constant 0 : i32
        %dma_start3A_482 = tpu.memref_slice %arg2[%arg0, %dma_start3A_480, %dma_start3A_481] : memref<2x10000x64xf32, #tpu.memory_space<hbm>> -> memref<1x10000x64xf32, #tpu.memory_space<hbm>>
        %dma_start3A_483 = tpu.memref_squeeze %dma_start3A_482 : memref<1x10000x64xf32, #tpu.memory_space<hbm>> -> memref<10000x64xf32, #tpu.memory_space<hbm>>
        %dma_start3A_484 = arith.constant 0 : i32
        %dma_start3A_485 = arith.constant 0 : i32
        %dma_start3A_486 = tpu.memref_slice %dma_start3A_483[%dma_start3A_484, %dma_start3A_485] : memref<10000x64xf32, #tpu.memory_space<hbm>> -> memref<10000x64xf32, #tpu.memory_space<hbm>>
        tpu.enqueue_indirect_dma source(%dma_start3A_486 : memref<10000x64xf32, #tpu.memory_space<hbm>>) target(%arg12 : memref<128x64xf32, #tpu.memory_space<vmem>>) offsets(%dma_start3A_479 : memref<128xi32, #tpu.memory_space<vmem>>) semaphore(%arg20 : memref<!tpu.dma_semaphore, #tpu.memory_space<semaphore_mem>>)
      } else {
      }
      %dma_wait3A_448 = arith.constant 1 : i32
      %dma_wait3A_449 = arith.constant 0 : i32
      %dma_wait3A_450 = tpu.memref_slice %arg6[%add3A_340, %dma_wait3A_448, %dma_wait3A_449] : memref<80x2x128xi32, #tpu.memory_space<vmem>> -> memref<1x1x128xi32, #tpu.memory_space<vmem>>
      %dma_wait3A_451 = tpu.memref_squeeze %dma_wait3A_450 : memref<1x1x128xi32, #tpu.memory_space<vmem>> -> memref<128xi32, #tpu.memory_space<vmem>>
      %dma_wait3A_452 = arith.constant 0 : i32
      %dma_wait3A_453 = arith.constant 0 : i32
      %dma_wait3A_454 = tpu.memref_slice %arg31[%dma_wait3A_452, %dma_wait3A_453] : memref<10112x64xf32, #tpu.memory_space<vmem_shared>> -> memref<10112x64xf32, #tpu.memory_space<vmem_shared>>
      tpu.wait_indirect_dma semaphore(%arg29 : memref<!tpu.dma_semaphore, #tpu.memory_space<semaphore_mem>>) src(%arg13 : memref<128x64xf32, #tpu.memory_space<vmem>>) dst(%dma_wait3A_454 : memref<10112x64xf32, #tpu.memory_space<vmem_shared>>)
      %lt3A_455 = arith.constant 9 : i32
      %lt3A_456 = arith.cmpi slt, %scan3A_217, %lt3A_455 : i32
      %convert_element_type3A_457 = arith.extui %lt3A_456 : i1 to i32
      %cond3A_458 = arith.constant 0 : i32
      %cond3A_459 = arith.cmpi ne, %convert_element_type3A_457, %cond3A_458 : i32
      scf.if %cond3A_459 {
        %add3A_472 = arith.constant 8 : i32
        %add3A_473 = arith.addi %mul3A_219, %add3A_472 : i32
        %add3A_474 = arith.constant 6 : i32
        %add3A_475 = arith.addi %add3A_473, %add3A_474 : i32
        %dma_start3A_476 = arith.constant 0 : i32
        %dma_start3A_477 = arith.constant 0 : i32
        %dma_start3A_478 = tpu.memref_slice %arg6[%add3A_475, %dma_start3A_476, %dma_start3A_477] : memref<80x2x128xi32, #tpu.memory_space<vmem>> -> memref<1x1x128xi32, #tpu.memory_space<vmem>>
        %dma_start3A_479 = tpu.memref_squeeze %dma_start3A_478 : memref<1x1x128xi32, #tpu.memory_space<vmem>> -> memref<128xi32, #tpu.memory_space<vmem>>
        %dma_start3A_480 = arith.constant 0 : i32
        %dma_start3A_481 = arith.constant 0 : i32
        %dma_start3A_482 = tpu.memref_slice %arg2[%arg0, %dma_start3A_480, %dma_start3A_481] : memref<2x10000x64xf32, #tpu.memory_space<hbm>> -> memref<1x10000x64xf32, #tpu.memory_space<hbm>>
        %dma_start3A_483 = tpu.memref_squeeze %dma_start3A_482 : memref<1x10000x64xf32, #tpu.memory_space<hbm>> -> memref<10000x64xf32, #tpu.memory_space<hbm>>
        %dma_start3A_484 = arith.constant 0 : i32
        %dma_start3A_485 = arith.constant 0 : i32
        %dma_start3A_486 = tpu.memref_slice %dma_start3A_483[%dma_start3A_484, %dma_start3A_485] : memref<10000x64xf32, #tpu.memory_space<hbm>> -> memref<10000x64xf32, #tpu.memory_space<hbm>>
        tpu.enqueue_indirect_dma source(%dma_start3A_486 : memref<10000x64xf32, #tpu.memory_space<hbm>>) target(%arg13 : memref<128x64xf32, #tpu.memory_space<vmem>>) offsets(%dma_start3A_479 : memref<128xi32, #tpu.memory_space<vmem>>) semaphore(%arg21 : memref<!tpu.dma_semaphore, #tpu.memory_space<semaphore_mem>>)
      } else {
      }
      %dma_wait3A_460 = arith.constant 1 : i32
      %dma_wait3A_461 = arith.constant 0 : i32
      %dma_wait3A_462 = tpu.memref_slice %arg6[%add3A_360, %dma_wait3A_460, %dma_wait3A_461] : memref<80x2x128xi32, #tpu.memory_space<vmem>> -> memref<1x1x128xi32, #tpu.memory_space<vmem>>
      %dma_wait3A_463 = tpu.memref_squeeze %dma_wait3A_462 : memref<1x1x128xi32, #tpu.memory_space<vmem>> -> memref<128xi32, #tpu.memory_space<vmem>>
      %dma_wait3A_464 = arith.constant 0 : i32
      %dma_wait3A_465 = arith.constant 0 : i32
      %dma_wait3A_466 = tpu.memref_slice %arg31[%dma_wait3A_464, %dma_wait3A_465] : memref<10112x64xf32, #tpu.memory_space<vmem_shared>> -> memref<10112x64xf32, #tpu.memory_space<vmem_shared>>
      tpu.wait_indirect_dma semaphore(%arg30 : memref<!tpu.dma_semaphore, #tpu.memory_space<semaphore_mem>>) src(%arg14 : memref<128x64xf32, #tpu.memory_space<vmem>>) dst(%dma_wait3A_466 : memref<10112x64xf32, #tpu.memory_space<vmem_shared>>)
      %lt3A_467 = arith.constant 9 : i32
      %lt3A_468 = arith.cmpi slt, %scan3A_217, %lt3A_467 : i32
      %convert_element_type3A_469 = arith.extui %lt3A_468 : i1 to i32
      %cond3A_470 = arith.constant 0 : i32
      %cond3A_471 = arith.cmpi ne, %convert_element_type3A_469, %cond3A_470 : i32
      scf.if %cond3A_471 {
        %add3A_472 = arith.constant 8 : i32
        %add3A_473 = arith.addi %mul3A_219, %add3A_472 : i32
        %add3A_474 = arith.constant 7 : i32
        %add3A_475 = arith.addi %add3A_473, %add3A_474 : i32
        %dma_start3A_476 = arith.constant 0 : i32
        %dma_start3A_477 = arith.constant 0 : i32
        %dma_start3A_478 = tpu.memref_slice %arg6[%add3A_475, %dma_start3A_476, %dma_start3A_477] : memref<80x2x128xi32, #tpu.memory_space<vmem>> -> memref<1x1x128xi32, #tpu.memory_space<vmem>>
        %dma_start3A_479 = tpu.memref_squeeze %dma_start3A_478 : memref<1x1x128xi32, #tpu.memory_space<vmem>> -> memref<128xi32, #tpu.memory_space<vmem>>
        %dma_start3A_480 = arith.constant 0 : i32
        %dma_start3A_481 = arith.constant 0 : i32
        %dma_start3A_482 = tpu.memref_slice %arg2[%arg0, %dma_start3A_480, %dma_start3A_481] : memref<2x10000x64xf32, #tpu.memory_space<hbm>> -> memref<1x10000x64xf32, #tpu.memory_space<hbm>>
        %dma_start3A_483 = tpu.memref_squeeze %dma_start3A_482 : memref<1x10000x64xf32, #tpu.memory_space<hbm>> -> memref<10000x64xf32, #tpu.memory_space<hbm>>
        %dma_start3A_484 = arith.constant 0 : i32
        %dma_start3A_485 = arith.constant 0 : i32
        %dma_start3A_486 = tpu.memref_slice %dma_start3A_483[%dma_start3A_484, %dma_start3A_485] : memref<10000x64xf32, #tpu.memory_space<hbm>> -> memref<10000x64xf32, #tpu.memory_space<hbm>>
        tpu.enqueue_indirect_dma source(%dma_start3A_486 : memref<10000x64xf32, #tpu.memory_space<hbm>>) target(%arg14 : memref<128x64xf32, #tpu.memory_space<vmem>>) offsets(%dma_start3A_479 : memref<128xi32, #tpu.memory_space<vmem>>) semaphore(%arg22 : memref<!tpu.dma_semaphore, #tpu.memory_space<semaphore_mem>>)
      } else {
      }
    }
    %scan3A_105 = arith.constant 10 : i32
    %mul3A_106 = arith.constant 160 : i32
    %mul3A_107 = arith.muli %arg1, %mul3A_106 : i32
    %add3A_108 = arith.constant 80 : i32
    %add3A_109 = arith.addi %mul3A_107, %add3A_108 : i32
    "tpu.region"() ({
      %run_scoped3A = tpu.sem_alloc : memref<!tpu.dma_semaphore, #tpu.memory_space<semaphore_mem>>
      %dma_start3A_217 = arith.constant 0 : i32
      %dma_start3A_218 = arith.constant 0 : i32
      %dma_start3A_219 = tpu.memref_slice %arg3[%add3A_109, %dma_start3A_217, %dma_start3A_218] : memref<2560x2x128xi32, #tpu.memory_space<hbm>> -> memref<80x2x128xi32, #tpu.memory_space<hbm>>
      %dma_start3A_220 = arith.constant 0 : i32
      %dma_start3A_221 = arith.constant 0 : i32
      %dma_start3A_222 = tpu.memref_slice %arg3[%add3A_109, %dma_start3A_220, %dma_start3A_221] : memref<2560x2x128xi32, #tpu.memory_space<hbm>> -> memref<80x2x128xi32, #tpu.memory_space<hbm>>
      tpu.enqueue_dma source(%dma_start3A_222 : memref<80x2x128xi32, #tpu.memory_space<hbm>>) target(%arg6 : memref<80x2x128xi32, #tpu.memory_space<vmem>>) target_semaphore(%run_scoped3A : memref<!tpu.dma_semaphore, #tpu.memory_space<semaphore_mem>>)
      %dma_wait3A = arith.constant 0 : i32
      %dma_wait3A_223 = arith.constant 0 : i32
      %dma_wait3A_224 = tpu.memref_slice %arg3[%add3A_109, %dma_wait3A, %dma_wait3A_223] : memref<2560x2x128xi32, #tpu.memory_space<hbm>> -> memref<80x2x128xi32, #tpu.memory_space<hbm>>
      %dma_wait3A_225 = arith.constant 0 : i32
      %dma_wait3A_226 = arith.constant 0 : i32
      %dma_wait3A_227 = tpu.memref_slice %arg3[%add3A_109, %dma_wait3A_225, %dma_wait3A_226] : memref<2560x2x128xi32, #tpu.memory_space<hbm>> -> memref<80x2x128xi32, #tpu.memory_space<hbm>>
      tpu.wait_dma2 semaphore(%run_scoped3A : memref<!tpu.dma_semaphore, #tpu.memory_space<semaphore_mem>>) src(%dma_wait3A_227 : memref<80x2x128xi32, #tpu.memory_space<hbm>>) dst(%arg6 : memref<80x2x128xi32, #tpu.memory_space<vmem>>)
      tpu.yield
    }) : () -> ()
    %dma_start3A_110 = arith.constant 0 : i32
    %dma_start3A_111 = arith.constant 0 : i32
    %dma_start3A_112 = arith.constant 0 : i32
    %dma_start3A_113 = tpu.memref_slice %arg6[%dma_start3A_110, %dma_start3A_111, %dma_start3A_112] : memref<80x2x128xi32, #tpu.memory_space<vmem>> -> memref<1x1x128xi32, #tpu.memory_space<vmem>>
    %dma_start3A_114 = tpu.memref_squeeze %dma_start3A_113 : memref<1x1x128xi32, #tpu.memory_space<vmem>> -> memref<128xi32, #tpu.memory_space<vmem>>
    %dma_start3A_115 = arith.constant 0 : i32
    %dma_start3A_116 = arith.constant 0 : i32
    %dma_start3A_117 = tpu.memref_slice %arg2[%arg0, %dma_start3A_115, %dma_start3A_116] : memref<2x10000x64xf32, #tpu.memory_space<hbm>> -> memref<1x10000x64xf32, #tpu.memory_space<hbm>>
    %dma_start3A_118 = tpu.memref_squeeze %dma_start3A_117 : memref<1x10000x64xf32, #tpu.memory_space<hbm>> -> memref<10000x64xf32, #tpu.memory_space<hbm>>
    %dma_start3A_119 = arith.constant 0 : i32
    %dma_start3A_120 = arith.constant 0 : i32
    %dma_start3A_121 = tpu.memref_slice %dma_start3A_118[%dma_start3A_119, %dma_start3A_120] : memref<10000x64xf32, #tpu.memory_space<hbm>> -> memref<10000x64xf32, #tpu.memory_space<hbm>>
    tpu.enqueue_indirect_dma source(%dma_start3A_121 : memref<10000x64xf32, #tpu.memory_space<hbm>>) target(%arg7 : memref<128x64xf32, #tpu.memory_space<vmem>>) offsets(%dma_start3A_114 : memref<128xi32, #tpu.memory_space<vmem>>) semaphore(%arg15 : memref<!tpu.dma_semaphore, #tpu.memory_space<semaphore_mem>>)
    %dma_start3A_122 = arith.constant 1 : i32
    %dma_start3A_123 = arith.constant 0 : i32
    %dma_start3A_124 = arith.constant 0 : i32
    %dma_start3A_125 = tpu.memref_slice %arg6[%dma_start3A_122, %dma_start3A_123, %dma_start3A_124] : memref<80x2x128xi32, #tpu.memory_space<vmem>> -> memref<1x1x128xi32, #tpu.memory_space<vmem>>
    %dma_start3A_126 = tpu.memref_squeeze %dma_start3A_125 : memref<1x1x128xi32, #tpu.memory_space<vmem>> -> memref<128xi32, #tpu.memory_space<vmem>>
    %dma_start3A_127 = arith.constant 0 : i32
    %dma_start3A_128 = arith.constant 0 : i32
    %dma_start3A_129 = tpu.memref_slice %arg2[%arg0, %dma_start3A_127, %dma_start3A_128] : memref<2x10000x64xf32, #tpu.memory_space<hbm>> -> memref<1x10000x64xf32, #tpu.memory_space<hbm>>
    %dma_start3A_130 = tpu.memref_squeeze %dma_start3A_129 : memref<1x10000x64xf32, #tpu.memory_space<hbm>> -> memref<10000x64xf32, #tpu.memory_space<hbm>>
    %dma_start3A_131 = arith.constant 0 : i32
    %dma_start3A_132 = arith.constant 0 : i32
    %dma_start3A_133 = tpu.memref_slice %dma_start3A_130[%dma_start3A_131, %dma_start3A_132] : memref<10000x64xf32, #tpu.memory_space<hbm>> -> memref<10000x64xf32, #tpu.memory_space<hbm>>
    tpu.enqueue_indirect_dma source(%dma_start3A_133 : memref<10000x64xf32, #tpu.memory_space<hbm>>) target(%arg8 : memref<128x64xf32, #tpu.memory_space<vmem>>) offsets(%dma_start3A_126 : memref<128xi32, #tpu.memory_space<vmem>>) semaphore(%arg16 : memref<!tpu.dma_semaphore, #tpu.memory_space<semaphore_mem>>)
    %dma_start3A_134 = arith.constant 2 : i32
    %dma_start3A_135 = arith.constant 0 : i32
    %dma_start3A_136 = arith.constant 0 : i32
    %dma_start3A_137 = tpu.memref_slice %arg6[%dma_start3A_134, %dma_start3A_135, %dma_start3A_136] : memref<80x2x128xi32, #tpu.memory_space<vmem>> -> memref<1x1x128xi32, #tpu.memory_space<vmem>>
    %dma_start3A_138 = tpu.memref_squeeze %dma_start3A_137 : memref<1x1x128xi32, #tpu.memory_space<vmem>> -> memref<128xi32, #tpu.memory_space<vmem>>
    %dma_start3A_139 = arith.constant 0 : i32
    %dma_start3A_140 = arith.constant 0 : i32
    %dma_start3A_141 = tpu.memref_slice %arg2[%arg0, %dma_start3A_139, %dma_start3A_140] : memref<2x10000x64xf32, #tpu.memory_space<hbm>> -> memref<1x10000x64xf32, #tpu.memory_space<hbm>>
    %dma_start3A_142 = tpu.memref_squeeze %dma_start3A_141 : memref<1x10000x64xf32, #tpu.memory_space<hbm>> -> memref<10000x64xf32, #tpu.memory_space<hbm>>
    %dma_start3A_143 = arith.constant 0 : i32
    %dma_start3A_144 = arith.constant 0 : i32
    %dma_start3A_145 = tpu.memref_slice %dma_start3A_142[%dma_start3A_143, %dma_start3A_144] : memref<10000x64xf32, #tpu.memory_space<hbm>> -> memref<10000x64xf32, #tpu.memory_space<hbm>>
    tpu.enqueue_indirect_dma source(%dma_start3A_145 : memref<10000x64xf32, #tpu.memory_space<hbm>>) target(%arg9 : memref<128x64xf32, #tpu.memory_space<vmem>>) offsets(%dma_start3A_138 : memref<128xi32, #tpu.memory_space<vmem>>) semaphore(%arg17 : memref<!tpu.dma_semaphore, #tpu.memory_space<semaphore_mem>>)
    %dma_start3A_146 = arith.constant 3 : i32
    %dma_start3A_147 = arith.constant 0 : i32
    %dma_start3A_148 = arith.constant 0 : i32
    %dma_start3A_149 = tpu.memref_slice %arg6[%dma_start3A_146, %dma_start3A_147, %dma_start3A_148] : memref<80x2x128xi32, #tpu.memory_space<vmem>> -> memref<1x1x128xi32, #tpu.memory_space<vmem>>
    %dma_start3A_150 = tpu.memref_squeeze %dma_start3A_149 : memref<1x1x128xi32, #tpu.memory_space<vmem>> -> memref<128xi32, #tpu.memory_space<vmem>>
    %dma_start3A_151 = arith.constant 0 : i32
    %dma_start3A_152 = arith.constant 0 : i32
    %dma_start3A_153 = tpu.memref_slice %arg2[%arg0, %dma_start3A_151, %dma_start3A_152] : memref<2x10000x64xf32, #tpu.memory_space<hbm>> -> memref<1x10000x64xf32, #tpu.memory_space<hbm>>
    %dma_start3A_154 = tpu.memref_squeeze %dma_start3A_153 : memref<1x10000x64xf32, #tpu.memory_space<hbm>> -> memref<10000x64xf32, #tpu.memory_space<hbm>>
    %dma_start3A_155 = arith.constant 0 : i32
    %dma_start3A_156 = arith.constant 0 : i32
    %dma_start3A_157 = tpu.memref_slice %dma_start3A_154[%dma_start3A_155, %dma_start3A_156] : memref<10000x64xf32, #tpu.memory_space<hbm>> -> memref<10000x64xf32, #tpu.memory_space<hbm>>
    tpu.enqueue_indirect_dma source(%dma_start3A_157 : memref<10000x64xf32, #tpu.memory_space<hbm>>) target(%arg10 : memref<128x64xf32, #tpu.memory_space<vmem>>) offsets(%dma_start3A_150 : memref<128xi32, #tpu.memory_space<vmem>>) semaphore(%arg18 : memref<!tpu.dma_semaphore, #tpu.memory_space<semaphore_mem>>)
    %dma_start3A_158 = arith.constant 4 : i32
    %dma_start3A_159 = arith.constant 0 : i32
    %dma_start3A_160 = arith.constant 0 : i32
    %dma_start3A_161 = tpu.memref_slice %arg6[%dma_start3A_158, %dma_start3A_159, %dma_start3A_160] : memref<80x2x128xi32, #tpu.memory_space<vmem>> -> memref<1x1x128xi32, #tpu.memory_space<vmem>>
    %dma_start3A_162 = tpu.memref_squeeze %dma_start3A_161 : memref<1x1x128xi32, #tpu.memory_space<vmem>> -> memref<128xi32, #tpu.memory_space<vmem>>
    %dma_start3A_163 = arith.constant 0 : i32
    %dma_start3A_164 = arith.constant 0 : i32
    %dma_start3A_165 = tpu.memref_slice %arg2[%arg0, %dma_start3A_163, %dma_start3A_164] : memref<2x10000x64xf32, #tpu.memory_space<hbm>> -> memref<1x10000x64xf32, #tpu.memory_space<hbm>>
    %dma_start3A_166 = tpu.memref_squeeze %dma_start3A_165 : memref<1x10000x64xf32, #tpu.memory_space<hbm>> -> memref<10000x64xf32, #tpu.memory_space<hbm>>
    %dma_start3A_167 = arith.constant 0 : i32
    %dma_start3A_168 = arith.constant 0 : i32
    %dma_start3A_169 = tpu.memref_slice %dma_start3A_166[%dma_start3A_167, %dma_start3A_168] : memref<10000x64xf32, #tpu.memory_space<hbm>> -> memref<10000x64xf32, #tpu.memory_space<hbm>>
    tpu.enqueue_indirect_dma source(%dma_start3A_169 : memref<10000x64xf32, #tpu.memory_space<hbm>>) target(%arg11 : memref<128x64xf32, #tpu.memory_space<vmem>>) offsets(%dma_start3A_162 : memref<128xi32, #tpu.memory_space<vmem>>) semaphore(%arg19 : memref<!tpu.dma_semaphore, #tpu.memory_space<semaphore_mem>>)
    %dma_start3A_170 = arith.constant 5 : i32
    %dma_start3A_171 = arith.constant 0 : i32
    %dma_start3A_172 = arith.constant 0 : i32
    %dma_start3A_173 = tpu.memref_slice %arg6[%dma_start3A_170, %dma_start3A_171, %dma_start3A_172] : memref<80x2x128xi32, #tpu.memory_space<vmem>> -> memref<1x1x128xi32, #tpu.memory_space<vmem>>
    %dma_start3A_174 = tpu.memref_squeeze %dma_start3A_173 : memref<1x1x128xi32, #tpu.memory_space<vmem>> -> memref<128xi32, #tpu.memory_space<vmem>>
    %dma_start3A_175 = arith.constant 0 : i32
    %dma_start3A_176 = arith.constant 0 : i32
    %dma_start3A_177 = tpu.memref_slice %arg2[%arg0, %dma_start3A_175, %dma_start3A_176] : memref<2x10000x64xf32, #tpu.memory_space<hbm>> -> memref<1x10000x64xf32, #tpu.memory_space<hbm>>
    %dma_start3A_178 = tpu.memref_squeeze %dma_start3A_177 : memref<1x10000x64xf32, #tpu.memory_space<hbm>> -> memref<10000x64xf32, #tpu.memory_space<hbm>>
    %dma_start3A_179 = arith.constant 0 : i32
    %dma_start3A_180 = arith.constant 0 : i32
    %dma_start3A_181 = tpu.memref_slice %dma_start3A_178[%dma_start3A_179, %dma_start3A_180] : memref<10000x64xf32, #tpu.memory_space<hbm>> -> memref<10000x64xf32, #tpu.memory_space<hbm>>
    tpu.enqueue_indirect_dma source(%dma_start3A_181 : memref<10000x64xf32, #tpu.memory_space<hbm>>) target(%arg12 : memref<128x64xf32, #tpu.memory_space<vmem>>) offsets(%dma_start3A_174 : memref<128xi32, #tpu.memory_space<vmem>>) semaphore(%arg20 : memref<!tpu.dma_semaphore, #tpu.memory_space<semaphore_mem>>)
    %dma_start3A_182 = arith.constant 6 : i32
    %dma_start3A_183 = arith.constant 0 : i32
    %dma_start3A_184 = arith.constant 0 : i32
    %dma_start3A_185 = tpu.memref_slice %arg6[%dma_start3A_182, %dma_start3A_183, %dma_start3A_184] : memref<80x2x128xi32, #tpu.memory_space<vmem>> -> memref<1x1x128xi32, #tpu.memory_space<vmem>>
    %dma_start3A_186 = tpu.memref_squeeze %dma_start3A_185 : memref<1x1x128xi32, #tpu.memory_space<vmem>> -> memref<128xi32, #tpu.memory_space<vmem>>
    %dma_start3A_187 = arith.constant 0 : i32
    %dma_start3A_188 = arith.constant 0 : i32
    %dma_start3A_189 = tpu.memref_slice %arg2[%arg0, %dma_start3A_187, %dma_start3A_188] : memref<2x10000x64xf32, #tpu.memory_space<hbm>> -> memref<1x10000x64xf32, #tpu.memory_space<hbm>>
    %dma_start3A_190 = tpu.memref_squeeze %dma_start3A_189 : memref<1x10000x64xf32, #tpu.memory_space<hbm>> -> memref<10000x64xf32, #tpu.memory_space<hbm>>
    %dma_start3A_191 = arith.constant 0 : i32
    %dma_start3A_192 = arith.constant 0 : i32
    %dma_start3A_193 = tpu.memref_slice %dma_start3A_190[%dma_start3A_191, %dma_start3A_192] : memref<10000x64xf32, #tpu.memory_space<hbm>> -> memref<10000x64xf32, #tpu.memory_space<hbm>>
    tpu.enqueue_indirect_dma source(%dma_start3A_193 : memref<10000x64xf32, #tpu.memory_space<hbm>>) target(%arg13 : memref<128x64xf32, #tpu.memory_space<vmem>>) offsets(%dma_start3A_186 : memref<128xi32, #tpu.memory_space<vmem>>) semaphore(%arg21 : memref<!tpu.dma_semaphore, #tpu.memory_space<semaphore_mem>>)
    %dma_start3A_194 = arith.constant 7 : i32
    %dma_start3A_195 = arith.constant 0 : i32
    %dma_start3A_196 = arith.constant 0 : i32
    %dma_start3A_197 = tpu.memref_slice %arg6[%dma_start3A_194, %dma_start3A_195, %dma_start3A_196] : memref<80x2x128xi32, #tpu.memory_space<vmem>> -> memref<1x1x128xi32, #tpu.memory_space<vmem>>
    %dma_start3A_198 = tpu.memref_squeeze %dma_start3A_197 : memref<1x1x128xi32, #tpu.memory_space<vmem>> -> memref<128xi32, #tpu.memory_space<vmem>>
    %dma_start3A_199 = arith.constant 0 : i32
    %dma_start3A_200 = arith.constant 0 : i32
    %dma_start3A_201 = tpu.memref_slice %arg2[%arg0, %dma_start3A_199, %dma_start3A_200] : memref<2x10000x64xf32, #tpu.memory_space<hbm>> -> memref<1x10000x64xf32, #tpu.memory_space<hbm>>
    %dma_start3A_202 = tpu.memref_squeeze %dma_start3A_201 : memref<1x10000x64xf32, #tpu.memory_space<hbm>> -> memref<10000x64xf32, #tpu.memory_space<hbm>>
    %dma_start3A_203 = arith.constant 0 : i32
    %dma_start3A_204 = arith.constant 0 : i32
    %dma_start3A_205 = tpu.memref_slice %dma_start3A_202[%dma_start3A_203, %dma_start3A_204] : memref<10000x64xf32, #tpu.memory_space<hbm>> -> memref<10000x64xf32, #tpu.memory_space<hbm>>
    tpu.enqueue_indirect_dma source(%dma_start3A_205 : memref<10000x64xf32, #tpu.memory_space<hbm>>) target(%arg14 : memref<128x64xf32, #tpu.memory_space<vmem>>) offsets(%dma_start3A_198 : memref<128xi32, #tpu.memory_space<vmem>>) semaphore(%arg22 : memref<!tpu.dma_semaphore, #tpu.memory_space<semaphore_mem>>)
    %scan3A_206 = arith.constant 0 : i32
    %scan3A_207 = arith.constant 0 : i32
    %scan3A_208 = arith.constant 10 : i32
    %scan3A_209 = arith.addi %scan3A_207, %scan3A_208 : i32
    %scan3A_210 = arith.constant 1 : i32
    scf.for %scan3A_217 = %scan3A_207 to %scan3A_209 step %scan3A_210  : i32 {
      %mul3A_218 = arith.constant 8 : i32
      %mul3A_219 = arith.muli %scan3A_217, %mul3A_218 : i32
      %add3A_220 = arith.constant 0 : i32
      %add3A_221 = arith.addi %mul3A_219, %add3A_220 : i32
      %dma_wait3A = arith.constant 0 : i32
      %dma_wait3A_222 = arith.constant 0 : i32
      %dma_wait3A_223 = tpu.memref_slice %arg6[%add3A_221, %dma_wait3A, %dma_wait3A_222] : memref<80x2x128xi32, #tpu.memory_space<vmem>> -> memref<1x1x128xi32, #tpu.memory_space<vmem>>
      %dma_wait3A_224 = tpu.memref_squeeze %dma_wait3A_223 : memref<1x1x128xi32, #tpu.memory_space<vmem>> -> memref<128xi32, #tpu.memory_space<vmem>>
      %dma_wait3A_225 = arith.constant 0 : i32
      %dma_wait3A_226 = arith.constant 0 : i32
      %dma_wait3A_227 = tpu.memref_slice %arg2[%arg0, %dma_wait3A_225, %dma_wait3A_226] : memref<2x10000x64xf32, #tpu.memory_space<hbm>> -> memref<1x10000x64xf32, #tpu.memory_space<hbm>>
      %dma_wait3A_228 = tpu.memref_squeeze %dma_wait3A_227 : memref<1x10000x64xf32, #tpu.memory_space<hbm>> -> memref<10000x64xf32, #tpu.memory_space<hbm>>
      %dma_wait3A_229 = arith.constant 0 : i32
      %dma_wait3A_230 = arith.constant 0 : i32
      %dma_wait3A_231 = tpu.memref_slice %dma_wait3A_228[%dma_wait3A_229, %dma_wait3A_230] : memref<10000x64xf32, #tpu.memory_space<hbm>> -> memref<10000x64xf32, #tpu.memory_space<hbm>>
      tpu.wait_indirect_dma semaphore(%arg15 : memref<!tpu.dma_semaphore, #tpu.memory_space<semaphore_mem>>) src(%dma_wait3A_231 : memref<10000x64xf32, #tpu.memory_space<hbm>>) dst(%arg7 : memref<128x64xf32, #tpu.memory_space<vmem>>)
      %dma_start3A_232 = arith.constant 1 : i32
      %dma_start3A_233 = arith.constant 0 : i32
      %dma_start3A_234 = tpu.memref_slice %arg6[%add3A_221, %dma_start3A_232, %dma_start3A_233] : memref<80x2x128xi32, #tpu.memory_space<vmem>> -> memref<1x1x128xi32, #tpu.memory_space<vmem>>
      %dma_start3A_235 = tpu.memref_squeeze %dma_start3A_234 : memref<1x1x128xi32, #tpu.memory_space<vmem>> -> memref<128xi32, #tpu.memory_space<vmem>>
      %dma_start3A_236 = arith.constant 0 : i32
      %dma_start3A_237 = arith.constant 0 : i32
      %dma_start3A_238 = tpu.memref_slice %arg31[%dma_start3A_236, %dma_start3A_237] : memref<10112x64xf32, #tpu.memory_space<vmem_shared>> -> memref<10112x64xf32, #tpu.memory_space<vmem_shared>>
      tpu.enqueue_indirect_dma source(%arg7 : memref<128x64xf32, #tpu.memory_space<vmem>>) target(%dma_start3A_238 : memref<10112x64xf32, #tpu.memory_space<vmem_shared>>) offsets(%dma_start3A_235 : memref<128xi32, #tpu.memory_space<vmem>>) semaphore(%arg23 : memref<!tpu.dma_semaphore, #tpu.memory_space<semaphore_mem>>) {add = true}
      %add3A_239 = arith.constant 1 : i32
      %add3A_240 = arith.addi %mul3A_219, %add3A_239 : i32
      %dma_wait3A_241 = arith.constant 0 : i32
      %dma_wait3A_242 = arith.constant 0 : i32
      %dma_wait3A_243 = tpu.memref_slice %arg6[%add3A_240, %dma_wait3A_241, %dma_wait3A_242] : memref<80x2x128xi32, #tpu.memory_space<vmem>> -> memref<1x1x128xi32, #tpu.memory_space<vmem>>
      %dma_wait3A_244 = tpu.memref_squeeze %dma_wait3A_243 : memref<1x1x128xi32, #tpu.memory_space<vmem>> -> memref<128xi32, #tpu.memory_space<vmem>>
      %dma_wait3A_245 = arith.constant 0 : i32
      %dma_wait3A_246 = arith.constant 0 : i32
      %dma_wait3A_247 = tpu.memref_slice %arg2[%arg0, %dma_wait3A_245, %dma_wait3A_246] : memref<2x10000x64xf32, #tpu.memory_space<hbm>> -> memref<1x10000x64xf32, #tpu.memory_space<hbm>>
      %dma_wait3A_248 = tpu.memref_squeeze %dma_wait3A_247 : memref<1x10000x64xf32, #tpu.memory_space<hbm>> -> memref<10000x64xf32, #tpu.memory_space<hbm>>
      %dma_wait3A_249 = arith.constant 0 : i32
      %dma_wait3A_250 = arith.constant 0 : i32
      %dma_wait3A_251 = tpu.memref_slice %dma_wait3A_248[%dma_wait3A_249, %dma_wait3A_250] : memref<10000x64xf32, #tpu.memory_space<hbm>> -> memref<10000x64xf32, #tpu.memory_space<hbm>>
      tpu.wait_indirect_dma semaphore(%arg16 : memref<!tpu.dma_semaphore, #tpu.memory_space<semaphore_mem>>) src(%dma_wait3A_251 : memref<10000x64xf32, #tpu.memory_space<hbm>>) dst(%arg8 : memref<128x64xf32, #tpu.memory_space<vmem>>)
      %dma_start3A_252 = arith.constant 1 : i32
      %dma_start3A_253 = arith.constant 0 : i32
      %dma_start3A_254 = tpu.memref_slice %arg6[%add3A_240, %dma_start3A_252, %dma_start3A_253] : memref<80x2x128xi32, #tpu.memory_space<vmem>> -> memref<1x1x128xi32, #tpu.memory_space<vmem>>
      %dma_start3A_255 = tpu.memref_squeeze %dma_start3A_254 : memref<1x1x128xi32, #tpu.memory_space<vmem>> -> memref<128xi32, #tpu.memory_space<vmem>>
      %dma_start3A_256 = arith.constant 0 : i32
      %dma_start3A_257 = arith.constant 0 : i32
      %dma_start3A_258 = tpu.memref_slice %arg31[%dma_start3A_256, %dma_start3A_257] : memref<10112x64xf32, #tpu.memory_space<vmem_shared>> -> memref<10112x64xf32, #tpu.memory_space<vmem_shared>>
      tpu.enqueue_indirect_dma source(%arg8 : memref<128x64xf32, #tpu.memory_space<vmem>>) target(%dma_start3A_258 : memref<10112x64xf32, #tpu.memory_space<vmem_shared>>) offsets(%dma_start3A_255 : memref<128xi32, #tpu.memory_space<vmem>>) semaphore(%arg24 : memref<!tpu.dma_semaphore, #tpu.memory_space<semaphore_mem>>) {add = true}
      %add3A_259 = arith.constant 2 : i32
      %add3A_260 = arith.addi %mul3A_219, %add3A_259 : i32
      %dma_wait3A_261 = arith.constant 0 : i32
      %dma_wait3A_262 = arith.constant 0 : i32
      %dma_wait3A_263 = tpu.memref_slice %arg6[%add3A_260, %dma_wait3A_261, %dma_wait3A_262] : memref<80x2x128xi32, #tpu.memory_space<vmem>> -> memref<1x1x128xi32, #tpu.memory_space<vmem>>
      %dma_wait3A_264 = tpu.memref_squeeze %dma_wait3A_263 : memref<1x1x128xi32, #tpu.memory_space<vmem>> -> memref<128xi32, #tpu.memory_space<vmem>>
      %dma_wait3A_265 = arith.constant 0 : i32
      %dma_wait3A_266 = arith.constant 0 : i32
      %dma_wait3A_267 = tpu.memref_slice %arg2[%arg0, %dma_wait3A_265, %dma_wait3A_266] : memref<2x10000x64xf32, #tpu.memory_space<hbm>> -> memref<1x10000x64xf32, #tpu.memory_space<hbm>>
      %dma_wait3A_268 = tpu.memref_squeeze %dma_wait3A_267 : memref<1x10000x64xf32, #tpu.memory_space<hbm>> -> memref<10000x64xf32, #tpu.memory_space<hbm>>
      %dma_wait3A_269 = arith.constant 0 : i32
      %dma_wait3A_270 = arith.constant 0 : i32
      %dma_wait3A_271 = tpu.memref_slice %dma_wait3A_268[%dma_wait3A_269, %dma_wait3A_270] : memref<10000x64xf32, #tpu.memory_space<hbm>> -> memref<10000x64xf32, #tpu.memory_space<hbm>>
      tpu.wait_indirect_dma semaphore(%arg17 : memref<!tpu.dma_semaphore, #tpu.memory_space<semaphore_mem>>) src(%dma_wait3A_271 : memref<10000x64xf32, #tpu.memory_space<hbm>>) dst(%arg9 : memref<128x64xf32, #tpu.memory_space<vmem>>)
      %dma_start3A_272 = arith.constant 1 : i32
      %dma_start3A_273 = arith.constant 0 : i32
      %dma_start3A_274 = tpu.memref_slice %arg6[%add3A_260, %dma_start3A_272, %dma_start3A_273] : memref<80x2x128xi32, #tpu.memory_space<vmem>> -> memref<1x1x128xi32, #tpu.memory_space<vmem>>
      %dma_start3A_275 = tpu.memref_squeeze %dma_start3A_274 : memref<1x1x128xi32, #tpu.memory_space<vmem>> -> memref<128xi32, #tpu.memory_space<vmem>>
      %dma_start3A_276 = arith.constant 0 : i32
      %dma_start3A_277 = arith.constant 0 : i32
      %dma_start3A_278 = tpu.memref_slice %arg31[%dma_start3A_276, %dma_start3A_277] : memref<10112x64xf32, #tpu.memory_space<vmem_shared>> -> memref<10112x64xf32, #tpu.memory_space<vmem_shared>>
      tpu.enqueue_indirect_dma source(%arg9 : memref<128x64xf32, #tpu.memory_space<vmem>>) target(%dma_start3A_278 : memref<10112x64xf32, #tpu.memory_space<vmem_shared>>) offsets(%dma_start3A_275 : memref<128xi32, #tpu.memory_space<vmem>>) semaphore(%arg25 : memref<!tpu.dma_semaphore, #tpu.memory_space<semaphore_mem>>) {add = true}
      %add3A_279 = arith.constant 3 : i32
      %add3A_280 = arith.addi %mul3A_219, %add3A_279 : i32
      %dma_wait3A_281 = arith.constant 0 : i32
      %dma_wait3A_282 = arith.constant 0 : i32
      %dma_wait3A_283 = tpu.memref_slice %arg6[%add3A_280, %dma_wait3A_281, %dma_wait3A_282] : memref<80x2x128xi32, #tpu.memory_space<vmem>> -> memref<1x1x128xi32, #tpu.memory_space<vmem>>
      %dma_wait3A_284 = tpu.memref_squeeze %dma_wait3A_283 : memref<1x1x128xi32, #tpu.memory_space<vmem>> -> memref<128xi32, #tpu.memory_space<vmem>>
      %dma_wait3A_285 = arith.constant 0 : i32
      %dma_wait3A_286 = arith.constant 0 : i32
      %dma_wait3A_287 = tpu.memref_slice %arg2[%arg0, %dma_wait3A_285, %dma_wait3A_286] : memref<2x10000x64xf32, #tpu.memory_space<hbm>> -> memref<1x10000x64xf32, #tpu.memory_space<hbm>>
      %dma_wait3A_288 = tpu.memref_squeeze %dma_wait3A_287 : memref<1x10000x64xf32, #tpu.memory_space<hbm>> -> memref<10000x64xf32, #tpu.memory_space<hbm>>
      %dma_wait3A_289 = arith.constant 0 : i32
      %dma_wait3A_290 = arith.constant 0 : i32
      %dma_wait3A_291 = tpu.memref_slice %dma_wait3A_288[%dma_wait3A_289, %dma_wait3A_290] : memref<10000x64xf32, #tpu.memory_space<hbm>> -> memref<10000x64xf32, #tpu.memory_space<hbm>>
      tpu.wait_indirect_dma semaphore(%arg18 : memref<!tpu.dma_semaphore, #tpu.memory_space<semaphore_mem>>) src(%dma_wait3A_291 : memref<10000x64xf32, #tpu.memory_space<hbm>>) dst(%arg10 : memref<128x64xf32, #tpu.memory_space<vmem>>)
      %dma_start3A_292 = arith.constant 1 : i32
      %dma_start3A_293 = arith.constant 0 : i32
      %dma_start3A_294 = tpu.memref_slice %arg6[%add3A_280, %dma_start3A_292, %dma_start3A_293] : memref<80x2x128xi32, #tpu.memory_space<vmem>> -> memref<1x1x128xi32, #tpu.memory_space<vmem>>
      %dma_start3A_295 = tpu.memref_squeeze %dma_start3A_294 : memref<1x1x128xi32, #tpu.memory_space<vmem>> -> memref<128xi32, #tpu.memory_space<vmem>>
      %dma_start3A_296 = arith.constant 0 : i32
      %dma_start3A_297 = arith.constant 0 : i32
      %dma_start3A_298 = tpu.memref_slice %arg31[%dma_start3A_296, %dma_start3A_297] : memref<10112x64xf32, #tpu.memory_space<vmem_shared>> -> memref<10112x64xf32, #tpu.memory_space<vmem_shared>>
      tpu.enqueue_indirect_dma source(%arg10 : memref<128x64xf32, #tpu.memory_space<vmem>>) target(%dma_start3A_298 : memref<10112x64xf32, #tpu.memory_space<vmem_shared>>) offsets(%dma_start3A_295 : memref<128xi32, #tpu.memory_space<vmem>>) semaphore(%arg26 : memref<!tpu.dma_semaphore, #tpu.memory_space<semaphore_mem>>) {add = true}
      %add3A_299 = arith.constant 4 : i32
      %add3A_300 = arith.addi %mul3A_219, %add3A_299 : i32
      %dma_wait3A_301 = arith.constant 0 : i32
      %dma_wait3A_302 = arith.constant 0 : i32
      %dma_wait3A_303 = tpu.memref_slice %arg6[%add3A_300, %dma_wait3A_301, %dma_wait3A_302] : memref<80x2x128xi32, #tpu.memory_space<vmem>> -> memref<1x1x128xi32, #tpu.memory_space<vmem>>
      %dma_wait3A_304 = tpu.memref_squeeze %dma_wait3A_303 : memref<1x1x128xi32, #tpu.memory_space<vmem>> -> memref<128xi32, #tpu.memory_space<vmem>>
      %dma_wait3A_305 = arith.constant 0 : i32
      %dma_wait3A_306 = arith.constant 0 : i32
      %dma_wait3A_307 = tpu.memref_slice %arg2[%arg0, %dma_wait3A_305, %dma_wait3A_306] : memref<2x10000x64xf32, #tpu.memory_space<hbm>> -> memref<1x10000x64xf32, #tpu.memory_space<hbm>>
      %dma_wait3A_308 = tpu.memref_squeeze %dma_wait3A_307 : memref<1x10000x64xf32, #tpu.memory_space<hbm>> -> memref<10000x64xf32, #tpu.memory_space<hbm>>
      %dma_wait3A_309 = arith.constant 0 : i32
      %dma_wait3A_310 = arith.constant 0 : i32
      %dma_wait3A_311 = tpu.memref_slice %dma_wait3A_308[%dma_wait3A_309, %dma_wait3A_310] : memref<10000x64xf32, #tpu.memory_space<hbm>> -> memref<10000x64xf32, #tpu.memory_space<hbm>>
      tpu.wait_indirect_dma semaphore(%arg19 : memref<!tpu.dma_semaphore, #tpu.memory_space<semaphore_mem>>) src(%dma_wait3A_311 : memref<10000x64xf32, #tpu.memory_space<hbm>>) dst(%arg11 : memref<128x64xf32, #tpu.memory_space<vmem>>)
      %dma_start3A_312 = arith.constant 1 : i32
      %dma_start3A_313 = arith.constant 0 : i32
      %dma_start3A_314 = tpu.memref_slice %arg6[%add3A_300, %dma_start3A_312, %dma_start3A_313] : memref<80x2x128xi32, #tpu.memory_space<vmem>> -> memref<1x1x128xi32, #tpu.memory_space<vmem>>
      %dma_start3A_315 = tpu.memref_squeeze %dma_start3A_314 : memref<1x1x128xi32, #tpu.memory_space<vmem>> -> memref<128xi32, #tpu.memory_space<vmem>>
      %dma_start3A_316 = arith.constant 0 : i32
      %dma_start3A_317 = arith.constant 0 : i32
      %dma_start3A_318 = tpu.memref_slice %arg31[%dma_start3A_316, %dma_start3A_317] : memref<10112x64xf32, #tpu.memory_space<vmem_shared>> -> memref<10112x64xf32, #tpu.memory_space<vmem_shared>>
      tpu.enqueue_indirect_dma source(%arg11 : memref<128x64xf32, #tpu.memory_space<vmem>>) target(%dma_start3A_318 : memref<10112x64xf32, #tpu.memory_space<vmem_shared>>) offsets(%dma_start3A_315 : memref<128xi32, #tpu.memory_space<vmem>>) semaphore(%arg27 : memref<!tpu.dma_semaphore, #tpu.memory_space<semaphore_mem>>) {add = true}
      %add3A_319 = arith.constant 5 : i32
      %add3A_320 = arith.addi %mul3A_219, %add3A_319 : i32
      %dma_wait3A_321 = arith.constant 0 : i32
      %dma_wait3A_322 = arith.constant 0 : i32
      %dma_wait3A_323 = tpu.memref_slice %arg6[%add3A_320, %dma_wait3A_321, %dma_wait3A_322] : memref<80x2x128xi32, #tpu.memory_space<vmem>> -> memref<1x1x128xi32, #tpu.memory_space<vmem>>
      %dma_wait3A_324 = tpu.memref_squeeze %dma_wait3A_323 : memref<1x1x128xi32, #tpu.memory_space<vmem>> -> memref<128xi32, #tpu.memory_space<vmem>>
      %dma_wait3A_325 = arith.constant 0 : i32
      %dma_wait3A_326 = arith.constant 0 : i32
      %dma_wait3A_327 = tpu.memref_slice %arg2[%arg0, %dma_wait3A_325, %dma_wait3A_326] : memref<2x10000x64xf32, #tpu.memory_space<hbm>> -> memref<1x10000x64xf32, #tpu.memory_space<hbm>>
      %dma_wait3A_328 = tpu.memref_squeeze %dma_wait3A_327 : memref<1x10000x64xf32, #tpu.memory_space<hbm>> -> memref<10000x64xf32, #tpu.memory_space<hbm>>
      %dma_wait3A_329 = arith.constant 0 : i32
      %dma_wait3A_330 = arith.constant 0 : i32
      %dma_wait3A_331 = tpu.memref_slice %dma_wait3A_328[%dma_wait3A_329, %dma_wait3A_330] : memref<10000x64xf32, #tpu.memory_space<hbm>> -> memref<10000x64xf32, #tpu.memory_space<hbm>>
      tpu.wait_indirect_dma semaphore(%arg20 : memref<!tpu.dma_semaphore, #tpu.memory_space<semaphore_mem>>) src(%dma_wait3A_331 : memref<10000x64xf32, #tpu.memory_space<hbm>>) dst(%arg12 : memref<128x64xf32, #tpu.memory_space<vmem>>)
      %dma_start3A_332 = arith.constant 1 : i32
      %dma_start3A_333 = arith.constant 0 : i32
      %dma_start3A_334 = tpu.memref_slice %arg6[%add3A_320, %dma_start3A_332, %dma_start3A_333] : memref<80x2x128xi32, #tpu.memory_space<vmem>> -> memref<1x1x128xi32, #tpu.memory_space<vmem>>
      %dma_start3A_335 = tpu.memref_squeeze %dma_start3A_334 : memref<1x1x128xi32, #tpu.memory_space<vmem>> -> memref<128xi32, #tpu.memory_space<vmem>>
      %dma_start3A_336 = arith.constant 0 : i32
      %dma_start3A_337 = arith.constant 0 : i32
      %dma_start3A_338 = tpu.memref_slice %arg31[%dma_start3A_336, %dma_start3A_337] : memref<10112x64xf32, #tpu.memory_space<vmem_shared>> -> memref<10112x64xf32, #tpu.memory_space<vmem_shared>>
      tpu.enqueue_indirect_dma source(%arg12 : memref<128x64xf32, #tpu.memory_space<vmem>>) target(%dma_start3A_338 : memref<10112x64xf32, #tpu.memory_space<vmem_shared>>) offsets(%dma_start3A_335 : memref<128xi32, #tpu.memory_space<vmem>>) semaphore(%arg28 : memref<!tpu.dma_semaphore, #tpu.memory_space<semaphore_mem>>) {add = true}
      %add3A_339 = arith.constant 6 : i32
      %add3A_340 = arith.addi %mul3A_219, %add3A_339 : i32
      %dma_wait3A_341 = arith.constant 0 : i32
      %dma_wait3A_342 = arith.constant 0 : i32
      %dma_wait3A_343 = tpu.memref_slice %arg6[%add3A_340, %dma_wait3A_341, %dma_wait3A_342] : memref<80x2x128xi32, #tpu.memory_space<vmem>> -> memref<1x1x128xi32, #tpu.memory_space<vmem>>
      %dma_wait3A_344 = tpu.memref_squeeze %dma_wait3A_343 : memref<1x1x128xi32, #tpu.memory_space<vmem>> -> memref<128xi32, #tpu.memory_space<vmem>>
      %dma_wait3A_345 = arith.constant 0 : i32
      %dma_wait3A_346 = arith.constant 0 : i32
      %dma_wait3A_347 = tpu.memref_slice %arg2[%arg0, %dma_wait3A_345, %dma_wait3A_346] : memref<2x10000x64xf32, #tpu.memory_space<hbm>> -> memref<1x10000x64xf32, #tpu.memory_space<hbm>>
      %dma_wait3A_348 = tpu.memref_squeeze %dma_wait3A_347 : memref<1x10000x64xf32, #tpu.memory_space<hbm>> -> memref<10000x64xf32, #tpu.memory_space<hbm>>
      %dma_wait3A_349 = arith.constant 0 : i32
      %dma_wait3A_350 = arith.constant 0 : i32
      %dma_wait3A_351 = tpu.memref_slice %dma_wait3A_348[%dma_wait3A_349, %dma_wait3A_350] : memref<10000x64xf32, #tpu.memory_space<hbm>> -> memref<10000x64xf32, #tpu.memory_space<hbm>>
      tpu.wait_indirect_dma semaphore(%arg21 : memref<!tpu.dma_semaphore, #tpu.memory_space<semaphore_mem>>) src(%dma_wait3A_351 : memref<10000x64xf32, #tpu.memory_space<hbm>>) dst(%arg13 : memref<128x64xf32, #tpu.memory_space<vmem>>)
      %dma_start3A_352 = arith.constant 1 : i32
      %dma_start3A_353 = arith.constant 0 : i32
      %dma_start3A_354 = tpu.memref_slice %arg6[%add3A_340, %dma_start3A_352, %dma_start3A_353] : memref<80x2x128xi32, #tpu.memory_space<vmem>> -> memref<1x1x128xi32, #tpu.memory_space<vmem>>
      %dma_start3A_355 = tpu.memref_squeeze %dma_start3A_354 : memref<1x1x128xi32, #tpu.memory_space<vmem>> -> memref<128xi32, #tpu.memory_space<vmem>>
      %dma_start3A_356 = arith.constant 0 : i32
      %dma_start3A_357 = arith.constant 0 : i32
      %dma_start3A_358 = tpu.memref_slice %arg31[%dma_start3A_356, %dma_start3A_357] : memref<10112x64xf32, #tpu.memory_space<vmem_shared>> -> memref<10112x64xf32, #tpu.memory_space<vmem_shared>>
      tpu.enqueue_indirect_dma source(%arg13 : memref<128x64xf32, #tpu.memory_space<vmem>>) target(%dma_start3A_358 : memref<10112x64xf32, #tpu.memory_space<vmem_shared>>) offsets(%dma_start3A_355 : memref<128xi32, #tpu.memory_space<vmem>>) semaphore(%arg29 : memref<!tpu.dma_semaphore, #tpu.memory_space<semaphore_mem>>) {add = true}
      %add3A_359 = arith.constant 7 : i32
      %add3A_360 = arith.addi %mul3A_219, %add3A_359 : i32
      %dma_wait3A_361 = arith.constant 0 : i32
      %dma_wait3A_362 = arith.constant 0 : i32
      %dma_wait3A_363 = tpu.memref_slice %arg6[%add3A_360, %dma_wait3A_361, %dma_wait3A_362] : memref<80x2x128xi32, #tpu.memory_space<vmem>> -> memref<1x1x128xi32, #tpu.memory_space<vmem>>
      %dma_wait3A_364 = tpu.memref_squeeze %dma_wait3A_363 : memref<1x1x128xi32, #tpu.memory_space<vmem>> -> memref<128xi32, #tpu.memory_space<vmem>>
      %dma_wait3A_365 = arith.constant 0 : i32
      %dma_wait3A_366 = arith.constant 0 : i32
      %dma_wait3A_367 = tpu.memref_slice %arg2[%arg0, %dma_wait3A_365, %dma_wait3A_366] : memref<2x10000x64xf32, #tpu.memory_space<hbm>> -> memref<1x10000x64xf32, #tpu.memory_space<hbm>>
      %dma_wait3A_368 = tpu.memref_squeeze %dma_wait3A_367 : memref<1x10000x64xf32, #tpu.memory_space<hbm>> -> memref<10000x64xf32, #tpu.memory_space<hbm>>
      %dma_wait3A_369 = arith.constant 0 : i32
      %dma_wait3A_370 = arith.constant 0 : i32
      %dma_wait3A_371 = tpu.memref_slice %dma_wait3A_368[%dma_wait3A_369, %dma_wait3A_370] : memref<10000x64xf32, #tpu.memory_space<hbm>> -> memref<10000x64xf32, #tpu.memory_space<hbm>>
      tpu.wait_indirect_dma semaphore(%arg22 : memref<!tpu.dma_semaphore, #tpu.memory_space<semaphore_mem>>) src(%dma_wait3A_371 : memref<10000x64xf32, #tpu.memory_space<hbm>>) dst(%arg14 : memref<128x64xf32, #tpu.memory_space<vmem>>)
      %dma_start3A_372 = arith.constant 1 : i32
      %dma_start3A_373 = arith.constant 0 : i32
      %dma_start3A_374 = tpu.memref_slice %arg6[%add3A_360, %dma_start3A_372, %dma_start3A_373] : memref<80x2x128xi32, #tpu.memory_space<vmem>> -> memref<1x1x128xi32, #tpu.memory_space<vmem>>
      %dma_start3A_375 = tpu.memref_squeeze %dma_start3A_374 : memref<1x1x128xi32, #tpu.memory_space<vmem>> -> memref<128xi32, #tpu.memory_space<vmem>>
      %dma_start3A_376 = arith.constant 0 : i32
      %dma_start3A_377 = arith.constant 0 : i32
      %dma_start3A_378 = tpu.memref_slice %arg31[%dma_start3A_376, %dma_start3A_377] : memref<10112x64xf32, #tpu.memory_space<vmem_shared>> -> memref<10112x64xf32, #tpu.memory_space<vmem_shared>>
      tpu.enqueue_indirect_dma source(%arg14 : memref<128x64xf32, #tpu.memory_space<vmem>>) target(%dma_start3A_378 : memref<10112x64xf32, #tpu.memory_space<vmem_shared>>) offsets(%dma_start3A_375 : memref<128xi32, #tpu.memory_space<vmem>>) semaphore(%arg30 : memref<!tpu.dma_semaphore, #tpu.memory_space<semaphore_mem>>) {add = true}
      %dma_wait3A_379 = arith.constant 1 : i32
      %dma_wait3A_380 = arith.constant 0 : i32
      %dma_wait3A_381 = tpu.memref_slice %arg6[%add3A_221, %dma_wait3A_379, %dma_wait3A_380] : memref<80x2x128xi32, #tpu.memory_space<vmem>> -> memref<1x1x128xi32, #tpu.memory_space<vmem>>
      %dma_wait3A_382 = tpu.memref_squeeze %dma_wait3A_381 : memref<1x1x128xi32, #tpu.memory_space<vmem>> -> memref<128xi32, #tpu.memory_space<vmem>>
      %dma_wait3A_383 = arith.constant 0 : i32
      %dma_wait3A_384 = arith.constant 0 : i32
      %dma_wait3A_385 = tpu.memref_slice %arg31[%dma_wait3A_383, %dma_wait3A_384] : memref<10112x64xf32, #tpu.memory_space<vmem_shared>> -> memref<10112x64xf32, #tpu.memory_space<vmem_shared>>
      tpu.wait_indirect_dma semaphore(%arg23 : memref<!tpu.dma_semaphore, #tpu.memory_space<semaphore_mem>>) src(%arg7 : memref<128x64xf32, #tpu.memory_space<vmem>>) dst(%dma_wait3A_385 : memref<10112x64xf32, #tpu.memory_space<vmem_shared>>)
      %lt3A = arith.constant 9 : i32
      %lt3A_386 = arith.cmpi slt, %scan3A_217, %lt3A : i32
      %convert_element_type3A = arith.extui %lt3A_386 : i1 to i32
      %cond3A = arith.constant 0 : i32
      %cond3A_387 = arith.cmpi ne, %convert_element_type3A, %cond3A : i32
      scf.if %cond3A_387 {
        %add3A_472 = arith.constant 8 : i32
        %add3A_473 = arith.addi %mul3A_219, %add3A_472 : i32
        %add3A_474 = arith.constant 0 : i32
        %add3A_475 = arith.addi %add3A_473, %add3A_474 : i32
        %dma_start3A_476 = arith.constant 0 : i32
        %dma_start3A_477 = arith.constant 0 : i32
        %dma_start3A_478 = tpu.memref_slice %arg6[%add3A_475, %dma_start3A_476, %dma_start3A_477] : memref<80x2x128xi32, #tpu.memory_space<vmem>> -> memref<1x1x128xi32, #tpu.memory_space<vmem>>
        %dma_start3A_479 = tpu.memref_squeeze %dma_start3A_478 : memref<1x1x128xi32, #tpu.memory_space<vmem>> -> memref<128xi32, #tpu.memory_space<vmem>>
        %dma_start3A_480 = arith.constant 0 : i32
        %dma_start3A_481 = arith.constant 0 : i32
        %dma_start3A_482 = tpu.memref_slice %arg2[%arg0, %dma_start3A_480, %dma_start3A_481] : memref<2x10000x64xf32, #tpu.memory_space<hbm>> -> memref<1x10000x64xf32, #tpu.memory_space<hbm>>
        %dma_start3A_483 = tpu.memref_squeeze %dma_start3A_482 : memref<1x10000x64xf32, #tpu.memory_space<hbm>> -> memref<10000x64xf32, #tpu.memory_space<hbm>>
        %dma_start3A_484 = arith.constant 0 : i32
        %dma_start3A_485 = arith.constant 0 : i32
        %dma_start3A_486 = tpu.memref_slice %dma_start3A_483[%dma_start3A_484, %dma_start3A_485] : memref<10000x64xf32, #tpu.memory_space<hbm>> -> memref<10000x64xf32, #tpu.memory_space<hbm>>
        tpu.enqueue_indirect_dma source(%dma_start3A_486 : memref<10000x64xf32, #tpu.memory_space<hbm>>) target(%arg7 : memref<128x64xf32, #tpu.memory_space<vmem>>) offsets(%dma_start3A_479 : memref<128xi32, #tpu.memory_space<vmem>>) semaphore(%arg15 : memref<!tpu.dma_semaphore, #tpu.memory_space<semaphore_mem>>)
      } else {
      }
      %dma_wait3A_388 = arith.constant 1 : i32
      %dma_wait3A_389 = arith.constant 0 : i32
      %dma_wait3A_390 = tpu.memref_slice %arg6[%add3A_240, %dma_wait3A_388, %dma_wait3A_389] : memref<80x2x128xi32, #tpu.memory_space<vmem>> -> memref<1x1x128xi32, #tpu.memory_space<vmem>>
      %dma_wait3A_391 = tpu.memref_squeeze %dma_wait3A_390 : memref<1x1x128xi32, #tpu.memory_space<vmem>> -> memref<128xi32, #tpu.memory_space<vmem>>
      %dma_wait3A_392 = arith.constant 0 : i32
      %dma_wait3A_393 = arith.constant 0 : i32
      %dma_wait3A_394 = tpu.memref_slice %arg31[%dma_wait3A_392, %dma_wait3A_393] : memref<10112x64xf32, #tpu.memory_space<vmem_shared>> -> memref<10112x64xf32, #tpu.memory_space<vmem_shared>>
      tpu.wait_indirect_dma semaphore(%arg24 : memref<!tpu.dma_semaphore, #tpu.memory_space<semaphore_mem>>) src(%arg8 : memref<128x64xf32, #tpu.memory_space<vmem>>) dst(%dma_wait3A_394 : memref<10112x64xf32, #tpu.memory_space<vmem_shared>>)
      %lt3A_395 = arith.constant 9 : i32
      %lt3A_396 = arith.cmpi slt, %scan3A_217, %lt3A_395 : i32
      %convert_element_type3A_397 = arith.extui %lt3A_396 : i1 to i32
      %cond3A_398 = arith.constant 0 : i32
      %cond3A_399 = arith.cmpi ne, %convert_element_type3A_397, %cond3A_398 : i32
      scf.if %cond3A_399 {
        %add3A_472 = arith.constant 8 : i32
        %add3A_473 = arith.addi %mul3A_219, %add3A_472 : i32
        %add3A_474 = arith.constant 1 : i32
        %add3A_475 = arith.addi %add3A_473, %add3A_474 : i32
        %dma_start3A_476 = arith.constant 0 : i32
        %dma_start3A_477 = arith.constant 0 : i32
        %dma_start3A_478 = tpu.memref_slice %arg6[%add3A_475, %dma_start3A_476, %dma_start3A_477] : memref<80x2x128xi32, #tpu.memory_space<vmem>> -> memref<1x1x128xi32, #tpu.memory_space<vmem>>
        %dma_start3A_479 = tpu.memref_squeeze %dma_start3A_478 : memref<1x1x128xi32, #tpu.memory_space<vmem>> -> memref<128xi32, #tpu.memory_space<vmem>>
        %dma_start3A_480 = arith.constant 0 : i32
        %dma_start3A_481 = arith.constant 0 : i32
        %dma_start3A_482 = tpu.memref_slice %arg2[%arg0, %dma_start3A_480, %dma_start3A_481] : memref<2x10000x64xf32, #tpu.memory_space<hbm>> -> memref<1x10000x64xf32, #tpu.memory_space<hbm>>
        %dma_start3A_483 = tpu.memref_squeeze %dma_start3A_482 : memref<1x10000x64xf32, #tpu.memory_space<hbm>> -> memref<10000x64xf32, #tpu.memory_space<hbm>>
        %dma_start3A_484 = arith.constant 0 : i32
        %dma_start3A_485 = arith.constant 0 : i32
        %dma_start3A_486 = tpu.memref_slice %dma_start3A_483[%dma_start3A_484, %dma_start3A_485] : memref<10000x64xf32, #tpu.memory_space<hbm>> -> memref<10000x64xf32, #tpu.memory_space<hbm>>
        tpu.enqueue_indirect_dma source(%dma_start3A_486 : memref<10000x64xf32, #tpu.memory_space<hbm>>) target(%arg8 : memref<128x64xf32, #tpu.memory_space<vmem>>) offsets(%dma_start3A_479 : memref<128xi32, #tpu.memory_space<vmem>>) semaphore(%arg16 : memref<!tpu.dma_semaphore, #tpu.memory_space<semaphore_mem>>)
      } else {
      }
      %dma_wait3A_400 = arith.constant 1 : i32
      %dma_wait3A_401 = arith.constant 0 : i32
      %dma_wait3A_402 = tpu.memref_slice %arg6[%add3A_260, %dma_wait3A_400, %dma_wait3A_401] : memref<80x2x128xi32, #tpu.memory_space<vmem>> -> memref<1x1x128xi32, #tpu.memory_space<vmem>>
      %dma_wait3A_403 = tpu.memref_squeeze %dma_wait3A_402 : memref<1x1x128xi32, #tpu.memory_space<vmem>> -> memref<128xi32, #tpu.memory_space<vmem>>
      %dma_wait3A_404 = arith.constant 0 : i32
      %dma_wait3A_405 = arith.constant 0 : i32
      %dma_wait3A_406 = tpu.memref_slice %arg31[%dma_wait3A_404, %dma_wait3A_405] : memref<10112x64xf32, #tpu.memory_space<vmem_shared>> -> memref<10112x64xf32, #tpu.memory_space<vmem_shared>>
      tpu.wait_indirect_dma semaphore(%arg25 : memref<!tpu.dma_semaphore, #tpu.memory_space<semaphore_mem>>) src(%arg9 : memref<128x64xf32, #tpu.memory_space<vmem>>) dst(%dma_wait3A_406 : memref<10112x64xf32, #tpu.memory_space<vmem_shared>>)
      %lt3A_407 = arith.constant 9 : i32
      %lt3A_408 = arith.cmpi slt, %scan3A_217, %lt3A_407 : i32
      %convert_element_type3A_409 = arith.extui %lt3A_408 : i1 to i32
      %cond3A_410 = arith.constant 0 : i32
      %cond3A_411 = arith.cmpi ne, %convert_element_type3A_409, %cond3A_410 : i32
      scf.if %cond3A_411 {
        %add3A_472 = arith.constant 8 : i32
        %add3A_473 = arith.addi %mul3A_219, %add3A_472 : i32
        %add3A_474 = arith.constant 2 : i32
        %add3A_475 = arith.addi %add3A_473, %add3A_474 : i32
        %dma_start3A_476 = arith.constant 0 : i32
        %dma_start3A_477 = arith.constant 0 : i32
        %dma_start3A_478 = tpu.memref_slice %arg6[%add3A_475, %dma_start3A_476, %dma_start3A_477] : memref<80x2x128xi32, #tpu.memory_space<vmem>> -> memref<1x1x128xi32, #tpu.memory_space<vmem>>
        %dma_start3A_479 = tpu.memref_squeeze %dma_start3A_478 : memref<1x1x128xi32, #tpu.memory_space<vmem>> -> memref<128xi32, #tpu.memory_space<vmem>>
        %dma_start3A_480 = arith.constant 0 : i32
        %dma_start3A_481 = arith.constant 0 : i32
        %dma_start3A_482 = tpu.memref_slice %arg2[%arg0, %dma_start3A_480, %dma_start3A_481] : memref<2x10000x64xf32, #tpu.memory_space<hbm>> -> memref<1x10000x64xf32, #tpu.memory_space<hbm>>
        %dma_start3A_483 = tpu.memref_squeeze %dma_start3A_482 : memref<1x10000x64xf32, #tpu.memory_space<hbm>> -> memref<10000x64xf32, #tpu.memory_space<hbm>>
        %dma_start3A_484 = arith.constant 0 : i32
        %dma_start3A_485 = arith.constant 0 : i32
        %dma_start3A_486 = tpu.memref_slice %dma_start3A_483[%dma_start3A_484, %dma_start3A_485] : memref<10000x64xf32, #tpu.memory_space<hbm>> -> memref<10000x64xf32, #tpu.memory_space<hbm>>
        tpu.enqueue_indirect_dma source(%dma_start3A_486 : memref<10000x64xf32, #tpu.memory_space<hbm>>) target(%arg9 : memref<128x64xf32, #tpu.memory_space<vmem>>) offsets(%dma_start3A_479 : memref<128xi32, #tpu.memory_space<vmem>>) semaphore(%arg17 : memref<!tpu.dma_semaphore, #tpu.memory_space<semaphore_mem>>)
      } else {
      }
      %dma_wait3A_412 = arith.constant 1 : i32
      %dma_wait3A_413 = arith.constant 0 : i32
      %dma_wait3A_414 = tpu.memref_slice %arg6[%add3A_280, %dma_wait3A_412, %dma_wait3A_413] : memref<80x2x128xi32, #tpu.memory_space<vmem>> -> memref<1x1x128xi32, #tpu.memory_space<vmem>>
      %dma_wait3A_415 = tpu.memref_squeeze %dma_wait3A_414 : memref<1x1x128xi32, #tpu.memory_space<vmem>> -> memref<128xi32, #tpu.memory_space<vmem>>
      %dma_wait3A_416 = arith.constant 0 : i32
      %dma_wait3A_417 = arith.constant 0 : i32
      %dma_wait3A_418 = tpu.memref_slice %arg31[%dma_wait3A_416, %dma_wait3A_417] : memref<10112x64xf32, #tpu.memory_space<vmem_shared>> -> memref<10112x64xf32, #tpu.memory_space<vmem_shared>>
      tpu.wait_indirect_dma semaphore(%arg26 : memref<!tpu.dma_semaphore, #tpu.memory_space<semaphore_mem>>) src(%arg10 : memref<128x64xf32, #tpu.memory_space<vmem>>) dst(%dma_wait3A_418 : memref<10112x64xf32, #tpu.memory_space<vmem_shared>>)
      %lt3A_419 = arith.constant 9 : i32
      %lt3A_420 = arith.cmpi slt, %scan3A_217, %lt3A_419 : i32
      %convert_element_type3A_421 = arith.extui %lt3A_420 : i1 to i32
      %cond3A_422 = arith.constant 0 : i32
      %cond3A_423 = arith.cmpi ne, %convert_element_type3A_421, %cond3A_422 : i32
      scf.if %cond3A_423 {
        %add3A_472 = arith.constant 8 : i32
        %add3A_473 = arith.addi %mul3A_219, %add3A_472 : i32
        %add3A_474 = arith.constant 3 : i32
        %add3A_475 = arith.addi %add3A_473, %add3A_474 : i32
        %dma_start3A_476 = arith.constant 0 : i32
        %dma_start3A_477 = arith.constant 0 : i32
        %dma_start3A_478 = tpu.memref_slice %arg6[%add3A_475, %dma_start3A_476, %dma_start3A_477] : memref<80x2x128xi32, #tpu.memory_space<vmem>> -> memref<1x1x128xi32, #tpu.memory_space<vmem>>
        %dma_start3A_479 = tpu.memref_squeeze %dma_start3A_478 : memref<1x1x128xi32, #tpu.memory_space<vmem>> -> memref<128xi32, #tpu.memory_space<vmem>>
        %dma_start3A_480 = arith.constant 0 : i32
        %dma_start3A_481 = arith.constant 0 : i32
        %dma_start3A_482 = tpu.memref_slice %arg2[%arg0, %dma_start3A_480, %dma_start3A_481] : memref<2x10000x64xf32, #tpu.memory_space<hbm>> -> memref<1x10000x64xf32, #tpu.memory_space<hbm>>
        %dma_start3A_483 = tpu.memref_squeeze %dma_start3A_482 : memref<1x10000x64xf32, #tpu.memory_space<hbm>> -> memref<10000x64xf32, #tpu.memory_space<hbm>>
        %dma_start3A_484 = arith.constant 0 : i32
        %dma_start3A_485 = arith.constant 0 : i32
        %dma_start3A_486 = tpu.memref_slice %dma_start3A_483[%dma_start3A_484, %dma_start3A_485] : memref<10000x64xf32, #tpu.memory_space<hbm>> -> memref<10000x64xf32, #tpu.memory_space<hbm>>
        tpu.enqueue_indirect_dma source(%dma_start3A_486 : memref<10000x64xf32, #tpu.memory_space<hbm>>) target(%arg10 : memref<128x64xf32, #tpu.memory_space<vmem>>) offsets(%dma_start3A_479 : memref<128xi32, #tpu.memory_space<vmem>>) semaphore(%arg18 : memref<!tpu.dma_semaphore, #tpu.memory_space<semaphore_mem>>)
      } else {
      }
      %dma_wait3A_424 = arith.constant 1 : i32
      %dma_wait3A_425 = arith.constant 0 : i32
      %dma_wait3A_426 = tpu.memref_slice %arg6[%add3A_300, %dma_wait3A_424, %dma_wait3A_425] : memref<80x2x128xi32, #tpu.memory_space<vmem>> -> memref<1x1x128xi32, #tpu.memory_space<vmem>>
      %dma_wait3A_427 = tpu.memref_squeeze %dma_wait3A_426 : memref<1x1x128xi32, #tpu.memory_space<vmem>> -> memref<128xi32, #tpu.memory_space<vmem>>
      %dma_wait3A_428 = arith.constant 0 : i32
      %dma_wait3A_429 = arith.constant 0 : i32
      %dma_wait3A_430 = tpu.memref_slice %arg31[%dma_wait3A_428, %dma_wait3A_429] : memref<10112x64xf32, #tpu.memory_space<vmem_shared>> -> memref<10112x64xf32, #tpu.memory_space<vmem_shared>>
      tpu.wait_indirect_dma semaphore(%arg27 : memref<!tpu.dma_semaphore, #tpu.memory_space<semaphore_mem>>) src(%arg11 : memref<128x64xf32, #tpu.memory_space<vmem>>) dst(%dma_wait3A_430 : memref<10112x64xf32, #tpu.memory_space<vmem_shared>>)
      %lt3A_431 = arith.constant 9 : i32
      %lt3A_432 = arith.cmpi slt, %scan3A_217, %lt3A_431 : i32
      %convert_element_type3A_433 = arith.extui %lt3A_432 : i1 to i32
      %cond3A_434 = arith.constant 0 : i32
      %cond3A_435 = arith.cmpi ne, %convert_element_type3A_433, %cond3A_434 : i32
      scf.if %cond3A_435 {
        %add3A_472 = arith.constant 8 : i32
        %add3A_473 = arith.addi %mul3A_219, %add3A_472 : i32
        %add3A_474 = arith.constant 4 : i32
        %add3A_475 = arith.addi %add3A_473, %add3A_474 : i32
        %dma_start3A_476 = arith.constant 0 : i32
        %dma_start3A_477 = arith.constant 0 : i32
        %dma_start3A_478 = tpu.memref_slice %arg6[%add3A_475, %dma_start3A_476, %dma_start3A_477] : memref<80x2x128xi32, #tpu.memory_space<vmem>> -> memref<1x1x128xi32, #tpu.memory_space<vmem>>
        %dma_start3A_479 = tpu.memref_squeeze %dma_start3A_478 : memref<1x1x128xi32, #tpu.memory_space<vmem>> -> memref<128xi32, #tpu.memory_space<vmem>>
        %dma_start3A_480 = arith.constant 0 : i32
        %dma_start3A_481 = arith.constant 0 : i32
        %dma_start3A_482 = tpu.memref_slice %arg2[%arg0, %dma_start3A_480, %dma_start3A_481] : memref<2x10000x64xf32, #tpu.memory_space<hbm>> -> memref<1x10000x64xf32, #tpu.memory_space<hbm>>
        %dma_start3A_483 = tpu.memref_squeeze %dma_start3A_482 : memref<1x10000x64xf32, #tpu.memory_space<hbm>> -> memref<10000x64xf32, #tpu.memory_space<hbm>>
        %dma_start3A_484 = arith.constant 0 : i32
        %dma_start3A_485 = arith.constant 0 : i32
        %dma_start3A_486 = tpu.memref_slice %dma_start3A_483[%dma_start3A_484, %dma_start3A_485] : memref<10000x64xf32, #tpu.memory_space<hbm>> -> memref<10000x64xf32, #tpu.memory_space<hbm>>
        tpu.enqueue_indirect_dma source(%dma_start3A_486 : memref<10000x64xf32, #tpu.memory_space<hbm>>) target(%arg11 : memref<128x64xf32, #tpu.memory_space<vmem>>) offsets(%dma_start3A_479 : memref<128xi32, #tpu.memory_space<vmem>>) semaphore(%arg19 : memref<!tpu.dma_semaphore, #tpu.memory_space<semaphore_mem>>)
      } else {
      }
      %dma_wait3A_436 = arith.constant 1 : i32
      %dma_wait3A_437 = arith.constant 0 : i32
      %dma_wait3A_438 = tpu.memref_slice %arg6[%add3A_320, %dma_wait3A_436, %dma_wait3A_437] : memref<80x2x128xi32, #tpu.memory_space<vmem>> -> memref<1x1x128xi32, #tpu.memory_space<vmem>>
      %dma_wait3A_439 = tpu.memref_squeeze %dma_wait3A_438 : memref<1x1x128xi32, #tpu.memory_space<vmem>> -> memref<128xi32, #tpu.memory_space<vmem>>
      %dma_wait3A_440 = arith.constant 0 : i32
      %dma_wait3A_441 = arith.constant 0 : i32
      %dma_wait3A_442 = tpu.memref_slice %arg31[%dma_wait3A_440, %dma_wait3A_441] : memref<10112x64xf32, #tpu.memory_space<vmem_shared>> -> memref<10112x64xf32, #tpu.memory_space<vmem_shared>>
      tpu.wait_indirect_dma semaphore(%arg28 : memref<!tpu.dma_semaphore, #tpu.memory_space<semaphore_mem>>) src(%arg12 : memref<128x64xf32, #tpu.memory_space<vmem>>) dst(%dma_wait3A_442 : memref<10112x64xf32, #tpu.memory_space<vmem_shared>>)
      %lt3A_443 = arith.constant 9 : i32
      %lt3A_444 = arith.cmpi slt, %scan3A_217, %lt3A_443 : i32
      %convert_element_type3A_445 = arith.extui %lt3A_444 : i1 to i32
      %cond3A_446 = arith.constant 0 : i32
      %cond3A_447 = arith.cmpi ne, %convert_element_type3A_445, %cond3A_446 : i32
      scf.if %cond3A_447 {
        %add3A_472 = arith.constant 8 : i32
        %add3A_473 = arith.addi %mul3A_219, %add3A_472 : i32
        %add3A_474 = arith.constant 5 : i32
        %add3A_475 = arith.addi %add3A_473, %add3A_474 : i32
        %dma_start3A_476 = arith.constant 0 : i32
        %dma_start3A_477 = arith.constant 0 : i32
        %dma_start3A_478 = tpu.memref_slice %arg6[%add3A_475, %dma_start3A_476, %dma_start3A_477] : memref<80x2x128xi32, #tpu.memory_space<vmem>> -> memref<1x1x128xi32, #tpu.memory_space<vmem>>
        %dma_start3A_479 = tpu.memref_squeeze %dma_start3A_478 : memref<1x1x128xi32, #tpu.memory_space<vmem>> -> memref<128xi32, #tpu.memory_space<vmem>>
        %dma_start3A_480 = arith.constant 0 : i32
        %dma_start3A_481 = arith.constant 0 : i32
        %dma_start3A_482 = tpu.memref_slice %arg2[%arg0, %dma_start3A_480, %dma_start3A_481] : memref<2x10000x64xf32, #tpu.memory_space<hbm>> -> memref<1x10000x64xf32, #tpu.memory_space<hbm>>
        %dma_start3A_483 = tpu.memref_squeeze %dma_start3A_482 : memref<1x10000x64xf32, #tpu.memory_space<hbm>> -> memref<10000x64xf32, #tpu.memory_space<hbm>>
        %dma_start3A_484 = arith.constant 0 : i32
        %dma_start3A_485 = arith.constant 0 : i32
        %dma_start3A_486 = tpu.memref_slice %dma_start3A_483[%dma_start3A_484, %dma_start3A_485] : memref<10000x64xf32, #tpu.memory_space<hbm>> -> memref<10000x64xf32, #tpu.memory_space<hbm>>
        tpu.enqueue_indirect_dma source(%dma_start3A_486 : memref<10000x64xf32, #tpu.memory_space<hbm>>) target(%arg12 : memref<128x64xf32, #tpu.memory_space<vmem>>) offsets(%dma_start3A_479 : memref<128xi32, #tpu.memory_space<vmem>>) semaphore(%arg20 : memref<!tpu.dma_semaphore, #tpu.memory_space<semaphore_mem>>)
      } else {
      }
      %dma_wait3A_448 = arith.constant 1 : i32
      %dma_wait3A_449 = arith.constant 0 : i32
      %dma_wait3A_450 = tpu.memref_slice %arg6[%add3A_340, %dma_wait3A_448, %dma_wait3A_449] : memref<80x2x128xi32, #tpu.memory_space<vmem>> -> memref<1x1x128xi32, #tpu.memory_space<vmem>>
      %dma_wait3A_451 = tpu.memref_squeeze %dma_wait3A_450 : memref<1x1x128xi32, #tpu.memory_space<vmem>> -> memref<128xi32, #tpu.memory_space<vmem>>
      %dma_wait3A_452 = arith.constant 0 : i32
      %dma_wait3A_453 = arith.constant 0 : i32
      %dma_wait3A_454 = tpu.memref_slice %arg31[%dma_wait3A_452, %dma_wait3A_453] : memref<10112x64xf32, #tpu.memory_space<vmem_shared>> -> memref<10112x64xf32, #tpu.memory_space<vmem_shared>>
      tpu.wait_indirect_dma semaphore(%arg29 : memref<!tpu.dma_semaphore, #tpu.memory_space<semaphore_mem>>) src(%arg13 : memref<128x64xf32, #tpu.memory_space<vmem>>) dst(%dma_wait3A_454 : memref<10112x64xf32, #tpu.memory_space<vmem_shared>>)
      %lt3A_455 = arith.constant 9 : i32
      %lt3A_456 = arith.cmpi slt, %scan3A_217, %lt3A_455 : i32
      %convert_element_type3A_457 = arith.extui %lt3A_456 : i1 to i32
      %cond3A_458 = arith.constant 0 : i32
      %cond3A_459 = arith.cmpi ne, %convert_element_type3A_457, %cond3A_458 : i32
      scf.if %cond3A_459 {
        %add3A_472 = arith.constant 8 : i32
        %add3A_473 = arith.addi %mul3A_219, %add3A_472 : i32
        %add3A_474 = arith.constant 6 : i32
        %add3A_475 = arith.addi %add3A_473, %add3A_474 : i32
        %dma_start3A_476 = arith.constant 0 : i32
        %dma_start3A_477 = arith.constant 0 : i32
        %dma_start3A_478 = tpu.memref_slice %arg6[%add3A_475, %dma_start3A_476, %dma_start3A_477] : memref<80x2x128xi32, #tpu.memory_space<vmem>> -> memref<1x1x128xi32, #tpu.memory_space<vmem>>
        %dma_start3A_479 = tpu.memref_squeeze %dma_start3A_478 : memref<1x1x128xi32, #tpu.memory_space<vmem>> -> memref<128xi32, #tpu.memory_space<vmem>>
        %dma_start3A_480 = arith.constant 0 : i32
        %dma_start3A_481 = arith.constant 0 : i32
        %dma_start3A_482 = tpu.memref_slice %arg2[%arg0, %dma_start3A_480, %dma_start3A_481] : memref<2x10000x64xf32, #tpu.memory_space<hbm>> -> memref<1x10000x64xf32, #tpu.memory_space<hbm>>
        %dma_start3A_483 = tpu.memref_squeeze %dma_start3A_482 : memref<1x10000x64xf32, #tpu.memory_space<hbm>> -> memref<10000x64xf32, #tpu.memory_space<hbm>>
        %dma_start3A_484 = arith.constant 0 : i32
        %dma_start3A_485 = arith.constant 0 : i32
        %dma_start3A_486 = tpu.memref_slice %dma_start3A_483[%dma_start3A_484, %dma_start3A_485] : memref<10000x64xf32, #tpu.memory_space<hbm>> -> memref<10000x64xf32, #tpu.memory_space<hbm>>
        tpu.enqueue_indirect_dma source(%dma_start3A_486 : memref<10000x64xf32, #tpu.memory_space<hbm>>) target(%arg13 : memref<128x64xf32, #tpu.memory_space<vmem>>) offsets(%dma_start3A_479 : memref<128xi32, #tpu.memory_space<vmem>>) semaphore(%arg21 : memref<!tpu.dma_semaphore, #tpu.memory_space<semaphore_mem>>)
      } else {
      }
      %dma_wait3A_460 = arith.constant 1 : i32
      %dma_wait3A_461 = arith.constant 0 : i32
      %dma_wait3A_462 = tpu.memref_slice %arg6[%add3A_360, %dma_wait3A_460, %dma_wait3A_461] : memref<80x2x128xi32, #tpu.memory_space<vmem>> -> memref<1x1x128xi32, #tpu.memory_space<vmem>>
      %dma_wait3A_463 = tpu.memref_squeeze %dma_wait3A_462 : memref<1x1x128xi32, #tpu.memory_space<vmem>> -> memref<128xi32, #tpu.memory_space<vmem>>
      %dma_wait3A_464 = arith.constant 0 : i32
      %dma_wait3A_465 = arith.constant 0 : i32
      %dma_wait3A_466 = tpu.memref_slice %arg31[%dma_wait3A_464, %dma_wait3A_465] : memref<10112x64xf32, #tpu.memory_space<vmem_shared>> -> memref<10112x64xf32, #tpu.memory_space<vmem_shared>>
      tpu.wait_indirect_dma semaphore(%arg30 : memref<!tpu.dma_semaphore, #tpu.memory_space<semaphore_mem>>) src(%arg14 : memref<128x64xf32, #tpu.memory_space<vmem>>) dst(%dma_wait3A_466 : memref<10112x64xf32, #tpu.memory_space<vmem_shared>>)
      %lt3A_467 = arith.constant 9 : i32
      %lt3A_468 = arith.cmpi slt, %scan3A_217, %lt3A_467 : i32
      %convert_element_type3A_469 = arith.extui %lt3A_468 : i1 to i32
      %cond3A_470 = arith.constant 0 : i32
      %cond3A_471 = arith.cmpi ne, %convert_element_type3A_469, %cond3A_470 : i32
      scf.if %cond3A_471 {
        %add3A_472 = arith.constant 8 : i32
        %add3A_473 = arith.addi %mul3A_219, %add3A_472 : i32
        %add3A_474 = arith.constant 7 : i32
        %add3A_475 = arith.addi %add3A_473, %add3A_474 : i32
        %dma_start3A_476 = arith.constant 0 : i32
        %dma_start3A_477 = arith.constant 0 : i32
        %dma_start3A_478 = tpu.memref_slice %arg6[%add3A_475, %dma_start3A_476, %dma_start3A_477] : memref<80x2x128xi32, #tpu.memory_space<vmem>> -> memref<1x1x128xi32, #tpu.memory_space<vmem>>
        %dma_start3A_479 = tpu.memref_squeeze %dma_start3A_478 : memref<1x1x128xi32, #tpu.memory_space<vmem>> -> memref<128xi32, #tpu.memory_space<vmem>>
        %dma_start3A_480 = arith.constant 0 : i32
        %dma_start3A_481 = arith.constant 0 : i32
        %dma_start3A_482 = tpu.memref_slice %arg2[%arg0, %dma_start3A_480, %dma_start3A_481] : memref<2x10000x64xf32, #tpu.memory_space<hbm>> -> memref<1x10000x64xf32, #tpu.memory_space<hbm>>
        %dma_start3A_483 = tpu.memref_squeeze %dma_start3A_482 : memref<1x10000x64xf32, #tpu.memory_space<hbm>> -> memref<10000x64xf32, #tpu.memory_space<hbm>>
        %dma_start3A_484 = arith.constant 0 : i32
        %dma_start3A_485 = arith.constant 0 : i32
        %dma_start3A_486 = tpu.memref_slice %dma_start3A_483[%dma_start3A_484, %dma_start3A_485] : memref<10000x64xf32, #tpu.memory_space<hbm>> -> memref<10000x64xf32, #tpu.memory_space<hbm>>
        tpu.enqueue_indirect_dma source(%dma_start3A_486 : memref<10000x64xf32, #tpu.memory_space<hbm>>) target(%arg14 : memref<128x64xf32, #tpu.memory_space<vmem>>) offsets(%dma_start3A_479 : memref<128xi32, #tpu.memory_space<vmem>>) semaphore(%arg22 : memref<!tpu.dma_semaphore, #tpu.memory_space<semaphore_mem>>)
      } else {
      }
    }
    %scan3A_211 = arith.constant 10 : i32
    %barrier3A_212 = arith.constant 0 : index
    tpu.barrier barrier_id(%barrier3A_212)
    %mul3A_213 = arith.constant 632 : i32
    %mul3A_214 = arith.muli %arg1, %mul3A_213 : i32
    %mul3A_215 = arith.constant 632 : i32
    %mul3A_216 = arith.muli %arg1, %mul3A_215 : i32
    "tpu.region"() ({
      %run_scoped3A = tpu.sem_alloc : memref<!tpu.dma_semaphore, #tpu.memory_space<semaphore_mem>>
      %dma_start3A_217 = arith.constant 0 : i32
      %dma_start3A_218 = tpu.memref_slice %arg5[%arg0, %mul3A_216, %dma_start3A_217] : memref<2x10112x64xf32, #tpu.memory_space<hbm>> -> memref<1x632x64xf32, #tpu.memory_space<hbm>>
      %dma_start3A_219 = tpu.memref_squeeze %dma_start3A_218 : memref<1x632x64xf32, #tpu.memory_space<hbm>> -> memref<632x64xf32, #tpu.memory_space<hbm>>
      %dma_start3A_220 = arith.constant 0 : i32
      %dma_start3A_221 = tpu.memref_slice %arg31[%mul3A_214, %dma_start3A_220] : memref<10112x64xf32, #tpu.memory_space<vmem_shared>> -> memref<632x64xf32, #tpu.memory_space<vmem_shared>>
      tpu.enqueue_dma source(%dma_start3A_221 : memref<632x64xf32, #tpu.memory_space<vmem_shared>>) target(%dma_start3A_219 : memref<632x64xf32, #tpu.memory_space<hbm>>) target_semaphore(%run_scoped3A : memref<!tpu.dma_semaphore, #tpu.memory_space<semaphore_mem>>)
      %dma_wait3A = arith.constant 0 : i32
      %dma_wait3A_222 = tpu.memref_slice %arg5[%arg0, %mul3A_216, %dma_wait3A] : memref<2x10112x64xf32, #tpu.memory_space<hbm>> -> memref<1x632x64xf32, #tpu.memory_space<hbm>>
      %dma_wait3A_223 = tpu.memref_squeeze %dma_wait3A_222 : memref<1x632x64xf32, #tpu.memory_space<hbm>> -> memref<632x64xf32, #tpu.memory_space<hbm>>
      %dma_wait3A_224 = arith.constant 0 : i32
      %dma_wait3A_225 = tpu.memref_slice %arg31[%mul3A_214, %dma_wait3A_224] : memref<10112x64xf32, #tpu.memory_space<vmem_shared>> -> memref<632x64xf32, #tpu.memory_space<vmem_shared>>
      tpu.wait_dma2 semaphore(%run_scoped3A : memref<!tpu.dma_semaphore, #tpu.memory_space<semaphore_mem>>) src(%dma_wait3A_225 : memref<632x64xf32, #tpu.memory_space<vmem_shared>>) dst(%dma_wait3A_223 : memref<632x64xf32, #tpu.memory_space<hbm>>)
      tpu.yield
    }) : () -> ()
    return
  }
}

#map = affine_map<(d0, d1) -> (0, 0, 0)>
#map1 = affine_map<(d0, d1) -> (0, 0)>
module attributes {stable_mosaic.version = 14 : i64} {
  func.func @_sc_agg_body(%arg0: i32, %arg1: i32, %arg2: memref<2x10000x64xf32, #tpu.memory_space<hbm>>, %arg3: memref<2560x2x128xi32, #tpu.memory_space<hbm>>, %arg4: memref<10112x64xf32, #tpu.memory_space<hbm>>, %arg5: memref<2x10112x64xf32, #tpu.memory_space<hbm>>, %arg6: memref<80x2x128xi32, #tpu.memory_space<vmem>>, %arg7: memref<128x64xf32, #tpu.memory_space<vmem>>, %arg8: memref<128x64xf32, #tpu.memory_space<vmem>>, %arg9: memref<128x64xf32, #tpu.memory_space<vmem>>, %arg10: memref<128x64xf32, #tpu.memory_space<vmem>>, %arg11: memref<128x64xf32, #tpu.memory_space<vmem>>, %arg12: memref<128x64xf32, #tpu.memory_space<vmem>>, %arg13: memref<128x64xf32, #tpu.memory_space<vmem>>, %arg14: memref<128x64xf32, #tpu.memory_space<vmem>>, %arg15: memref<!tpu.dma_semaphore, #tpu.memory_space<semaphore_mem>>, %arg16: memref<!tpu.dma_semaphore, #tpu.memory_space<semaphore_mem>>, %arg17: memref<!tpu.dma_semaphore, #tpu.memory_space<semaphore_mem>>, %arg18: memref<!tpu.dma_semaphore, #tpu.memory_space<semaphore_mem>>, %arg19: memref<!tpu.dma_semaphore, #tpu.memory_space<semaphore_mem>>, %arg20: memref<!tpu.dma_semaphore, #tpu.memory_space<semaphore_mem>>, %arg21: memref<!tpu.dma_semaphore, #tpu.memory_space<semaphore_mem>>, %arg22: memref<!tpu.dma_semaphore, #tpu.memory_space<semaphore_mem>>, %arg23: memref<!tpu.dma_semaphore, #tpu.memory_space<semaphore_mem>>, %arg24: memref<!tpu.dma_semaphore, #tpu.memory_space<semaphore_mem>>, %arg25: memref<!tpu.dma_semaphore, #tpu.memory_space<semaphore_mem>>, %arg26: memref<!tpu.dma_semaphore, #tpu.memory_space<semaphore_mem>>, %arg27: memref<!tpu.dma_semaphore, #tpu.memory_space<semaphore_mem>>, %arg28: memref<!tpu.dma_semaphore, #tpu.memory_space<semaphore_mem>>, %arg29: memref<!tpu.dma_semaphore, #tpu.memory_space<semaphore_mem>>, %arg30: memref<!tpu.dma_semaphore, #tpu.memory_space<semaphore_mem>>, %arg31: memref<10112x64xf32, #tpu.memory_space<vmem_shared>>) attributes {dimension_semantics = [#tpu.dimension_semantics<core_parallel>, #tpu.dimension_semantics<subcore_parallel>], iteration_bounds = array<i64: 2, 16>, scalar_prefetch = 0 : i64, scratch_operands = 26 : i64, tpu.core_type = #tpu.core_type<sc_vector_subcore>, window_params = [{transform_indices = #map}, {transform_indices = #map}, {transform_indices = #map1}, {transform_indices = #map}]} {
    %mul3A = arith.constant 632 : i32
    %mul3A_0 = arith.muli %arg1, %mul3A : i32
    %mul3A_1 = arith.constant 632 : i32
    %mul3A_2 = arith.muli %arg1, %mul3A_1 : i32
    "tpu.region"() ({
      %run_scoped3A = tpu.sem_alloc : memref<!tpu.dma_semaphore, #tpu.memory_space<semaphore_mem>>
      %dma_start3A_217 = arith.constant 0 : i32
      %dma_start3A_218 = tpu.memref_slice %arg31[%mul3A_2, %dma_start3A_217] : memref<10112x64xf32, #tpu.memory_space<vmem_shared>> -> memref<632x64xf32, #tpu.memory_space<vmem_shared>>
      %dma_start3A_219 = arith.constant 0 : i32
      %dma_start3A_220 = tpu.memref_slice %arg4[%mul3A_0, %dma_start3A_219] : memref<10112x64xf32, #tpu.memory_space<hbm>> -> memref<632x64xf32, #tpu.memory_space<hbm>>
      tpu.enqueue_dma source(%dma_start3A_220 : memref<632x64xf32, #tpu.memory_space<hbm>>) target(%dma_start3A_218 : memref<632x64xf32, #tpu.memory_space<vmem_shared>>) target_semaphore(%run_scoped3A : memref<!tpu.dma_semaphore, #tpu.memory_space<semaphore_mem>>)
      %dma_wait3A = arith.constant 0 : i32
      %dma_wait3A_221 = tpu.memref_slice %arg31[%mul3A_2, %dma_wait3A] : memref<10112x64xf32, #tpu.memory_space<vmem_shared>> -> memref<632x64xf32, #tpu.memory_space<vmem_shared>>
      %dma_wait3A_222 = arith.constant 0 : i32
      %dma_wait3A_223 = tpu.memref_slice %arg4[%mul3A_0, %dma_wait3A_222] : memref<10112x64xf32, #tpu.memory_space<hbm>> -> memref<632x64xf32, #tpu.memory_space<hbm>>
      tpu.wait_dma2 semaphore(%run_scoped3A : memref<!tpu.dma_semaphore, #tpu.memory_space<semaphore_mem>>) src(%dma_wait3A_223 : memref<632x64xf32, #tpu.memory_space<hbm>>) dst(%dma_wait3A_221 : memref<632x64xf32, #tpu.memory_space<vmem_shared>>)
      tpu.yield
    }) : () -> ()
    %barrier3A = arith.constant 0 : index
    tpu.barrier barrier_id(%barrier3A)
    %mul3A_3 = arith.constant 160 : i32
    %mul3A_4 = arith.muli %arg1, %mul3A_3 : i32
    %add3A = arith.constant 0 : i32
    %add3A_5 = arith.addi %mul3A_4, %add3A : i32
    "tpu.region"() ({
      %run_scoped3A = tpu.sem_alloc : memref<!tpu.dma_semaphore, #tpu.memory_space<semaphore_mem>>
      %dma_start3A_217 = arith.constant 0 : i32
      %dma_start3A_218 = arith.constant 0 : i32
      %dma_start3A_219 = tpu.memref_slice %arg3[%add3A_5, %dma_start3A_217, %dma_start3A_218] : memref<2560x2x128xi32, #tpu.memory_space<hbm>> -> memref<80x2x128xi32, #tpu.memory_space<hbm>>
      %dma_start3A_220 = arith.constant 0 : i32
      %dma_start3A_221 = arith.constant 0 : i32
      %dma_start3A_222 = tpu.memref_slice %arg3[%add3A_5, %dma_start3A_220, %dma_start3A_221] : memref<2560x2x128xi32, #tpu.memory_space<hbm>> -> memref<80x2x128xi32, #tpu.memory_space<hbm>>
      tpu.enqueue_dma source(%dma_start3A_222 : memref<80x2x128xi32, #tpu.memory_space<hbm>>) target(%arg6 : memref<80x2x128xi32, #tpu.memory_space<vmem>>) target_semaphore(%run_scoped3A : memref<!tpu.dma_semaphore, #tpu.memory_space<semaphore_mem>>)
      %dma_wait3A = arith.constant 0 : i32
      %dma_wait3A_223 = arith.constant 0 : i32
      %dma_wait3A_224 = tpu.memref_slice %arg3[%add3A_5, %dma_wait3A, %dma_wait3A_223] : memref<2560x2x128xi32, #tpu.memory_space<hbm>> -> memref<80x2x128xi32, #tpu.memory_space<hbm>>
      %dma_wait3A_225 = arith.constant 0 : i32
      %dma_wait3A_226 = arith.constant 0 : i32
      %dma_wait3A_227 = tpu.memref_slice %arg3[%add3A_5, %dma_wait3A_225, %dma_wait3A_226] : memref<2560x2x128xi32, #tpu.memory_space<hbm>> -> memref<80x2x128xi32, #tpu.memory_space<hbm>>
      tpu.wait_dma2 semaphore(%run_scoped3A : memref<!tpu.dma_semaphore, #tpu.memory_space<semaphore_mem>>) src(%dma_wait3A_227 : memref<80x2x128xi32, #tpu.memory_space<hbm>>) dst(%arg6 : memref<80x2x128xi32, #tpu.memory_space<vmem>>)
      tpu.yield
    }) : () -> ()
    %dma_start3A = arith.constant 0 : i32
    %dma_start3A_6 = arith.constant 0 : i32
    %dma_start3A_7 = arith.constant 0 : i32
    %dma_start3A_8 = tpu.memref_slice %arg6[%dma_start3A, %dma_start3A_6, %dma_start3A_7] : memref<80x2x128xi32, #tpu.memory_space<vmem>> -> memref<1x1x128xi32, #tpu.memory_space<vmem>>
    %dma_start3A_9 = tpu.memref_squeeze %dma_start3A_8 : memref<1x1x128xi32, #tpu.memory_space<vmem>> -> memref<128xi32, #tpu.memory_space<vmem>>
    %dma_start3A_10 = arith.constant 0 : i32
    %dma_start3A_11 = arith.constant 0 : i32
    %dma_start3A_12 = tpu.memref_slice %arg2[%arg0, %dma_start3A_10, %dma_start3A_11] : memref<2x10000x64xf32, #tpu.memory_space<hbm>> -> memref<1x10000x64xf32, #tpu.memory_space<hbm>>
    %dma_start3A_13 = tpu.memref_squeeze %dma_start3A_12 : memref<1x10000x64xf32, #tpu.memory_space<hbm>> -> memref<10000x64xf32, #tpu.memory_space<hbm>>
    %dma_start3A_14 = arith.constant 0 : i32
    %dma_start3A_15 = arith.constant 0 : i32
    %dma_start3A_16 = tpu.memref_slice %dma_start3A_13[%dma_start3A_14, %dma_start3A_15] : memref<10000x64xf32, #tpu.memory_space<hbm>> -> memref<10000x64xf32, #tpu.memory_space<hbm>>
    tpu.enqueue_indirect_dma source(%dma_start3A_16 : memref<10000x64xf32, #tpu.memory_space<hbm>>) target(%arg7 : memref<128x64xf32, #tpu.memory_space<vmem>>) offsets(%dma_start3A_9 : memref<128xi32, #tpu.memory_space<vmem>>) semaphore(%arg15 : memref<!tpu.dma_semaphore, #tpu.memory_space<semaphore_mem>>)
    %dma_start3A_17 = arith.constant 1 : i32
    %dma_start3A_18 = arith.constant 0 : i32
    %dma_start3A_19 = arith.constant 0 : i32
    %dma_start3A_20 = tpu.memref_slice %arg6[%dma_start3A_17, %dma_start3A_18, %dma_start3A_19] : memref<80x2x128xi32, #tpu.memory_space<vmem>> -> memref<1x1x128xi32, #tpu.memory_space<vmem>>
    %dma_start3A_21 = tpu.memref_squeeze %dma_start3A_20 : memref<1x1x128xi32, #tpu.memory_space<vmem>> -> memref<128xi32, #tpu.memory_space<vmem>>
    %dma_start3A_22 = arith.constant 0 : i32
    %dma_start3A_23 = arith.constant 0 : i32
    %dma_start3A_24 = tpu.memref_slice %arg2[%arg0, %dma_start3A_22, %dma_start3A_23] : memref<2x10000x64xf32, #tpu.memory_space<hbm>> -> memref<1x10000x64xf32, #tpu.memory_space<hbm>>
    %dma_start3A_25 = tpu.memref_squeeze %dma_start3A_24 : memref<1x10000x64xf32, #tpu.memory_space<hbm>> -> memref<10000x64xf32, #tpu.memory_space<hbm>>
    %dma_start3A_26 = arith.constant 0 : i32
    %dma_start3A_27 = arith.constant 0 : i32
    %dma_start3A_28 = tpu.memref_slice %dma_start3A_25[%dma_start3A_26, %dma_start3A_27] : memref<10000x64xf32, #tpu.memory_space<hbm>> -> memref<10000x64xf32, #tpu.memory_space<hbm>>
    tpu.enqueue_indirect_dma source(%dma_start3A_28 : memref<10000x64xf32, #tpu.memory_space<hbm>>) target(%arg8 : memref<128x64xf32, #tpu.memory_space<vmem>>) offsets(%dma_start3A_21 : memref<128xi32, #tpu.memory_space<vmem>>) semaphore(%arg16 : memref<!tpu.dma_semaphore, #tpu.memory_space<semaphore_mem>>)
    %dma_start3A_29 = arith.constant 2 : i32
    %dma_start3A_30 = arith.constant 0 : i32
    %dma_start3A_31 = arith.constant 0 : i32
    %dma_start3A_32 = tpu.memref_slice %arg6[%dma_start3A_29, %dma_start3A_30, %dma_start3A_31] : memref<80x2x128xi32, #tpu.memory_space<vmem>> -> memref<1x1x128xi32, #tpu.memory_space<vmem>>
    %dma_start3A_33 = tpu.memref_squeeze %dma_start3A_32 : memref<1x1x128xi32, #tpu.memory_space<vmem>> -> memref<128xi32, #tpu.memory_space<vmem>>
    %dma_start3A_34 = arith.constant 0 : i32
    %dma_start3A_35 = arith.constant 0 : i32
    %dma_start3A_36 = tpu.memref_slice %arg2[%arg0, %dma_start3A_34, %dma_start3A_35] : memref<2x10000x64xf32, #tpu.memory_space<hbm>> -> memref<1x10000x64xf32, #tpu.memory_space<hbm>>
    %dma_start3A_37 = tpu.memref_squeeze %dma_start3A_36 : memref<1x10000x64xf32, #tpu.memory_space<hbm>> -> memref<10000x64xf32, #tpu.memory_space<hbm>>
    %dma_start3A_38 = arith.constant 0 : i32
    %dma_start3A_39 = arith.constant 0 : i32
    %dma_start3A_40 = tpu.memref_slice %dma_start3A_37[%dma_start3A_38, %dma_start3A_39] : memref<10000x64xf32, #tpu.memory_space<hbm>> -> memref<10000x64xf32, #tpu.memory_space<hbm>>
    tpu.enqueue_indirect_dma source(%dma_start3A_40 : memref<10000x64xf32, #tpu.memory_space<hbm>>) target(%arg9 : memref<128x64xf32, #tpu.memory_space<vmem>>) offsets(%dma_start3A_33 : memref<128xi32, #tpu.memory_space<vmem>>) semaphore(%arg17 : memref<!tpu.dma_semaphore, #tpu.memory_space<semaphore_mem>>)
    %dma_start3A_41 = arith.constant 3 : i32
    %dma_start3A_42 = arith.constant 0 : i32
    %dma_start3A_43 = arith.constant 0 : i32
    %dma_start3A_44 = tpu.memref_slice %arg6[%dma_start3A_41, %dma_start3A_42, %dma_start3A_43] : memref<80x2x128xi32, #tpu.memory_space<vmem>> -> memref<1x1x128xi32, #tpu.memory_space<vmem>>
    %dma_start3A_45 = tpu.memref_squeeze %dma_start3A_44 : memref<1x1x128xi32, #tpu.memory_space<vmem>> -> memref<128xi32, #tpu.memory_space<vmem>>
    %dma_start3A_46 = arith.constant 0 : i32
    %dma_start3A_47 = arith.constant 0 : i32
    %dma_start3A_48 = tpu.memref_slice %arg2[%arg0, %dma_start3A_46, %dma_start3A_47] : memref<2x10000x64xf32, #tpu.memory_space<hbm>> -> memref<1x10000x64xf32, #tpu.memory_space<hbm>>
    %dma_start3A_49 = tpu.memref_squeeze %dma_start3A_48 : memref<1x10000x64xf32, #tpu.memory_space<hbm>> -> memref<10000x64xf32, #tpu.memory_space<hbm>>
    %dma_start3A_50 = arith.constant 0 : i32
    %dma_start3A_51 = arith.constant 0 : i32
    %dma_start3A_52 = tpu.memref_slice %dma_start3A_49[%dma_start3A_50, %dma_start3A_51] : memref<10000x64xf32, #tpu.memory_space<hbm>> -> memref<10000x64xf32, #tpu.memory_space<hbm>>
    tpu.enqueue_indirect_dma source(%dma_start3A_52 : memref<10000x64xf32, #tpu.memory_space<hbm>>) target(%arg10 : memref<128x64xf32, #tpu.memory_space<vmem>>) offsets(%dma_start3A_45 : memref<128xi32, #tpu.memory_space<vmem>>) semaphore(%arg18 : memref<!tpu.dma_semaphore, #tpu.memory_space<semaphore_mem>>)
    %dma_start3A_53 = arith.constant 4 : i32
    %dma_start3A_54 = arith.constant 0 : i32
    %dma_start3A_55 = arith.constant 0 : i32
    %dma_start3A_56 = tpu.memref_slice %arg6[%dma_start3A_53, %dma_start3A_54, %dma_start3A_55] : memref<80x2x128xi32, #tpu.memory_space<vmem>> -> memref<1x1x128xi32, #tpu.memory_space<vmem>>
    %dma_start3A_57 = tpu.memref_squeeze %dma_start3A_56 : memref<1x1x128xi32, #tpu.memory_space<vmem>> -> memref<128xi32, #tpu.memory_space<vmem>>
    %dma_start3A_58 = arith.constant 0 : i32
    %dma_start3A_59 = arith.constant 0 : i32
    %dma_start3A_60 = tpu.memref_slice %arg2[%arg0, %dma_start3A_58, %dma_start3A_59] : memref<2x10000x64xf32, #tpu.memory_space<hbm>> -> memref<1x10000x64xf32, #tpu.memory_space<hbm>>
    %dma_start3A_61 = tpu.memref_squeeze %dma_start3A_60 : memref<1x10000x64xf32, #tpu.memory_space<hbm>> -> memref<10000x64xf32, #tpu.memory_space<hbm>>
    %dma_start3A_62 = arith.constant 0 : i32
    %dma_start3A_63 = arith.constant 0 : i32
    %dma_start3A_64 = tpu.memref_slice %dma_start3A_61[%dma_start3A_62, %dma_start3A_63] : memref<10000x64xf32, #tpu.memory_space<hbm>> -> memref<10000x64xf32, #tpu.memory_space<hbm>>
    tpu.enqueue_indirect_dma source(%dma_start3A_64 : memref<10000x64xf32, #tpu.memory_space<hbm>>) target(%arg11 : memref<128x64xf32, #tpu.memory_space<vmem>>) offsets(%dma_start3A_57 : memref<128xi32, #tpu.memory_space<vmem>>) semaphore(%arg19 : memref<!tpu.dma_semaphore, #tpu.memory_space<semaphore_mem>>)
    %dma_start3A_65 = arith.constant 5 : i32
    %dma_start3A_66 = arith.constant 0 : i32
    %dma_start3A_67 = arith.constant 0 : i32
    %dma_start3A_68 = tpu.memref_slice %arg6[%dma_start3A_65, %dma_start3A_66, %dma_start3A_67] : memref<80x2x128xi32, #tpu.memory_space<vmem>> -> memref<1x1x128xi32, #tpu.memory_space<vmem>>
    %dma_start3A_69 = tpu.memref_squeeze %dma_start3A_68 : memref<1x1x128xi32, #tpu.memory_space<vmem>> -> memref<128xi32, #tpu.memory_space<vmem>>
    %dma_start3A_70 = arith.constant 0 : i32
    %dma_start3A_71 = arith.constant 0 : i32
    %dma_start3A_72 = tpu.memref_slice %arg2[%arg0, %dma_start3A_70, %dma_start3A_71] : memref<2x10000x64xf32, #tpu.memory_space<hbm>> -> memref<1x10000x64xf32, #tpu.memory_space<hbm>>
    %dma_start3A_73 = tpu.memref_squeeze %dma_start3A_72 : memref<1x10000x64xf32, #tpu.memory_space<hbm>> -> memref<10000x64xf32, #tpu.memory_space<hbm>>
    %dma_start3A_74 = arith.constant 0 : i32
    %dma_start3A_75 = arith.constant 0 : i32
    %dma_start3A_76 = tpu.memref_slice %dma_start3A_73[%dma_start3A_74, %dma_start3A_75] : memref<10000x64xf32, #tpu.memory_space<hbm>> -> memref<10000x64xf32, #tpu.memory_space<hbm>>
    tpu.enqueue_indirect_dma source(%dma_start3A_76 : memref<10000x64xf32, #tpu.memory_space<hbm>>) target(%arg12 : memref<128x64xf32, #tpu.memory_space<vmem>>) offsets(%dma_start3A_69 : memref<128xi32, #tpu.memory_space<vmem>>) semaphore(%arg20 : memref<!tpu.dma_semaphore, #tpu.memory_space<semaphore_mem>>)
    %dma_start3A_77 = arith.constant 6 : i32
    %dma_start3A_78 = arith.constant 0 : i32
    %dma_start3A_79 = arith.constant 0 : i32
    %dma_start3A_80 = tpu.memref_slice %arg6[%dma_start3A_77, %dma_start3A_78, %dma_start3A_79] : memref<80x2x128xi32, #tpu.memory_space<vmem>> -> memref<1x1x128xi32, #tpu.memory_space<vmem>>
    %dma_start3A_81 = tpu.memref_squeeze %dma_start3A_80 : memref<1x1x128xi32, #tpu.memory_space<vmem>> -> memref<128xi32, #tpu.memory_space<vmem>>
    %dma_start3A_82 = arith.constant 0 : i32
    %dma_start3A_83 = arith.constant 0 : i32
    %dma_start3A_84 = tpu.memref_slice %arg2[%arg0, %dma_start3A_82, %dma_start3A_83] : memref<2x10000x64xf32, #tpu.memory_space<hbm>> -> memref<1x10000x64xf32, #tpu.memory_space<hbm>>
    %dma_start3A_85 = tpu.memref_squeeze %dma_start3A_84 : memref<1x10000x64xf32, #tpu.memory_space<hbm>> -> memref<10000x64xf32, #tpu.memory_space<hbm>>
    %dma_start3A_86 = arith.constant 0 : i32
    %dma_start3A_87 = arith.constant 0 : i32
    %dma_start3A_88 = tpu.memref_slice %dma_start3A_85[%dma_start3A_86, %dma_start3A_87] : memref<10000x64xf32, #tpu.memory_space<hbm>> -> memref<10000x64xf32, #tpu.memory_space<hbm>>
    tpu.enqueue_indirect_dma source(%dma_start3A_88 : memref<10000x64xf32, #tpu.memory_space<hbm>>) target(%arg13 : memref<128x64xf32, #tpu.memory_space<vmem>>) offsets(%dma_start3A_81 : memref<128xi32, #tpu.memory_space<vmem>>) semaphore(%arg21 : memref<!tpu.dma_semaphore, #tpu.memory_space<semaphore_mem>>)
    %dma_start3A_89 = arith.constant 7 : i32
    %dma_start3A_90 = arith.constant 0 : i32
    %dma_start3A_91 = arith.constant 0 : i32
    %dma_start3A_92 = tpu.memref_slice %arg6[%dma_start3A_89, %dma_start3A_90, %dma_start3A_91] : memref<80x2x128xi32, #tpu.memory_space<vmem>> -> memref<1x1x128xi32, #tpu.memory_space<vmem>>
    %dma_start3A_93 = tpu.memref_squeeze %dma_start3A_92 : memref<1x1x128xi32, #tpu.memory_space<vmem>> -> memref<128xi32, #tpu.memory_space<vmem>>
    %dma_start3A_94 = arith.constant 0 : i32
    %dma_start3A_95 = arith.constant 0 : i32
    %dma_start3A_96 = tpu.memref_slice %arg2[%arg0, %dma_start3A_94, %dma_start3A_95] : memref<2x10000x64xf32, #tpu.memory_space<hbm>> -> memref<1x10000x64xf32, #tpu.memory_space<hbm>>
    %dma_start3A_97 = tpu.memref_squeeze %dma_start3A_96 : memref<1x10000x64xf32, #tpu.memory_space<hbm>> -> memref<10000x64xf32, #tpu.memory_space<hbm>>
    %dma_start3A_98 = arith.constant 0 : i32
    %dma_start3A_99 = arith.constant 0 : i32
    %dma_start3A_100 = tpu.memref_slice %dma_start3A_97[%dma_start3A_98, %dma_start3A_99] : memref<10000x64xf32, #tpu.memory_space<hbm>> -> memref<10000x64xf32, #tpu.memory_space<hbm>>
    tpu.enqueue_indirect_dma source(%dma_start3A_100 : memref<10000x64xf32, #tpu.memory_space<hbm>>) target(%arg14 : memref<128x64xf32, #tpu.memory_space<vmem>>) offsets(%dma_start3A_93 : memref<128xi32, #tpu.memory_space<vmem>>) semaphore(%arg22 : memref<!tpu.dma_semaphore, #tpu.memory_space<semaphore_mem>>)
    %scan3A = arith.constant 0 : i32
    %scan3A_101 = arith.constant 0 : i32
    %scan3A_102 = arith.constant 10 : i32
    %scan3A_103 = arith.addi %scan3A_101, %scan3A_102 : i32
    %scan3A_104 = arith.constant 1 : i32
    scf.for %scan3A_217 = %scan3A_101 to %scan3A_103 step %scan3A_104  : i32 {
      %mul3A_218 = arith.constant 8 : i32
      %mul3A_219 = arith.muli %scan3A_217, %mul3A_218 : i32
      %add3A_220 = arith.constant 0 : i32
      %add3A_221 = arith.addi %mul3A_219, %add3A_220 : i32
      %dma_wait3A = arith.constant 0 : i32
      %dma_wait3A_222 = arith.constant 0 : i32
      %dma_wait3A_223 = tpu.memref_slice %arg6[%add3A_221, %dma_wait3A, %dma_wait3A_222] : memref<80x2x128xi32, #tpu.memory_space<vmem>> -> memref<1x1x128xi32, #tpu.memory_space<vmem>>
      %dma_wait3A_224 = tpu.memref_squeeze %dma_wait3A_223 : memref<1x1x128xi32, #tpu.memory_space<vmem>> -> memref<128xi32, #tpu.memory_space<vmem>>
      %dma_wait3A_225 = arith.constant 0 : i32
      %dma_wait3A_226 = arith.constant 0 : i32
      %dma_wait3A_227 = tpu.memref_slice %arg2[%arg0, %dma_wait3A_225, %dma_wait3A_226] : memref<2x10000x64xf32, #tpu.memory_space<hbm>> -> memref<1x10000x64xf32, #tpu.memory_space<hbm>>
      %dma_wait3A_228 = tpu.memref_squeeze %dma_wait3A_227 : memref<1x10000x64xf32, #tpu.memory_space<hbm>> -> memref<10000x64xf32, #tpu.memory_space<hbm>>
      %dma_wait3A_229 = arith.constant 0 : i32
      %dma_wait3A_230 = arith.constant 0 : i32
      %dma_wait3A_231 = tpu.memref_slice %dma_wait3A_228[%dma_wait3A_229, %dma_wait3A_230] : memref<10000x64xf32, #tpu.memory_space<hbm>> -> memref<10000x64xf32, #tpu.memory_space<hbm>>
      tpu.wait_indirect_dma semaphore(%arg15 : memref<!tpu.dma_semaphore, #tpu.memory_space<semaphore_mem>>) src(%dma_wait3A_231 : memref<10000x64xf32, #tpu.memory_space<hbm>>) dst(%arg7 : memref<128x64xf32, #tpu.memory_space<vmem>>)
      %dma_start3A_232 = arith.constant 1 : i32
      %dma_start3A_233 = arith.constant 0 : i32
      %dma_start3A_234 = tpu.memref_slice %arg6[%add3A_221, %dma_start3A_232, %dma_start3A_233] : memref<80x2x128xi32, #tpu.memory_space<vmem>> -> memref<1x1x128xi32, #tpu.memory_space<vmem>>
      %dma_start3A_235 = tpu.memref_squeeze %dma_start3A_234 : memref<1x1x128xi32, #tpu.memory_space<vmem>> -> memref<128xi32, #tpu.memory_space<vmem>>
      %dma_start3A_236 = arith.constant 0 : i32
      %dma_start3A_237 = arith.constant 0 : i32
      %dma_start3A_238 = tpu.memref_slice %arg31[%dma_start3A_236, %dma_start3A_237] : memref<10112x64xf32, #tpu.memory_space<vmem_shared>> -> memref<10112x64xf32, #tpu.memory_space<vmem_shared>>
      tpu.enqueue_indirect_dma source(%arg7 : memref<128x64xf32, #tpu.memory_space<vmem>>) target(%dma_start3A_238 : memref<10112x64xf32, #tpu.memory_space<vmem_shared>>) offsets(%dma_start3A_235 : memref<128xi32, #tpu.memory_space<vmem>>) semaphore(%arg23 : memref<!tpu.dma_semaphore, #tpu.memory_space<semaphore_mem>>) {add = true}
      %add3A_239 = arith.constant 1 : i32
      %add3A_240 = arith.addi %mul3A_219, %add3A_239 : i32
      %dma_wait3A_241 = arith.constant 0 : i32
      %dma_wait3A_242 = arith.constant 0 : i32
      %dma_wait3A_243 = tpu.memref_slice %arg6[%add3A_240, %dma_wait3A_241, %dma_wait3A_242] : memref<80x2x128xi32, #tpu.memory_space<vmem>> -> memref<1x1x128xi32, #tpu.memory_space<vmem>>
      %dma_wait3A_244 = tpu.memref_squeeze %dma_wait3A_243 : memref<1x1x128xi32, #tpu.memory_space<vmem>> -> memref<128xi32, #tpu.memory_space<vmem>>
      %dma_wait3A_245 = arith.constant 0 : i32
      %dma_wait3A_246 = arith.constant 0 : i32
      %dma_wait3A_247 = tpu.memref_slice %arg2[%arg0, %dma_wait3A_245, %dma_wait3A_246] : memref<2x10000x64xf32, #tpu.memory_space<hbm>> -> memref<1x10000x64xf32, #tpu.memory_space<hbm>>
      %dma_wait3A_248 = tpu.memref_squeeze %dma_wait3A_247 : memref<1x10000x64xf32, #tpu.memory_space<hbm>> -> memref<10000x64xf32, #tpu.memory_space<hbm>>
      %dma_wait3A_249 = arith.constant 0 : i32
      %dma_wait3A_250 = arith.constant 0 : i32
      %dma_wait3A_251 = tpu.memref_slice %dma_wait3A_248[%dma_wait3A_249, %dma_wait3A_250] : memref<10000x64xf32, #tpu.memory_space<hbm>> -> memref<10000x64xf32, #tpu.memory_space<hbm>>
      tpu.wait_indirect_dma semaphore(%arg16 : memref<!tpu.dma_semaphore, #tpu.memory_space<semaphore_mem>>) src(%dma_wait3A_251 : memref<10000x64xf32, #tpu.memory_space<hbm>>) dst(%arg8 : memref<128x64xf32, #tpu.memory_space<vmem>>)
      %dma_start3A_252 = arith.constant 1 : i32
      %dma_start3A_253 = arith.constant 0 : i32
      %dma_start3A_254 = tpu.memref_slice %arg6[%add3A_240, %dma_start3A_252, %dma_start3A_253] : memref<80x2x128xi32, #tpu.memory_space<vmem>> -> memref<1x1x128xi32, #tpu.memory_space<vmem>>
      %dma_start3A_255 = tpu.memref_squeeze %dma_start3A_254 : memref<1x1x128xi32, #tpu.memory_space<vmem>> -> memref<128xi32, #tpu.memory_space<vmem>>
      %dma_start3A_256 = arith.constant 0 : i32
      %dma_start3A_257 = arith.constant 0 : i32
      %dma_start3A_258 = tpu.memref_slice %arg31[%dma_start3A_256, %dma_start3A_257] : memref<10112x64xf32, #tpu.memory_space<vmem_shared>> -> memref<10112x64xf32, #tpu.memory_space<vmem_shared>>
      tpu.enqueue_indirect_dma source(%arg8 : memref<128x64xf32, #tpu.memory_space<vmem>>) target(%dma_start3A_258 : memref<10112x64xf32, #tpu.memory_space<vmem_shared>>) offsets(%dma_start3A_255 : memref<128xi32, #tpu.memory_space<vmem>>) semaphore(%arg24 : memref<!tpu.dma_semaphore, #tpu.memory_space<semaphore_mem>>) {add = true}
      %add3A_259 = arith.constant 2 : i32
      %add3A_260 = arith.addi %mul3A_219, %add3A_259 : i32
      %dma_wait3A_261 = arith.constant 0 : i32
      %dma_wait3A_262 = arith.constant 0 : i32
      %dma_wait3A_263 = tpu.memref_slice %arg6[%add3A_260, %dma_wait3A_261, %dma_wait3A_262] : memref<80x2x128xi32, #tpu.memory_space<vmem>> -> memref<1x1x128xi32, #tpu.memory_space<vmem>>
      %dma_wait3A_264 = tpu.memref_squeeze %dma_wait3A_263 : memref<1x1x128xi32, #tpu.memory_space<vmem>> -> memref<128xi32, #tpu.memory_space<vmem>>
      %dma_wait3A_265 = arith.constant 0 : i32
      %dma_wait3A_266 = arith.constant 0 : i32
      %dma_wait3A_267 = tpu.memref_slice %arg2[%arg0, %dma_wait3A_265, %dma_wait3A_266] : memref<2x10000x64xf32, #tpu.memory_space<hbm>> -> memref<1x10000x64xf32, #tpu.memory_space<hbm>>
      %dma_wait3A_268 = tpu.memref_squeeze %dma_wait3A_267 : memref<1x10000x64xf32, #tpu.memory_space<hbm>> -> memref<10000x64xf32, #tpu.memory_space<hbm>>
      %dma_wait3A_269 = arith.constant 0 : i32
      %dma_wait3A_270 = arith.constant 0 : i32
      %dma_wait3A_271 = tpu.memref_slice %dma_wait3A_268[%dma_wait3A_269, %dma_wait3A_270] : memref<10000x64xf32, #tpu.memory_space<hbm>> -> memref<10000x64xf32, #tpu.memory_space<hbm>>
      tpu.wait_indirect_dma semaphore(%arg17 : memref<!tpu.dma_semaphore, #tpu.memory_space<semaphore_mem>>) src(%dma_wait3A_271 : memref<10000x64xf32, #tpu.memory_space<hbm>>) dst(%arg9 : memref<128x64xf32, #tpu.memory_space<vmem>>)
      %dma_start3A_272 = arith.constant 1 : i32
      %dma_start3A_273 = arith.constant 0 : i32
      %dma_start3A_274 = tpu.memref_slice %arg6[%add3A_260, %dma_start3A_272, %dma_start3A_273] : memref<80x2x128xi32, #tpu.memory_space<vmem>> -> memref<1x1x128xi32, #tpu.memory_space<vmem>>
      %dma_start3A_275 = tpu.memref_squeeze %dma_start3A_274 : memref<1x1x128xi32, #tpu.memory_space<vmem>> -> memref<128xi32, #tpu.memory_space<vmem>>
      %dma_start3A_276 = arith.constant 0 : i32
      %dma_start3A_277 = arith.constant 0 : i32
      %dma_start3A_278 = tpu.memref_slice %arg31[%dma_start3A_276, %dma_start3A_277] : memref<10112x64xf32, #tpu.memory_space<vmem_shared>> -> memref<10112x64xf32, #tpu.memory_space<vmem_shared>>
      tpu.enqueue_indirect_dma source(%arg9 : memref<128x64xf32, #tpu.memory_space<vmem>>) target(%dma_start3A_278 : memref<10112x64xf32, #tpu.memory_space<vmem_shared>>) offsets(%dma_start3A_275 : memref<128xi32, #tpu.memory_space<vmem>>) semaphore(%arg25 : memref<!tpu.dma_semaphore, #tpu.memory_space<semaphore_mem>>) {add = true}
      %add3A_279 = arith.constant 3 : i32
      %add3A_280 = arith.addi %mul3A_219, %add3A_279 : i32
      %dma_wait3A_281 = arith.constant 0 : i32
      %dma_wait3A_282 = arith.constant 0 : i32
      %dma_wait3A_283 = tpu.memref_slice %arg6[%add3A_280, %dma_wait3A_281, %dma_wait3A_282] : memref<80x2x128xi32, #tpu.memory_space<vmem>> -> memref<1x1x128xi32, #tpu.memory_space<vmem>>
      %dma_wait3A_284 = tpu.memref_squeeze %dma_wait3A_283 : memref<1x1x128xi32, #tpu.memory_space<vmem>> -> memref<128xi32, #tpu.memory_space<vmem>>
      %dma_wait3A_285 = arith.constant 0 : i32
      %dma_wait3A_286 = arith.constant 0 : i32
      %dma_wait3A_287 = tpu.memref_slice %arg2[%arg0, %dma_wait3A_285, %dma_wait3A_286] : memref<2x10000x64xf32, #tpu.memory_space<hbm>> -> memref<1x10000x64xf32, #tpu.memory_space<hbm>>
      %dma_wait3A_288 = tpu.memref_squeeze %dma_wait3A_287 : memref<1x10000x64xf32, #tpu.memory_space<hbm>> -> memref<10000x64xf32, #tpu.memory_space<hbm>>
      %dma_wait3A_289 = arith.constant 0 : i32
      %dma_wait3A_290 = arith.constant 0 : i32
      %dma_wait3A_291 = tpu.memref_slice %dma_wait3A_288[%dma_wait3A_289, %dma_wait3A_290] : memref<10000x64xf32, #tpu.memory_space<hbm>> -> memref<10000x64xf32, #tpu.memory_space<hbm>>
      tpu.wait_indirect_dma semaphore(%arg18 : memref<!tpu.dma_semaphore, #tpu.memory_space<semaphore_mem>>) src(%dma_wait3A_291 : memref<10000x64xf32, #tpu.memory_space<hbm>>) dst(%arg10 : memref<128x64xf32, #tpu.memory_space<vmem>>)
      %dma_start3A_292 = arith.constant 1 : i32
      %dma_start3A_293 = arith.constant 0 : i32
      %dma_start3A_294 = tpu.memref_slice %arg6[%add3A_280, %dma_start3A_292, %dma_start3A_293] : memref<80x2x128xi32, #tpu.memory_space<vmem>> -> memref<1x1x128xi32, #tpu.memory_space<vmem>>
      %dma_start3A_295 = tpu.memref_squeeze %dma_start3A_294 : memref<1x1x128xi32, #tpu.memory_space<vmem>> -> memref<128xi32, #tpu.memory_space<vmem>>
      %dma_start3A_296 = arith.constant 0 : i32
      %dma_start3A_297 = arith.constant 0 : i32
      %dma_start3A_298 = tpu.memref_slice %arg31[%dma_start3A_296, %dma_start3A_297] : memref<10112x64xf32, #tpu.memory_space<vmem_shared>> -> memref<10112x64xf32, #tpu.memory_space<vmem_shared>>
      tpu.enqueue_indirect_dma source(%arg10 : memref<128x64xf32, #tpu.memory_space<vmem>>) target(%dma_start3A_298 : memref<10112x64xf32, #tpu.memory_space<vmem_shared>>) offsets(%dma_start3A_295 : memref<128xi32, #tpu.memory_space<vmem>>) semaphore(%arg26 : memref<!tpu.dma_semaphore, #tpu.memory_space<semaphore_mem>>) {add = true}
      %add3A_299 = arith.constant 4 : i32
      %add3A_300 = arith.addi %mul3A_219, %add3A_299 : i32
      %dma_wait3A_301 = arith.constant 0 : i32
      %dma_wait3A_302 = arith.constant 0 : i32
      %dma_wait3A_303 = tpu.memref_slice %arg6[%add3A_300, %dma_wait3A_301, %dma_wait3A_302] : memref<80x2x128xi32, #tpu.memory_space<vmem>> -> memref<1x1x128xi32, #tpu.memory_space<vmem>>
      %dma_wait3A_304 = tpu.memref_squeeze %dma_wait3A_303 : memref<1x1x128xi32, #tpu.memory_space<vmem>> -> memref<128xi32, #tpu.memory_space<vmem>>
      %dma_wait3A_305 = arith.constant 0 : i32
      %dma_wait3A_306 = arith.constant 0 : i32
      %dma_wait3A_307 = tpu.memref_slice %arg2[%arg0, %dma_wait3A_305, %dma_wait3A_306] : memref<2x10000x64xf32, #tpu.memory_space<hbm>> -> memref<1x10000x64xf32, #tpu.memory_space<hbm>>
      %dma_wait3A_308 = tpu.memref_squeeze %dma_wait3A_307 : memref<1x10000x64xf32, #tpu.memory_space<hbm>> -> memref<10000x64xf32, #tpu.memory_space<hbm>>
      %dma_wait3A_309 = arith.constant 0 : i32
      %dma_wait3A_310 = arith.constant 0 : i32
      %dma_wait3A_311 = tpu.memref_slice %dma_wait3A_308[%dma_wait3A_309, %dma_wait3A_310] : memref<10000x64xf32, #tpu.memory_space<hbm>> -> memref<10000x64xf32, #tpu.memory_space<hbm>>
      tpu.wait_indirect_dma semaphore(%arg19 : memref<!tpu.dma_semaphore, #tpu.memory_space<semaphore_mem>>) src(%dma_wait3A_311 : memref<10000x64xf32, #tpu.memory_space<hbm>>) dst(%arg11 : memref<128x64xf32, #tpu.memory_space<vmem>>)
      %dma_start3A_312 = arith.constant 1 : i32
      %dma_start3A_313 = arith.constant 0 : i32
      %dma_start3A_314 = tpu.memref_slice %arg6[%add3A_300, %dma_start3A_312, %dma_start3A_313] : memref<80x2x128xi32, #tpu.memory_space<vmem>> -> memref<1x1x128xi32, #tpu.memory_space<vmem>>
      %dma_start3A_315 = tpu.memref_squeeze %dma_start3A_314 : memref<1x1x128xi32, #tpu.memory_space<vmem>> -> memref<128xi32, #tpu.memory_space<vmem>>
      %dma_start3A_316 = arith.constant 0 : i32
      %dma_start3A_317 = arith.constant 0 : i32
      %dma_start3A_318 = tpu.memref_slice %arg31[%dma_start3A_316, %dma_start3A_317] : memref<10112x64xf32, #tpu.memory_space<vmem_shared>> -> memref<10112x64xf32, #tpu.memory_space<vmem_shared>>
      tpu.enqueue_indirect_dma source(%arg11 : memref<128x64xf32, #tpu.memory_space<vmem>>) target(%dma_start3A_318 : memref<10112x64xf32, #tpu.memory_space<vmem_shared>>) offsets(%dma_start3A_315 : memref<128xi32, #tpu.memory_space<vmem>>) semaphore(%arg27 : memref<!tpu.dma_semaphore, #tpu.memory_space<semaphore_mem>>) {add = true}
      %add3A_319 = arith.constant 5 : i32
      %add3A_320 = arith.addi %mul3A_219, %add3A_319 : i32
      %dma_wait3A_321 = arith.constant 0 : i32
      %dma_wait3A_322 = arith.constant 0 : i32
      %dma_wait3A_323 = tpu.memref_slice %arg6[%add3A_320, %dma_wait3A_321, %dma_wait3A_322] : memref<80x2x128xi32, #tpu.memory_space<vmem>> -> memref<1x1x128xi32, #tpu.memory_space<vmem>>
      %dma_wait3A_324 = tpu.memref_squeeze %dma_wait3A_323 : memref<1x1x128xi32, #tpu.memory_space<vmem>> -> memref<128xi32, #tpu.memory_space<vmem>>
      %dma_wait3A_325 = arith.constant 0 : i32
      %dma_wait3A_326 = arith.constant 0 : i32
      %dma_wait3A_327 = tpu.memref_slice %arg2[%arg0, %dma_wait3A_325, %dma_wait3A_326] : memref<2x10000x64xf32, #tpu.memory_space<hbm>> -> memref<1x10000x64xf32, #tpu.memory_space<hbm>>
      %dma_wait3A_328 = tpu.memref_squeeze %dma_wait3A_327 : memref<1x10000x64xf32, #tpu.memory_space<hbm>> -> memref<10000x64xf32, #tpu.memory_space<hbm>>
      %dma_wait3A_329 = arith.constant 0 : i32
      %dma_wait3A_330 = arith.constant 0 : i32
      %dma_wait3A_331 = tpu.memref_slice %dma_wait3A_328[%dma_wait3A_329, %dma_wait3A_330] : memref<10000x64xf32, #tpu.memory_space<hbm>> -> memref<10000x64xf32, #tpu.memory_space<hbm>>
      tpu.wait_indirect_dma semaphore(%arg20 : memref<!tpu.dma_semaphore, #tpu.memory_space<semaphore_mem>>) src(%dma_wait3A_331 : memref<10000x64xf32, #tpu.memory_space<hbm>>) dst(%arg12 : memref<128x64xf32, #tpu.memory_space<vmem>>)
      %dma_start3A_332 = arith.constant 1 : i32
      %dma_start3A_333 = arith.constant 0 : i32
      %dma_start3A_334 = tpu.memref_slice %arg6[%add3A_320, %dma_start3A_332, %dma_start3A_333] : memref<80x2x128xi32, #tpu.memory_space<vmem>> -> memref<1x1x128xi32, #tpu.memory_space<vmem>>
      %dma_start3A_335 = tpu.memref_squeeze %dma_start3A_334 : memref<1x1x128xi32, #tpu.memory_space<vmem>> -> memref<128xi32, #tpu.memory_space<vmem>>
      %dma_start3A_336 = arith.constant 0 : i32
      %dma_start3A_337 = arith.constant 0 : i32
      %dma_start3A_338 = tpu.memref_slice %arg31[%dma_start3A_336, %dma_start3A_337] : memref<10112x64xf32, #tpu.memory_space<vmem_shared>> -> memref<10112x64xf32, #tpu.memory_space<vmem_shared>>
      tpu.enqueue_indirect_dma source(%arg12 : memref<128x64xf32, #tpu.memory_space<vmem>>) target(%dma_start3A_338 : memref<10112x64xf32, #tpu.memory_space<vmem_shared>>) offsets(%dma_start3A_335 : memref<128xi32, #tpu.memory_space<vmem>>) semaphore(%arg28 : memref<!tpu.dma_semaphore, #tpu.memory_space<semaphore_mem>>) {add = true}
      %add3A_339 = arith.constant 6 : i32
      %add3A_340 = arith.addi %mul3A_219, %add3A_339 : i32
      %dma_wait3A_341 = arith.constant 0 : i32
      %dma_wait3A_342 = arith.constant 0 : i32
      %dma_wait3A_343 = tpu.memref_slice %arg6[%add3A_340, %dma_wait3A_341, %dma_wait3A_342] : memref<80x2x128xi32, #tpu.memory_space<vmem>> -> memref<1x1x128xi32, #tpu.memory_space<vmem>>
      %dma_wait3A_344 = tpu.memref_squeeze %dma_wait3A_343 : memref<1x1x128xi32, #tpu.memory_space<vmem>> -> memref<128xi32, #tpu.memory_space<vmem>>
      %dma_wait3A_345 = arith.constant 0 : i32
      %dma_wait3A_346 = arith.constant 0 : i32
      %dma_wait3A_347 = tpu.memref_slice %arg2[%arg0, %dma_wait3A_345, %dma_wait3A_346] : memref<2x10000x64xf32, #tpu.memory_space<hbm>> -> memref<1x10000x64xf32, #tpu.memory_space<hbm>>
      %dma_wait3A_348 = tpu.memref_squeeze %dma_wait3A_347 : memref<1x10000x64xf32, #tpu.memory_space<hbm>> -> memref<10000x64xf32, #tpu.memory_space<hbm>>
      %dma_wait3A_349 = arith.constant 0 : i32
      %dma_wait3A_350 = arith.constant 0 : i32
      %dma_wait3A_351 = tpu.memref_slice %dma_wait3A_348[%dma_wait3A_349, %dma_wait3A_350] : memref<10000x64xf32, #tpu.memory_space<hbm>> -> memref<10000x64xf32, #tpu.memory_space<hbm>>
      tpu.wait_indirect_dma semaphore(%arg21 : memref<!tpu.dma_semaphore, #tpu.memory_space<semaphore_mem>>) src(%dma_wait3A_351 : memref<10000x64xf32, #tpu.memory_space<hbm>>) dst(%arg13 : memref<128x64xf32, #tpu.memory_space<vmem>>)
      %dma_start3A_352 = arith.constant 1 : i32
      %dma_start3A_353 = arith.constant 0 : i32
      %dma_start3A_354 = tpu.memref_slice %arg6[%add3A_340, %dma_start3A_352, %dma_start3A_353] : memref<80x2x128xi32, #tpu.memory_space<vmem>> -> memref<1x1x128xi32, #tpu.memory_space<vmem>>
      %dma_start3A_355 = tpu.memref_squeeze %dma_start3A_354 : memref<1x1x128xi32, #tpu.memory_space<vmem>> -> memref<128xi32, #tpu.memory_space<vmem>>
      %dma_start3A_356 = arith.constant 0 : i32
      %dma_start3A_357 = arith.constant 0 : i32
      %dma_start3A_358 = tpu.memref_slice %arg31[%dma_start3A_356, %dma_start3A_357] : memref<10112x64xf32, #tpu.memory_space<vmem_shared>> -> memref<10112x64xf32, #tpu.memory_space<vmem_shared>>
      tpu.enqueue_indirect_dma source(%arg13 : memref<128x64xf32, #tpu.memory_space<vmem>>) target(%dma_start3A_358 : memref<10112x64xf32, #tpu.memory_space<vmem_shared>>) offsets(%dma_start3A_355 : memref<128xi32, #tpu.memory_space<vmem>>) semaphore(%arg29 : memref<!tpu.dma_semaphore, #tpu.memory_space<semaphore_mem>>) {add = true}
      %add3A_359 = arith.constant 7 : i32
      %add3A_360 = arith.addi %mul3A_219, %add3A_359 : i32
      %dma_wait3A_361 = arith.constant 0 : i32
      %dma_wait3A_362 = arith.constant 0 : i32
      %dma_wait3A_363 = tpu.memref_slice %arg6[%add3A_360, %dma_wait3A_361, %dma_wait3A_362] : memref<80x2x128xi32, #tpu.memory_space<vmem>> -> memref<1x1x128xi32, #tpu.memory_space<vmem>>
      %dma_wait3A_364 = tpu.memref_squeeze %dma_wait3A_363 : memref<1x1x128xi32, #tpu.memory_space<vmem>> -> memref<128xi32, #tpu.memory_space<vmem>>
      %dma_wait3A_365 = arith.constant 0 : i32
      %dma_wait3A_366 = arith.constant 0 : i32
      %dma_wait3A_367 = tpu.memref_slice %arg2[%arg0, %dma_wait3A_365, %dma_wait3A_366] : memref<2x10000x64xf32, #tpu.memory_space<hbm>> -> memref<1x10000x64xf32, #tpu.memory_space<hbm>>
      %dma_wait3A_368 = tpu.memref_squeeze %dma_wait3A_367 : memref<1x10000x64xf32, #tpu.memory_space<hbm>> -> memref<10000x64xf32, #tpu.memory_space<hbm>>
      %dma_wait3A_369 = arith.constant 0 : i32
      %dma_wait3A_370 = arith.constant 0 : i32
      %dma_wait3A_371 = tpu.memref_slice %dma_wait3A_368[%dma_wait3A_369, %dma_wait3A_370] : memref<10000x64xf32, #tpu.memory_space<hbm>> -> memref<10000x64xf32, #tpu.memory_space<hbm>>
      tpu.wait_indirect_dma semaphore(%arg22 : memref<!tpu.dma_semaphore, #tpu.memory_space<semaphore_mem>>) src(%dma_wait3A_371 : memref<10000x64xf32, #tpu.memory_space<hbm>>) dst(%arg14 : memref<128x64xf32, #tpu.memory_space<vmem>>)
      %dma_start3A_372 = arith.constant 1 : i32
      %dma_start3A_373 = arith.constant 0 : i32
      %dma_start3A_374 = tpu.memref_slice %arg6[%add3A_360, %dma_start3A_372, %dma_start3A_373] : memref<80x2x128xi32, #tpu.memory_space<vmem>> -> memref<1x1x128xi32, #tpu.memory_space<vmem>>
      %dma_start3A_375 = tpu.memref_squeeze %dma_start3A_374 : memref<1x1x128xi32, #tpu.memory_space<vmem>> -> memref<128xi32, #tpu.memory_space<vmem>>
      %dma_start3A_376 = arith.constant 0 : i32
      %dma_start3A_377 = arith.constant 0 : i32
      %dma_start3A_378 = tpu.memref_slice %arg31[%dma_start3A_376, %dma_start3A_377] : memref<10112x64xf32, #tpu.memory_space<vmem_shared>> -> memref<10112x64xf32, #tpu.memory_space<vmem_shared>>
      tpu.enqueue_indirect_dma source(%arg14 : memref<128x64xf32, #tpu.memory_space<vmem>>) target(%dma_start3A_378 : memref<10112x64xf32, #tpu.memory_space<vmem_shared>>) offsets(%dma_start3A_375 : memref<128xi32, #tpu.memory_space<vmem>>) semaphore(%arg30 : memref<!tpu.dma_semaphore, #tpu.memory_space<semaphore_mem>>) {add = true}
      %dma_wait3A_379 = arith.constant 1 : i32
      %dma_wait3A_380 = arith.constant 0 : i32
      %dma_wait3A_381 = tpu.memref_slice %arg6[%add3A_221, %dma_wait3A_379, %dma_wait3A_380] : memref<80x2x128xi32, #tpu.memory_space<vmem>> -> memref<1x1x128xi32, #tpu.memory_space<vmem>>
      %dma_wait3A_382 = tpu.memref_squeeze %dma_wait3A_381 : memref<1x1x128xi32, #tpu.memory_space<vmem>> -> memref<128xi32, #tpu.memory_space<vmem>>
      %dma_wait3A_383 = arith.constant 0 : i32
      %dma_wait3A_384 = arith.constant 0 : i32
      %dma_wait3A_385 = tpu.memref_slice %arg31[%dma_wait3A_383, %dma_wait3A_384] : memref<10112x64xf32, #tpu.memory_space<vmem_shared>> -> memref<10112x64xf32, #tpu.memory_space<vmem_shared>>
      tpu.wait_indirect_dma semaphore(%arg23 : memref<!tpu.dma_semaphore, #tpu.memory_space<semaphore_mem>>) src(%arg7 : memref<128x64xf32, #tpu.memory_space<vmem>>) dst(%dma_wait3A_385 : memref<10112x64xf32, #tpu.memory_space<vmem_shared>>)
      %lt3A = arith.constant 9 : i32
      %lt3A_386 = arith.cmpi slt, %scan3A_217, %lt3A : i32
      %convert_element_type3A = arith.extui %lt3A_386 : i1 to i32
      %cond3A = arith.constant 0 : i32
      %cond3A_387 = arith.cmpi ne, %convert_element_type3A, %cond3A : i32
      scf.if %cond3A_387 {
        %add3A_472 = arith.constant 8 : i32
        %add3A_473 = arith.addi %mul3A_219, %add3A_472 : i32
        %add3A_474 = arith.constant 0 : i32
        %add3A_475 = arith.addi %add3A_473, %add3A_474 : i32
        %dma_start3A_476 = arith.constant 0 : i32
        %dma_start3A_477 = arith.constant 0 : i32
        %dma_start3A_478 = tpu.memref_slice %arg6[%add3A_475, %dma_start3A_476, %dma_start3A_477] : memref<80x2x128xi32, #tpu.memory_space<vmem>> -> memref<1x1x128xi32, #tpu.memory_space<vmem>>
        %dma_start3A_479 = tpu.memref_squeeze %dma_start3A_478 : memref<1x1x128xi32, #tpu.memory_space<vmem>> -> memref<128xi32, #tpu.memory_space<vmem>>
        %dma_start3A_480 = arith.constant 0 : i32
        %dma_start3A_481 = arith.constant 0 : i32
        %dma_start3A_482 = tpu.memref_slice %arg2[%arg0, %dma_start3A_480, %dma_start3A_481] : memref<2x10000x64xf32, #tpu.memory_space<hbm>> -> memref<1x10000x64xf32, #tpu.memory_space<hbm>>
        %dma_start3A_483 = tpu.memref_squeeze %dma_start3A_482 : memref<1x10000x64xf32, #tpu.memory_space<hbm>> -> memref<10000x64xf32, #tpu.memory_space<hbm>>
        %dma_start3A_484 = arith.constant 0 : i32
        %dma_start3A_485 = arith.constant 0 : i32
        %dma_start3A_486 = tpu.memref_slice %dma_start3A_483[%dma_start3A_484, %dma_start3A_485] : memref<10000x64xf32, #tpu.memory_space<hbm>> -> memref<10000x64xf32, #tpu.memory_space<hbm>>
        tpu.enqueue_indirect_dma source(%dma_start3A_486 : memref<10000x64xf32, #tpu.memory_space<hbm>>) target(%arg7 : memref<128x64xf32, #tpu.memory_space<vmem>>) offsets(%dma_start3A_479 : memref<128xi32, #tpu.memory_space<vmem>>) semaphore(%arg15 : memref<!tpu.dma_semaphore, #tpu.memory_space<semaphore_mem>>)
      } else {
      }
      %dma_wait3A_388 = arith.constant 1 : i32
      %dma_wait3A_389 = arith.constant 0 : i32
      %dma_wait3A_390 = tpu.memref_slice %arg6[%add3A_240, %dma_wait3A_388, %dma_wait3A_389] : memref<80x2x128xi32, #tpu.memory_space<vmem>> -> memref<1x1x128xi32, #tpu.memory_space<vmem>>
      %dma_wait3A_391 = tpu.memref_squeeze %dma_wait3A_390 : memref<1x1x128xi32, #tpu.memory_space<vmem>> -> memref<128xi32, #tpu.memory_space<vmem>>
      %dma_wait3A_392 = arith.constant 0 : i32
      %dma_wait3A_393 = arith.constant 0 : i32
      %dma_wait3A_394 = tpu.memref_slice %arg31[%dma_wait3A_392, %dma_wait3A_393] : memref<10112x64xf32, #tpu.memory_space<vmem_shared>> -> memref<10112x64xf32, #tpu.memory_space<vmem_shared>>
      tpu.wait_indirect_dma semaphore(%arg24 : memref<!tpu.dma_semaphore, #tpu.memory_space<semaphore_mem>>) src(%arg8 : memref<128x64xf32, #tpu.memory_space<vmem>>) dst(%dma_wait3A_394 : memref<10112x64xf32, #tpu.memory_space<vmem_shared>>)
      %lt3A_395 = arith.constant 9 : i32
      %lt3A_396 = arith.cmpi slt, %scan3A_217, %lt3A_395 : i32
      %convert_element_type3A_397 = arith.extui %lt3A_396 : i1 to i32
      %cond3A_398 = arith.constant 0 : i32
      %cond3A_399 = arith.cmpi ne, %convert_element_type3A_397, %cond3A_398 : i32
      scf.if %cond3A_399 {
        %add3A_472 = arith.constant 8 : i32
        %add3A_473 = arith.addi %mul3A_219, %add3A_472 : i32
        %add3A_474 = arith.constant 1 : i32
        %add3A_475 = arith.addi %add3A_473, %add3A_474 : i32
        %dma_start3A_476 = arith.constant 0 : i32
        %dma_start3A_477 = arith.constant 0 : i32
        %dma_start3A_478 = tpu.memref_slice %arg6[%add3A_475, %dma_start3A_476, %dma_start3A_477] : memref<80x2x128xi32, #tpu.memory_space<vmem>> -> memref<1x1x128xi32, #tpu.memory_space<vmem>>
        %dma_start3A_479 = tpu.memref_squeeze %dma_start3A_478 : memref<1x1x128xi32, #tpu.memory_space<vmem>> -> memref<128xi32, #tpu.memory_space<vmem>>
        %dma_start3A_480 = arith.constant 0 : i32
        %dma_start3A_481 = arith.constant 0 : i32
        %dma_start3A_482 = tpu.memref_slice %arg2[%arg0, %dma_start3A_480, %dma_start3A_481] : memref<2x10000x64xf32, #tpu.memory_space<hbm>> -> memref<1x10000x64xf32, #tpu.memory_space<hbm>>
        %dma_start3A_483 = tpu.memref_squeeze %dma_start3A_482 : memref<1x10000x64xf32, #tpu.memory_space<hbm>> -> memref<10000x64xf32, #tpu.memory_space<hbm>>
        %dma_start3A_484 = arith.constant 0 : i32
        %dma_start3A_485 = arith.constant 0 : i32
        %dma_start3A_486 = tpu.memref_slice %dma_start3A_483[%dma_start3A_484, %dma_start3A_485] : memref<10000x64xf32, #tpu.memory_space<hbm>> -> memref<10000x64xf32, #tpu.memory_space<hbm>>
        tpu.enqueue_indirect_dma source(%dma_start3A_486 : memref<10000x64xf32, #tpu.memory_space<hbm>>) target(%arg8 : memref<128x64xf32, #tpu.memory_space<vmem>>) offsets(%dma_start3A_479 : memref<128xi32, #tpu.memory_space<vmem>>) semaphore(%arg16 : memref<!tpu.dma_semaphore, #tpu.memory_space<semaphore_mem>>)
      } else {
      }
      %dma_wait3A_400 = arith.constant 1 : i32
      %dma_wait3A_401 = arith.constant 0 : i32
      %dma_wait3A_402 = tpu.memref_slice %arg6[%add3A_260, %dma_wait3A_400, %dma_wait3A_401] : memref<80x2x128xi32, #tpu.memory_space<vmem>> -> memref<1x1x128xi32, #tpu.memory_space<vmem>>
      %dma_wait3A_403 = tpu.memref_squeeze %dma_wait3A_402 : memref<1x1x128xi32, #tpu.memory_space<vmem>> -> memref<128xi32, #tpu.memory_space<vmem>>
      %dma_wait3A_404 = arith.constant 0 : i32
      %dma_wait3A_405 = arith.constant 0 : i32
      %dma_wait3A_406 = tpu.memref_slice %arg31[%dma_wait3A_404, %dma_wait3A_405] : memref<10112x64xf32, #tpu.memory_space<vmem_shared>> -> memref<10112x64xf32, #tpu.memory_space<vmem_shared>>
      tpu.wait_indirect_dma semaphore(%arg25 : memref<!tpu.dma_semaphore, #tpu.memory_space<semaphore_mem>>) src(%arg9 : memref<128x64xf32, #tpu.memory_space<vmem>>) dst(%dma_wait3A_406 : memref<10112x64xf32, #tpu.memory_space<vmem_shared>>)
      %lt3A_407 = arith.constant 9 : i32
      %lt3A_408 = arith.cmpi slt, %scan3A_217, %lt3A_407 : i32
      %convert_element_type3A_409 = arith.extui %lt3A_408 : i1 to i32
      %cond3A_410 = arith.constant 0 : i32
      %cond3A_411 = arith.cmpi ne, %convert_element_type3A_409, %cond3A_410 : i32
      scf.if %cond3A_411 {
        %add3A_472 = arith.constant 8 : i32
        %add3A_473 = arith.addi %mul3A_219, %add3A_472 : i32
        %add3A_474 = arith.constant 2 : i32
        %add3A_475 = arith.addi %add3A_473, %add3A_474 : i32
        %dma_start3A_476 = arith.constant 0 : i32
        %dma_start3A_477 = arith.constant 0 : i32
        %dma_start3A_478 = tpu.memref_slice %arg6[%add3A_475, %dma_start3A_476, %dma_start3A_477] : memref<80x2x128xi32, #tpu.memory_space<vmem>> -> memref<1x1x128xi32, #tpu.memory_space<vmem>>
        %dma_start3A_479 = tpu.memref_squeeze %dma_start3A_478 : memref<1x1x128xi32, #tpu.memory_space<vmem>> -> memref<128xi32, #tpu.memory_space<vmem>>
        %dma_start3A_480 = arith.constant 0 : i32
        %dma_start3A_481 = arith.constant 0 : i32
        %dma_start3A_482 = tpu.memref_slice %arg2[%arg0, %dma_start3A_480, %dma_start3A_481] : memref<2x10000x64xf32, #tpu.memory_space<hbm>> -> memref<1x10000x64xf32, #tpu.memory_space<hbm>>
        %dma_start3A_483 = tpu.memref_squeeze %dma_start3A_482 : memref<1x10000x64xf32, #tpu.memory_space<hbm>> -> memref<10000x64xf32, #tpu.memory_space<hbm>>
        %dma_start3A_484 = arith.constant 0 : i32
        %dma_start3A_485 = arith.constant 0 : i32
        %dma_start3A_486 = tpu.memref_slice %dma_start3A_483[%dma_start3A_484, %dma_start3A_485] : memref<10000x64xf32, #tpu.memory_space<hbm>> -> memref<10000x64xf32, #tpu.memory_space<hbm>>
        tpu.enqueue_indirect_dma source(%dma_start3A_486 : memref<10000x64xf32, #tpu.memory_space<hbm>>) target(%arg9 : memref<128x64xf32, #tpu.memory_space<vmem>>) offsets(%dma_start3A_479 : memref<128xi32, #tpu.memory_space<vmem>>) semaphore(%arg17 : memref<!tpu.dma_semaphore, #tpu.memory_space<semaphore_mem>>)
      } else {
      }
      %dma_wait3A_412 = arith.constant 1 : i32
      %dma_wait3A_413 = arith.constant 0 : i32
      %dma_wait3A_414 = tpu.memref_slice %arg6[%add3A_280, %dma_wait3A_412, %dma_wait3A_413] : memref<80x2x128xi32, #tpu.memory_space<vmem>> -> memref<1x1x128xi32, #tpu.memory_space<vmem>>
      %dma_wait3A_415 = tpu.memref_squeeze %dma_wait3A_414 : memref<1x1x128xi32, #tpu.memory_space<vmem>> -> memref<128xi32, #tpu.memory_space<vmem>>
      %dma_wait3A_416 = arith.constant 0 : i32
      %dma_wait3A_417 = arith.constant 0 : i32
      %dma_wait3A_418 = tpu.memref_slice %arg31[%dma_wait3A_416, %dma_wait3A_417] : memref<10112x64xf32, #tpu.memory_space<vmem_shared>> -> memref<10112x64xf32, #tpu.memory_space<vmem_shared>>
      tpu.wait_indirect_dma semaphore(%arg26 : memref<!tpu.dma_semaphore, #tpu.memory_space<semaphore_mem>>) src(%arg10 : memref<128x64xf32, #tpu.memory_space<vmem>>) dst(%dma_wait3A_418 : memref<10112x64xf32, #tpu.memory_space<vmem_shared>>)
      %lt3A_419 = arith.constant 9 : i32
      %lt3A_420 = arith.cmpi slt, %scan3A_217, %lt3A_419 : i32
      %convert_element_type3A_421 = arith.extui %lt3A_420 : i1 to i32
      %cond3A_422 = arith.constant 0 : i32
      %cond3A_423 = arith.cmpi ne, %convert_element_type3A_421, %cond3A_422 : i32
      scf.if %cond3A_423 {
        %add3A_472 = arith.constant 8 : i32
        %add3A_473 = arith.addi %mul3A_219, %add3A_472 : i32
        %add3A_474 = arith.constant 3 : i32
        %add3A_475 = arith.addi %add3A_473, %add3A_474 : i32
        %dma_start3A_476 = arith.constant 0 : i32
        %dma_start3A_477 = arith.constant 0 : i32
        %dma_start3A_478 = tpu.memref_slice %arg6[%add3A_475, %dma_start3A_476, %dma_start3A_477] : memref<80x2x128xi32, #tpu.memory_space<vmem>> -> memref<1x1x128xi32, #tpu.memory_space<vmem>>
        %dma_start3A_479 = tpu.memref_squeeze %dma_start3A_478 : memref<1x1x128xi32, #tpu.memory_space<vmem>> -> memref<128xi32, #tpu.memory_space<vmem>>
        %dma_start3A_480 = arith.constant 0 : i32
        %dma_start3A_481 = arith.constant 0 : i32
        %dma_start3A_482 = tpu.memref_slice %arg2[%arg0, %dma_start3A_480, %dma_start3A_481] : memref<2x10000x64xf32, #tpu.memory_space<hbm>> -> memref<1x10000x64xf32, #tpu.memory_space<hbm>>
        %dma_start3A_483 = tpu.memref_squeeze %dma_start3A_482 : memref<1x10000x64xf32, #tpu.memory_space<hbm>> -> memref<10000x64xf32, #tpu.memory_space<hbm>>
        %dma_start3A_484 = arith.constant 0 : i32
        %dma_start3A_485 = arith.constant 0 : i32
        %dma_start3A_486 = tpu.memref_slice %dma_start3A_483[%dma_start3A_484, %dma_start3A_485] : memref<10000x64xf32, #tpu.memory_space<hbm>> -> memref<10000x64xf32, #tpu.memory_space<hbm>>
        tpu.enqueue_indirect_dma source(%dma_start3A_486 : memref<10000x64xf32, #tpu.memory_space<hbm>>) target(%arg10 : memref<128x64xf32, #tpu.memory_space<vmem>>) offsets(%dma_start3A_479 : memref<128xi32, #tpu.memory_space<vmem>>) semaphore(%arg18 : memref<!tpu.dma_semaphore, #tpu.memory_space<semaphore_mem>>)
      } else {
      }
      %dma_wait3A_424 = arith.constant 1 : i32
      %dma_wait3A_425 = arith.constant 0 : i32
      %dma_wait3A_426 = tpu.memref_slice %arg6[%add3A_300, %dma_wait3A_424, %dma_wait3A_425] : memref<80x2x128xi32, #tpu.memory_space<vmem>> -> memref<1x1x128xi32, #tpu.memory_space<vmem>>
      %dma_wait3A_427 = tpu.memref_squeeze %dma_wait3A_426 : memref<1x1x128xi32, #tpu.memory_space<vmem>> -> memref<128xi32, #tpu.memory_space<vmem>>
      %dma_wait3A_428 = arith.constant 0 : i32
      %dma_wait3A_429 = arith.constant 0 : i32
      %dma_wait3A_430 = tpu.memref_slice %arg31[%dma_wait3A_428, %dma_wait3A_429] : memref<10112x64xf32, #tpu.memory_space<vmem_shared>> -> memref<10112x64xf32, #tpu.memory_space<vmem_shared>>
      tpu.wait_indirect_dma semaphore(%arg27 : memref<!tpu.dma_semaphore, #tpu.memory_space<semaphore_mem>>) src(%arg11 : memref<128x64xf32, #tpu.memory_space<vmem>>) dst(%dma_wait3A_430 : memref<10112x64xf32, #tpu.memory_space<vmem_shared>>)
      %lt3A_431 = arith.constant 9 : i32
      %lt3A_432 = arith.cmpi slt, %scan3A_217, %lt3A_431 : i32
      %convert_element_type3A_433 = arith.extui %lt3A_432 : i1 to i32
      %cond3A_434 = arith.constant 0 : i32
      %cond3A_435 = arith.cmpi ne, %convert_element_type3A_433, %cond3A_434 : i32
      scf.if %cond3A_435 {
        %add3A_472 = arith.constant 8 : i32
        %add3A_473 = arith.addi %mul3A_219, %add3A_472 : i32
        %add3A_474 = arith.constant 4 : i32
        %add3A_475 = arith.addi %add3A_473, %add3A_474 : i32
        %dma_start3A_476 = arith.constant 0 : i32
        %dma_start3A_477 = arith.constant 0 : i32
        %dma_start3A_478 = tpu.memref_slice %arg6[%add3A_475, %dma_start3A_476, %dma_start3A_477] : memref<80x2x128xi32, #tpu.memory_space<vmem>> -> memref<1x1x128xi32, #tpu.memory_space<vmem>>
        %dma_start3A_479 = tpu.memref_squeeze %dma_start3A_478 : memref<1x1x128xi32, #tpu.memory_space<vmem>> -> memref<128xi32, #tpu.memory_space<vmem>>
        %dma_start3A_480 = arith.constant 0 : i32
        %dma_start3A_481 = arith.constant 0 : i32
        %dma_start3A_482 = tpu.memref_slice %arg2[%arg0, %dma_start3A_480, %dma_start3A_481] : memref<2x10000x64xf32, #tpu.memory_space<hbm>> -> memref<1x10000x64xf32, #tpu.memory_space<hbm>>
        %dma_start3A_483 = tpu.memref_squeeze %dma_start3A_482 : memref<1x10000x64xf32, #tpu.memory_space<hbm>> -> memref<10000x64xf32, #tpu.memory_space<hbm>>
        %dma_start3A_484 = arith.constant 0 : i32
        %dma_start3A_485 = arith.constant 0 : i32
        %dma_start3A_486 = tpu.memref_slice %dma_start3A_483[%dma_start3A_484, %dma_start3A_485] : memref<10000x64xf32, #tpu.memory_space<hbm>> -> memref<10000x64xf32, #tpu.memory_space<hbm>>
        tpu.enqueue_indirect_dma source(%dma_start3A_486 : memref<10000x64xf32, #tpu.memory_space<hbm>>) target(%arg11 : memref<128x64xf32, #tpu.memory_space<vmem>>) offsets(%dma_start3A_479 : memref<128xi32, #tpu.memory_space<vmem>>) semaphore(%arg19 : memref<!tpu.dma_semaphore, #tpu.memory_space<semaphore_mem>>)
      } else {
      }
      %dma_wait3A_436 = arith.constant 1 : i32
      %dma_wait3A_437 = arith.constant 0 : i32
      %dma_wait3A_438 = tpu.memref_slice %arg6[%add3A_320, %dma_wait3A_436, %dma_wait3A_437] : memref<80x2x128xi32, #tpu.memory_space<vmem>> -> memref<1x1x128xi32, #tpu.memory_space<vmem>>
      %dma_wait3A_439 = tpu.memref_squeeze %dma_wait3A_438 : memref<1x1x128xi32, #tpu.memory_space<vmem>> -> memref<128xi32, #tpu.memory_space<vmem>>
      %dma_wait3A_440 = arith.constant 0 : i32
      %dma_wait3A_441 = arith.constant 0 : i32
      %dma_wait3A_442 = tpu.memref_slice %arg31[%dma_wait3A_440, %dma_wait3A_441] : memref<10112x64xf32, #tpu.memory_space<vmem_shared>> -> memref<10112x64xf32, #tpu.memory_space<vmem_shared>>
      tpu.wait_indirect_dma semaphore(%arg28 : memref<!tpu.dma_semaphore, #tpu.memory_space<semaphore_mem>>) src(%arg12 : memref<128x64xf32, #tpu.memory_space<vmem>>) dst(%dma_wait3A_442 : memref<10112x64xf32, #tpu.memory_space<vmem_shared>>)
      %lt3A_443 = arith.constant 9 : i32
      %lt3A_444 = arith.cmpi slt, %scan3A_217, %lt3A_443 : i32
      %convert_element_type3A_445 = arith.extui %lt3A_444 : i1 to i32
      %cond3A_446 = arith.constant 0 : i32
      %cond3A_447 = arith.cmpi ne, %convert_element_type3A_445, %cond3A_446 : i32
      scf.if %cond3A_447 {
        %add3A_472 = arith.constant 8 : i32
        %add3A_473 = arith.addi %mul3A_219, %add3A_472 : i32
        %add3A_474 = arith.constant 5 : i32
        %add3A_475 = arith.addi %add3A_473, %add3A_474 : i32
        %dma_start3A_476 = arith.constant 0 : i32
        %dma_start3A_477 = arith.constant 0 : i32
        %dma_start3A_478 = tpu.memref_slice %arg6[%add3A_475, %dma_start3A_476, %dma_start3A_477] : memref<80x2x128xi32, #tpu.memory_space<vmem>> -> memref<1x1x128xi32, #tpu.memory_space<vmem>>
        %dma_start3A_479 = tpu.memref_squeeze %dma_start3A_478 : memref<1x1x128xi32, #tpu.memory_space<vmem>> -> memref<128xi32, #tpu.memory_space<vmem>>
        %dma_start3A_480 = arith.constant 0 : i32
        %dma_start3A_481 = arith.constant 0 : i32
        %dma_start3A_482 = tpu.memref_slice %arg2[%arg0, %dma_start3A_480, %dma_start3A_481] : memref<2x10000x64xf32, #tpu.memory_space<hbm>> -> memref<1x10000x64xf32, #tpu.memory_space<hbm>>
        %dma_start3A_483 = tpu.memref_squeeze %dma_start3A_482 : memref<1x10000x64xf32, #tpu.memory_space<hbm>> -> memref<10000x64xf32, #tpu.memory_space<hbm>>
        %dma_start3A_484 = arith.constant 0 : i32
        %dma_start3A_485 = arith.constant 0 : i32
        %dma_start3A_486 = tpu.memref_slice %dma_start3A_483[%dma_start3A_484, %dma_start3A_485] : memref<10000x64xf32, #tpu.memory_space<hbm>> -> memref<10000x64xf32, #tpu.memory_space<hbm>>
        tpu.enqueue_indirect_dma source(%dma_start3A_486 : memref<10000x64xf32, #tpu.memory_space<hbm>>) target(%arg12 : memref<128x64xf32, #tpu.memory_space<vmem>>) offsets(%dma_start3A_479 : memref<128xi32, #tpu.memory_space<vmem>>) semaphore(%arg20 : memref<!tpu.dma_semaphore, #tpu.memory_space<semaphore_mem>>)
      } else {
      }
      %dma_wait3A_448 = arith.constant 1 : i32
      %dma_wait3A_449 = arith.constant 0 : i32
      %dma_wait3A_450 = tpu.memref_slice %arg6[%add3A_340, %dma_wait3A_448, %dma_wait3A_449] : memref<80x2x128xi32, #tpu.memory_space<vmem>> -> memref<1x1x128xi32, #tpu.memory_space<vmem>>
      %dma_wait3A_451 = tpu.memref_squeeze %dma_wait3A_450 : memref<1x1x128xi32, #tpu.memory_space<vmem>> -> memref<128xi32, #tpu.memory_space<vmem>>
      %dma_wait3A_452 = arith.constant 0 : i32
      %dma_wait3A_453 = arith.constant 0 : i32
      %dma_wait3A_454 = tpu.memref_slice %arg31[%dma_wait3A_452, %dma_wait3A_453] : memref<10112x64xf32, #tpu.memory_space<vmem_shared>> -> memref<10112x64xf32, #tpu.memory_space<vmem_shared>>
      tpu.wait_indirect_dma semaphore(%arg29 : memref<!tpu.dma_semaphore, #tpu.memory_space<semaphore_mem>>) src(%arg13 : memref<128x64xf32, #tpu.memory_space<vmem>>) dst(%dma_wait3A_454 : memref<10112x64xf32, #tpu.memory_space<vmem_shared>>)
      %lt3A_455 = arith.constant 9 : i32
      %lt3A_456 = arith.cmpi slt, %scan3A_217, %lt3A_455 : i32
      %convert_element_type3A_457 = arith.extui %lt3A_456 : i1 to i32
      %cond3A_458 = arith.constant 0 : i32
      %cond3A_459 = arith.cmpi ne, %convert_element_type3A_457, %cond3A_458 : i32
      scf.if %cond3A_459 {
        %add3A_472 = arith.constant 8 : i32
        %add3A_473 = arith.addi %mul3A_219, %add3A_472 : i32
        %add3A_474 = arith.constant 6 : i32
        %add3A_475 = arith.addi %add3A_473, %add3A_474 : i32
        %dma_start3A_476 = arith.constant 0 : i32
        %dma_start3A_477 = arith.constant 0 : i32
        %dma_start3A_478 = tpu.memref_slice %arg6[%add3A_475, %dma_start3A_476, %dma_start3A_477] : memref<80x2x128xi32, #tpu.memory_space<vmem>> -> memref<1x1x128xi32, #tpu.memory_space<vmem>>
        %dma_start3A_479 = tpu.memref_squeeze %dma_start3A_478 : memref<1x1x128xi32, #tpu.memory_space<vmem>> -> memref<128xi32, #tpu.memory_space<vmem>>
        %dma_start3A_480 = arith.constant 0 : i32
        %dma_start3A_481 = arith.constant 0 : i32
        %dma_start3A_482 = tpu.memref_slice %arg2[%arg0, %dma_start3A_480, %dma_start3A_481] : memref<2x10000x64xf32, #tpu.memory_space<hbm>> -> memref<1x10000x64xf32, #tpu.memory_space<hbm>>
        %dma_start3A_483 = tpu.memref_squeeze %dma_start3A_482 : memref<1x10000x64xf32, #tpu.memory_space<hbm>> -> memref<10000x64xf32, #tpu.memory_space<hbm>>
        %dma_start3A_484 = arith.constant 0 : i32
        %dma_start3A_485 = arith.constant 0 : i32
        %dma_start3A_486 = tpu.memref_slice %dma_start3A_483[%dma_start3A_484, %dma_start3A_485] : memref<10000x64xf32, #tpu.memory_space<hbm>> -> memref<10000x64xf32, #tpu.memory_space<hbm>>
        tpu.enqueue_indirect_dma source(%dma_start3A_486 : memref<10000x64xf32, #tpu.memory_space<hbm>>) target(%arg13 : memref<128x64xf32, #tpu.memory_space<vmem>>) offsets(%dma_start3A_479 : memref<128xi32, #tpu.memory_space<vmem>>) semaphore(%arg21 : memref<!tpu.dma_semaphore, #tpu.memory_space<semaphore_mem>>)
      } else {
      }
      %dma_wait3A_460 = arith.constant 1 : i32
      %dma_wait3A_461 = arith.constant 0 : i32
      %dma_wait3A_462 = tpu.memref_slice %arg6[%add3A_360, %dma_wait3A_460, %dma_wait3A_461] : memref<80x2x128xi32, #tpu.memory_space<vmem>> -> memref<1x1x128xi32, #tpu.memory_space<vmem>>
      %dma_wait3A_463 = tpu.memref_squeeze %dma_wait3A_462 : memref<1x1x128xi32, #tpu.memory_space<vmem>> -> memref<128xi32, #tpu.memory_space<vmem>>
      %dma_wait3A_464 = arith.constant 0 : i32
      %dma_wait3A_465 = arith.constant 0 : i32
      %dma_wait3A_466 = tpu.memref_slice %arg31[%dma_wait3A_464, %dma_wait3A_465] : memref<10112x64xf32, #tpu.memory_space<vmem_shared>> -> memref<10112x64xf32, #tpu.memory_space<vmem_shared>>
      tpu.wait_indirect_dma semaphore(%arg30 : memref<!tpu.dma_semaphore, #tpu.memory_space<semaphore_mem>>) src(%arg14 : memref<128x64xf32, #tpu.memory_space<vmem>>) dst(%dma_wait3A_466 : memref<10112x64xf32, #tpu.memory_space<vmem_shared>>)
      %lt3A_467 = arith.constant 9 : i32
      %lt3A_468 = arith.cmpi slt, %scan3A_217, %lt3A_467 : i32
      %convert_element_type3A_469 = arith.extui %lt3A_468 : i1 to i32
      %cond3A_470 = arith.constant 0 : i32
      %cond3A_471 = arith.cmpi ne, %convert_element_type3A_469, %cond3A_470 : i32
      scf.if %cond3A_471 {
        %add3A_472 = arith.constant 8 : i32
        %add3A_473 = arith.addi %mul3A_219, %add3A_472 : i32
        %add3A_474 = arith.constant 7 : i32
        %add3A_475 = arith.addi %add3A_473, %add3A_474 : i32
        %dma_start3A_476 = arith.constant 0 : i32
        %dma_start3A_477 = arith.constant 0 : i32
        %dma_start3A_478 = tpu.memref_slice %arg6[%add3A_475, %dma_start3A_476, %dma_start3A_477] : memref<80x2x128xi32, #tpu.memory_space<vmem>> -> memref<1x1x128xi32, #tpu.memory_space<vmem>>
        %dma_start3A_479 = tpu.memref_squeeze %dma_start3A_478 : memref<1x1x128xi32, #tpu.memory_space<vmem>> -> memref<128xi32, #tpu.memory_space<vmem>>
        %dma_start3A_480 = arith.constant 0 : i32
        %dma_start3A_481 = arith.constant 0 : i32
        %dma_start3A_482 = tpu.memref_slice %arg2[%arg0, %dma_start3A_480, %dma_start3A_481] : memref<2x10000x64xf32, #tpu.memory_space<hbm>> -> memref<1x10000x64xf32, #tpu.memory_space<hbm>>
        %dma_start3A_483 = tpu.memref_squeeze %dma_start3A_482 : memref<1x10000x64xf32, #tpu.memory_space<hbm>> -> memref<10000x64xf32, #tpu.memory_space<hbm>>
        %dma_start3A_484 = arith.constant 0 : i32
        %dma_start3A_485 = arith.constant 0 : i32
        %dma_start3A_486 = tpu.memref_slice %dma_start3A_483[%dma_start3A_484, %dma_start3A_485] : memref<10000x64xf32, #tpu.memory_space<hbm>> -> memref<10000x64xf32, #tpu.memory_space<hbm>>
        tpu.enqueue_indirect_dma source(%dma_start3A_486 : memref<10000x64xf32, #tpu.memory_space<hbm>>) target(%arg14 : memref<128x64xf32, #tpu.memory_space<vmem>>) offsets(%dma_start3A_479 : memref<128xi32, #tpu.memory_space<vmem>>) semaphore(%arg22 : memref<!tpu.dma_semaphore, #tpu.memory_space<semaphore_mem>>)
      } else {
      }
    }
    %scan3A_105 = arith.constant 10 : i32
    %mul3A_106 = arith.constant 160 : i32
    %mul3A_107 = arith.muli %arg1, %mul3A_106 : i32
    %add3A_108 = arith.constant 80 : i32
    %add3A_109 = arith.addi %mul3A_107, %add3A_108 : i32
    "tpu.region"() ({
      %run_scoped3A = tpu.sem_alloc : memref<!tpu.dma_semaphore, #tpu.memory_space<semaphore_mem>>
      %dma_start3A_217 = arith.constant 0 : i32
      %dma_start3A_218 = arith.constant 0 : i32
      %dma_start3A_219 = tpu.memref_slice %arg3[%add3A_109, %dma_start3A_217, %dma_start3A_218] : memref<2560x2x128xi32, #tpu.memory_space<hbm>> -> memref<80x2x128xi32, #tpu.memory_space<hbm>>
      %dma_start3A_220 = arith.constant 0 : i32
      %dma_start3A_221 = arith.constant 0 : i32
      %dma_start3A_222 = tpu.memref_slice %arg3[%add3A_109, %dma_start3A_220, %dma_start3A_221] : memref<2560x2x128xi32, #tpu.memory_space<hbm>> -> memref<80x2x128xi32, #tpu.memory_space<hbm>>
      tpu.enqueue_dma source(%dma_start3A_222 : memref<80x2x128xi32, #tpu.memory_space<hbm>>) target(%arg6 : memref<80x2x128xi32, #tpu.memory_space<vmem>>) target_semaphore(%run_scoped3A : memref<!tpu.dma_semaphore, #tpu.memory_space<semaphore_mem>>)
      %dma_wait3A = arith.constant 0 : i32
      %dma_wait3A_223 = arith.constant 0 : i32
      %dma_wait3A_224 = tpu.memref_slice %arg3[%add3A_109, %dma_wait3A, %dma_wait3A_223] : memref<2560x2x128xi32, #tpu.memory_space<hbm>> -> memref<80x2x128xi32, #tpu.memory_space<hbm>>
      %dma_wait3A_225 = arith.constant 0 : i32
      %dma_wait3A_226 = arith.constant 0 : i32
      %dma_wait3A_227 = tpu.memref_slice %arg3[%add3A_109, %dma_wait3A_225, %dma_wait3A_226] : memref<2560x2x128xi32, #tpu.memory_space<hbm>> -> memref<80x2x128xi32, #tpu.memory_space<hbm>>
      tpu.wait_dma2 semaphore(%run_scoped3A : memref<!tpu.dma_semaphore, #tpu.memory_space<semaphore_mem>>) src(%dma_wait3A_227 : memref<80x2x128xi32, #tpu.memory_space<hbm>>) dst(%arg6 : memref<80x2x128xi32, #tpu.memory_space<vmem>>)
      tpu.yield
    }) : () -> ()
    %dma_start3A_110 = arith.constant 0 : i32
    %dma_start3A_111 = arith.constant 0 : i32
    %dma_start3A_112 = arith.constant 0 : i32
    %dma_start3A_113 = tpu.memref_slice %arg6[%dma_start3A_110, %dma_start3A_111, %dma_start3A_112] : memref<80x2x128xi32, #tpu.memory_space<vmem>> -> memref<1x1x128xi32, #tpu.memory_space<vmem>>
    %dma_start3A_114 = tpu.memref_squeeze %dma_start3A_113 : memref<1x1x128xi32, #tpu.memory_space<vmem>> -> memref<128xi32, #tpu.memory_space<vmem>>
    %dma_start3A_115 = arith.constant 0 : i32
    %dma_start3A_116 = arith.constant 0 : i32
    %dma_start3A_117 = tpu.memref_slice %arg2[%arg0, %dma_start3A_115, %dma_start3A_116] : memref<2x10000x64xf32, #tpu.memory_space<hbm>> -> memref<1x10000x64xf32, #tpu.memory_space<hbm>>
    %dma_start3A_118 = tpu.memref_squeeze %dma_start3A_117 : memref<1x10000x64xf32, #tpu.memory_space<hbm>> -> memref<10000x64xf32, #tpu.memory_space<hbm>>
    %dma_start3A_119 = arith.constant 0 : i32
    %dma_start3A_120 = arith.constant 0 : i32
    %dma_start3A_121 = tpu.memref_slice %dma_start3A_118[%dma_start3A_119, %dma_start3A_120] : memref<10000x64xf32, #tpu.memory_space<hbm>> -> memref<10000x64xf32, #tpu.memory_space<hbm>>
    tpu.enqueue_indirect_dma source(%dma_start3A_121 : memref<10000x64xf32, #tpu.memory_space<hbm>>) target(%arg7 : memref<128x64xf32, #tpu.memory_space<vmem>>) offsets(%dma_start3A_114 : memref<128xi32, #tpu.memory_space<vmem>>) semaphore(%arg15 : memref<!tpu.dma_semaphore, #tpu.memory_space<semaphore_mem>>)
    %dma_start3A_122 = arith.constant 1 : i32
    %dma_start3A_123 = arith.constant 0 : i32
    %dma_start3A_124 = arith.constant 0 : i32
    %dma_start3A_125 = tpu.memref_slice %arg6[%dma_start3A_122, %dma_start3A_123, %dma_start3A_124] : memref<80x2x128xi32, #tpu.memory_space<vmem>> -> memref<1x1x128xi32, #tpu.memory_space<vmem>>
    %dma_start3A_126 = tpu.memref_squeeze %dma_start3A_125 : memref<1x1x128xi32, #tpu.memory_space<vmem>> -> memref<128xi32, #tpu.memory_space<vmem>>
    %dma_start3A_127 = arith.constant 0 : i32
    %dma_start3A_128 = arith.constant 0 : i32
    %dma_start3A_129 = tpu.memref_slice %arg2[%arg0, %dma_start3A_127, %dma_start3A_128] : memref<2x10000x64xf32, #tpu.memory_space<hbm>> -> memref<1x10000x64xf32, #tpu.memory_space<hbm>>
    %dma_start3A_130 = tpu.memref_squeeze %dma_start3A_129 : memref<1x10000x64xf32, #tpu.memory_space<hbm>> -> memref<10000x64xf32, #tpu.memory_space<hbm>>
    %dma_start3A_131 = arith.constant 0 : i32
    %dma_start3A_132 = arith.constant 0 : i32
    %dma_start3A_133 = tpu.memref_slice %dma_start3A_130[%dma_start3A_131, %dma_start3A_132] : memref<10000x64xf32, #tpu.memory_space<hbm>> -> memref<10000x64xf32, #tpu.memory_space<hbm>>
    tpu.enqueue_indirect_dma source(%dma_start3A_133 : memref<10000x64xf32, #tpu.memory_space<hbm>>) target(%arg8 : memref<128x64xf32, #tpu.memory_space<vmem>>) offsets(%dma_start3A_126 : memref<128xi32, #tpu.memory_space<vmem>>) semaphore(%arg16 : memref<!tpu.dma_semaphore, #tpu.memory_space<semaphore_mem>>)
    %dma_start3A_134 = arith.constant 2 : i32
    %dma_start3A_135 = arith.constant 0 : i32
    %dma_start3A_136 = arith.constant 0 : i32
    %dma_start3A_137 = tpu.memref_slice %arg6[%dma_start3A_134, %dma_start3A_135, %dma_start3A_136] : memref<80x2x128xi32, #tpu.memory_space<vmem>> -> memref<1x1x128xi32, #tpu.memory_space<vmem>>
    %dma_start3A_138 = tpu.memref_squeeze %dma_start3A_137 : memref<1x1x128xi32, #tpu.memory_space<vmem>> -> memref<128xi32, #tpu.memory_space<vmem>>
    %dma_start3A_139 = arith.constant 0 : i32
    %dma_start3A_140 = arith.constant 0 : i32
    %dma_start3A_141 = tpu.memref_slice %arg2[%arg0, %dma_start3A_139, %dma_start3A_140] : memref<2x10000x64xf32, #tpu.memory_space<hbm>> -> memref<1x10000x64xf32, #tpu.memory_space<hbm>>
    %dma_start3A_142 = tpu.memref_squeeze %dma_start3A_141 : memref<1x10000x64xf32, #tpu.memory_space<hbm>> -> memref<10000x64xf32, #tpu.memory_space<hbm>>
    %dma_start3A_143 = arith.constant 0 : i32
    %dma_start3A_144 = arith.constant 0 : i32
    %dma_start3A_145 = tpu.memref_slice %dma_start3A_142[%dma_start3A_143, %dma_start3A_144] : memref<10000x64xf32, #tpu.memory_space<hbm>> -> memref<10000x64xf32, #tpu.memory_space<hbm>>
    tpu.enqueue_indirect_dma source(%dma_start3A_145 : memref<10000x64xf32, #tpu.memory_space<hbm>>) target(%arg9 : memref<128x64xf32, #tpu.memory_space<vmem>>) offsets(%dma_start3A_138 : memref<128xi32, #tpu.memory_space<vmem>>) semaphore(%arg17 : memref<!tpu.dma_semaphore, #tpu.memory_space<semaphore_mem>>)
    %dma_start3A_146 = arith.constant 3 : i32
    %dma_start3A_147 = arith.constant 0 : i32
    %dma_start3A_148 = arith.constant 0 : i32
    %dma_start3A_149 = tpu.memref_slice %arg6[%dma_start3A_146, %dma_start3A_147, %dma_start3A_148] : memref<80x2x128xi32, #tpu.memory_space<vmem>> -> memref<1x1x128xi32, #tpu.memory_space<vmem>>
    %dma_start3A_150 = tpu.memref_squeeze %dma_start3A_149 : memref<1x1x128xi32, #tpu.memory_space<vmem>> -> memref<128xi32, #tpu.memory_space<vmem>>
    %dma_start3A_151 = arith.constant 0 : i32
    %dma_start3A_152 = arith.constant 0 : i32
    %dma_start3A_153 = tpu.memref_slice %arg2[%arg0, %dma_start3A_151, %dma_start3A_152] : memref<2x10000x64xf32, #tpu.memory_space<hbm>> -> memref<1x10000x64xf32, #tpu.memory_space<hbm>>
    %dma_start3A_154 = tpu.memref_squeeze %dma_start3A_153 : memref<1x10000x64xf32, #tpu.memory_space<hbm>> -> memref<10000x64xf32, #tpu.memory_space<hbm>>
    %dma_start3A_155 = arith.constant 0 : i32
    %dma_start3A_156 = arith.constant 0 : i32
    %dma_start3A_157 = tpu.memref_slice %dma_start3A_154[%dma_start3A_155, %dma_start3A_156] : memref<10000x64xf32, #tpu.memory_space<hbm>> -> memref<10000x64xf32, #tpu.memory_space<hbm>>
    tpu.enqueue_indirect_dma source(%dma_start3A_157 : memref<10000x64xf32, #tpu.memory_space<hbm>>) target(%arg10 : memref<128x64xf32, #tpu.memory_space<vmem>>) offsets(%dma_start3A_150 : memref<128xi32, #tpu.memory_space<vmem>>) semaphore(%arg18 : memref<!tpu.dma_semaphore, #tpu.memory_space<semaphore_mem>>)
    %dma_start3A_158 = arith.constant 4 : i32
    %dma_start3A_159 = arith.constant 0 : i32
    %dma_start3A_160 = arith.constant 0 : i32
    %dma_start3A_161 = tpu.memref_slice %arg6[%dma_start3A_158, %dma_start3A_159, %dma_start3A_160] : memref<80x2x128xi32, #tpu.memory_space<vmem>> -> memref<1x1x128xi32, #tpu.memory_space<vmem>>
    %dma_start3A_162 = tpu.memref_squeeze %dma_start3A_161 : memref<1x1x128xi32, #tpu.memory_space<vmem>> -> memref<128xi32, #tpu.memory_space<vmem>>
    %dma_start3A_163 = arith.constant 0 : i32
    %dma_start3A_164 = arith.constant 0 : i32
    %dma_start3A_165 = tpu.memref_slice %arg2[%arg0, %dma_start3A_163, %dma_start3A_164] : memref<2x10000x64xf32, #tpu.memory_space<hbm>> -> memref<1x10000x64xf32, #tpu.memory_space<hbm>>
    %dma_start3A_166 = tpu.memref_squeeze %dma_start3A_165 : memref<1x10000x64xf32, #tpu.memory_space<hbm>> -> memref<10000x64xf32, #tpu.memory_space<hbm>>
    %dma_start3A_167 = arith.constant 0 : i32
    %dma_start3A_168 = arith.constant 0 : i32
    %dma_start3A_169 = tpu.memref_slice %dma_start3A_166[%dma_start3A_167, %dma_start3A_168] : memref<10000x64xf32, #tpu.memory_space<hbm>> -> memref<10000x64xf32, #tpu.memory_space<hbm>>
    tpu.enqueue_indirect_dma source(%dma_start3A_169 : memref<10000x64xf32, #tpu.memory_space<hbm>>) target(%arg11 : memref<128x64xf32, #tpu.memory_space<vmem>>) offsets(%dma_start3A_162 : memref<128xi32, #tpu.memory_space<vmem>>) semaphore(%arg19 : memref<!tpu.dma_semaphore, #tpu.memory_space<semaphore_mem>>)
    %dma_start3A_170 = arith.constant 5 : i32
    %dma_start3A_171 = arith.constant 0 : i32
    %dma_start3A_172 = arith.constant 0 : i32
    %dma_start3A_173 = tpu.memref_slice %arg6[%dma_start3A_170, %dma_start3A_171, %dma_start3A_172] : memref<80x2x128xi32, #tpu.memory_space<vmem>> -> memref<1x1x128xi32, #tpu.memory_space<vmem>>
    %dma_start3A_174 = tpu.memref_squeeze %dma_start3A_173 : memref<1x1x128xi32, #tpu.memory_space<vmem>> -> memref<128xi32, #tpu.memory_space<vmem>>
    %dma_start3A_175 = arith.constant 0 : i32
    %dma_start3A_176 = arith.constant 0 : i32
    %dma_start3A_177 = tpu.memref_slice %arg2[%arg0, %dma_start3A_175, %dma_start3A_176] : memref<2x10000x64xf32, #tpu.memory_space<hbm>> -> memref<1x10000x64xf32, #tpu.memory_space<hbm>>
    %dma_start3A_178 = tpu.memref_squeeze %dma_start3A_177 : memref<1x10000x64xf32, #tpu.memory_space<hbm>> -> memref<10000x64xf32, #tpu.memory_space<hbm>>
    %dma_start3A_179 = arith.constant 0 : i32
    %dma_start3A_180 = arith.constant 0 : i32
    %dma_start3A_181 = tpu.memref_slice %dma_start3A_178[%dma_start3A_179, %dma_start3A_180] : memref<10000x64xf32, #tpu.memory_space<hbm>> -> memref<10000x64xf32, #tpu.memory_space<hbm>>
    tpu.enqueue_indirect_dma source(%dma_start3A_181 : memref<10000x64xf32, #tpu.memory_space<hbm>>) target(%arg12 : memref<128x64xf32, #tpu.memory_space<vmem>>) offsets(%dma_start3A_174 : memref<128xi32, #tpu.memory_space<vmem>>) semaphore(%arg20 : memref<!tpu.dma_semaphore, #tpu.memory_space<semaphore_mem>>)
    %dma_start3A_182 = arith.constant 6 : i32
    %dma_start3A_183 = arith.constant 0 : i32
    %dma_start3A_184 = arith.constant 0 : i32
    %dma_start3A_185 = tpu.memref_slice %arg6[%dma_start3A_182, %dma_start3A_183, %dma_start3A_184] : memref<80x2x128xi32, #tpu.memory_space<vmem>> -> memref<1x1x128xi32, #tpu.memory_space<vmem>>
    %dma_start3A_186 = tpu.memref_squeeze %dma_start3A_185 : memref<1x1x128xi32, #tpu.memory_space<vmem>> -> memref<128xi32, #tpu.memory_space<vmem>>
    %dma_start3A_187 = arith.constant 0 : i32
    %dma_start3A_188 = arith.constant 0 : i32
    %dma_start3A_189 = tpu.memref_slice %arg2[%arg0, %dma_start3A_187, %dma_start3A_188] : memref<2x10000x64xf32, #tpu.memory_space<hbm>> -> memref<1x10000x64xf32, #tpu.memory_space<hbm>>
    %dma_start3A_190 = tpu.memref_squeeze %dma_start3A_189 : memref<1x10000x64xf32, #tpu.memory_space<hbm>> -> memref<10000x64xf32, #tpu.memory_space<hbm>>
    %dma_start3A_191 = arith.constant 0 : i32
    %dma_start3A_192 = arith.constant 0 : i32
    %dma_start3A_193 = tpu.memref_slice %dma_start3A_190[%dma_start3A_191, %dma_start3A_192] : memref<10000x64xf32, #tpu.memory_space<hbm>> -> memref<10000x64xf32, #tpu.memory_space<hbm>>
    tpu.enqueue_indirect_dma source(%dma_start3A_193 : memref<10000x64xf32, #tpu.memory_space<hbm>>) target(%arg13 : memref<128x64xf32, #tpu.memory_space<vmem>>) offsets(%dma_start3A_186 : memref<128xi32, #tpu.memory_space<vmem>>) semaphore(%arg21 : memref<!tpu.dma_semaphore, #tpu.memory_space<semaphore_mem>>)
    %dma_start3A_194 = arith.constant 7 : i32
    %dma_start3A_195 = arith.constant 0 : i32
    %dma_start3A_196 = arith.constant 0 : i32
    %dma_start3A_197 = tpu.memref_slice %arg6[%dma_start3A_194, %dma_start3A_195, %dma_start3A_196] : memref<80x2x128xi32, #tpu.memory_space<vmem>> -> memref<1x1x128xi32, #tpu.memory_space<vmem>>
    %dma_start3A_198 = tpu.memref_squeeze %dma_start3A_197 : memref<1x1x128xi32, #tpu.memory_space<vmem>> -> memref<128xi32, #tpu.memory_space<vmem>>
    %dma_start3A_199 = arith.constant 0 : i32
    %dma_start3A_200 = arith.constant 0 : i32
    %dma_start3A_201 = tpu.memref_slice %arg2[%arg0, %dma_start3A_199, %dma_start3A_200] : memref<2x10000x64xf32, #tpu.memory_space<hbm>> -> memref<1x10000x64xf32, #tpu.memory_space<hbm>>
    %dma_start3A_202 = tpu.memref_squeeze %dma_start3A_201 : memref<1x10000x64xf32, #tpu.memory_space<hbm>> -> memref<10000x64xf32, #tpu.memory_space<hbm>>
    %dma_start3A_203 = arith.constant 0 : i32
    %dma_start3A_204 = arith.constant 0 : i32
    %dma_start3A_205 = tpu.memref_slice %dma_start3A_202[%dma_start3A_203, %dma_start3A_204] : memref<10000x64xf32, #tpu.memory_space<hbm>> -> memref<10000x64xf32, #tpu.memory_space<hbm>>
    tpu.enqueue_indirect_dma source(%dma_start3A_205 : memref<10000x64xf32, #tpu.memory_space<hbm>>) target(%arg14 : memref<128x64xf32, #tpu.memory_space<vmem>>) offsets(%dma_start3A_198 : memref<128xi32, #tpu.memory_space<vmem>>) semaphore(%arg22 : memref<!tpu.dma_semaphore, #tpu.memory_space<semaphore_mem>>)
    %scan3A_206 = arith.constant 0 : i32
    %scan3A_207 = arith.constant 0 : i32
    %scan3A_208 = arith.constant 10 : i32
    %scan3A_209 = arith.addi %scan3A_207, %scan3A_208 : i32
    %scan3A_210 = arith.constant 1 : i32
    scf.for %scan3A_217 = %scan3A_207 to %scan3A_209 step %scan3A_210  : i32 {
      %mul3A_218 = arith.constant 8 : i32
      %mul3A_219 = arith.muli %scan3A_217, %mul3A_218 : i32
      %add3A_220 = arith.constant 0 : i32
      %add3A_221 = arith.addi %mul3A_219, %add3A_220 : i32
      %dma_wait3A = arith.constant 0 : i32
      %dma_wait3A_222 = arith.constant 0 : i32
      %dma_wait3A_223 = tpu.memref_slice %arg6[%add3A_221, %dma_wait3A, %dma_wait3A_222] : memref<80x2x128xi32, #tpu.memory_space<vmem>> -> memref<1x1x128xi32, #tpu.memory_space<vmem>>
      %dma_wait3A_224 = tpu.memref_squeeze %dma_wait3A_223 : memref<1x1x128xi32, #tpu.memory_space<vmem>> -> memref<128xi32, #tpu.memory_space<vmem>>
      %dma_wait3A_225 = arith.constant 0 : i32
      %dma_wait3A_226 = arith.constant 0 : i32
      %dma_wait3A_227 = tpu.memref_slice %arg2[%arg0, %dma_wait3A_225, %dma_wait3A_226] : memref<2x10000x64xf32, #tpu.memory_space<hbm>> -> memref<1x10000x64xf32, #tpu.memory_space<hbm>>
      %dma_wait3A_228 = tpu.memref_squeeze %dma_wait3A_227 : memref<1x10000x64xf32, #tpu.memory_space<hbm>> -> memref<10000x64xf32, #tpu.memory_space<hbm>>
      %dma_wait3A_229 = arith.constant 0 : i32
      %dma_wait3A_230 = arith.constant 0 : i32
      %dma_wait3A_231 = tpu.memref_slice %dma_wait3A_228[%dma_wait3A_229, %dma_wait3A_230] : memref<10000x64xf32, #tpu.memory_space<hbm>> -> memref<10000x64xf32, #tpu.memory_space<hbm>>
      tpu.wait_indirect_dma semaphore(%arg15 : memref<!tpu.dma_semaphore, #tpu.memory_space<semaphore_mem>>) src(%dma_wait3A_231 : memref<10000x64xf32, #tpu.memory_space<hbm>>) dst(%arg7 : memref<128x64xf32, #tpu.memory_space<vmem>>)
      %dma_start3A_232 = arith.constant 1 : i32
      %dma_start3A_233 = arith.constant 0 : i32
      %dma_start3A_234 = tpu.memref_slice %arg6[%add3A_221, %dma_start3A_232, %dma_start3A_233] : memref<80x2x128xi32, #tpu.memory_space<vmem>> -> memref<1x1x128xi32, #tpu.memory_space<vmem>>
      %dma_start3A_235 = tpu.memref_squeeze %dma_start3A_234 : memref<1x1x128xi32, #tpu.memory_space<vmem>> -> memref<128xi32, #tpu.memory_space<vmem>>
      %dma_start3A_236 = arith.constant 0 : i32
      %dma_start3A_237 = arith.constant 0 : i32
      %dma_start3A_238 = tpu.memref_slice %arg31[%dma_start3A_236, %dma_start3A_237] : memref<10112x64xf32, #tpu.memory_space<vmem_shared>> -> memref<10112x64xf32, #tpu.memory_space<vmem_shared>>
      tpu.enqueue_indirect_dma source(%arg7 : memref<128x64xf32, #tpu.memory_space<vmem>>) target(%dma_start3A_238 : memref<10112x64xf32, #tpu.memory_space<vmem_shared>>) offsets(%dma_start3A_235 : memref<128xi32, #tpu.memory_space<vmem>>) semaphore(%arg23 : memref<!tpu.dma_semaphore, #tpu.memory_space<semaphore_mem>>) {add = true}
      %add3A_239 = arith.constant 1 : i32
      %add3A_240 = arith.addi %mul3A_219, %add3A_239 : i32
      %dma_wait3A_241 = arith.constant 0 : i32
      %dma_wait3A_242 = arith.constant 0 : i32
      %dma_wait3A_243 = tpu.memref_slice %arg6[%add3A_240, %dma_wait3A_241, %dma_wait3A_242] : memref<80x2x128xi32, #tpu.memory_space<vmem>> -> memref<1x1x128xi32, #tpu.memory_space<vmem>>
      %dma_wait3A_244 = tpu.memref_squeeze %dma_wait3A_243 : memref<1x1x128xi32, #tpu.memory_space<vmem>> -> memref<128xi32, #tpu.memory_space<vmem>>
      %dma_wait3A_245 = arith.constant 0 : i32
      %dma_wait3A_246 = arith.constant 0 : i32
      %dma_wait3A_247 = tpu.memref_slice %arg2[%arg0, %dma_wait3A_245, %dma_wait3A_246] : memref<2x10000x64xf32, #tpu.memory_space<hbm>> -> memref<1x10000x64xf32, #tpu.memory_space<hbm>>
      %dma_wait3A_248 = tpu.memref_squeeze %dma_wait3A_247 : memref<1x10000x64xf32, #tpu.memory_space<hbm>> -> memref<10000x64xf32, #tpu.memory_space<hbm>>
      %dma_wait3A_249 = arith.constant 0 : i32
      %dma_wait3A_250 = arith.constant 0 : i32
      %dma_wait3A_251 = tpu.memref_slice %dma_wait3A_248[%dma_wait3A_249, %dma_wait3A_250] : memref<10000x64xf32, #tpu.memory_space<hbm>> -> memref<10000x64xf32, #tpu.memory_space<hbm>>
      tpu.wait_indirect_dma semaphore(%arg16 : memref<!tpu.dma_semaphore, #tpu.memory_space<semaphore_mem>>) src(%dma_wait3A_251 : memref<10000x64xf32, #tpu.memory_space<hbm>>) dst(%arg8 : memref<128x64xf32, #tpu.memory_space<vmem>>)
      %dma_start3A_252 = arith.constant 1 : i32
      %dma_start3A_253 = arith.constant 0 : i32
      %dma_start3A_254 = tpu.memref_slice %arg6[%add3A_240, %dma_start3A_252, %dma_start3A_253] : memref<80x2x128xi32, #tpu.memory_space<vmem>> -> memref<1x1x128xi32, #tpu.memory_space<vmem>>
      %dma_start3A_255 = tpu.memref_squeeze %dma_start3A_254 : memref<1x1x128xi32, #tpu.memory_space<vmem>> -> memref<128xi32, #tpu.memory_space<vmem>>
      %dma_start3A_256 = arith.constant 0 : i32
      %dma_start3A_257 = arith.constant 0 : i32
      %dma_start3A_258 = tpu.memref_slice %arg31[%dma_start3A_256, %dma_start3A_257] : memref<10112x64xf32, #tpu.memory_space<vmem_shared>> -> memref<10112x64xf32, #tpu.memory_space<vmem_shared>>
      tpu.enqueue_indirect_dma source(%arg8 : memref<128x64xf32, #tpu.memory_space<vmem>>) target(%dma_start3A_258 : memref<10112x64xf32, #tpu.memory_space<vmem_shared>>) offsets(%dma_start3A_255 : memref<128xi32, #tpu.memory_space<vmem>>) semaphore(%arg24 : memref<!tpu.dma_semaphore, #tpu.memory_space<semaphore_mem>>) {add = true}
      %add3A_259 = arith.constant 2 : i32
      %add3A_260 = arith.addi %mul3A_219, %add3A_259 : i32
      %dma_wait3A_261 = arith.constant 0 : i32
      %dma_wait3A_262 = arith.constant 0 : i32
      %dma_wait3A_263 = tpu.memref_slice %arg6[%add3A_260, %dma_wait3A_261, %dma_wait3A_262] : memref<80x2x128xi32, #tpu.memory_space<vmem>> -> memref<1x1x128xi32, #tpu.memory_space<vmem>>
      %dma_wait3A_264 = tpu.memref_squeeze %dma_wait3A_263 : memref<1x1x128xi32, #tpu.memory_space<vmem>> -> memref<128xi32, #tpu.memory_space<vmem>>
      %dma_wait3A_265 = arith.constant 0 : i32
      %dma_wait3A_266 = arith.constant 0 : i32
      %dma_wait3A_267 = tpu.memref_slice %arg2[%arg0, %dma_wait3A_265, %dma_wait3A_266] : memref<2x10000x64xf32, #tpu.memory_space<hbm>> -> memref<1x10000x64xf32, #tpu.memory_space<hbm>>
      %dma_wait3A_268 = tpu.memref_squeeze %dma_wait3A_267 : memref<1x10000x64xf32, #tpu.memory_space<hbm>> -> memref<10000x64xf32, #tpu.memory_space<hbm>>
      %dma_wait3A_269 = arith.constant 0 : i32
      %dma_wait3A_270 = arith.constant 0 : i32
      %dma_wait3A_271 = tpu.memref_slice %dma_wait3A_268[%dma_wait3A_269, %dma_wait3A_270] : memref<10000x64xf32, #tpu.memory_space<hbm>> -> memref<10000x64xf32, #tpu.memory_space<hbm>>
      tpu.wait_indirect_dma semaphore(%arg17 : memref<!tpu.dma_semaphore, #tpu.memory_space<semaphore_mem>>) src(%dma_wait3A_271 : memref<10000x64xf32, #tpu.memory_space<hbm>>) dst(%arg9 : memref<128x64xf32, #tpu.memory_space<vmem>>)
      %dma_start3A_272 = arith.constant 1 : i32
      %dma_start3A_273 = arith.constant 0 : i32
      %dma_start3A_274 = tpu.memref_slice %arg6[%add3A_260, %dma_start3A_272, %dma_start3A_273] : memref<80x2x128xi32, #tpu.memory_space<vmem>> -> memref<1x1x128xi32, #tpu.memory_space<vmem>>
      %dma_start3A_275 = tpu.memref_squeeze %dma_start3A_274 : memref<1x1x128xi32, #tpu.memory_space<vmem>> -> memref<128xi32, #tpu.memory_space<vmem>>
      %dma_start3A_276 = arith.constant 0 : i32
      %dma_start3A_277 = arith.constant 0 : i32
      %dma_start3A_278 = tpu.memref_slice %arg31[%dma_start3A_276, %dma_start3A_277] : memref<10112x64xf32, #tpu.memory_space<vmem_shared>> -> memref<10112x64xf32, #tpu.memory_space<vmem_shared>>
      tpu.enqueue_indirect_dma source(%arg9 : memref<128x64xf32, #tpu.memory_space<vmem>>) target(%dma_start3A_278 : memref<10112x64xf32, #tpu.memory_space<vmem_shared>>) offsets(%dma_start3A_275 : memref<128xi32, #tpu.memory_space<vmem>>) semaphore(%arg25 : memref<!tpu.dma_semaphore, #tpu.memory_space<semaphore_mem>>) {add = true}
      %add3A_279 = arith.constant 3 : i32
      %add3A_280 = arith.addi %mul3A_219, %add3A_279 : i32
      %dma_wait3A_281 = arith.constant 0 : i32
      %dma_wait3A_282 = arith.constant 0 : i32
      %dma_wait3A_283 = tpu.memref_slice %arg6[%add3A_280, %dma_wait3A_281, %dma_wait3A_282] : memref<80x2x128xi32, #tpu.memory_space<vmem>> -> memref<1x1x128xi32, #tpu.memory_space<vmem>>
      %dma_wait3A_284 = tpu.memref_squeeze %dma_wait3A_283 : memref<1x1x128xi32, #tpu.memory_space<vmem>> -> memref<128xi32, #tpu.memory_space<vmem>>
      %dma_wait3A_285 = arith.constant 0 : i32
      %dma_wait3A_286 = arith.constant 0 : i32
      %dma_wait3A_287 = tpu.memref_slice %arg2[%arg0, %dma_wait3A_285, %dma_wait3A_286] : memref<2x10000x64xf32, #tpu.memory_space<hbm>> -> memref<1x10000x64xf32, #tpu.memory_space<hbm>>
      %dma_wait3A_288 = tpu.memref_squeeze %dma_wait3A_287 : memref<1x10000x64xf32, #tpu.memory_space<hbm>> -> memref<10000x64xf32, #tpu.memory_space<hbm>>
      %dma_wait3A_289 = arith.constant 0 : i32
      %dma_wait3A_290 = arith.constant 0 : i32
      %dma_wait3A_291 = tpu.memref_slice %dma_wait3A_288[%dma_wait3A_289, %dma_wait3A_290] : memref<10000x64xf32, #tpu.memory_space<hbm>> -> memref<10000x64xf32, #tpu.memory_space<hbm>>
      tpu.wait_indirect_dma semaphore(%arg18 : memref<!tpu.dma_semaphore, #tpu.memory_space<semaphore_mem>>) src(%dma_wait3A_291 : memref<10000x64xf32, #tpu.memory_space<hbm>>) dst(%arg10 : memref<128x64xf32, #tpu.memory_space<vmem>>)
      %dma_start3A_292 = arith.constant 1 : i32
      %dma_start3A_293 = arith.constant 0 : i32
      %dma_start3A_294 = tpu.memref_slice %arg6[%add3A_280, %dma_start3A_292, %dma_start3A_293] : memref<80x2x128xi32, #tpu.memory_space<vmem>> -> memref<1x1x128xi32, #tpu.memory_space<vmem>>
      %dma_start3A_295 = tpu.memref_squeeze %dma_start3A_294 : memref<1x1x128xi32, #tpu.memory_space<vmem>> -> memref<128xi32, #tpu.memory_space<vmem>>
      %dma_start3A_296 = arith.constant 0 : i32
      %dma_start3A_297 = arith.constant 0 : i32
      %dma_start3A_298 = tpu.memref_slice %arg31[%dma_start3A_296, %dma_start3A_297] : memref<10112x64xf32, #tpu.memory_space<vmem_shared>> -> memref<10112x64xf32, #tpu.memory_space<vmem_shared>>
      tpu.enqueue_indirect_dma source(%arg10 : memref<128x64xf32, #tpu.memory_space<vmem>>) target(%dma_start3A_298 : memref<10112x64xf32, #tpu.memory_space<vmem_shared>>) offsets(%dma_start3A_295 : memref<128xi32, #tpu.memory_space<vmem>>) semaphore(%arg26 : memref<!tpu.dma_semaphore, #tpu.memory_space<semaphore_mem>>) {add = true}
      %add3A_299 = arith.constant 4 : i32
      %add3A_300 = arith.addi %mul3A_219, %add3A_299 : i32
      %dma_wait3A_301 = arith.constant 0 : i32
      %dma_wait3A_302 = arith.constant 0 : i32
      %dma_wait3A_303 = tpu.memref_slice %arg6[%add3A_300, %dma_wait3A_301, %dma_wait3A_302] : memref<80x2x128xi32, #tpu.memory_space<vmem>> -> memref<1x1x128xi32, #tpu.memory_space<vmem>>
      %dma_wait3A_304 = tpu.memref_squeeze %dma_wait3A_303 : memref<1x1x128xi32, #tpu.memory_space<vmem>> -> memref<128xi32, #tpu.memory_space<vmem>>
      %dma_wait3A_305 = arith.constant 0 : i32
      %dma_wait3A_306 = arith.constant 0 : i32
      %dma_wait3A_307 = tpu.memref_slice %arg2[%arg0, %dma_wait3A_305, %dma_wait3A_306] : memref<2x10000x64xf32, #tpu.memory_space<hbm>> -> memref<1x10000x64xf32, #tpu.memory_space<hbm>>
      %dma_wait3A_308 = tpu.memref_squeeze %dma_wait3A_307 : memref<1x10000x64xf32, #tpu.memory_space<hbm>> -> memref<10000x64xf32, #tpu.memory_space<hbm>>
      %dma_wait3A_309 = arith.constant 0 : i32
      %dma_wait3A_310 = arith.constant 0 : i32
      %dma_wait3A_311 = tpu.memref_slice %dma_wait3A_308[%dma_wait3A_309, %dma_wait3A_310] : memref<10000x64xf32, #tpu.memory_space<hbm>> -> memref<10000x64xf32, #tpu.memory_space<hbm>>
      tpu.wait_indirect_dma semaphore(%arg19 : memref<!tpu.dma_semaphore, #tpu.memory_space<semaphore_mem>>) src(%dma_wait3A_311 : memref<10000x64xf32, #tpu.memory_space<hbm>>) dst(%arg11 : memref<128x64xf32, #tpu.memory_space<vmem>>)
      %dma_start3A_312 = arith.constant 1 : i32
      %dma_start3A_313 = arith.constant 0 : i32
      %dma_start3A_314 = tpu.memref_slice %arg6[%add3A_300, %dma_start3A_312, %dma_start3A_313] : memref<80x2x128xi32, #tpu.memory_space<vmem>> -> memref<1x1x128xi32, #tpu.memory_space<vmem>>
      %dma_start3A_315 = tpu.memref_squeeze %dma_start3A_314 : memref<1x1x128xi32, #tpu.memory_space<vmem>> -> memref<128xi32, #tpu.memory_space<vmem>>
      %dma_start3A_316 = arith.constant 0 : i32
      %dma_start3A_317 = arith.constant 0 : i32
      %dma_start3A_318 = tpu.memref_slice %arg31[%dma_start3A_316, %dma_start3A_317] : memref<10112x64xf32, #tpu.memory_space<vmem_shared>> -> memref<10112x64xf32, #tpu.memory_space<vmem_shared>>
      tpu.enqueue_indirect_dma source(%arg11 : memref<128x64xf32, #tpu.memory_space<vmem>>) target(%dma_start3A_318 : memref<10112x64xf32, #tpu.memory_space<vmem_shared>>) offsets(%dma_start3A_315 : memref<128xi32, #tpu.memory_space<vmem>>) semaphore(%arg27 : memref<!tpu.dma_semaphore, #tpu.memory_space<semaphore_mem>>) {add = true}
      %add3A_319 = arith.constant 5 : i32
      %add3A_320 = arith.addi %mul3A_219, %add3A_319 : i32
      %dma_wait3A_321 = arith.constant 0 : i32
      %dma_wait3A_322 = arith.constant 0 : i32
      %dma_wait3A_323 = tpu.memref_slice %arg6[%add3A_320, %dma_wait3A_321, %dma_wait3A_322] : memref<80x2x128xi32, #tpu.memory_space<vmem>> -> memref<1x1x128xi32, #tpu.memory_space<vmem>>
      %dma_wait3A_324 = tpu.memref_squeeze %dma_wait3A_323 : memref<1x1x128xi32, #tpu.memory_space<vmem>> -> memref<128xi32, #tpu.memory_space<vmem>>
      %dma_wait3A_325 = arith.constant 0 : i32
      %dma_wait3A_326 = arith.constant 0 : i32
      %dma_wait3A_327 = tpu.memref_slice %arg2[%arg0, %dma_wait3A_325, %dma_wait3A_326] : memref<2x10000x64xf32, #tpu.memory_space<hbm>> -> memref<1x10000x64xf32, #tpu.memory_space<hbm>>
      %dma_wait3A_328 = tpu.memref_squeeze %dma_wait3A_327 : memref<1x10000x64xf32, #tpu.memory_space<hbm>> -> memref<10000x64xf32, #tpu.memory_space<hbm>>
      %dma_wait3A_329 = arith.constant 0 : i32
      %dma_wait3A_330 = arith.constant 0 : i32
      %dma_wait3A_331 = tpu.memref_slice %dma_wait3A_328[%dma_wait3A_329, %dma_wait3A_330] : memref<10000x64xf32, #tpu.memory_space<hbm>> -> memref<10000x64xf32, #tpu.memory_space<hbm>>
      tpu.wait_indirect_dma semaphore(%arg20 : memref<!tpu.dma_semaphore, #tpu.memory_space<semaphore_mem>>) src(%dma_wait3A_331 : memref<10000x64xf32, #tpu.memory_space<hbm>>) dst(%arg12 : memref<128x64xf32, #tpu.memory_space<vmem>>)
      %dma_start3A_332 = arith.constant 1 : i32
      %dma_start3A_333 = arith.constant 0 : i32
      %dma_start3A_334 = tpu.memref_slice %arg6[%add3A_320, %dma_start3A_332, %dma_start3A_333] : memref<80x2x128xi32, #tpu.memory_space<vmem>> -> memref<1x1x128xi32, #tpu.memory_space<vmem>>
      %dma_start3A_335 = tpu.memref_squeeze %dma_start3A_334 : memref<1x1x128xi32, #tpu.memory_space<vmem>> -> memref<128xi32, #tpu.memory_space<vmem>>
      %dma_start3A_336 = arith.constant 0 : i32
      %dma_start3A_337 = arith.constant 0 : i32
      %dma_start3A_338 = tpu.memref_slice %arg31[%dma_start3A_336, %dma_start3A_337] : memref<10112x64xf32, #tpu.memory_space<vmem_shared>> -> memref<10112x64xf32, #tpu.memory_space<vmem_shared>>
      tpu.enqueue_indirect_dma source(%arg12 : memref<128x64xf32, #tpu.memory_space<vmem>>) target(%dma_start3A_338 : memref<10112x64xf32, #tpu.memory_space<vmem_shared>>) offsets(%dma_start3A_335 : memref<128xi32, #tpu.memory_space<vmem>>) semaphore(%arg28 : memref<!tpu.dma_semaphore, #tpu.memory_space<semaphore_mem>>) {add = true}
      %add3A_339 = arith.constant 6 : i32
      %add3A_340 = arith.addi %mul3A_219, %add3A_339 : i32
      %dma_wait3A_341 = arith.constant 0 : i32
      %dma_wait3A_342 = arith.constant 0 : i32
      %dma_wait3A_343 = tpu.memref_slice %arg6[%add3A_340, %dma_wait3A_341, %dma_wait3A_342] : memref<80x2x128xi32, #tpu.memory_space<vmem>> -> memref<1x1x128xi32, #tpu.memory_space<vmem>>
      %dma_wait3A_344 = tpu.memref_squeeze %dma_wait3A_343 : memref<1x1x128xi32, #tpu.memory_space<vmem>> -> memref<128xi32, #tpu.memory_space<vmem>>
      %dma_wait3A_345 = arith.constant 0 : i32
      %dma_wait3A_346 = arith.constant 0 : i32
      %dma_wait3A_347 = tpu.memref_slice %arg2[%arg0, %dma_wait3A_345, %dma_wait3A_346] : memref<2x10000x64xf32, #tpu.memory_space<hbm>> -> memref<1x10000x64xf32, #tpu.memory_space<hbm>>
      %dma_wait3A_348 = tpu.memref_squeeze %dma_wait3A_347 : memref<1x10000x64xf32, #tpu.memory_space<hbm>> -> memref<10000x64xf32, #tpu.memory_space<hbm>>
      %dma_wait3A_349 = arith.constant 0 : i32
      %dma_wait3A_350 = arith.constant 0 : i32
      %dma_wait3A_351 = tpu.memref_slice %dma_wait3A_348[%dma_wait3A_349, %dma_wait3A_350] : memref<10000x64xf32, #tpu.memory_space<hbm>> -> memref<10000x64xf32, #tpu.memory_space<hbm>>
      tpu.wait_indirect_dma semaphore(%arg21 : memref<!tpu.dma_semaphore, #tpu.memory_space<semaphore_mem>>) src(%dma_wait3A_351 : memref<10000x64xf32, #tpu.memory_space<hbm>>) dst(%arg13 : memref<128x64xf32, #tpu.memory_space<vmem>>)
      %dma_start3A_352 = arith.constant 1 : i32
      %dma_start3A_353 = arith.constant 0 : i32
      %dma_start3A_354 = tpu.memref_slice %arg6[%add3A_340, %dma_start3A_352, %dma_start3A_353] : memref<80x2x128xi32, #tpu.memory_space<vmem>> -> memref<1x1x128xi32, #tpu.memory_space<vmem>>
      %dma_start3A_355 = tpu.memref_squeeze %dma_start3A_354 : memref<1x1x128xi32, #tpu.memory_space<vmem>> -> memref<128xi32, #tpu.memory_space<vmem>>
      %dma_start3A_356 = arith.constant 0 : i32
      %dma_start3A_357 = arith.constant 0 : i32
      %dma_start3A_358 = tpu.memref_slice %arg31[%dma_start3A_356, %dma_start3A_357] : memref<10112x64xf32, #tpu.memory_space<vmem_shared>> -> memref<10112x64xf32, #tpu.memory_space<vmem_shared>>
      tpu.enqueue_indirect_dma source(%arg13 : memref<128x64xf32, #tpu.memory_space<vmem>>) target(%dma_start3A_358 : memref<10112x64xf32, #tpu.memory_space<vmem_shared>>) offsets(%dma_start3A_355 : memref<128xi32, #tpu.memory_space<vmem>>) semaphore(%arg29 : memref<!tpu.dma_semaphore, #tpu.memory_space<semaphore_mem>>) {add = true}
      %add3A_359 = arith.constant 7 : i32
      %add3A_360 = arith.addi %mul3A_219, %add3A_359 : i32
      %dma_wait3A_361 = arith.constant 0 : i32
      %dma_wait3A_362 = arith.constant 0 : i32
      %dma_wait3A_363 = tpu.memref_slice %arg6[%add3A_360, %dma_wait3A_361, %dma_wait3A_362] : memref<80x2x128xi32, #tpu.memory_space<vmem>> -> memref<1x1x128xi32, #tpu.memory_space<vmem>>
      %dma_wait3A_364 = tpu.memref_squeeze %dma_wait3A_363 : memref<1x1x128xi32, #tpu.memory_space<vmem>> -> memref<128xi32, #tpu.memory_space<vmem>>
      %dma_wait3A_365 = arith.constant 0 : i32
      %dma_wait3A_366 = arith.constant 0 : i32
      %dma_wait3A_367 = tpu.memref_slice %arg2[%arg0, %dma_wait3A_365, %dma_wait3A_366] : memref<2x10000x64xf32, #tpu.memory_space<hbm>> -> memref<1x10000x64xf32, #tpu.memory_space<hbm>>
      %dma_wait3A_368 = tpu.memref_squeeze %dma_wait3A_367 : memref<1x10000x64xf32, #tpu.memory_space<hbm>> -> memref<10000x64xf32, #tpu.memory_space<hbm>>
      %dma_wait3A_369 = arith.constant 0 : i32
      %dma_wait3A_370 = arith.constant 0 : i32
      %dma_wait3A_371 = tpu.memref_slice %dma_wait3A_368[%dma_wait3A_369, %dma_wait3A_370] : memref<10000x64xf32, #tpu.memory_space<hbm>> -> memref<10000x64xf32, #tpu.memory_space<hbm>>
      tpu.wait_indirect_dma semaphore(%arg22 : memref<!tpu.dma_semaphore, #tpu.memory_space<semaphore_mem>>) src(%dma_wait3A_371 : memref<10000x64xf32, #tpu.memory_space<hbm>>) dst(%arg14 : memref<128x64xf32, #tpu.memory_space<vmem>>)
      %dma_start3A_372 = arith.constant 1 : i32
      %dma_start3A_373 = arith.constant 0 : i32
      %dma_start3A_374 = tpu.memref_slice %arg6[%add3A_360, %dma_start3A_372, %dma_start3A_373] : memref<80x2x128xi32, #tpu.memory_space<vmem>> -> memref<1x1x128xi32, #tpu.memory_space<vmem>>
      %dma_start3A_375 = tpu.memref_squeeze %dma_start3A_374 : memref<1x1x128xi32, #tpu.memory_space<vmem>> -> memref<128xi32, #tpu.memory_space<vmem>>
      %dma_start3A_376 = arith.constant 0 : i32
      %dma_start3A_377 = arith.constant 0 : i32
      %dma_start3A_378 = tpu.memref_slice %arg31[%dma_start3A_376, %dma_start3A_377] : memref<10112x64xf32, #tpu.memory_space<vmem_shared>> -> memref<10112x64xf32, #tpu.memory_space<vmem_shared>>
      tpu.enqueue_indirect_dma source(%arg14 : memref<128x64xf32, #tpu.memory_space<vmem>>) target(%dma_start3A_378 : memref<10112x64xf32, #tpu.memory_space<vmem_shared>>) offsets(%dma_start3A_375 : memref<128xi32, #tpu.memory_space<vmem>>) semaphore(%arg30 : memref<!tpu.dma_semaphore, #tpu.memory_space<semaphore_mem>>) {add = true}
      %dma_wait3A_379 = arith.constant 1 : i32
      %dma_wait3A_380 = arith.constant 0 : i32
      %dma_wait3A_381 = tpu.memref_slice %arg6[%add3A_221, %dma_wait3A_379, %dma_wait3A_380] : memref<80x2x128xi32, #tpu.memory_space<vmem>> -> memref<1x1x128xi32, #tpu.memory_space<vmem>>
      %dma_wait3A_382 = tpu.memref_squeeze %dma_wait3A_381 : memref<1x1x128xi32, #tpu.memory_space<vmem>> -> memref<128xi32, #tpu.memory_space<vmem>>
      %dma_wait3A_383 = arith.constant 0 : i32
      %dma_wait3A_384 = arith.constant 0 : i32
      %dma_wait3A_385 = tpu.memref_slice %arg31[%dma_wait3A_383, %dma_wait3A_384] : memref<10112x64xf32, #tpu.memory_space<vmem_shared>> -> memref<10112x64xf32, #tpu.memory_space<vmem_shared>>
      tpu.wait_indirect_dma semaphore(%arg23 : memref<!tpu.dma_semaphore, #tpu.memory_space<semaphore_mem>>) src(%arg7 : memref<128x64xf32, #tpu.memory_space<vmem>>) dst(%dma_wait3A_385 : memref<10112x64xf32, #tpu.memory_space<vmem_shared>>)
      %lt3A = arith.constant 9 : i32
      %lt3A_386 = arith.cmpi slt, %scan3A_217, %lt3A : i32
      %convert_element_type3A = arith.extui %lt3A_386 : i1 to i32
      %cond3A = arith.constant 0 : i32
      %cond3A_387 = arith.cmpi ne, %convert_element_type3A, %cond3A : i32
      scf.if %cond3A_387 {
        %add3A_472 = arith.constant 8 : i32
        %add3A_473 = arith.addi %mul3A_219, %add3A_472 : i32
        %add3A_474 = arith.constant 0 : i32
        %add3A_475 = arith.addi %add3A_473, %add3A_474 : i32
        %dma_start3A_476 = arith.constant 0 : i32
        %dma_start3A_477 = arith.constant 0 : i32
        %dma_start3A_478 = tpu.memref_slice %arg6[%add3A_475, %dma_start3A_476, %dma_start3A_477] : memref<80x2x128xi32, #tpu.memory_space<vmem>> -> memref<1x1x128xi32, #tpu.memory_space<vmem>>
        %dma_start3A_479 = tpu.memref_squeeze %dma_start3A_478 : memref<1x1x128xi32, #tpu.memory_space<vmem>> -> memref<128xi32, #tpu.memory_space<vmem>>
        %dma_start3A_480 = arith.constant 0 : i32
        %dma_start3A_481 = arith.constant 0 : i32
        %dma_start3A_482 = tpu.memref_slice %arg2[%arg0, %dma_start3A_480, %dma_start3A_481] : memref<2x10000x64xf32, #tpu.memory_space<hbm>> -> memref<1x10000x64xf32, #tpu.memory_space<hbm>>
        %dma_start3A_483 = tpu.memref_squeeze %dma_start3A_482 : memref<1x10000x64xf32, #tpu.memory_space<hbm>> -> memref<10000x64xf32, #tpu.memory_space<hbm>>
        %dma_start3A_484 = arith.constant 0 : i32
        %dma_start3A_485 = arith.constant 0 : i32
        %dma_start3A_486 = tpu.memref_slice %dma_start3A_483[%dma_start3A_484, %dma_start3A_485] : memref<10000x64xf32, #tpu.memory_space<hbm>> -> memref<10000x64xf32, #tpu.memory_space<hbm>>
        tpu.enqueue_indirect_dma source(%dma_start3A_486 : memref<10000x64xf32, #tpu.memory_space<hbm>>) target(%arg7 : memref<128x64xf32, #tpu.memory_space<vmem>>) offsets(%dma_start3A_479 : memref<128xi32, #tpu.memory_space<vmem>>) semaphore(%arg15 : memref<!tpu.dma_semaphore, #tpu.memory_space<semaphore_mem>>)
      } else {
      }
      %dma_wait3A_388 = arith.constant 1 : i32
      %dma_wait3A_389 = arith.constant 0 : i32
      %dma_wait3A_390 = tpu.memref_slice %arg6[%add3A_240, %dma_wait3A_388, %dma_wait3A_389] : memref<80x2x128xi32, #tpu.memory_space<vmem>> -> memref<1x1x128xi32, #tpu.memory_space<vmem>>
      %dma_wait3A_391 = tpu.memref_squeeze %dma_wait3A_390 : memref<1x1x128xi32, #tpu.memory_space<vmem>> -> memref<128xi32, #tpu.memory_space<vmem>>
      %dma_wait3A_392 = arith.constant 0 : i32
      %dma_wait3A_393 = arith.constant 0 : i32
      %dma_wait3A_394 = tpu.memref_slice %arg31[%dma_wait3A_392, %dma_wait3A_393] : memref<10112x64xf32, #tpu.memory_space<vmem_shared>> -> memref<10112x64xf32, #tpu.memory_space<vmem_shared>>
      tpu.wait_indirect_dma semaphore(%arg24 : memref<!tpu.dma_semaphore, #tpu.memory_space<semaphore_mem>>) src(%arg8 : memref<128x64xf32, #tpu.memory_space<vmem>>) dst(%dma_wait3A_394 : memref<10112x64xf32, #tpu.memory_space<vmem_shared>>)
      %lt3A_395 = arith.constant 9 : i32
      %lt3A_396 = arith.cmpi slt, %scan3A_217, %lt3A_395 : i32
      %convert_element_type3A_397 = arith.extui %lt3A_396 : i1 to i32
      %cond3A_398 = arith.constant 0 : i32
      %cond3A_399 = arith.cmpi ne, %convert_element_type3A_397, %cond3A_398 : i32
      scf.if %cond3A_399 {
        %add3A_472 = arith.constant 8 : i32
        %add3A_473 = arith.addi %mul3A_219, %add3A_472 : i32
        %add3A_474 = arith.constant 1 : i32
        %add3A_475 = arith.addi %add3A_473, %add3A_474 : i32
        %dma_start3A_476 = arith.constant 0 : i32
        %dma_start3A_477 = arith.constant 0 : i32
        %dma_start3A_478 = tpu.memref_slice %arg6[%add3A_475, %dma_start3A_476, %dma_start3A_477] : memref<80x2x128xi32, #tpu.memory_space<vmem>> -> memref<1x1x128xi32, #tpu.memory_space<vmem>>
        %dma_start3A_479 = tpu.memref_squeeze %dma_start3A_478 : memref<1x1x128xi32, #tpu.memory_space<vmem>> -> memref<128xi32, #tpu.memory_space<vmem>>
        %dma_start3A_480 = arith.constant 0 : i32
        %dma_start3A_481 = arith.constant 0 : i32
        %dma_start3A_482 = tpu.memref_slice %arg2[%arg0, %dma_start3A_480, %dma_start3A_481] : memref<2x10000x64xf32, #tpu.memory_space<hbm>> -> memref<1x10000x64xf32, #tpu.memory_space<hbm>>
        %dma_start3A_483 = tpu.memref_squeeze %dma_start3A_482 : memref<1x10000x64xf32, #tpu.memory_space<hbm>> -> memref<10000x64xf32, #tpu.memory_space<hbm>>
        %dma_start3A_484 = arith.constant 0 : i32
        %dma_start3A_485 = arith.constant 0 : i32
        %dma_start3A_486 = tpu.memref_slice %dma_start3A_483[%dma_start3A_484, %dma_start3A_485] : memref<10000x64xf32, #tpu.memory_space<hbm>> -> memref<10000x64xf32, #tpu.memory_space<hbm>>
        tpu.enqueue_indirect_dma source(%dma_start3A_486 : memref<10000x64xf32, #tpu.memory_space<hbm>>) target(%arg8 : memref<128x64xf32, #tpu.memory_space<vmem>>) offsets(%dma_start3A_479 : memref<128xi32, #tpu.memory_space<vmem>>) semaphore(%arg16 : memref<!tpu.dma_semaphore, #tpu.memory_space<semaphore_mem>>)
      } else {
      }
      %dma_wait3A_400 = arith.constant 1 : i32
      %dma_wait3A_401 = arith.constant 0 : i32
      %dma_wait3A_402 = tpu.memref_slice %arg6[%add3A_260, %dma_wait3A_400, %dma_wait3A_401] : memref<80x2x128xi32, #tpu.memory_space<vmem>> -> memref<1x1x128xi32, #tpu.memory_space<vmem>>
      %dma_wait3A_403 = tpu.memref_squeeze %dma_wait3A_402 : memref<1x1x128xi32, #tpu.memory_space<vmem>> -> memref<128xi32, #tpu.memory_space<vmem>>
      %dma_wait3A_404 = arith.constant 0 : i32
      %dma_wait3A_405 = arith.constant 0 : i32
      %dma_wait3A_406 = tpu.memref_slice %arg31[%dma_wait3A_404, %dma_wait3A_405] : memref<10112x64xf32, #tpu.memory_space<vmem_shared>> -> memref<10112x64xf32, #tpu.memory_space<vmem_shared>>
      tpu.wait_indirect_dma semaphore(%arg25 : memref<!tpu.dma_semaphore, #tpu.memory_space<semaphore_mem>>) src(%arg9 : memref<128x64xf32, #tpu.memory_space<vmem>>) dst(%dma_wait3A_406 : memref<10112x64xf32, #tpu.memory_space<vmem_shared>>)
      %lt3A_407 = arith.constant 9 : i32
      %lt3A_408 = arith.cmpi slt, %scan3A_217, %lt3A_407 : i32
      %convert_element_type3A_409 = arith.extui %lt3A_408 : i1 to i32
      %cond3A_410 = arith.constant 0 : i32
      %cond3A_411 = arith.cmpi ne, %convert_element_type3A_409, %cond3A_410 : i32
      scf.if %cond3A_411 {
        %add3A_472 = arith.constant 8 : i32
        %add3A_473 = arith.addi %mul3A_219, %add3A_472 : i32
        %add3A_474 = arith.constant 2 : i32
        %add3A_475 = arith.addi %add3A_473, %add3A_474 : i32
        %dma_start3A_476 = arith.constant 0 : i32
        %dma_start3A_477 = arith.constant 0 : i32
        %dma_start3A_478 = tpu.memref_slice %arg6[%add3A_475, %dma_start3A_476, %dma_start3A_477] : memref<80x2x128xi32, #tpu.memory_space<vmem>> -> memref<1x1x128xi32, #tpu.memory_space<vmem>>
        %dma_start3A_479 = tpu.memref_squeeze %dma_start3A_478 : memref<1x1x128xi32, #tpu.memory_space<vmem>> -> memref<128xi32, #tpu.memory_space<vmem>>
        %dma_start3A_480 = arith.constant 0 : i32
        %dma_start3A_481 = arith.constant 0 : i32
        %dma_start3A_482 = tpu.memref_slice %arg2[%arg0, %dma_start3A_480, %dma_start3A_481] : memref<2x10000x64xf32, #tpu.memory_space<hbm>> -> memref<1x10000x64xf32, #tpu.memory_space<hbm>>
        %dma_start3A_483 = tpu.memref_squeeze %dma_start3A_482 : memref<1x10000x64xf32, #tpu.memory_space<hbm>> -> memref<10000x64xf32, #tpu.memory_space<hbm>>
        %dma_start3A_484 = arith.constant 0 : i32
        %dma_start3A_485 = arith.constant 0 : i32
        %dma_start3A_486 = tpu.memref_slice %dma_start3A_483[%dma_start3A_484, %dma_start3A_485] : memref<10000x64xf32, #tpu.memory_space<hbm>> -> memref<10000x64xf32, #tpu.memory_space<hbm>>
        tpu.enqueue_indirect_dma source(%dma_start3A_486 : memref<10000x64xf32, #tpu.memory_space<hbm>>) target(%arg9 : memref<128x64xf32, #tpu.memory_space<vmem>>) offsets(%dma_start3A_479 : memref<128xi32, #tpu.memory_space<vmem>>) semaphore(%arg17 : memref<!tpu.dma_semaphore, #tpu.memory_space<semaphore_mem>>)
      } else {
      }
      %dma_wait3A_412 = arith.constant 1 : i32
      %dma_wait3A_413 = arith.constant 0 : i32
      %dma_wait3A_414 = tpu.memref_slice %arg6[%add3A_280, %dma_wait3A_412, %dma_wait3A_413] : memref<80x2x128xi32, #tpu.memory_space<vmem>> -> memref<1x1x128xi32, #tpu.memory_space<vmem>>
      %dma_wait3A_415 = tpu.memref_squeeze %dma_wait3A_414 : memref<1x1x128xi32, #tpu.memory_space<vmem>> -> memref<128xi32, #tpu.memory_space<vmem>>
      %dma_wait3A_416 = arith.constant 0 : i32
      %dma_wait3A_417 = arith.constant 0 : i32
      %dma_wait3A_418 = tpu.memref_slice %arg31[%dma_wait3A_416, %dma_wait3A_417] : memref<10112x64xf32, #tpu.memory_space<vmem_shared>> -> memref<10112x64xf32, #tpu.memory_space<vmem_shared>>
      tpu.wait_indirect_dma semaphore(%arg26 : memref<!tpu.dma_semaphore, #tpu.memory_space<semaphore_mem>>) src(%arg10 : memref<128x64xf32, #tpu.memory_space<vmem>>) dst(%dma_wait3A_418 : memref<10112x64xf32, #tpu.memory_space<vmem_shared>>)
      %lt3A_419 = arith.constant 9 : i32
      %lt3A_420 = arith.cmpi slt, %scan3A_217, %lt3A_419 : i32
      %convert_element_type3A_421 = arith.extui %lt3A_420 : i1 to i32
      %cond3A_422 = arith.constant 0 : i32
      %cond3A_423 = arith.cmpi ne, %convert_element_type3A_421, %cond3A_422 : i32
      scf.if %cond3A_423 {
        %add3A_472 = arith.constant 8 : i32
        %add3A_473 = arith.addi %mul3A_219, %add3A_472 : i32
        %add3A_474 = arith.constant 3 : i32
        %add3A_475 = arith.addi %add3A_473, %add3A_474 : i32
        %dma_start3A_476 = arith.constant 0 : i32
        %dma_start3A_477 = arith.constant 0 : i32
        %dma_start3A_478 = tpu.memref_slice %arg6[%add3A_475, %dma_start3A_476, %dma_start3A_477] : memref<80x2x128xi32, #tpu.memory_space<vmem>> -> memref<1x1x128xi32, #tpu.memory_space<vmem>>
        %dma_start3A_479 = tpu.memref_squeeze %dma_start3A_478 : memref<1x1x128xi32, #tpu.memory_space<vmem>> -> memref<128xi32, #tpu.memory_space<vmem>>
        %dma_start3A_480 = arith.constant 0 : i32
        %dma_start3A_481 = arith.constant 0 : i32
        %dma_start3A_482 = tpu.memref_slice %arg2[%arg0, %dma_start3A_480, %dma_start3A_481] : memref<2x10000x64xf32, #tpu.memory_space<hbm>> -> memref<1x10000x64xf32, #tpu.memory_space<hbm>>
        %dma_start3A_483 = tpu.memref_squeeze %dma_start3A_482 : memref<1x10000x64xf32, #tpu.memory_space<hbm>> -> memref<10000x64xf32, #tpu.memory_space<hbm>>
        %dma_start3A_484 = arith.constant 0 : i32
        %dma_start3A_485 = arith.constant 0 : i32
        %dma_start3A_486 = tpu.memref_slice %dma_start3A_483[%dma_start3A_484, %dma_start3A_485] : memref<10000x64xf32, #tpu.memory_space<hbm>> -> memref<10000x64xf32, #tpu.memory_space<hbm>>
        tpu.enqueue_indirect_dma source(%dma_start3A_486 : memref<10000x64xf32, #tpu.memory_space<hbm>>) target(%arg10 : memref<128x64xf32, #tpu.memory_space<vmem>>) offsets(%dma_start3A_479 : memref<128xi32, #tpu.memory_space<vmem>>) semaphore(%arg18 : memref<!tpu.dma_semaphore, #tpu.memory_space<semaphore_mem>>)
      } else {
      }
      %dma_wait3A_424 = arith.constant 1 : i32
      %dma_wait3A_425 = arith.constant 0 : i32
      %dma_wait3A_426 = tpu.memref_slice %arg6[%add3A_300, %dma_wait3A_424, %dma_wait3A_425] : memref<80x2x128xi32, #tpu.memory_space<vmem>> -> memref<1x1x128xi32, #tpu.memory_space<vmem>>
      %dma_wait3A_427 = tpu.memref_squeeze %dma_wait3A_426 : memref<1x1x128xi32, #tpu.memory_space<vmem>> -> memref<128xi32, #tpu.memory_space<vmem>>
      %dma_wait3A_428 = arith.constant 0 : i32
      %dma_wait3A_429 = arith.constant 0 : i32
      %dma_wait3A_430 = tpu.memref_slice %arg31[%dma_wait3A_428, %dma_wait3A_429] : memref<10112x64xf32, #tpu.memory_space<vmem_shared>> -> memref<10112x64xf32, #tpu.memory_space<vmem_shared>>
      tpu.wait_indirect_dma semaphore(%arg27 : memref<!tpu.dma_semaphore, #tpu.memory_space<semaphore_mem>>) src(%arg11 : memref<128x64xf32, #tpu.memory_space<vmem>>) dst(%dma_wait3A_430 : memref<10112x64xf32, #tpu.memory_space<vmem_shared>>)
      %lt3A_431 = arith.constant 9 : i32
      %lt3A_432 = arith.cmpi slt, %scan3A_217, %lt3A_431 : i32
      %convert_element_type3A_433 = arith.extui %lt3A_432 : i1 to i32
      %cond3A_434 = arith.constant 0 : i32
      %cond3A_435 = arith.cmpi ne, %convert_element_type3A_433, %cond3A_434 : i32
      scf.if %cond3A_435 {
        %add3A_472 = arith.constant 8 : i32
        %add3A_473 = arith.addi %mul3A_219, %add3A_472 : i32
        %add3A_474 = arith.constant 4 : i32
        %add3A_475 = arith.addi %add3A_473, %add3A_474 : i32
        %dma_start3A_476 = arith.constant 0 : i32
        %dma_start3A_477 = arith.constant 0 : i32
        %dma_start3A_478 = tpu.memref_slice %arg6[%add3A_475, %dma_start3A_476, %dma_start3A_477] : memref<80x2x128xi32, #tpu.memory_space<vmem>> -> memref<1x1x128xi32, #tpu.memory_space<vmem>>
        %dma_start3A_479 = tpu.memref_squeeze %dma_start3A_478 : memref<1x1x128xi32, #tpu.memory_space<vmem>> -> memref<128xi32, #tpu.memory_space<vmem>>
        %dma_start3A_480 = arith.constant 0 : i32
        %dma_start3A_481 = arith.constant 0 : i32
        %dma_start3A_482 = tpu.memref_slice %arg2[%arg0, %dma_start3A_480, %dma_start3A_481] : memref<2x10000x64xf32, #tpu.memory_space<hbm>> -> memref<1x10000x64xf32, #tpu.memory_space<hbm>>
        %dma_start3A_483 = tpu.memref_squeeze %dma_start3A_482 : memref<1x10000x64xf32, #tpu.memory_space<hbm>> -> memref<10000x64xf32, #tpu.memory_space<hbm>>
        %dma_start3A_484 = arith.constant 0 : i32
        %dma_start3A_485 = arith.constant 0 : i32
        %dma_start3A_486 = tpu.memref_slice %dma_start3A_483[%dma_start3A_484, %dma_start3A_485] : memref<10000x64xf32, #tpu.memory_space<hbm>> -> memref<10000x64xf32, #tpu.memory_space<hbm>>
        tpu.enqueue_indirect_dma source(%dma_start3A_486 : memref<10000x64xf32, #tpu.memory_space<hbm>>) target(%arg11 : memref<128x64xf32, #tpu.memory_space<vmem>>) offsets(%dma_start3A_479 : memref<128xi32, #tpu.memory_space<vmem>>) semaphore(%arg19 : memref<!tpu.dma_semaphore, #tpu.memory_space<semaphore_mem>>)
      } else {
      }
      %dma_wait3A_436 = arith.constant 1 : i32
      %dma_wait3A_437 = arith.constant 0 : i32
      %dma_wait3A_438 = tpu.memref_slice %arg6[%add3A_320, %dma_wait3A_436, %dma_wait3A_437] : memref<80x2x128xi32, #tpu.memory_space<vmem>> -> memref<1x1x128xi32, #tpu.memory_space<vmem>>
      %dma_wait3A_439 = tpu.memref_squeeze %dma_wait3A_438 : memref<1x1x128xi32, #tpu.memory_space<vmem>> -> memref<128xi32, #tpu.memory_space<vmem>>
      %dma_wait3A_440 = arith.constant 0 : i32
      %dma_wait3A_441 = arith.constant 0 : i32
      %dma_wait3A_442 = tpu.memref_slice %arg31[%dma_wait3A_440, %dma_wait3A_441] : memref<10112x64xf32, #tpu.memory_space<vmem_shared>> -> memref<10112x64xf32, #tpu.memory_space<vmem_shared>>
      tpu.wait_indirect_dma semaphore(%arg28 : memref<!tpu.dma_semaphore, #tpu.memory_space<semaphore_mem>>) src(%arg12 : memref<128x64xf32, #tpu.memory_space<vmem>>) dst(%dma_wait3A_442 : memref<10112x64xf32, #tpu.memory_space<vmem_shared>>)
      %lt3A_443 = arith.constant 9 : i32
      %lt3A_444 = arith.cmpi slt, %scan3A_217, %lt3A_443 : i32
      %convert_element_type3A_445 = arith.extui %lt3A_444 : i1 to i32
      %cond3A_446 = arith.constant 0 : i32
      %cond3A_447 = arith.cmpi ne, %convert_element_type3A_445, %cond3A_446 : i32
      scf.if %cond3A_447 {
        %add3A_472 = arith.constant 8 : i32
        %add3A_473 = arith.addi %mul3A_219, %add3A_472 : i32
        %add3A_474 = arith.constant 5 : i32
        %add3A_475 = arith.addi %add3A_473, %add3A_474 : i32
        %dma_start3A_476 = arith.constant 0 : i32
        %dma_start3A_477 = arith.constant 0 : i32
        %dma_start3A_478 = tpu.memref_slice %arg6[%add3A_475, %dma_start3A_476, %dma_start3A_477] : memref<80x2x128xi32, #tpu.memory_space<vmem>> -> memref<1x1x128xi32, #tpu.memory_space<vmem>>
        %dma_start3A_479 = tpu.memref_squeeze %dma_start3A_478 : memref<1x1x128xi32, #tpu.memory_space<vmem>> -> memref<128xi32, #tpu.memory_space<vmem>>
        %dma_start3A_480 = arith.constant 0 : i32
        %dma_start3A_481 = arith.constant 0 : i32
        %dma_start3A_482 = tpu.memref_slice %arg2[%arg0, %dma_start3A_480, %dma_start3A_481] : memref<2x10000x64xf32, #tpu.memory_space<hbm>> -> memref<1x10000x64xf32, #tpu.memory_space<hbm>>
        %dma_start3A_483 = tpu.memref_squeeze %dma_start3A_482 : memref<1x10000x64xf32, #tpu.memory_space<hbm>> -> memref<10000x64xf32, #tpu.memory_space<hbm>>
        %dma_start3A_484 = arith.constant 0 : i32
        %dma_start3A_485 = arith.constant 0 : i32
        %dma_start3A_486 = tpu.memref_slice %dma_start3A_483[%dma_start3A_484, %dma_start3A_485] : memref<10000x64xf32, #tpu.memory_space<hbm>> -> memref<10000x64xf32, #tpu.memory_space<hbm>>
        tpu.enqueue_indirect_dma source(%dma_start3A_486 : memref<10000x64xf32, #tpu.memory_space<hbm>>) target(%arg12 : memref<128x64xf32, #tpu.memory_space<vmem>>) offsets(%dma_start3A_479 : memref<128xi32, #tpu.memory_space<vmem>>) semaphore(%arg20 : memref<!tpu.dma_semaphore, #tpu.memory_space<semaphore_mem>>)
      } else {
      }
      %dma_wait3A_448 = arith.constant 1 : i32
      %dma_wait3A_449 = arith.constant 0 : i32
      %dma_wait3A_450 = tpu.memref_slice %arg6[%add3A_340, %dma_wait3A_448, %dma_wait3A_449] : memref<80x2x128xi32, #tpu.memory_space<vmem>> -> memref<1x1x128xi32, #tpu.memory_space<vmem>>
      %dma_wait3A_451 = tpu.memref_squeeze %dma_wait3A_450 : memref<1x1x128xi32, #tpu.memory_space<vmem>> -> memref<128xi32, #tpu.memory_space<vmem>>
      %dma_wait3A_452 = arith.constant 0 : i32
      %dma_wait3A_453 = arith.constant 0 : i32
      %dma_wait3A_454 = tpu.memref_slice %arg31[%dma_wait3A_452, %dma_wait3A_453] : memref<10112x64xf32, #tpu.memory_space<vmem_shared>> -> memref<10112x64xf32, #tpu.memory_space<vmem_shared>>
      tpu.wait_indirect_dma semaphore(%arg29 : memref<!tpu.dma_semaphore, #tpu.memory_space<semaphore_mem>>) src(%arg13 : memref<128x64xf32, #tpu.memory_space<vmem>>) dst(%dma_wait3A_454 : memref<10112x64xf32, #tpu.memory_space<vmem_shared>>)
      %lt3A_455 = arith.constant 9 : i32
      %lt3A_456 = arith.cmpi slt, %scan3A_217, %lt3A_455 : i32
      %convert_element_type3A_457 = arith.extui %lt3A_456 : i1 to i32
      %cond3A_458 = arith.constant 0 : i32
      %cond3A_459 = arith.cmpi ne, %convert_element_type3A_457, %cond3A_458 : i32
      scf.if %cond3A_459 {
        %add3A_472 = arith.constant 8 : i32
        %add3A_473 = arith.addi %mul3A_219, %add3A_472 : i32
        %add3A_474 = arith.constant 6 : i32
        %add3A_475 = arith.addi %add3A_473, %add3A_474 : i32
        %dma_start3A_476 = arith.constant 0 : i32
        %dma_start3A_477 = arith.constant 0 : i32
        %dma_start3A_478 = tpu.memref_slice %arg6[%add3A_475, %dma_start3A_476, %dma_start3A_477] : memref<80x2x128xi32, #tpu.memory_space<vmem>> -> memref<1x1x128xi32, #tpu.memory_space<vmem>>
        %dma_start3A_479 = tpu.memref_squeeze %dma_start3A_478 : memref<1x1x128xi32, #tpu.memory_space<vmem>> -> memref<128xi32, #tpu.memory_space<vmem>>
        %dma_start3A_480 = arith.constant 0 : i32
        %dma_start3A_481 = arith.constant 0 : i32
        %dma_start3A_482 = tpu.memref_slice %arg2[%arg0, %dma_start3A_480, %dma_start3A_481] : memref<2x10000x64xf32, #tpu.memory_space<hbm>> -> memref<1x10000x64xf32, #tpu.memory_space<hbm>>
        %dma_start3A_483 = tpu.memref_squeeze %dma_start3A_482 : memref<1x10000x64xf32, #tpu.memory_space<hbm>> -> memref<10000x64xf32, #tpu.memory_space<hbm>>
        %dma_start3A_484 = arith.constant 0 : i32
        %dma_start3A_485 = arith.constant 0 : i32
        %dma_start3A_486 = tpu.memref_slice %dma_start3A_483[%dma_start3A_484, %dma_start3A_485] : memref<10000x64xf32, #tpu.memory_space<hbm>> -> memref<10000x64xf32, #tpu.memory_space<hbm>>
        tpu.enqueue_indirect_dma source(%dma_start3A_486 : memref<10000x64xf32, #tpu.memory_space<hbm>>) target(%arg13 : memref<128x64xf32, #tpu.memory_space<vmem>>) offsets(%dma_start3A_479 : memref<128xi32, #tpu.memory_space<vmem>>) semaphore(%arg21 : memref<!tpu.dma_semaphore, #tpu.memory_space<semaphore_mem>>)
      } else {
      }
      %dma_wait3A_460 = arith.constant 1 : i32
      %dma_wait3A_461 = arith.constant 0 : i32
      %dma_wait3A_462 = tpu.memref_slice %arg6[%add3A_360, %dma_wait3A_460, %dma_wait3A_461] : memref<80x2x128xi32, #tpu.memory_space<vmem>> -> memref<1x1x128xi32, #tpu.memory_space<vmem>>
      %dma_wait3A_463 = tpu.memref_squeeze %dma_wait3A_462 : memref<1x1x128xi32, #tpu.memory_space<vmem>> -> memref<128xi32, #tpu.memory_space<vmem>>
      %dma_wait3A_464 = arith.constant 0 : i32
      %dma_wait3A_465 = arith.constant 0 : i32
      %dma_wait3A_466 = tpu.memref_slice %arg31[%dma_wait3A_464, %dma_wait3A_465] : memref<10112x64xf32, #tpu.memory_space<vmem_shared>> -> memref<10112x64xf32, #tpu.memory_space<vmem_shared>>
      tpu.wait_indirect_dma semaphore(%arg30 : memref<!tpu.dma_semaphore, #tpu.memory_space<semaphore_mem>>) src(%arg14 : memref<128x64xf32, #tpu.memory_space<vmem>>) dst(%dma_wait3A_466 : memref<10112x64xf32, #tpu.memory_space<vmem_shared>>)
      %lt3A_467 = arith.constant 9 : i32
      %lt3A_468 = arith.cmpi slt, %scan3A_217, %lt3A_467 : i32
      %convert_element_type3A_469 = arith.extui %lt3A_468 : i1 to i32
      %cond3A_470 = arith.constant 0 : i32
      %cond3A_471 = arith.cmpi ne, %convert_element_type3A_469, %cond3A_470 : i32
      scf.if %cond3A_471 {
        %add3A_472 = arith.constant 8 : i32
        %add3A_473 = arith.addi %mul3A_219, %add3A_472 : i32
        %add3A_474 = arith.constant 7 : i32
        %add3A_475 = arith.addi %add3A_473, %add3A_474 : i32
        %dma_start3A_476 = arith.constant 0 : i32
        %dma_start3A_477 = arith.constant 0 : i32
        %dma_start3A_478 = tpu.memref_slice %arg6[%add3A_475, %dma_start3A_476, %dma_start3A_477] : memref<80x2x128xi32, #tpu.memory_space<vmem>> -> memref<1x1x128xi32, #tpu.memory_space<vmem>>
        %dma_start3A_479 = tpu.memref_squeeze %dma_start3A_478 : memref<1x1x128xi32, #tpu.memory_space<vmem>> -> memref<128xi32, #tpu.memory_space<vmem>>
        %dma_start3A_480 = arith.constant 0 : i32
        %dma_start3A_481 = arith.constant 0 : i32
        %dma_start3A_482 = tpu.memref_slice %arg2[%arg0, %dma_start3A_480, %dma_start3A_481] : memref<2x10000x64xf32, #tpu.memory_space<hbm>> -> memref<1x10000x64xf32, #tpu.memory_space<hbm>>
        %dma_start3A_483 = tpu.memref_squeeze %dma_start3A_482 : memref<1x10000x64xf32, #tpu.memory_space<hbm>> -> memref<10000x64xf32, #tpu.memory_space<hbm>>
        %dma_start3A_484 = arith.constant 0 : i32
        %dma_start3A_485 = arith.constant 0 : i32
        %dma_start3A_486 = tpu.memref_slice %dma_start3A_483[%dma_start3A_484, %dma_start3A_485] : memref<10000x64xf32, #tpu.memory_space<hbm>> -> memref<10000x64xf32, #tpu.memory_space<hbm>>
        tpu.enqueue_indirect_dma source(%dma_start3A_486 : memref<10000x64xf32, #tpu.memory_space<hbm>>) target(%arg14 : memref<128x64xf32, #tpu.memory_space<vmem>>) offsets(%dma_start3A_479 : memref<128xi32, #tpu.memory_space<vmem>>) semaphore(%arg22 : memref<!tpu.dma_semaphore, #tpu.memory_space<semaphore_mem>>)
      } else {
      }
    }
    %scan3A_211 = arith.constant 10 : i32
    %barrier3A_212 = arith.constant 0 : index
    tpu.barrier barrier_id(%barrier3A_212)
    %mul3A_213 = arith.constant 632 : i32
    %mul3A_214 = arith.muli %arg1, %mul3A_213 : i32
    %mul3A_215 = arith.constant 632 : i32
    %mul3A_216 = arith.muli %arg1, %mul3A_215 : i32
    "tpu.region"() ({
      %run_scoped3A = tpu.sem_alloc : memref<!tpu.dma_semaphore, #tpu.memory_space<semaphore_mem>>
      %dma_start3A_217 = arith.constant 0 : i32
      %dma_start3A_218 = tpu.memref_slice %arg5[%arg0, %mul3A_216, %dma_start3A_217] : memref<2x10112x64xf32, #tpu.memory_space<hbm>> -> memref<1x632x64xf32, #tpu.memory_space<hbm>>
      %dma_start3A_219 = tpu.memref_squeeze %dma_start3A_218 : memref<1x632x64xf32, #tpu.memory_space<hbm>> -> memref<632x64xf32, #tpu.memory_space<hbm>>
      %dma_start3A_220 = arith.constant 0 : i32
      %dma_start3A_221 = tpu.memref_slice %arg31[%mul3A_214, %dma_start3A_220] : memref<10112x64xf32, #tpu.memory_space<vmem_shared>> -> memref<632x64xf32, #tpu.memory_space<vmem_shared>>
      tpu.enqueue_dma source(%dma_start3A_221 : memref<632x64xf32, #tpu.memory_space<vmem_shared>>) target(%dma_start3A_219 : memref<632x64xf32, #tpu.memory_space<hbm>>) target_semaphore(%run_scoped3A : memref<!tpu.dma_semaphore, #tpu.memory_space<semaphore_mem>>)
      %dma_wait3A = arith.constant 0 : i32
      %dma_wait3A_222 = tpu.memref_slice %arg5[%arg0, %mul3A_216, %dma_wait3A] : memref<2x10112x64xf32, #tpu.memory_space<hbm>> -> memref<1x632x64xf32, #tpu.memory_space<hbm>>
      %dma_wait3A_223 = tpu.memref_squeeze %dma_wait3A_222 : memref<1x632x64xf32, #tpu.memory_space<hbm>> -> memref<632x64xf32, #tpu.memory_space<hbm>>
      %dma_wait3A_224 = arith.constant 0 : i32
      %dma_wait3A_225 = tpu.memref_slice %arg31[%mul3A_214, %dma_wait3A_224] : memref<10112x64xf32, #tpu.memory_space<vmem_shared>> -> memref<632x64xf32, #tpu.memory_space<vmem_shared>>
      tpu.wait_dma2 semaphore(%run_scoped3A : memref<!tpu.dma_semaphore, #tpu.memory_space<semaphore_mem>>) src(%dma_wait3A_225 : memref<632x64xf32, #tpu.memory_space<vmem_shared>>) dst(%dma_wait3A_223 : memref<632x64xf32, #tpu.memory_space<hbm>>)
      tpu.yield
    }) : () -> ()
    return
  }
}

module attributes {stable_mosaic.version = 14 : i64} {
  func.func @_tc_layer_body(%arg0: memref<2x10112x64xf32, #tpu.memory_space<vmem>>, %arg1: memref<2x10000x64xf32, #tpu.memory_space<vmem>>, %arg2: memref<1x1xf32, #tpu.memory_space<smem>>, %arg3: memref<128x128xf32, #tpu.memory_space<vmem>>, %arg4: memref<1x128xf32, #tpu.memory_space<vmem>>, %arg5: memref<128x128xf32, #tpu.memory_space<vmem>>, %arg6: memref<1x128xf32, #tpu.memory_space<vmem>>, %arg7: memref<2x10000x64xf32, #tpu.memory_space<vmem>>, %arg8: memref<1x128xf32, #tpu.memory_space<vmem>>, %arg9: memref<1x128xf32, #tpu.memory_space<vmem>>) attributes {dimension_semantics = [], scalar_prefetch = 0 : i64, scratch_operands = 0 : i64, tpu.core_type = #tpu.core_type<tc>} {
    %get3A = arith.constant 0 : index
    %get3A_0 = arith.constant 0 : index
    %get3A_1 = arith.constant 0 : index
    %get3A_2 = vector.load %arg0[%get3A, %get3A_0, %get3A_1] : memref<2x10112x64xf32, #tpu.memory_space<vmem>>, vector<1x10000x64xf32>
    %get3A_3 = vector.shape_cast %get3A_2 : vector<1x10000x64xf32> to vector<10000x64xf32>
    %get3A_4 = arith.constant 1 : index
    %get3A_5 = arith.constant 0 : index
    %get3A_6 = arith.constant 0 : index
    %get3A_7 = vector.load %arg0[%get3A_4, %get3A_5, %get3A_6] : memref<2x10112x64xf32, #tpu.memory_space<vmem>>, vector<1x10000x64xf32>
    %get3A_8 = vector.shape_cast %get3A_7 : vector<1x10000x64xf32> to vector<10000x64xf32>
    %concatenate3A = tpu.concatenate %get3A_3, %get3A_8 in 1 : vector<10000x64xf32>, vector<10000x64xf32> -> vector<10000x128xf32>
    %get3A_9 = arith.constant 0 : index
    %get3A_10 = arith.constant 0 : index
    %get3A_11 = arith.constant 0 : index
    %get3A_12 = vector.load %arg1[%get3A_9, %get3A_10, %get3A_11] : memref<2x10000x64xf32, #tpu.memory_space<vmem>>, vector<1x10000x64xf32>
    %get3A_13 = vector.shape_cast %get3A_12 : vector<1x10000x64xf32> to vector<10000x64xf32>
    %get3A_14 = arith.constant 1 : index
    %get3A_15 = arith.constant 0 : index
    %get3A_16 = arith.constant 0 : index
    %get3A_17 = vector.load %arg1[%get3A_14, %get3A_15, %get3A_16] : memref<2x10000x64xf32, #tpu.memory_space<vmem>>, vector<1x10000x64xf32>
    %get3A_18 = vector.shape_cast %get3A_17 : vector<1x10000x64xf32> to vector<10000x64xf32>
    %concatenate3A_19 = tpu.concatenate %get3A_13, %get3A_18 in 1 : vector<10000x64xf32>, vector<10000x64xf32> -> vector<10000x128xf32>
    %get3A_20 = arith.constant 0 : index
    %get3A_21 = arith.constant 0 : index
    %get3A_22 = memref.load %arg2[%get3A_20, %get3A_21] : memref<1x1xf32, #tpu.memory_space<smem>>
    %mul3A = vector.broadcast %get3A_22 : f32 to vector<10000x128xf32>
    %mul3A_23 = arith.mulf %mul3A, %concatenate3A_19 : vector<10000x128xf32>
    %add3A = arith.addf %concatenate3A, %mul3A_23 : vector<10000x128xf32>
    %get3A_24 = arith.constant 0 : index
    %get3A_25 = arith.constant 0 : index
    %get3A_26 = vector.load %arg3[%get3A_24, %get3A_25] : memref<128x128xf32, #tpu.memory_space<vmem>>, vector<128x128xf32>
    %dot_general3A = arith.constant dense<0.000000e+00> : vector<10000x128xf32>
    %dot_general3A_27 = tpu.matmul %add3A, %get3A_26, %dot_general3A {dimension_numbers = #tpu.dot_dimension_numbers<[1], [0], [0], [1], [0, 0, 1, 1], [], []>, transpose_lhs_hint = false} : vector<10000x128xf32>, vector<128x128xf32>, vector<10000x128xf32> -> vector<10000x128xf32>
    %get3A_28 = arith.constant 0 : index
    %get3A_29 = arith.constant 0 : index
    %get3A_30 = vector.load %arg4[%get3A_28, %get3A_29] : memref<1x128xf32, #tpu.memory_space<vmem>>, vector<1x128xf32>
    %add3A_31 = vector.broadcast %get3A_30 : vector<1x128xf32> to vector<10000x128xf32>
    %add3A_32 = arith.addf %dot_general3A_27, %add3A_31 : vector<10000x128xf32>
    %max3A = arith.constant 0.000000e+00 : f32
    %max3A_33 = vector.broadcast %max3A : f32 to vector<10000x128xf32>
    %max3A_34 = arith.maximumf %add3A_32, %max3A_33 : vector<10000x128xf32>
    %get3A_35 = arith.constant 0 : index
    %get3A_36 = arith.constant 0 : index
    %get3A_37 = vector.load %arg5[%get3A_35, %get3A_36] : memref<128x128xf32, #tpu.memory_space<vmem>>, vector<128x128xf32>
    %dot_general3A_38 = arith.constant dense<0.000000e+00> : vector<10000x128xf32>
    %dot_general3A_39 = tpu.matmul %max3A_34, %get3A_37, %dot_general3A_38 {dimension_numbers = #tpu.dot_dimension_numbers<[1], [0], [0], [1], [0, 0, 1, 1], [], []>, transpose_lhs_hint = false} : vector<10000x128xf32>, vector<128x128xf32>, vector<10000x128xf32> -> vector<10000x128xf32>
    %get3A_40 = arith.constant 0 : index
    %get3A_41 = arith.constant 0 : index
    %get3A_42 = vector.load %arg6[%get3A_40, %get3A_41] : memref<1x128xf32, #tpu.memory_space<vmem>>, vector<1x128xf32>
    %add3A_43 = vector.broadcast %get3A_42 : vector<1x128xf32> to vector<10000x128xf32>
    %add3A_44 = arith.addf %dot_general3A_39, %add3A_43 : vector<10000x128xf32>
    %reduce_sum3A = arith.constant dense<0.000000e+00> : vector<128xf32>
    %reduce_sum3A_45 = vector.multi_reduction <add>, %add3A_44, %reduce_sum3A [0] : vector<10000x128xf32> to vector<128xf32>
    %broadcast_in_dim3A = vector.shape_cast %reduce_sum3A_45 : vector<128xf32> to vector<1x128xf32>
    %div3A = arith.constant 1.000000e+04 : f32
    %div3A_46 = vector.broadcast %div3A : f32 to vector<1x128xf32>
    %div3A_47 = arith.divf %broadcast_in_dim3A, %div3A_46 : vector<1x128xf32>
    %mul3A_48 = arith.mulf %add3A_44, %add3A_44 : vector<10000x128xf32>
    %reduce_sum3A_49 = arith.constant dense<0.000000e+00> : vector<128xf32>
    %reduce_sum3A_50 = vector.multi_reduction <add>, %mul3A_48, %reduce_sum3A_49 [0] : vector<10000x128xf32> to vector<128xf32>
    %broadcast_in_dim3A_51 = vector.shape_cast %reduce_sum3A_50 : vector<128xf32> to vector<1x128xf32>
    %div3A_52 = arith.constant 1.000000e+04 : f32
    %div3A_53 = vector.broadcast %div3A_52 : f32 to vector<1x128xf32>
    %div3A_54 = arith.divf %broadcast_in_dim3A_51, %div3A_53 : vector<1x128xf32>
    %mul3A_55 = arith.mulf %div3A_47, %div3A_47 : vector<1x128xf32>
    %sub3A = arith.subf %div3A_54, %mul3A_55 : vector<1x128xf32>
    %sub3A_56 = vector.broadcast %div3A_47 : vector<1x128xf32> to vector<10000x128xf32>
    %sub3A_57 = arith.subf %add3A_44, %sub3A_56 : vector<10000x128xf32>
    %add3A_58 = arith.constant 9.99999974E-6 : f32
    %add3A_59 = vector.broadcast %add3A_58 : f32 to vector<1x128xf32>
    %add3A_60 = arith.addf %sub3A, %add3A_59 : vector<1x128xf32>
    %rsqrt3A = math.rsqrt %add3A_60 : vector<1x128xf32>
    %mul3A_61 = vector.broadcast %rsqrt3A : vector<1x128xf32> to vector<10000x128xf32>
    %mul3A_62 = arith.mulf %sub3A_57, %mul3A_61 : vector<10000x128xf32>
    %max3A_63 = arith.constant 0.000000e+00 : f32
    %max3A_64 = vector.broadcast %max3A_63 : f32 to vector<10000x128xf32>
    %max3A_65 = arith.maximumf %mul3A_62, %max3A_64 : vector<10000x128xf32>
    %slice3A = vector.extract_strided_slice %max3A_65 {offsets = [0, 0], sizes = [10000, 64], strides = [1, 1]} : vector<10000x128xf32> to vector<10000x64xf32>
    %swap3A = arith.constant 0 : index
    %swap3A_66 = arith.constant 0 : index
    %swap3A_67 = arith.constant 0 : index
    %swap3A_68 = vector.load %arg7[%swap3A, %swap3A_66, %swap3A_67] : memref<2x10000x64xf32, #tpu.memory_space<vmem>>, vector<1x10000x64xf32>
    %swap3A_69 = vector.shape_cast %swap3A_68 : vector<1x10000x64xf32> to vector<10000x64xf32>
    %swap3A_70 = vector.shape_cast %slice3A : vector<10000x64xf32> to vector<1x10000x64xf32>
    tpu.vector_store %arg7[%swap3A, %swap3A_66, %swap3A_67], %swap3A_70 {strides = array<i32>} : memref<2x10000x64xf32, #tpu.memory_space<vmem>>, vector<1x10000x64xf32>,
    %slice3A_71 = vector.extract_strided_slice %max3A_65 {offsets = [0, 64], sizes = [10000, 64], strides = [1, 1]} : vector<10000x128xf32> to vector<10000x64xf32>
    %swap3A_72 = arith.constant 1 : index
    %swap3A_73 = arith.constant 0 : index
    %swap3A_74 = arith.constant 0 : index
    %swap3A_75 = vector.load %arg7[%swap3A_72, %swap3A_73, %swap3A_74] : memref<2x10000x64xf32, #tpu.memory_space<vmem>>, vector<1x10000x64xf32>
    %swap3A_76 = vector.shape_cast %swap3A_75 : vector<1x10000x64xf32> to vector<10000x64xf32>
    %swap3A_77 = vector.shape_cast %slice3A_71 : vector<10000x64xf32> to vector<1x10000x64xf32>
    tpu.vector_store %arg7[%swap3A_72, %swap3A_73, %swap3A_74], %swap3A_77 {strides = array<i32>} : memref<2x10000x64xf32, #tpu.memory_space<vmem>>, vector<1x10000x64xf32>,
    %reduce_sum3A_78 = arith.constant dense<0.000000e+00> : vector<128xf32>
    %reduce_sum3A_79 = vector.multi_reduction <add>, %concatenate3A_19, %reduce_sum3A_78 [0] : vector<10000x128xf32> to vector<128xf32>
    %broadcast_in_dim3A_80 = vector.shape_cast %reduce_sum3A_79 : vector<128xf32> to vector<1x128xf32>
    %swap3A_81 = arith.constant 0 : index
    %swap3A_82 = arith.constant 0 : index
    %swap3A_83 = vector.load %arg8[%swap3A_81, %swap3A_82] : memref<1x128xf32, #tpu.memory_space<vmem>>, vector<1x128xf32>
    tpu.vector_store %arg8[%swap3A_81, %swap3A_82], %broadcast_in_dim3A_80 {strides = array<i32>} : memref<1x128xf32, #tpu.memory_space<vmem>>, vector<1x128xf32>,
    %reduce_sum3A_84 = arith.constant dense<0.000000e+00> : vector<128xf32>
    %reduce_sum3A_85 = vector.multi_reduction <add>, %max3A_65, %reduce_sum3A_84 [0] : vector<10000x128xf32> to vector<128xf32>
    %broadcast_in_dim3A_86 = vector.shape_cast %reduce_sum3A_85 : vector<128xf32> to vector<1x128xf32>
    %swap3A_87 = arith.constant 0 : index
    %swap3A_88 = arith.constant 0 : index
    %swap3A_89 = vector.load %arg9[%swap3A_87, %swap3A_88] : memref<1x128xf32, #tpu.memory_space<vmem>>, vector<1x128xf32>
    tpu.vector_store %arg9[%swap3A_87, %swap3A_88], %broadcast_in_dim3A_86 {strides = array<i32>} : memref<1x128xf32, #tpu.memory_space<vmem>>, vector<1x128xf32>,
    return
  }
}

module attributes {stable_mosaic.version = 14 : i64} {
  func.func @_tc_layer2_body(%arg0: memref<2x10112x64xf32, #tpu.memory_space<vmem>>, %arg1: memref<2x10000x64xf32, #tpu.memory_space<vmem>>, %arg2: memref<1x1xf32, #tpu.memory_space<smem>>, %arg3: memref<128x128xf32, #tpu.memory_space<vmem>>, %arg4: memref<1x128xf32, #tpu.memory_space<vmem>>, %arg5: memref<128x128xf32, #tpu.memory_space<vmem>>, %arg6: memref<1x128xf32, #tpu.memory_space<vmem>>, %arg7: memref<1x128xf32, #tpu.memory_space<vmem>>, %arg8: memref<1x128xf32, #tpu.memory_space<vmem>>, %arg9: memref<3x128x128xf32, #tpu.memory_space<vmem>>, %arg10: memref<1x128xf32, #tpu.memory_space<vmem>>, %arg11: memref<1x128xf32, #tpu.memory_space<vmem>>) attributes {dimension_semantics = [], scalar_prefetch = 0 : i64, scratch_operands = 0 : i64, tpu.core_type = #tpu.core_type<tc>} {
    %get3A = arith.constant 0 : index
    %get3A_0 = arith.constant 0 : index
    %get3A_1 = arith.constant 0 : index
    %get3A_2 = vector.load %arg0[%get3A, %get3A_0, %get3A_1] : memref<2x10112x64xf32, #tpu.memory_space<vmem>>, vector<1x10000x64xf32>
    %get3A_3 = vector.shape_cast %get3A_2 : vector<1x10000x64xf32> to vector<10000x64xf32>
    %get3A_4 = arith.constant 1 : index
    %get3A_5 = arith.constant 0 : index
    %get3A_6 = arith.constant 0 : index
    %get3A_7 = vector.load %arg0[%get3A_4, %get3A_5, %get3A_6] : memref<2x10112x64xf32, #tpu.memory_space<vmem>>, vector<1x10000x64xf32>
    %get3A_8 = vector.shape_cast %get3A_7 : vector<1x10000x64xf32> to vector<10000x64xf32>
    %concatenate3A = tpu.concatenate %get3A_3, %get3A_8 in 1 : vector<10000x64xf32>, vector<10000x64xf32> -> vector<10000x128xf32>
    %get3A_9 = arith.constant 0 : index
    %get3A_10 = arith.constant 0 : index
    %get3A_11 = arith.constant 0 : index
    %get3A_12 = vector.load %arg1[%get3A_9, %get3A_10, %get3A_11] : memref<2x10000x64xf32, #tpu.memory_space<vmem>>, vector<1x10000x64xf32>
    %get3A_13 = vector.shape_cast %get3A_12 : vector<1x10000x64xf32> to vector<10000x64xf32>
    %get3A_14 = arith.constant 1 : index
    %get3A_15 = arith.constant 0 : index
    %get3A_16 = arith.constant 0 : index
    %get3A_17 = vector.load %arg1[%get3A_14, %get3A_15, %get3A_16] : memref<2x10000x64xf32, #tpu.memory_space<vmem>>, vector<1x10000x64xf32>
    %get3A_18 = vector.shape_cast %get3A_17 : vector<1x10000x64xf32> to vector<10000x64xf32>
    %concatenate3A_19 = tpu.concatenate %get3A_13, %get3A_18 in 1 : vector<10000x64xf32>, vector<10000x64xf32> -> vector<10000x128xf32>
    %get3A_20 = arith.constant 0 : index
    %get3A_21 = arith.constant 0 : index
    %get3A_22 = memref.load %arg2[%get3A_20, %get3A_21] : memref<1x1xf32, #tpu.memory_space<smem>>
    %mul3A = vector.broadcast %get3A_22 : f32 to vector<10000x128xf32>
    %mul3A_23 = arith.mulf %mul3A, %concatenate3A_19 : vector<10000x128xf32>
    %add3A = arith.addf %concatenate3A, %mul3A_23 : vector<10000x128xf32>
    %get3A_24 = arith.constant 0 : index
    %get3A_25 = arith.constant 0 : index
    %get3A_26 = vector.load %arg3[%get3A_24, %get3A_25] : memref<128x128xf32, #tpu.memory_space<vmem>>, vector<128x128xf32>
    %dot_general3A = arith.constant dense<0.000000e+00> : vector<10000x128xf32>
    %dot_general3A_27 = tpu.matmul %add3A, %get3A_26, %dot_general3A {dimension_numbers = #tpu.dot_dimension_numbers<[1], [0], [0], [1], [0, 0, 1, 1], [], []>, transpose_lhs_hint = false} : vector<10000x128xf32>, vector<128x128xf32>, vector<10000x128xf32> -> vector<10000x128xf32>
    %get3A_28 = arith.constant 0 : index
    %get3A_29 = arith.constant 0 : index
    %get3A_30 = vector.load %arg4[%get3A_28, %get3A_29] : memref<1x128xf32, #tpu.memory_space<vmem>>, vector<1x128xf32>
    %add3A_31 = vector.broadcast %get3A_30 : vector<1x128xf32> to vector<10000x128xf32>
    %add3A_32 = arith.addf %dot_general3A_27, %add3A_31 : vector<10000x128xf32>
    %max3A = arith.constant 0.000000e+00 : f32
    %max3A_33 = vector.broadcast %max3A : f32 to vector<10000x128xf32>
    %max3A_34 = arith.maximumf %add3A_32, %max3A_33 : vector<10000x128xf32>
    %get3A_35 = arith.constant 0 : index
    %get3A_36 = arith.constant 0 : index
    %get3A_37 = vector.load %arg5[%get3A_35, %get3A_36] : memref<128x128xf32, #tpu.memory_space<vmem>>, vector<128x128xf32>
    %dot_general3A_38 = arith.constant dense<0.000000e+00> : vector<10000x128xf32>
    %dot_general3A_39 = tpu.matmul %max3A_34, %get3A_37, %dot_general3A_38 {dimension_numbers = #tpu.dot_dimension_numbers<[1], [0], [0], [1], [0, 0, 1, 1], [], []>, transpose_lhs_hint = false} : vector<10000x128xf32>, vector<128x128xf32>, vector<10000x128xf32> -> vector<10000x128xf32>
    %get3A_40 = arith.constant 0 : index
    %get3A_41 = arith.constant 0 : index
    %get3A_42 = vector.load %arg6[%get3A_40, %get3A_41] : memref<1x128xf32, #tpu.memory_space<vmem>>, vector<1x128xf32>
    %add3A_43 = vector.broadcast %get3A_42 : vector<1x128xf32> to vector<10000x128xf32>
    %add3A_44 = arith.addf %dot_general3A_39, %add3A_43 : vector<10000x128xf32>
    %reduce_sum3A = arith.constant dense<0.000000e+00> : vector<128xf32>
    %reduce_sum3A_45 = vector.multi_reduction <add>, %add3A_44, %reduce_sum3A [0] : vector<10000x128xf32> to vector<128xf32>
    %broadcast_in_dim3A = vector.shape_cast %reduce_sum3A_45 : vector<128xf32> to vector<1x128xf32>
    %div3A = arith.constant 1.000000e+04 : f32
    %div3A_46 = vector.broadcast %div3A : f32 to vector<1x128xf32>
    %div3A_47 = arith.divf %broadcast_in_dim3A, %div3A_46 : vector<1x128xf32>
    %mul3A_48 = arith.mulf %add3A_44, %add3A_44 : vector<10000x128xf32>
    %reduce_sum3A_49 = arith.constant dense<0.000000e+00> : vector<128xf32>
    %reduce_sum3A_50 = vector.multi_reduction <add>, %mul3A_48, %reduce_sum3A_49 [0] : vector<10000x128xf32> to vector<128xf32>
    %broadcast_in_dim3A_51 = vector.shape_cast %reduce_sum3A_50 : vector<128xf32> to vector<1x128xf32>
    %div3A_52 = arith.constant 1.000000e+04 : f32
    %div3A_53 = vector.broadcast %div3A_52 : f32 to vector<1x128xf32>
    %div3A_54 = arith.divf %broadcast_in_dim3A_51, %div3A_53 : vector<1x128xf32>
    %mul3A_55 = arith.mulf %div3A_47, %div3A_47 : vector<1x128xf32>
    %sub3A = arith.subf %div3A_54, %mul3A_55 : vector<1x128xf32>
    %sub3A_56 = vector.broadcast %div3A_47 : vector<1x128xf32> to vector<10000x128xf32>
    %sub3A_57 = arith.subf %add3A_44, %sub3A_56 : vector<10000x128xf32>
    %add3A_58 = arith.constant 9.99999974E-6 : f32
    %add3A_59 = vector.broadcast %add3A_58 : f32 to vector<1x128xf32>
    %add3A_60 = arith.addf %sub3A, %add3A_59 : vector<1x128xf32>
    %rsqrt3A = math.rsqrt %add3A_60 : vector<1x128xf32>
    %mul3A_61 = vector.broadcast %rsqrt3A : vector<1x128xf32> to vector<10000x128xf32>
    %mul3A_62 = arith.mulf %sub3A_57, %mul3A_61 : vector<10000x128xf32>
    %max3A_63 = arith.constant 0.000000e+00 : f32
    %max3A_64 = vector.broadcast %max3A_63 : f32 to vector<10000x128xf32>
    %max3A_65 = arith.maximumf %mul3A_62, %max3A_64 : vector<10000x128xf32>
    %reduce_sum3A_66 = arith.constant dense<0.000000e+00> : vector<128xf32>
    %reduce_sum3A_67 = vector.multi_reduction <add>, %max3A_65, %reduce_sum3A_66 [0] : vector<10000x128xf32> to vector<128xf32>
    %broadcast_in_dim3A_68 = vector.shape_cast %reduce_sum3A_67 : vector<128xf32> to vector<1x128xf32>
    %get3A_69 = arith.constant 0 : index
    %get3A_70 = arith.constant 0 : index
    %get3A_71 = vector.load %arg7[%get3A_69, %get3A_70] : memref<1x128xf32, #tpu.memory_space<vmem>>, vector<1x128xf32>
    %get3A_72 = arith.constant 0 : index
    %get3A_73 = arith.constant 0 : index
    %get3A_74 = arith.constant 0 : index
    %get3A_75 = vector.load %arg9[%get3A_72, %get3A_73, %get3A_74] : memref<3x128x128xf32, #tpu.memory_space<vmem>>, vector<1x128x128xf32>
    %get3A_76 = vector.shape_cast %get3A_75 : vector<1x128x128xf32> to vector<128x128xf32>
    %dot_general3A_77 = arith.constant dense<0.000000e+00> : vector<1x128xf32>
    %dot_general3A_78 = tpu.matmul %get3A_71, %get3A_76, %dot_general3A_77 {dimension_numbers = #tpu.dot_dimension_numbers<[1], [0], [0], [1], [0, 0, 1, 1], [], []>, transpose_lhs_hint = false} : vector<1x128xf32>, vector<128x128xf32>, vector<1x128xf32> -> vector<1x128xf32>
    %get3A_79 = arith.constant 0 : index
    %get3A_80 = arith.constant 0 : index
    %get3A_81 = vector.load %arg8[%get3A_79, %get3A_80] : memref<1x128xf32, #tpu.memory_space<vmem>>, vector<1x128xf32>
    %get3A_82 = arith.constant 1 : index
    %get3A_83 = arith.constant 0 : index
    %get3A_84 = arith.constant 0 : index
    %get3A_85 = vector.load %arg9[%get3A_82, %get3A_83, %get3A_84] : memref<3x128x128xf32, #tpu.memory_space<vmem>>, vector<1x128x128xf32>
    %get3A_86 = vector.shape_cast %get3A_85 : vector<1x128x128xf32> to vector<128x128xf32>
    %dot_general3A_87 = arith.constant dense<0.000000e+00> : vector<1x128xf32>
    %dot_general3A_88 = tpu.matmul %get3A_81, %get3A_86, %dot_general3A_87 {dimension_numbers = #tpu.dot_dimension_numbers<[1], [0], [0], [1], [0, 0, 1, 1], [], []>, transpose_lhs_hint = false} : vector<1x128xf32>, vector<128x128xf32>, vector<1x128xf32> -> vector<1x128xf32>
    %add3A_89 = arith.addf %dot_general3A_78, %dot_general3A_88 : vector<1x128xf32>
    %get3A_90 = arith.constant 2 : index
    %get3A_91 = arith.constant 0 : index
    %get3A_92 = arith.constant 0 : index
    %get3A_93 = vector.load %arg9[%get3A_90, %get3A_91, %get3A_92] : memref<3x128x128xf32, #tpu.memory_space<vmem>>, vector<1x128x128xf32>
    %get3A_94 = vector.shape_cast %get3A_93 : vector<1x128x128xf32> to vector<128x128xf32>
    %dot_general3A_95 = arith.constant dense<0.000000e+00> : vector<1x128xf32>
    %dot_general3A_96 = tpu.matmul %broadcast_in_dim3A_68, %get3A_94, %dot_general3A_95 {dimension_numbers = #tpu.dot_dimension_numbers<[1], [0], [0], [1], [0, 0, 1, 1], [], []>, transpose_lhs_hint = false} : vector<1x128xf32>, vector<128x128xf32>, vector<1x128xf32> -> vector<1x128xf32>
    %add3A_97 = arith.addf %add3A_89, %dot_general3A_96 : vector<1x128xf32>
    %get3A_98 = arith.constant 0 : index
    %get3A_99 = arith.constant 0 : index
    %get3A_100 = vector.load %arg10[%get3A_98, %get3A_99] : memref<1x128xf32, #tpu.memory_space<vmem>>, vector<1x128xf32>
    %add3A_101 = arith.addf %add3A_97, %get3A_100 : vector<1x128xf32>
    %swap3A = arith.constant 0 : index
    %swap3A_102 = arith.constant 0 : index
    %swap3A_103 = vector.load %arg11[%swap3A, %swap3A_102] : memref<1x128xf32, #tpu.memory_space<vmem>>, vector<1x128xf32>
    tpu.vector_store %arg11[%swap3A, %swap3A_102], %add3A_101 {strides = array<i32>} : memref<1x128xf32, #tpu.memory_space<vmem>>, vector<1x128xf32>,
    return
  }
}

</mosaic_0001>

<sc_bundles>
// kernel: kernel.6.cloned.1.call-start
scs
__scs_entry_jumppad:
0x0: {  	(pc) =	sbr.rel $0x88, $3  }
0x1: {  	(tag) =	ssettag $0x0;
	lr =	simm.s32 $0x1  }
0x2: {  	[smem:$0x3F90] =	sst lr;
	_ =	strace $0xD0000000  }
0x3: {  	_ = 	snop  }
0x4: {  	_ = 	snop  }
0x5: {  	_ = 	snop  }
0x6: {  	_ = 	snop  }
0x7: {  	_ = 	snop  }
__scs_overlays_trampoline_lowered:
0x8: {  	[smem:$0x3F9F] =	sst s0  }
0x9: {  	[smem:$0x3FA0] =	sst s1  }
0xa: {  	[smem:$0x3FA1] =	sst s2  }
0xb: {  	[smem:$0x3FA2] =	sst s3  }
0xc: {  	[smem:$0x3FA3] =	sst s4  }
0xd: {  	[smem:$0x3FA4] =	sst s5  }
0xe: {  	[smem:$0x3FA5] =	sst s6  }
0xf: {  	[smem:$0x3FA6] =	sst s7  }
0x10: {  	[smem:$0x3FA7] =	sst s8  }
0x11: {  	[smem:$0x3FA8] =	sst s9;
	s0 =	simm.s32 @!p0 $0x0  }
0x12: {  	s1 =	sld [smem:$0x3F8E];
	s0 =	simm.s32 @p0 $0x1  }
0x13: {  	[smem:$0x3FA9] =	sst s0;
	s0 =	simm.s32 @!p1 $0x0  }
0x14: {  	s2 =	sld [smem:$0x3F8D];
	s0 =	simm.s32 @p1 $0x1  }
0x15: {  	[smem:$0x3FAA] =	sst s0;
	s0 =	simm.s32 @!p2 $0x0  }
0x16: {  	s3 =	sld [smem:$0x3FDB];
	s0 =	simm.s32 @p2 $0x1  }
0x17: {  	s4 =	simm.s32 $0x1BF5;
	[smem:$0x3FAC] =	sst s0  }
0x18: {  	s0 =	sld [smem:$0x3F8F];
	_ =	swait.ge [sflag:s4], $0x0  }
0x19: {  	s7 =	sld [smem:$0x3F90]  }
0x1a: {  	s8 =	sadd.s32 $0xFFFFE003, lr  }
0x1b: {  	s9 =	sadd.s32 $0xFFFFFEF7, lr;
	s5 =	simm.s32 $0xFFFFFFFF;
	p2 =	slt.u32 s8, $0xFFFFF086  }
0x1c: {  	p1 =	slt.u32 s9, $0xF7A;
	s5 =	simm.s32 @!p2 $0x0  }
0x1d: {  	s5 =	simm.s32 @p1 $0x1;
	p0 =	seq.s32 s7, s2  }
0x1e: {  	s7 =	smul.u32 @!p0 $0xF7A, s2;
	p2 =	seq.s32 @!p0 s5, $0x0  }
0x1f: {  	s9 =	smul.u32 $0xF7A, s1;
	s8 =	simm.s32 @!p0 $0x1BF5;
	p2 =	por !p2, p0  }
0x20: {  	[sflag:s8] =	ssyncset.s32 @!p0 $0xFFFFF086;
	s6 =	sadd.s32 @!p0 s3, s7;
	s7 =	simm.s32 @!p0 $0x108  }
0x21: {  	s3 =	sadd.s32 s3, s9;
	s6 =	sadd.s32 @!p0 $0x88, s6;
	s7 =	simm.s32 @p2 $0x1082  }
0x22: {  	[simem:s7], [sflag:s8] =	dma.local @!p0 [hbm:s6], $0xF7A  }
0x23: {  	s9 =	sor.u32 $0xD0000000, s2;
	s6 =	simm.s32 $0x108;
	_ =	swait.ge @!p0 [sflag:s8], $0x0  }
0x24: {  	s3 =	sadd.s32 $0x88, s3;
	s6 =	simm.s32 @!p1 $0x1082;
	[sflag:s4] =	ssyncset.s32 $0xFFFFF086  }
0x25: {  	[simem:s6], [sflag:s4] =	dma.local [hbm:s3], $0xF7A  }
0x26: {  	[smem:$0x3F90] =	sst s1;
	(tag) =	ssettag s2;
	_ =	strace s9  }
0x27: {  	s1 =	sld [smem:$0x3FA0]  }
0x28: {  	s2 =	sld [smem:$0x3FA1]  }
0x29: {  	s4 =	sld [smem:$0x3FA3]  }
0x2a: {  	p0 =	seq.s32 s5, $0x0;
	s5 =	sld [smem:$0x3FA4]  }
0x2b: {  	s6 =	sld [smem:$0x3FA5]  }
0x2c: {  	s7 =	sld [smem:$0x3FA6]  }
0x2d: {  	s3 =	simm.s32 $0x108;
	s8 =	sld [smem:$0x3FA7]  }
0x2e: {  	s3 =	simm.s32 @!p0 $0x1082;
	s9 =	sld [smem:$0x3FA8]  }
0x2f: {  	lr =	sadd.s32 s0, s3;
	s0 =	sld [smem:$0x3F9F]  }
0x30: {  	s3 =	sld [smem:$0x3FA2]  }
0x31: {  	[smem:$0x3FAB] =	sst s10  }
0x32: {  	s10 =	sld [smem:$0x3FA9];
	_ =	sdelay $0x3  }
0x33: {  	p0 =	seq.s32 s10, $0x1;
	s10 =	sld [smem:$0x3FAB];
	_ =	sdelay $0x3  }
0x34: {  	[smem:$0x3FAB] =	sst s10  }
0x35: {  	s10 =	sld [smem:$0x3FAA];
	_ =	sdelay $0x3  }
0x36: {  	p1 =	seq.s32 s10, $0x1;
	s10 =	sld [smem:$0x3FAB];
	_ =	sdelay $0x3  }
0x37: {  	[smem:$0x3FAB] =	sst s10  }
0x38: {  	s10 =	sld [smem:$0x3FAC]  }
0x39: {  	_ = 	snop;
	(pc) =	sbr.ind lr, $3  }
0x3a: {  	_ = 	snop  }
0x3b: {  	_ = 	snop  }
0x3c: {  	p2 =	seq.s32 s10, $0x1;
	s10 =	sld [smem:$0x3FAB]  }
0x3d: {  	_ =	shalt  }
0x3e: {  	_ =	shalt  }
0x3f: {  	_ =	shalt  }
0x40: {  	_ =	shalt  }
0x41: {  	_ =	shalt  }
0x42: {  	_ =	shalt  }
0x43: {  	_ =	shalt  }
0x44: {  	_ =	shalt  }
0x45: {  	_ =	shalt  }
0x46: {  	_ =	shalt  }
0x47: {  	_ =	shalt  }
0x48: {  	_ =	shalt  }
0x49: {  	_ =	shalt  }
0x4a: {  	_ =	shalt  }
0x4b: {  	_ =	shalt  }
0x4c: {  	_ =	shalt  }
0x4d: {  	_ =	shalt  }
0x4e: {  	_ =	shalt  }
0x4f: {  	_ =	shalt  }
0x50: {  	_ =	shalt  }
0x51: {  	_ =	shalt  }
0x52: {  	_ =	shalt  }
0x53: {  	_ =	shalt  }
0x54: {  	_ =	shalt  }
0x55: {  	_ =	shalt  }
0x56: {  	_ =	shalt  }
0x57: {  	_ =	shalt  }
0x58: {  	_ =	shalt  }
0x59: {  	_ =	shalt  }
0x5a: {  	_ =	shalt  }
0x5b: {  	_ =	shalt  }
0x5c: {  	_ =	shalt  }
0x5d: {  	_ =	shalt  }
0x5e: {  	_ =	shalt  }
0x5f: {  	_ =	shalt  }
0x60: {  	_ =	shalt  }
0x61: {  	_ =	shalt  }
0x62: {  	_ =	shalt  }
0x63: {  	_ =	shalt  }
0x64: {  	_ =	shalt  }
0x65: {  	_ =	shalt  }
0x66: {  	_ =	shalt  }
0x67: {  	_ =	shalt  }
0x68: {  	_ =	shalt  }
0x69: {  	_ =	shalt  }
0x6a: {  	_ =	shalt  }
0x6b: {  	_ =	shalt  }
0x6c: {  	_ =	shalt  }
0x6d: {  	_ =	shalt  }
0x6e: {  	_ =	shalt  }
0x6f: {  	_ =	shalt  }
0x70: {  	_ =	shalt  }
0x71: {  	_ =	shalt  }
0x72: {  	_ =	shalt  }
0x73: {  	_ =	shalt  }
0x74: {  	_ =	shalt  }
0x75: {  	_ =	shalt  }
0x76: {  	_ =	shalt  }
0x77: {  	_ =	shalt  }
0x78: {  	_ =	shalt  }
0x79: {  	_ =	shalt  }
0x7a: {  	_ =	shalt  }
0x7b: {  	_ =	shalt  }
0x7c: {  	_ =	shalt  }
0x7d: {  	_ =	shalt  }
0x7e: {  	_ =	shalt  }
0x7f: {  	_ =	shalt  }
0x80: {  	_ =	shalt  }
0x81: {  	_ =	shalt  }
0x82: {  	_ =	shalt  }
0x83: {  	_ =	shalt  }
0x84: {  	_ =	shalt  }
0x85: {  	_ =	shalt  }
0x86: {  	_ =	shalt  }
0x87: {  	_ =	shalt  }
.Lfunc_end0:
.L_simem_size_0:
called_computation_lowered:
.L_overlay_start_0:
0x88: {  	s2 =	sld [smem:$0x3FD9]  }
0x89: {  	s3 =	sld [smem:$0x3FFE];
	_ =	sdelay $0x1  }
0x8a: {  	s1 =	srdreg.scid  }
0x8b: {  	s0 =	sand.u32 $0x1, s1  }
0x8c: {  	s16 =	sshll.u32 s0, $0xA;
	s2 =	sadd.s32 s3, s2  }
0x8d: {  	s2 =	sadd.s32 s2, s16  }
0x8e: {  	[smem:$0x3FB7] =	sst s2  }
0x8f: {  	_ = 	snop  }
0x90: {  	(tm) =	ssettm $0x1  }
0x91: {  	s17 =	sld [smem:$0x3FFB];
	_ =	sdelay $0x3  }
0x92: {  	_ =	strace s17  }
0x93: {  	s2 =	sld [smem:$0x3FFC];
	_ =	sdelay $0x3  }
0x94: {  	_ =	strace s2  }
0x95: {  	s2 =	sld [smem:$0x3FFD];
	_ =	sdelay $0x3  }
0x96: {  	_ =	strace s2  }
0x97: {  	_ =	strace $0x8FFFFFFF  }
0x98: {  	s18 =	sld [smem:$0x3FDB];
	_ =	sdelay $0x1  }
0x99: {  	s19 =	simm.s32 $_scs_section_size  }
0x9a: {  	s4 =	simm.s32 $_size__tile_overlayer_lowered;
	s5 =	simm.s32 $_tile_overlayer_lowered  }
0x9b: {  	s22 =	simm.s32 $0x1BFF;
	s21 =	sshll.u32 s5, $0x1;
	s2 =	sadd.s32 s19, s18  }
0x9c: {  	s6 =	simm.s32 $0x0;
	s20 =	sshll.u32 s4, $0x1;
	s4 =	sadd.s32 s21, s2  }
0x9d: {  	[timem:s6], [sflag:s22] =	dma.local [hbm:s4], s20  }
0x9e: {  	_ =	swait.ge [sflag:s22], s20  }
0x9f: {  	s3 =	ssub.s32 $0x0, s20;
	[sflag:s22] =	ssyncset.done $0x0  }
0xa0: {  	[sflag:s22] =	ssyncadd.s32 s3;
	_ =	sdelay $0x1  }
0xa1: {  	s23 =	simm.s32 $0x1B8B  }
0xa2: {  	_ =	swait.ge [sflag:s23], $0x1  }
0xa3: {  	[sflag:s23] =	ssyncset.done $0x0  }
0xa4: {  	s25 =	simm.s32 $0x1B8E;
	s24 =	sld [smem:$0x3FFE];
	[sflag:s23] =	ssyncadd.s32 $0xFFFFFFFF  }
0xa5: {  	s26 =	simm.s32 $execute0_lowered;
	[smem:$0x3FD2] =	sst s25  }
0xa6: {  	s4 =	sshll.u32 s26, $0x1;
	_ =	strace $0x80000046;
	[dreg:$0x1] =	wrdreg $0xFFFFFFFF  }
0xa7: {  	s28 =	simm.s32 $_size_execute0_lowered;
	s2 =	sadd.s32 s2, s4;
	[dreg:$0x0] =	wrdreg $0x0  }
0xa8: {  	s4 =	sshll.u32 s28, $0x1;
	[dreg:$0x2] =	wrdreg s2  }
0xa9: {  	[dreg:$0x3] =	wrdreg s4  }
0xaa: {  	[dreg:$0x4] =	wrdreg $0xC0  }
0xab: {  	_ =	task [dreg:s6], $0x5FFFF  }
0xac: {  	[dreg:$0x1] =	wrdreg $0xFFFFFFFF  }
0xad: {  	[dreg:$0x0] =	wrdreg $0x60  }
0xae: {  	[dreg:$0x2] =	wrdreg s24  }
0xaf: {  	[dreg:$0x3] =	wrdreg $0x150000  }
0xb0: {  	[dreg:$0x4] =	wrdreg $0x9  }
0xb1: {  	_ =	task.clear_ibuf [dreg:s6], $0x5FFFF;
	_ =	strace $0x90000046  }
0xb2: {  	s29 =	simm.s32 $0x9;
	_ =	strace $0x80000048  }
0xb3: {  	_ =	swait.ge [sflag:s29], $0x1  }
0xb4: {  	[sflag:s29] =	ssyncadd.s32 $0xFFFFFFFF  }
0xb5: {  	_ =	strace $0x90000048  }
0xb6: {  	_ =	sfence  }
0xb7: {  	s30 =	sld [smem:$0x0];
	_ =	sdelay $0x2  }
0xb8: {  	s31 =	sshll.u32 s1, $0xD;
	s1 =	sshrl.u32 s1, $0x2  }
0xb9: {  	s3 =	sand.u32 $0x4000, s31;
	s1 =	sadd.s32 s1, s30  }
0xba: {  	s0 =	sor.u32 s3, s0;
	s1 =	sshll.u32 s1, $0x11  }
0xbb: {  	s0 =	sor.u32 s1, s0  }
0xbc: {  	s0 =	sadd.s32 $0x8F2B, s0  }
0xbd: {  	[sflag:s0] =	ssyncadd.remote.s32 $0x1  }
0xbe: {  	_ =	sfence.sel $0xFFFF  }
0xbf: {  	[dreg:$0x0] =	wrdreg $0xFFFFFFFF;
	(pc) =	sbr.abs _section_cstart, $3  }
0xc0: {  	[dreg:$0x1] =	wrdreg $0xFFFFFFFF  }
0xc1: {  	_ =	task.clear_ibuf [dreg:s6], $0x2FFFF;
	_ =	strace $0x9FFFFFFF  }
0xc2: {  	(tm) =	ssettm $0x7FFFFFFF  }
0xc3: {  	_ =	shalt  }
tec
execute0_lowered:
.L_overlay_start_1:
0x0: {  	(tag) =	ssettag $0x1  }
0x1: {  	s0 =	rddreg [dreg:$0x0]  }
0x2: {  	s1 =	srdreg.scid;
	s2 =	rddreg [dreg:$0x1]  }
0x3: {  	s9 =	stileid.u32;
	s5 =	simm.s32 $0x0;
	s13 =	simm.s32 $0x80  }
0x4: {  	s14 =	simm.s32 $0x5000;
	s16 =	simm.s32 $0x7000;
	s18 =	simm.s32 $0x9000  }
0x5: {  	s29 =	simm.s32 $0x13000;
	s30 =	simm.s32 $0x1;
	s31 =	simm.s32 $0x2  }
0x6: {  	s10 =	simm.s32 $0xA;
	s15 =	simm.s32 $0xB;
	s4 =	smul.u32 $0x9E00, s9  }
0x7: {  	s17 =	simm.s32 $0xC;
	s19 =	simm.s32 $0xD;
	s8 =	smul.u32 $0xA000, s9  }
0x8: {  	s28 =	simm.s32 $0x0;
	s1 =	sand.u32 $0x1, s1;
	s22 =	smul.u32 $0x1400, s9  }
0x9: {  	[smem:$0x7FF] =	sst s5;
	s6 =	sadd.s32 $0x29800, s0;
	s3 =	smul.u32 $0x13880, s1  }
0xa: {  	s23 =	sshll.u32 s9, $0x6;
	s9 =	simm.s32 $0x9;
	s20 =	smul.u32 $0x9E000, s1  }
0xb: {  	_ =	strace $0x80000047;
	s1 =	ssub.s32 $0x2, s1;
	s11 =	sor.u32 $0x1C11, s23  }
0xc: {  	s23 =	simm.s32 $0xF;
	s7 =	sshrl.u32 s4, $0x3;
	s21 =	sshrl.u32 s1, $0x1  }
0xd: {  	s8 =	sshrl.u32 s8, $0x3;
	[dreg:$0x4] =	wrdreg s11;
	s3 =	sadd.s32 s3, s0  }
0xe: {  	s5 =	sadd.s32 s4, s20;
	s7 =	sadd.s32 s7, s0;
	s1 =	ssub.s32 s1, s21  }
0xf: {  	s4 =	sadd.s32 s4, s2;
	s24 =	sadd.s32 s6, s8;
	s20 =	simm.s32 $0xB000  }
0x10: {  	s8 =	simm.s32 $0x8;
	s21 =	simm.s32 $0xE;
	s5 =	sshrl.u32 s5, $0x3  }
0x11: {  	s7 =	sadd.s32 $0x3D800, s7;
	s25 =	sadd.s32 $0xA00, s24;
	s26 =	smax.u32 s1, $0x1  }
0x12: {  	s12 =	sshrl.u32 s4, $0x3;
	s24 =	simm.s32 $0xF000;
	s1 =	simm.s32 $0x4  }
0x13: {  	s4 =	simm.s32 $0x6;
	s0 =	sadd.s32 s5, s0;
	[dreg:$0x3] =	wrdreg s7  }
.Ltmp0:
0x14: {  	s5 =	sadd.s32 s6, s22;
	[dreg:$0x6] =	wrdreg s25;
	(pc) =	sbr.rel .LBB2_1-.Ltmp0, $4  }
0x15: {  	s7 =	sadd.s32 $0x2600, s3;
	[dreg:$0x8] =	wrdreg s26;
	s22 =	simm.s32 $0xD000  }
0x16: {  	s26 =	simm.s32 $0x11000;
	s3 =	simm.s32 $0x5;
	[dreg:$0x9] =	wrdreg s12  }
0x17: {  	s6 =	simm.s32 $0x7;
	[dreg:$0x5] =	wrdreg s5;
	s0 =	sadd.s32 $0x51400, s0  }
0x18: {  	s25 =	simm.s32 $0x10;
	[dreg:$0x7] =	wrdreg s0;
	s0 =	simm.s32 $0x3  }
.LBB2_7:
0x19: {  	_ =	swait.ge [sflag:s10], $0x2000  }
0x1a: {  	[sflag:s10] =	ssyncset.done $0x0  }
0x1b: {  	[sflag:s10] =	ssyncadd.s32 $0xFFFFE000  }
0x1c: {  	_ =	swait.ge [sflag:s15], $0x2000  }
0x1d: {  	[sflag:s15] =	ssyncset.done $0x0  }
0x1e: {  	[sflag:s15] =	ssyncadd.s32 $0xFFFFE000  }
0x1f: {  	_ =	swait.ge [sflag:s17], $0x2000  }
0x20: {  	[sflag:s17] =	ssyncset.done $0x0  }
0x21: {  	[sflag:s17] =	ssyncadd.s32 $0xFFFFE000  }
0x22: {  	_ =	swait.ge [sflag:s19], $0x2000  }
0x23: {  	[sflag:s19] =	ssyncset.done $0x0  }
0x24: {  	[sflag:s19] =	ssyncadd.s32 $0xFFFFE000  }
0x25: {  	_ =	swait.ge [sflag:s21], $0x2000  }
0x26: {  	[sflag:s21] =	ssyncset.done $0x0  }
0x27: {  	[sflag:s21] =	ssyncadd.s32 $0xFFFFE000  }
0x28: {  	_ =	swait.ge [sflag:s23], $0x2000  }
0x29: {  	[sflag:s23] =	ssyncset.done $0x0  }
0x2a: {  	[sflag:s23] =	ssyncadd.s32 $0xFFFFE000  }
0x2b: {  	_ =	swait.ge [sflag:s25], $0x2000  }
0x2c: {  	[sflag:s25] =	ssyncset.done $0x0  }
0x2d: {  	[sflag:s25] =	ssyncadd.s32 $0xFFFFE000  }
0x2e: {  	[bflag:$0x0] =	sbarrier.arrive $0xFFFF  }
0x2f: {  	s11 =	rddreg [dreg:$0x4]  }
0x30: {  	s5 =	rddreg [dreg:$0x7]  }
0x31: {  	s12 =	rddreg [dreg:$0x9]  }
0x32: {  	[hbm:s5], [sflag:s11] =	dma.local [spmem:s12], $0x13C0  }
0x33: {  	s5 =	simm.s32 $0x11  }
0x34: {  	_ =	swait.ge [sflag:s5], $0x13C0  }
0x35: {  	s28 =	sadd.s32 $0x1, s28;
	[sflag:s5] =	ssyncset.done $0x0;
	s5 =	rddreg [dreg:$0x8]  }
0x36: {  	p0 =	sne.s32 s28, s5  }
.Ltmp1:
0x37: {  	_ = 	snop;
	(pc) =	sbr.rel @!p0 .LBB2_8-.Ltmp1, $3  }
0x38: {  	_ =	sdelay $0x1  }
0x39: {  	s5 =	simm.s32 $0x11  }
0x3a: {  	[sflag:s5] =	ssyncadd.s32 $0xFFFFEC40  }
.LBB2_1:
0x3b: {  	[dreg:$0xa] =	wrdreg s28  }
0x3c: {  	s28 =	simm.s32 $0x11;
	s5 =	rddreg [dreg:$0x3]  }
0x3d: {  	[spmem:s12], [sflag:s11] =	dma.local [hbm:s5], $0x13C0  }
0x3e: {  	_ =	swait.ge [sflag:s28], $0x13C0  }
0x3f: {  	[sflag:s28] =	ssyncset.done $0x0  }
0x40: {  	[sflag:s28] =	ssyncadd.s32 $0xFFFFEC40  }
0x41: {  	[bflag:$0x0] =	sbarrier.arrive $0xFFFF  }
0x42: {  	s5 =	simm.s32 $0x0;
	s12 =	rddreg [dreg:$0x5]  }
0x43: {  	[tilespmem:s5], [sflag:$0x11] =	stream.linear.gather [hbm4b:s12+s5], $0x5000, $0x38;
	[tilespmem:$0x1EE00] =	vst v63  }
0x44: {  	_ =	swait.ge [sflag:s28], $0x5000  }
0x45: {  	[sflag:s28] =	ssyncset.done $0x0  }
0x46: {  	[sflag:s28] =	ssyncadd.s32 $0xFFFFB000  }
0x47: {  	[tilespmem:s14], [sflag:$0x1] =	stream.indirect.gather [hbm4b:s7+s13], $0x40, s5, s13, $0xb8;
	[tilespmem:$0x1EE00] =	vst v63  }
0x48: {  	s28 =	simm.s32 $0x100  }
0x49: {  	[tilespmem:s16], [sflag:$0x2] =	stream.indirect.gather [hbm4b:s7+s13], $0x40, s28, s13, $0xb8;
	[tilespmem:$0x1EE00] =	vst v63  }
0x4a: {  	s11 =	simm.s32 $0x200  }
0x4b: {  	[tilespmem:s18], [sflag:$0x3] =	stream.indirect.gather [hbm4b:s7+s13], $0x40, s11, s13, $0xb8;
	[tilespmem:$0x1EE00] =	vst v63  }
0x4c: {  	s12 =	simm.s32 $0x300  }
0x4d: {  	[tilespmem:s20], [sflag:$0x4] =	stream.indirect.gather [hbm4b:s7+s13], $0x40, s12, s13, $0xb8;
	[tilespmem:$0x1EE00] =	vst v63  }
0x4e: {  	s11 =	simm.s32 $0x400  }
0x4f: {  	[tilespmem:s22], [sflag:$0x5] =	stream.indirect.gather [hbm4b:s7+s13], $0x40, s11, s13, $0xb8;
	[tilespmem:$0x1EE00] =	vst v63  }
0x50: {  	s12 =	simm.s32 $0x500  }
0x51: {  	[tilespmem:s24], [sflag:$0x6] =	stream.indirect.gather [hbm4b:s7+s13], $0x40, s12, s13, $0xb8;
	[tilespmem:$0x1EE00] =	vst v63  }
0x52: {  	s11 =	simm.s32 $0x600  }
0x53: {  	[tilespmem:s26], [sflag:$0x7] =	stream.indirect.gather [hbm4b:s7+s13], $0x40, s11, s13, $0xb8;
	[tilespmem:$0x1EE00] =	vst v63  }
0x54: {  	s5 =	simm.s32 $0x0;
	s12 =	simm.s32 $0x700  }
0x55: {  	[tilespmem:s29], [sflag:$0x8] =	stream.indirect.gather [hbm4b:s7+s13], $0x40, s12, s13, $0xb8;
	[tilespmem:$0x1EE00] =	vst v63  }
.LBB2_2:
0x56: {  	_ =	swait.ge [sflag:s30], $0x2000  }
0x57: {  	s11 =	sshra.s32 s5, $0x2;
	[sflag:s30] =	ssyncset.done $0x0  }
0x58: {  	s12 =	sadd.s32 $0x80, s11;
	[sflag:s30] =	ssyncadd.s32 $0xFFFFE000  }
0x59: {  	[spmem:s2] =	stream.indirect.scatter.add.f32 [tilespmem:s14], [sflag:$0x9], $0x40, s12, s13, $0xb8;
	[tilespmem:$0x1EE00] =	vst v63  }
0x5a: {  	_ =	swait.ge [sflag:s31], $0x2000  }
0x5b: {  	[sflag:s31] =	ssyncset.done $0x0  }
0x5c: {  	s12 =	sadd.s32 $0x180, s11;
	[sflag:s31] =	ssyncadd.s32 $0xFFFFE000  }
0x5d: {  	[spmem:s2] =	stream.indirect.scatter.add.f32 [tilespmem:s16], [sflag:$0xA], $0x40, s12, s13, $0xb8;
	[tilespmem:$0x1EE00] =	vst v63  }
0x5e: {  	_ =	swait.ge [sflag:s0], $0x2000  }
0x5f: {  	[sflag:s0] =	ssyncset.done $0x0  }
0x60: {  	s12 =	sadd.s32 $0x280, s11;
	[sflag:s0] =	ssyncadd.s32 $0xFFFFE000  }
0x61: {  	[spmem:s2] =	stream.indirect.scatter.add.f32 [tilespmem:s18], [sflag:$0xB], $0x40, s12, s13, $0xb8;
	[tilespmem:$0x1EE00] =	vst v63  }
0x62: {  	_ =	swait.ge [sflag:s1], $0x2000  }
0x63: {  	[sflag:s1] =	ssyncset.done $0x0  }
0x64: {  	s12 =	sadd.s32 $0x380, s11;
	[sflag:s1] =	ssyncadd.s32 $0xFFFFE000  }
0x65: {  	[spmem:s2] =	stream.indirect.scatter.add.f32 [tilespmem:s20], [sflag:$0xC], $0x40, s12, s13, $0xb8;
	[tilespmem:$0x1EE00] =	vst v63  }
0x66: {  	_ =	swait.ge [sflag:s3], $0x2000  }
0x67: {  	[sflag:s3] =	ssyncset.done $0x0  }
0x68: {  	s12 =	sadd.s32 $0x480, s11;
	[sflag:s3] =	ssyncadd.s32 $0xFFFFE000  }
0x69: {  	[spmem:s2] =	stream.indirect.scatter.add.f32 [tilespmem:s22], [sflag:$0xD], $0x40, s12, s13, $0xb8;
	[tilespmem:$0x1EE00] =	vst v63  }
0x6a: {  	_ =	swait.ge [sflag:s4], $0x2000  }
0x6b: {  	[sflag:s4] =	ssyncset.done $0x0  }
0x6c: {  	s12 =	sadd.s32 $0x580, s11;
	[sflag:s4] =	ssyncadd.s32 $0xFFFFE000  }
0x6d: {  	[spmem:s2] =	stream.indirect.scatter.add.f32 [tilespmem:s24], [sflag:$0xE], $0x40, s12, s13, $0xb8;
	[tilespmem:$0x1EE00] =	vst v63  }
0x6e: {  	_ =	swait.ge [sflag:s6], $0x2000  }
0x6f: {  	[sflag:s6] =	ssyncset.done $0x0  }
0x70: {  	s12 =	sadd.s32 $0x680, s11;
	[sflag:s6] =	ssyncadd.s32 $0xFFFFE000  }
0x71: {  	[spmem:s2] =	stream.indirect.scatter.add.f32 [tilespmem:s26], [sflag:$0xF], $0x40, s12, s13, $0xb8;
	[tilespmem:$0x1EE00] =	vst v63  }
0x72: {  	_ =	swait.ge [sflag:s8], $0x2000  }
0x73: {  	p0 =	seq.s32 s5, $0x12000;
	[sflag:s8] =	ssyncset.done $0x0  }
.Ltmp2:
0x74: {  	s12 =	sadd.s32 $0x780, s11;
	[sflag:s8] =	ssyncadd.s32 $0xFFFFE000;
	(pc) =	sbr.rel @p0 .LBB2_4-.Ltmp2, $4  }
0x75: {  	[spmem:s2] =	stream.indirect.scatter.add.f32 [tilespmem:s29], [sflag:$0x10], $0x40, s12, s13, $0xb8;
	[tilespmem:$0x1EE00] =	vst v63  }
0x76: {  	_ =	swait.ge [sflag:s9], $0x2000  }
0x77: {  	[sflag:s9] =	ssyncset.done $0x0  }
0x78: {  	[sflag:s9] =	ssyncadd.s32 $0xFFFFE000  }
0x79: {  	s12 =	sadd.s32 $0x800, s11  }
0x7a: {  	[tilespmem:s14], [sflag:$0x1] =	stream.indirect.gather [hbm4b:s7+s13], $0x40, s12, s13, $0xb8;
	[tilespmem:$0x1EE00] =	vst v63  }
0x7b: {  	_ =	swait.ge [sflag:s10], $0x2000  }
0x7c: {  	[sflag:s10] =	ssyncset.done $0x0  }
0x7d: {  	s12 =	sadd.s32 $0x900, s11;
	[sflag:s10] =	ssyncadd.s32 $0xFFFFE000  }
0x7e: {  	[tilespmem:s16], [sflag:$0x2] =	stream.indirect.gather [hbm4b:s7+s13], $0x40, s12, s13, $0xb8;
	[tilespmem:$0x1EE00] =	vst v63  }
0x7f: {  	_ =	swait.ge [sflag:s15], $0x2000  }
0x80: {  	[sflag:s15] =	ssyncset.done $0x0  }
0x81: {  	s12 =	sadd.s32 $0xA00, s11;
	[sflag:s15] =	ssyncadd.s32 $0xFFFFE000  }
0x82: {  	[tilespmem:s18], [sflag:$0x3] =	stream.indirect.gather [hbm4b:s7+s13], $0x40, s12, s13, $0xb8;
	[tilespmem:$0x1EE00] =	vst v63  }
0x83: {  	_ =	swait.ge [sflag:s17], $0x2000  }
0x84: {  	[sflag:s17] =	ssyncset.done $0x0  }
0x85: {  	s12 =	sadd.s32 $0xB00, s11;
	[sflag:s17] =	ssyncadd.s32 $0xFFFFE000  }
0x86: {  	[tilespmem:s20], [sflag:$0x4] =	stream.indirect.gather [hbm4b:s7+s13], $0x40, s12, s13, $0xb8;
	[tilespmem:$0x1EE00] =	vst v63  }
0x87: {  	_ =	swait.ge [sflag:s19], $0x2000  }
0x88: {  	[sflag:s19] =	ssyncset.done $0x0  }
0x89: {  	s12 =	sadd.s32 $0xC00, s11;
	[sflag:s19] =	ssyncadd.s32 $0xFFFFE000  }
0x8a: {  	[tilespmem:s22], [sflag:$0x5] =	stream.indirect.gather [hbm4b:s7+s13], $0x40, s12, s13, $0xb8;
	[tilespmem:$0x1EE00] =	vst v63  }
0x8b: {  	_ =	swait.ge [sflag:s21], $0x2000  }
0x8c: {  	[sflag:s21] =	ssyncset.done $0x0  }
0x8d: {  	s12 =	sadd.s32 $0xD00, s11;
	[sflag:s21] =	ssyncadd.s32 $0xFFFFE000  }
0x8e: {  	[tilespmem:s24], [sflag:$0x6] =	stream.indirect.gather [hbm4b:s7+s13], $0x40, s12, s13, $0xb8;
	[tilespmem:$0x1EE00] =	vst v63  }
0x8f: {  	_ =	swait.ge [sflag:s23], $0x2000  }
0x90: {  	[sflag:s23] =	ssyncset.done $0x0  }
0x91: {  	s12 =	sadd.s32 $0xE00, s11;
	[sflag:s23] =	ssyncadd.s32 $0xFFFFE000  }
0x92: {  	[tilespmem:s26], [sflag:$0x7] =	stream.indirect.gather [hbm4b:s7+s13], $0x40, s12, s13, $0xb8;
	[tilespmem:$0x1EE00] =	vst v63  }
.Ltmp3:
0x93: {  	_ = 	snop;
	(pc) =	sbr.rel .LBB2_2-.Ltmp3, $4  }
0x94: {  	_ =	swait.ge [sflag:s25], $0x2000  }
0x95: {  	[sflag:s25] =	ssyncset.done $0x0  }
0x96: {  	s5 =	sadd.s32 $0x2000, s5;
	s12 =	sadd.s32 $0xF00, s11;
	[sflag:s25] =	ssyncadd.s32 $0xFFFFE000  }
0x97: {  	[tilespmem:s29], [sflag:$0x8] =	stream.indirect.gather [hbm4b:s7+s13], $0x40, s12, s13, $0xb8;
	[tilespmem:$0x1EE00] =	vst v63  }
.LBB2_4:
0x98: {  	_ =	swait.ge [sflag:s10], $0x2000  }
0x99: {  	[sflag:s10] =	ssyncset.done $0x0  }
0x9a: {  	[sflag:s10] =	ssyncadd.s32 $0xFFFFE000  }
0x9b: {  	_ =	swait.ge [sflag:s15], $0x2000  }
0x9c: {  	[sflag:s15] =	ssyncset.done $0x0  }
0x9d: {  	[sflag:s15] =	ssyncadd.s32 $0xFFFFE000  }
0x9e: {  	_ =	swait.ge [sflag:s17], $0x2000  }
0x9f: {  	[sflag:s17] =	ssyncset.done $0x0  }
0xa0: {  	[sflag:s17] =	ssyncadd.s32 $0xFFFFE000  }
0xa1: {  	_ =	swait.ge [sflag:s19], $0x2000  }
0xa2: {  	[sflag:s19] =	ssyncset.done $0x0  }
0xa3: {  	[sflag:s19] =	ssyncadd.s32 $0xFFFFE000  }
0xa4: {  	_ =	swait.ge [sflag:s21], $0x2000  }
0xa5: {  	[sflag:s21] =	ssyncset.done $0x0  }
0xa6: {  	[sflag:s21] =	ssyncadd.s32 $0xFFFFE000  }
0xa7: {  	_ =	swait.ge [sflag:s23], $0x2000  }
0xa8: {  	[sflag:s23] =	ssyncset.done $0x0  }
0xa9: {  	[sflag:s23] =	ssyncadd.s32 $0xFFFFE000  }
0xaa: {  	_ =	swait.ge [sflag:s25], $0x2000  }
0xab: {  	s5 =	simm.s32 $0x0;
	[sflag:s25] =	ssyncset.done $0x0  }
0xac: {  	s12 =	simm.s32 $0x11;
	s11 =	rddreg [dreg:$0x6];
	[sflag:s25] =	ssyncadd.s32 $0xFFFFE000  }
0xad: {  	[tilespmem:s5], [sflag:$0x11] =	stream.linear.gather [hbm4b:s11+s5], $0x5000, $0x38;
	[tilespmem:$0x1EE00] =	vst v63  }
0xae: {  	_ =	swait.ge [sflag:s12], $0x5000  }
0xaf: {  	[sflag:s12] =	ssyncset.done $0x0  }
0xb0: {  	[sflag:s12] =	ssyncadd.s32 $0xFFFFB000  }
0xb1: {  	[tilespmem:s14], [sflag:$0x1] =	stream.indirect.gather [hbm4b:s7+s13], $0x40, s5, s13, $0xb8;
	[tilespmem:$0x1EE00] =	vst v63  }
0xb2: {  	_ = 	snop  }
0xb3: {  	[tilespmem:s16], [sflag:$0x2] =	stream.indirect.gather [hbm4b:s7+s13], $0x40, s28, s13, $0xb8;
	[tilespmem:$0x1EE00] =	vst v63  }
0xb4: {  	s12 =	simm.s32 $0x200  }
0xb5: {  	[tilespmem:s18], [sflag:$0x3] =	stream.indirect.gather [hbm4b:s7+s13], $0x40, s12, s13, $0xb8;
	[tilespmem:$0x1EE00] =	vst v63  }
0xb6: {  	s12 =	simm.s32 $0x300  }
0xb7: {  	[tilespmem:s20], [sflag:$0x4] =	stream.indirect.gather [hbm4b:s7+s13], $0x40, s12, s13, $0xb8;
	[tilespmem:$0x1EE00] =	vst v63  }
0xb8: {  	s12 =	simm.s32 $0x400  }
0xb9: {  	[tilespmem:s22], [sflag:$0x5] =	stream.indirect.gather [hbm4b:s7+s13], $0x40, s12, s13, $0xb8;
	[tilespmem:$0x1EE00] =	vst v63  }
0xba: {  	s12 =	simm.s32 $0x500  }
0xbb: {  	[tilespmem:s24], [sflag:$0x6] =	stream.indirect.gather [hbm4b:s7+s13], $0x40, s12, s13, $0xb8;
	[tilespmem:$0x1EE00] =	vst v63  }
0xbc: {  	s12 =	simm.s32 $0x600  }
0xbd: {  	[tilespmem:s26], [sflag:$0x7] =	stream.indirect.gather [hbm4b:s7+s13], $0x40, s12, s13, $0xb8;
	[tilespmem:$0x1EE00] =	vst v63  }
0xbe: {  	s28 =	rddreg [dreg:$0xa];
	s12 =	simm.s32 $0x700  }
0xbf: {  	[tilespmem:s29], [sflag:$0x8] =	stream.indirect.gather [hbm4b:s7+s13], $0x40, s12, s13, $0xb8;
	[tilespmem:$0x1EE00] =	vst v63  }
.LBB2_5:
0xc0: {  	_ =	swait.ge [sflag:s30], $0x2000  }
0xc1: {  	s11 =	sshra.s32 s5, $0x2;
	[sflag:s30] =	ssyncset.done $0x0  }
0xc2: {  	s12 =	sadd.s32 $0x80, s11;
	[sflag:s30] =	ssyncadd.s32 $0xFFFFE000  }
0xc3: {  	[spmem:s2] =	stream.indirect.scatter.add.f32 [tilespmem:s14], [sflag:$0x9], $0x40, s12, s13, $0xb8;
	[tilespmem:$0x1EE00] =	vst v63  }
0xc4: {  	_ =	swait.ge [sflag:s31], $0x2000  }
0xc5: {  	[sflag:s31] =	ssyncset.done $0x0  }
0xc6: {  	s12 =	sadd.s32 $0x180, s11;
	[sflag:s31] =	ssyncadd.s32 $0xFFFFE000  }
0xc7: {  	[spmem:s2] =	stream.indirect.scatter.add.f32 [tilespmem:s16], [sflag:$0xA], $0x40, s12, s13, $0xb8;
	[tilespmem:$0x1EE00] =	vst v63  }
0xc8: {  	_ =	swait.ge [sflag:s0], $0x2000  }
0xc9: {  	[sflag:s0] =	ssyncset.done $0x0  }
0xca: {  	s12 =	sadd.s32 $0x280, s11;
	[sflag:s0] =	ssyncadd.s32 $0xFFFFE000  }
0xcb: {  	[spmem:s2] =	stream.indirect.scatter.add.f32 [tilespmem:s18], [sflag:$0xB], $0x40, s12, s13, $0xb8;
	[tilespmem:$0x1EE00] =	vst v63  }
0xcc: {  	_ =	swait.ge [sflag:s1], $0x2000  }
0xcd: {  	[sflag:s1] =	ssyncset.done $0x0  }
0xce: {  	s12 =	sadd.s32 $0x380, s11;
	[sflag:s1] =	ssyncadd.s32 $0xFFFFE000  }
0xcf: {  	[spmem:s2] =	stream.indirect.scatter.add.f32 [tilespmem:s20], [sflag:$0xC], $0x40, s12, s13, $0xb8;
	[tilespmem:$0x1EE00] =	vst v63  }
0xd0: {  	_ =	swait.ge [sflag:s3], $0x2000  }
0xd1: {  	[sflag:s3] =	ssyncset.done $0x0  }
0xd2: {  	s12 =	sadd.s32 $0x480, s11;
	[sflag:s3] =	ssyncadd.s32 $0xFFFFE000  }
0xd3: {  	[spmem:s2] =	stream.indirect.scatter.add.f32 [tilespmem:s22], [sflag:$0xD], $0x40, s12, s13, $0xb8;
	[tilespmem:$0x1EE00] =	vst v63  }
0xd4: {  	_ =	swait.ge [sflag:s4], $0x2000  }
0xd5: {  	[sflag:s4] =	ssyncset.done $0x0  }
0xd6: {  	s12 =	sadd.s32 $0x580, s11;
	[sflag:s4] =	ssyncadd.s32 $0xFFFFE000  }
0xd7: {  	[spmem:s2] =	stream.indirect.scatter.add.f32 [tilespmem:s24], [sflag:$0xE], $0x40, s12, s13, $0xb8;
	[tilespmem:$0x1EE00] =	vst v63  }
0xd8: {  	_ =	swait.ge [sflag:s6], $0x2000  }
0xd9: {  	[sflag:s6] =	ssyncset.done $0x0  }
0xda: {  	s12 =	sadd.s32 $0x680, s11;
	[sflag:s6] =	ssyncadd.s32 $0xFFFFE000  }
0xdb: {  	[spmem:s2] =	stream.indirect.scatter.add.f32 [tilespmem:s26], [sflag:$0xF], $0x40, s12, s13, $0xb8;
	[tilespmem:$0x1EE00] =	vst v63  }
0xdc: {  	_ =	swait.ge [sflag:s8], $0x2000  }
0xdd: {  	p0 =	seq.s32 s5, $0x12000;
	[sflag:s8] =	ssyncset.done $0x0  }
.Ltmp4:
0xde: {  	s12 =	sadd.s32 $0x780, s11;
	[sflag:s8] =	ssyncadd.s32 $0xFFFFE000;
	(pc) =	sbr.rel @p0 .LBB2_7-.Ltmp4, $4  }
0xdf: {  	[spmem:s2] =	stream.indirect.scatter.add.f32 [tilespmem:s29], [sflag:$0x10], $0x40, s12, s13, $0xb8;
	[tilespmem:$0x1EE00] =	vst v63  }
0xe0: {  	_ =	swait.ge [sflag:s9], $0x2000  }
0xe1: {  	[sflag:s9] =	ssyncset.done $0x0  }
0xe2: {  	[sflag:s9] =	ssyncadd.s32 $0xFFFFE000  }
0xe3: {  	s12 =	sadd.s32 $0x800, s11  }
0xe4: {  	[tilespmem:s14], [sflag:$0x1] =	stream.indirect.gather [hbm4b:s7+s13], $0x40, s12, s13, $0xb8;
	[tilespmem:$0x1EE00] =	vst v63  }
0xe5: {  	_ =	swait.ge [sflag:s10], $0x2000  }
0xe6: {  	[sflag:s10] =	ssyncset.done $0x0  }
0xe7: {  	s12 =	sadd.s32 $0x900, s11;
	[sflag:s10] =	ssyncadd.s32 $0xFFFFE000  }
0xe8: {  	[tilespmem:s16], [sflag:$0x2] =	stream.indirect.gather [hbm4b:s7+s13], $0x40, s12, s13, $0xb8;
	[tilespmem:$0x1EE00] =	vst v63  }
0xe9: {  	_ =	swait.ge [sflag:s15], $0x2000  }
0xea: {  	[sflag:s15] =	ssyncset.done $0x0  }
0xeb: {  	s12 =	sadd.s32 $0xA00, s11;
	[sflag:s15] =	ssyncadd.s32 $0xFFFFE000  }
0xec: {  	[tilespmem:s18], [sflag:$0x3] =	stream.indirect.gather [hbm4b:s7+s13], $0x40, s12, s13, $0xb8;
	[tilespmem:$0x1EE00] =	vst v63  }
0xed: {  	_ =	swait.ge [sflag:s17], $0x2000  }
0xee: {  	[sflag:s17] =	ssyncset.done $0x0  }
0xef: {  	s12 =	sadd.s32 $0xB00, s11;
	[sflag:s17] =	ssyncadd.s32 $0xFFFFE000  }
0xf0: {  	[tilespmem:s20], [sflag:$0x4] =	stream.indirect.gather [hbm4b:s7+s13], $0x40, s12, s13, $0xb8;
	[tilespmem:$0x1EE00] =	vst v63  }
0xf1: {  	_ =	swait.ge [sflag:s19], $0x2000  }
0xf2: {  	[sflag:s19] =	ssyncset.done $0x0  }
0xf3: {  	s12 =	sadd.s32 $0xC00, s11;
	[sflag:s19] =	ssyncadd.s32 $0xFFFFE000  }
0xf4: {  	[tilespmem:s22], [sflag:$0x5] =	stream.indirect.gather [hbm4b:s7+s13], $0x40, s12, s13, $0xb8;
	[tilespmem:$0x1EE00] =	vst v63  }
0xf5: {  	_ =	swait.ge [sflag:s21], $0x2000  }
0xf6: {  	[sflag:s21] =	ssyncset.done $0x0  }
0xf7: {  	s12 =	sadd.s32 $0xD00, s11;
	[sflag:s21] =	ssyncadd.s32 $0xFFFFE000  }
0xf8: {  	[tilespmem:s24], [sflag:$0x6] =	stream.indirect.gather [hbm4b:s7+s13], $0x40, s12, s13, $0xb8;
	[tilespmem:$0x1EE00] =	vst v63  }
0xf9: {  	_ =	swait.ge [sflag:s23], $0x2000  }
0xfa: {  	[sflag:s23] =	ssyncset.done $0x0  }
0xfb: {  	s12 =	sadd.s32 $0xE00, s11;
	[sflag:s23] =	ssyncadd.s32 $0xFFFFE000  }
0xfc: {  	[tilespmem:s26], [sflag:$0x7] =	stream.indirect.gather [hbm4b:s7+s13], $0x40, s12, s13, $0xb8;
	[tilespmem:$0x1EE00] =	vst v63  }
.Ltmp5:
0xfd: {  	_ = 	snop;
	(pc) =	sbr.rel .LBB2_5-.Ltmp5, $4  }
0xfe: {  	_ =	swait.ge [sflag:s25], $0x2000  }
0xff: {  	[sflag:s25] =	ssyncset.done $0x0  }
0x100: {  	s5 =	sadd.s32 $0x2000, s5;
	s12 =	sadd.s32 $0xF00, s11;
	[sflag:s25] =	ssyncadd.s32 $0xFFFFE000  }
0x101: {  	[tilespmem:s29], [sflag:$0x8] =	stream.indirect.gather [hbm4b:s7+s13], $0x40, s12, s13, $0xb8;
	[tilespmem:$0x1EE00] =	vst v63  }
.LBB2_8:
0x102: {  	_ =	sfence.sel $0x180000  }
0x103: {  	[bflag:$0x0] =	sbarrier.arrive $0xFFFF  }
0x104: {  	_ =	strace $0x90000047  }
0x105: {  	s0 =	stileid.u32;
	[bflag:$0x2] =	sbarrier.arrive $0xFFFF  }
0x106: {  	p0 =	sne.s32 s0, $0x0;
	s0 =	rddreg [dreg:$0x2]  }
0x107: {  	s0 =	sadd.s32 @!p0 $0x100000, s0  }
0x108: {  	[sflag:s0] =	ssyncadd.tile.s32 @!p0 $0x1;
	_ =	shalt  }
.Lfunc_end2:
_tile_overlayer_lowered:
.L_overlay_start_2:
0x109: {  	(tag) =	ssettag $0x2  }
0x10a: {  	s0 =	rddreg [dreg:$0x0];
	s2 =	stileid.u32  }
0x10b: {  	s1 =	rddreg [dreg:$0x1];
	p0 =	sne.s32 s2, $0x0  }
0x10c: {  	s3 =	rddreg [dreg:$0x2];
	[bflag:$0x3] =	sbarrier.arrive $0xFFFF;
	s2 =	simm.s32 @!p0 $0x1C11  }
0x10d: {  	[timem:s3], [sflag:s2] =	dma.local @!p0 [hbm:s0], s1  }
0x10e: {  	s0 =	simm.s32 @!p0 $0x11  }
0x10f: {  	_ =	swait.ge @!p0 [sflag:s0], s1  }
0x110: {  	s1 =	ssub.s32 @!p0 $0x0, s1;
	[sflag:s0] =	ssyncset.done @!p0 $0x0  }
0x111: {  	[sflag:s0] =	ssyncadd.s32 @!p0 s1  }
0x112: {  	[bflag:$0x3] =	sbarrier.arrive $0xFFFF  }
0x113: {  	_ =	shalt  }

// kernel: kernel.9.cloned.1.call-start
scs
__scs_entry_jumppad:
0x0: {  	(pc) =	sbr.rel $0x88, $3  }
0x1: {  	(tag) =	ssettag $0x0;
	lr =	simm.s32 $0x1  }
0x2: {  	[smem:$0x3F90] =	sst lr;
	_ =	strace $0xD0000000  }
0x3: {  	_ = 	snop  }
0x4: {  	_ = 	snop  }
0x5: {  	_ = 	snop  }
0x6: {  	_ = 	snop  }
0x7: {  	_ = 	snop  }
__scs_overlays_trampoline_lowered:
0x8: {  	[smem:$0x3F9F] =	sst s0  }
0x9: {  	[smem:$0x3FA0] =	sst s1  }
0xa: {  	[smem:$0x3FA1] =	sst s2  }
0xb: {  	[smem:$0x3FA2] =	sst s3  }
0xc: {  	[smem:$0x3FA3] =	sst s4  }
0xd: {  	[smem:$0x3FA4] =	sst s5  }
0xe: {  	[smem:$0x3FA5] =	sst s6  }
0xf: {  	[smem:$0x3FA6] =	sst s7  }
0x10: {  	[smem:$0x3FA7] =	sst s8  }
0x11: {  	[smem:$0x3FA8] =	sst s9;
	s0 =	simm.s32 @!p0 $0x0  }
0x12: {  	s1 =	sld [smem:$0x3F8E];
	s0 =	simm.s32 @p0 $0x1  }
0x13: {  	[smem:$0x3FA9] =	sst s0;
	s0 =	simm.s32 @!p1 $0x0  }
0x14: {  	s2 =	sld [smem:$0x3F8D];
	s0 =	simm.s32 @p1 $0x1  }
0x15: {  	[smem:$0x3FAA] =	sst s0;
	s0 =	simm.s32 @!p2 $0x0  }
0x16: {  	s3 =	sld [smem:$0x3FDB];
	s0 =	simm.s32 @p2 $0x1  }
0x17: {  	s4 =	simm.s32 $0x1BF5;
	[smem:$0x3FAC] =	sst s0  }
0x18: {  	s0 =	sld [smem:$0x3F8F];
	_ =	swait.ge [sflag:s4], $0x0  }
0x19: {  	s7 =	sld [smem:$0x3F90]  }
0x1a: {  	s8 =	sadd.s32 $0xFFFFE003, lr  }
0x1b: {  	s9 =	sadd.s32 $0xFFFFFEF7, lr;
	s5 =	simm.s32 $0xFFFFFFFF;
	p2 =	slt.u32 s8, $0xFFFFF086  }
0x1c: {  	p1 =	slt.u32 s9, $0xF7A;
	s5 =	simm.s32 @!p2 $0x0  }
0x1d: {  	s5 =	simm.s32 @p1 $0x1;
	p0 =	seq.s32 s7, s2  }
0x1e: {  	s7 =	smul.u32 @!p0 $0xF7A, s2;
	p2 =	seq.s32 @!p0 s5, $0x0  }
0x1f: {  	s9 =	smul.u32 $0xF7A, s1;
	s8 =	simm.s32 @!p0 $0x1BF5;
	p2 =	por !p2, p0  }
0x20: {  	[sflag:s8] =	ssyncset.s32 @!p0 $0xFFFFF086;
	s6 =	sadd.s32 @!p0 s3, s7;
	s7 =	simm.s32 @!p0 $0x108  }
0x21: {  	s3 =	sadd.s32 s3, s9;
	s6 =	sadd.s32 @!p0 $0x88, s6;
	s7 =	simm.s32 @p2 $0x1082  }
0x22: {  	[simem:s7], [sflag:s8] =	dma.local @!p0 [hbm:s6], $0xF7A  }
0x23: {  	s9 =	sor.u32 $0xD0000000, s2;
	s6 =	simm.s32 $0x108;
	_ =	swait.ge @!p0 [sflag:s8], $0x0  }
0x24: {  	s3 =	sadd.s32 $0x88, s3;
	s6 =	simm.s32 @!p1 $0x1082;
	[sflag:s4] =	ssyncset.s32 $0xFFFFF086  }
0x25: {  	[simem:s6], [sflag:s4] =	dma.local [hbm:s3], $0xF7A  }
0x26: {  	[smem:$0x3F90] =	sst s1;
	(tag) =	ssettag s2;
	_ =	strace s9  }
0x27: {  	s1 =	sld [smem:$0x3FA0]  }
0x28: {  	s2 =	sld [smem:$0x3FA1]  }
0x29: {  	s4 =	sld [smem:$0x3FA3]  }
0x2a: {  	p0 =	seq.s32 s5, $0x0;
	s5 =	sld [smem:$0x3FA4]  }
0x2b: {  	s6 =	sld [smem:$0x3FA5]  }
0x2c: {  	s7 =	sld [smem:$0x3FA6]  }
0x2d: {  	s3 =	simm.s32 $0x108;
	s8 =	sld [smem:$0x3FA7]  }
0x2e: {  	s3 =	simm.s32 @!p0 $0x1082;
	s9 =	sld [smem:$0x3FA8]  }
0x2f: {  	lr =	sadd.s32 s0, s3;
	s0 =	sld [smem:$0x3F9F]  }
0x30: {  	s3 =	sld [smem:$0x3FA2]  }
0x31: {  	[smem:$0x3FAB] =	sst s10  }
0x32: {  	s10 =	sld [smem:$0x3FA9];
	_ =	sdelay $0x3  }
0x33: {  	p0 =	seq.s32 s10, $0x1;
	s10 =	sld [smem:$0x3FAB];
	_ =	sdelay $0x3  }
0x34: {  	[smem:$0x3FAB] =	sst s10  }
0x35: {  	s10 =	sld [smem:$0x3FAA];
	_ =	sdelay $0x3  }
0x36: {  	p1 =	seq.s32 s10, $0x1;
	s10 =	sld [smem:$0x3FAB];
	_ =	sdelay $0x3  }
0x37: {  	[smem:$0x3FAB] =	sst s10  }
0x38: {  	s10 =	sld [smem:$0x3FAC]  }
0x39: {  	_ = 	snop;
	(pc) =	sbr.ind lr, $3  }
0x3a: {  	_ = 	snop  }
0x3b: {  	_ = 	snop  }
0x3c: {  	p2 =	seq.s32 s10, $0x1;
	s10 =	sld [smem:$0x3FAB]  }
0x3d: {  	_ =	shalt  }
0x3e: {  	_ =	shalt  }
0x3f: {  	_ =	shalt  }
0x40: {  	_ =	shalt  }
0x41: {  	_ =	shalt  }
0x42: {  	_ =	shalt  }
0x43: {  	_ =	shalt  }
0x44: {  	_ =	shalt  }
0x45: {  	_ =	shalt  }
0x46: {  	_ =	shalt  }
0x47: {  	_ =	shalt  }
0x48: {  	_ =	shalt  }
0x49: {  	_ =	shalt  }
0x4a: {  	_ =	shalt  }
0x4b: {  	_ =	shalt  }
0x4c: {  	_ =	shalt  }
0x4d: {  	_ =	shalt  }
0x4e: {  	_ =	shalt  }
0x4f: {  	_ =	shalt  }
0x50: {  	_ =	shalt  }
0x51: {  	_ =	shalt  }
0x52: {  	_ =	shalt  }
0x53: {  	_ =	shalt  }
0x54: {  	_ =	shalt  }
0x55: {  	_ =	shalt  }
0x56: {  	_ =	shalt  }
0x57: {  	_ =	shalt  }
0x58: {  	_ =	shalt  }
0x59: {  	_ =	shalt  }
0x5a: {  	_ =	shalt  }
0x5b: {  	_ =	shalt  }
0x5c: {  	_ =	shalt  }
0x5d: {  	_ =	shalt  }
0x5e: {  	_ =	shalt  }
0x5f: {  	_ =	shalt  }
0x60: {  	_ =	shalt  }
0x61: {  	_ =	shalt  }
0x62: {  	_ =	shalt  }
0x63: {  	_ =	shalt  }
0x64: {  	_ =	shalt  }
0x65: {  	_ =	shalt  }
0x66: {  	_ =	shalt  }
0x67: {  	_ =	shalt  }
0x68: {  	_ =	shalt  }
0x69: {  	_ =	shalt  }
0x6a: {  	_ =	shalt  }
0x6b: {  	_ =	shalt  }
0x6c: {  	_ =	shalt  }
0x6d: {  	_ =	shalt  }
0x6e: {  	_ =	shalt  }
0x6f: {  	_ =	shalt  }
0x70: {  	_ =	shalt  }
0x71: {  	_ =	shalt  }
0x72: {  	_ =	shalt  }
0x73: {  	_ =	shalt  }
0x74: {  	_ =	shalt  }
0x75: {  	_ =	shalt  }
0x76: {  	_ =	shalt  }
0x77: {  	_ =	shalt  }
0x78: {  	_ =	shalt  }
0x79: {  	_ =	shalt  }
0x7a: {  	_ =	shalt  }
0x7b: {  	_ =	shalt  }
0x7c: {  	_ =	shalt  }
0x7d: {  	_ =	shalt  }
0x7e: {  	_ =	shalt  }
0x7f: {  	_ =	shalt  }
0x80: {  	_ =	shalt  }
0x81: {  	_ =	shalt  }
0x82: {  	_ =	shalt  }
0x83: {  	_ =	shalt  }
0x84: {  	_ =	shalt  }
0x85: {  	_ =	shalt  }
0x86: {  	_ =	shalt  }
0x87: {  	_ =	shalt  }
.Lfunc_end0:
.L_simem_size_0:
called_computation.1_lowered:
.L_overlay_start_0:
0x88: {  	s2 =	sld [smem:$0x3FD9]  }
0x89: {  	s3 =	sld [smem:$0x3FFE];
	_ =	sdelay $0x1  }
0x8a: {  	s1 =	srdreg.scid  }
0x8b: {  	s0 =	sand.u32 $0x1, s1  }
0x8c: {  	s16 =	sshll.u32 s0, $0xA;
	s2 =	sadd.s32 s3, s2  }
0x8d: {  	s2 =	sadd.s32 s2, s16  }
0x8e: {  	[smem:$0x3FB7] =	sst s2  }
0x8f: {  	_ = 	snop  }
0x90: {  	(tm) =	ssettm $0x1  }
0x91: {  	s17 =	sld [smem:$0x3FFB];
	_ =	sdelay $0x3  }
0x92: {  	_ =	strace s17  }
0x93: {  	s2 =	sld [smem:$0x3FFC];
	_ =	sdelay $0x3  }
0x94: {  	_ =	strace s2  }
0x95: {  	s2 =	sld [smem:$0x3FFD];
	_ =	sdelay $0x3  }
0x96: {  	_ =	strace s2  }
0x97: {  	_ =	strace $0x8FFFFFFF  }
0x98: {  	s18 =	sld [smem:$0x3FDB];
	_ =	sdelay $0x1  }
0x99: {  	s19 =	simm.s32 $_scs_section_size  }
0x9a: {  	s4 =	simm.s32 $_size__tile_overlayer_lowered;
	s5 =	simm.s32 $_tile_overlayer_lowered  }
0x9b: {  	s22 =	simm.s32 $0x1BFF;
	s21 =	sshll.u32 s5, $0x1;
	s2 =	sadd.s32 s19, s18  }
0x9c: {  	s6 =	simm.s32 $0x0;
	s20 =	sshll.u32 s4, $0x1;
	s4 =	sadd.s32 s21, s2  }
0x9d: {  	[timem:s6], [sflag:s22] =	dma.local [hbm:s4], s20  }
0x9e: {  	_ =	swait.ge [sflag:s22], s20  }
0x9f: {  	s3 =	ssub.s32 $0x0, s20;
	[sflag:s22] =	ssyncset.done $0x0  }
0xa0: {  	[sflag:s22] =	ssyncadd.s32 s3;
	_ =	sdelay $0x1  }
0xa1: {  	s23 =	simm.s32 $0x1B8B  }
0xa2: {  	_ =	swait.ge [sflag:s23], $0x1  }
0xa3: {  	[sflag:s23] =	ssyncset.done $0x0  }
0xa4: {  	s25 =	simm.s32 $0x1B8E;
	s24 =	sld [smem:$0x3FFE];
	[sflag:s23] =	ssyncadd.s32 $0xFFFFFFFF  }
0xa5: {  	s26 =	simm.s32 $execute0_lowered;
	[smem:$0x3FD2] =	sst s25  }
0xa6: {  	s4 =	sshll.u32 s26, $0x1;
	_ =	strace $0x80000049;
	[dreg:$0x1] =	wrdreg $0xFFFFFFFF  }
0xa7: {  	s28 =	simm.s32 $_size_execute0_lowered;
	s2 =	sadd.s32 s2, s4;
	[dreg:$0x0] =	wrdreg $0x0  }
0xa8: {  	s4 =	sshll.u32 s28, $0x1;
	[dreg:$0x2] =	wrdreg s2  }
0xa9: {  	[dreg:$0x3] =	wrdreg s4  }
0xaa: {  	[dreg:$0x4] =	wrdreg $0xC0  }
0xab: {  	_ =	task [dreg:s6], $0x5FFFF  }
0xac: {  	[dreg:$0x1] =	wrdreg $0xFFFFFFFF  }
0xad: {  	[dreg:$0x0] =	wrdreg $0x60  }
0xae: {  	[dreg:$0x2] =	wrdreg s24  }
0xaf: {  	[dreg:$0x3] =	wrdreg $0x150000  }
0xb0: {  	[dreg:$0x4] =	wrdreg $0x9  }
0xb1: {  	_ =	task.clear_ibuf [dreg:s6], $0x5FFFF;
	_ =	strace $0x90000049  }
0xb2: {  	s29 =	simm.s32 $0x9;
	_ =	strace $0x8000004B  }
0xb3: {  	_ =	swait.ge [sflag:s29], $0x1  }
0xb4: {  	[sflag:s29] =	ssyncadd.s32 $0xFFFFFFFF  }
0xb5: {  	_ =	strace $0x9000004B  }
0xb6: {  	_ =	sfence  }
0xb7: {  	s30 =	sld [smem:$0x0];
	_ =	sdelay $0x2  }
0xb8: {  	s31 =	sshll.u32 s1, $0xD;
	s1 =	sshrl.u32 s1, $0x2  }
0xb9: {  	s3 =	sand.u32 $0x4000, s31;
	s1 =	sadd.s32 s1, s30  }
0xba: {  	s0 =	sor.u32 s3, s0;
	s1 =	sshll.u32 s1, $0x11  }
0xbb: {  	s0 =	sor.u32 s1, s0  }
0xbc: {  	s0 =	sadd.s32 $0x8F2B, s0  }
0xbd: {  	[sflag:s0] =	ssyncadd.remote.s32 $0x1  }
0xbe: {  	_ =	sfence.sel $0xFFFF  }
0xbf: {  	[dreg:$0x0] =	wrdreg $0xFFFFFFFF;
	(pc) =	sbr.abs _section_cstart, $3  }
0xc0: {  	[dreg:$0x1] =	wrdreg $0xFFFFFFFF  }
0xc1: {  	_ =	task.clear_ibuf [dreg:s6], $0x2FFFF;
	_ =	strace $0x9FFFFFFF  }
0xc2: {  	(tm) =	ssettm $0x7FFFFFFF  }
0xc3: {  	_ =	shalt  }
tec
execute0_lowered:
.L_overlay_start_1:
0x0: {  	(tag) =	ssettag $0x1  }
0x1: {  	s0 =	rddreg [dreg:$0x0]  }
0x2: {  	s1 =	srdreg.scid;
	s2 =	rddreg [dreg:$0x1]  }
0x3: {  	s9 =	stileid.u32;
	s5 =	simm.s32 $0x0;
	s13 =	simm.s32 $0x80  }
0x4: {  	s14 =	simm.s32 $0x5000;
	s16 =	simm.s32 $0x7000;
	s18 =	simm.s32 $0x9000  }
0x5: {  	s29 =	simm.s32 $0x13000;
	s30 =	simm.s32 $0x1;
	s31 =	simm.s32 $0x2  }
0x6: {  	s10 =	simm.s32 $0xA;
	s15 =	simm.s32 $0xB;
	s4 =	smul.u32 $0x9E00, s9  }
0x7: {  	s17 =	simm.s32 $0xC;
	s19 =	simm.s32 $0xD;
	s8 =	smul.u32 $0xA000, s9  }
0x8: {  	s28 =	simm.s32 $0x0;
	s1 =	sand.u32 $0x1, s1;
	s22 =	smul.u32 $0x1400, s9  }
0x9: {  	[smem:$0x7FF] =	sst s5;
	s6 =	sadd.s32 $0x29800, s0;
	s3 =	smul.u32 $0x13880, s1  }
0xa: {  	s23 =	sshll.u32 s9, $0x6;
	s9 =	simm.s32 $0x9;
	s20 =	smul.u32 $0x9E000, s1  }
0xb: {  	_ =	strace $0x8000004A;
	s1 =	ssub.s32 $0x2, s1;
	s11 =	sor.u32 $0x1C11, s23  }
0xc: {  	s23 =	simm.s32 $0xF;
	s7 =	sshrl.u32 s4, $0x3;
	s21 =	sshrl.u32 s1, $0x1  }
0xd: {  	s8 =	sshrl.u32 s8, $0x3;
	[dreg:$0x4] =	wrdreg s11;
	s3 =	sadd.s32 s3, s0  }
0xe: {  	s5 =	sadd.s32 s4, s20;
	s7 =	sadd.s32 s7, s0;
	s1 =	ssub.s32 s1, s21  }
0xf: {  	s4 =	sadd.s32 s4, s2;
	s24 =	sadd.s32 s6, s8;
	s20 =	simm.s32 $0xB000  }
0x10: {  	s8 =	simm.s32 $0x8;
	s21 =	simm.s32 $0xE;
	s5 =	sshrl.u32 s5, $0x3  }
0x11: {  	s7 =	sadd.s32 $0x3D800, s7;
	s25 =	sadd.s32 $0xA00, s24;
	s26 =	smax.u32 s1, $0x1  }
0x12: {  	s12 =	sshrl.u32 s4, $0x3;
	s24 =	simm.s32 $0xF000;
	s1 =	simm.s32 $0x4  }
0x13: {  	s4 =	simm.s32 $0x6;
	s0 =	sadd.s32 s5, s0;
	[dreg:$0x3] =	wrdreg s7  }
.Ltmp0:
0x14: {  	s5 =	sadd.s32 s6, s22;
	[dreg:$0x6] =	wrdreg s25;
	(pc) =	sbr.rel .LBB2_1-.Ltmp0, $4  }
0x15: {  	s7 =	sadd.s32 $0x2600, s3;
	[dreg:$0x8] =	wrdreg s26;
	s22 =	simm.s32 $0xD000  }
0x16: {  	s26 =	simm.s32 $0x11000;
	s3 =	simm.s32 $0x5;
	[dreg:$0x9] =	wrdreg s12  }
0x17: {  	s6 =	simm.s32 $0x7;
	[dreg:$0x5] =	wrdreg s5;
	s0 =	sadd.s32 $0x51400, s0  }
0x18: {  	s25 =	simm.s32 $0x10;
	[dreg:$0x7] =	wrdreg s0;
	s0 =	simm.s32 $0x3  }
.LBB2_7:
0x19: {  	_ =	swait.ge [sflag:s10], $0x2000  }
0x1a: {  	[sflag:s10] =	ssyncset.done $0x0  }
0x1b: {  	[sflag:s10] =	ssyncadd.s32 $0xFFFFE000  }
0x1c: {  	_ =	swait.ge [sflag:s15], $0x2000  }
0x1d: {  	[sflag:s15] =	ssyncset.done $0x0  }
0x1e: {  	[sflag:s15] =	ssyncadd.s32 $0xFFFFE000  }
0x1f: {  	_ =	swait.ge [sflag:s17], $0x2000  }
0x20: {  	[sflag:s17] =	ssyncset.done $0x0  }
0x21: {  	[sflag:s17] =	ssyncadd.s32 $0xFFFFE000  }
0x22: {  	_ =	swait.ge [sflag:s19], $0x2000  }
0x23: {  	[sflag:s19] =	ssyncset.done $0x0  }
0x24: {  	[sflag:s19] =	ssyncadd.s32 $0xFFFFE000  }
0x25: {  	_ =	swait.ge [sflag:s21], $0x2000  }
0x26: {  	[sflag:s21] =	ssyncset.done $0x0  }
0x27: {  	[sflag:s21] =	ssyncadd.s32 $0xFFFFE000  }
0x28: {  	_ =	swait.ge [sflag:s23], $0x2000  }
0x29: {  	[sflag:s23] =	ssyncset.done $0x0  }
0x2a: {  	[sflag:s23] =	ssyncadd.s32 $0xFFFFE000  }
0x2b: {  	_ =	swait.ge [sflag:s25], $0x2000  }
0x2c: {  	[sflag:s25] =	ssyncset.done $0x0  }
0x2d: {  	[sflag:s25] =	ssyncadd.s32 $0xFFFFE000  }
0x2e: {  	[bflag:$0x0] =	sbarrier.arrive $0xFFFF  }
0x2f: {  	s11 =	rddreg [dreg:$0x4]  }
0x30: {  	s5 =	rddreg [dreg:$0x7]  }
0x31: {  	s12 =	rddreg [dreg:$0x9]  }
0x32: {  	[hbm:s5], [sflag:s11] =	dma.local [spmem:s12], $0x13C0  }
0x33: {  	s5 =	simm.s32 $0x11  }
0x34: {  	_ =	swait.ge [sflag:s5], $0x13C0  }
0x35: {  	s28 =	sadd.s32 $0x1, s28;
	[sflag:s5] =	ssyncset.done $0x0;
	s5 =	rddreg [dreg:$0x8]  }
0x36: {  	p0 =	sne.s32 s28, s5  }
.Ltmp1:
0x37: {  	_ = 	snop;
	(pc) =	sbr.rel @!p0 .LBB2_8-.Ltmp1, $3  }
0x38: {  	_ =	sdelay $0x1  }
0x39: {  	s5 =	simm.s32 $0x11  }
0x3a: {  	[sflag:s5] =	ssyncadd.s32 $0xFFFFEC40  }
.LBB2_1:
0x3b: {  	[dreg:$0xa] =	wrdreg s28  }
0x3c: {  	s28 =	simm.s32 $0x11;
	s5 =	rddreg [dreg:$0x3]  }
0x3d: {  	[spmem:s12], [sflag:s11] =	dma.local [hbm:s5], $0x13C0  }
0x3e: {  	_ =	swait.ge [sflag:s28], $0x13C0  }
0x3f: {  	[sflag:s28] =	ssyncset.done $0x0  }
0x40: {  	[sflag:s28] =	ssyncadd.s32 $0xFFFFEC40  }
0x41: {  	[bflag:$0x0] =	sbarrier.arrive $0xFFFF  }
0x42: {  	s5 =	simm.s32 $0x0;
	s12 =	rddreg [dreg:$0x5]  }
0x43: {  	[tilespmem:s5], [sflag:$0x11] =	stream.linear.gather [hbm4b:s12+s5], $0x5000, $0x38;
	[tilespmem:$0x1EE00] =	vst v63  }
0x44: {  	_ =	swait.ge [sflag:s28], $0x5000  }
0x45: {  	[sflag:s28] =	ssyncset.done $0x0  }
0x46: {  	[sflag:s28] =	ssyncadd.s32 $0xFFFFB000  }
0x47: {  	[tilespmem:s14], [sflag:$0x1] =	stream.indirect.gather [hbm4b:s7+s13], $0x40, s5, s13, $0xb8;
	[tilespmem:$0x1EE00] =	vst v63  }
0x48: {  	s28 =	simm.s32 $0x100  }
0x49: {  	[tilespmem:s16], [sflag:$0x2] =	stream.indirect.gather [hbm4b:s7+s13], $0x40, s28, s13, $0xb8;
	[tilespmem:$0x1EE00] =	vst v63  }
0x4a: {  	s11 =	simm.s32 $0x200  }
0x4b: {  	[tilespmem:s18], [sflag:$0x3] =	stream.indirect.gather [hbm4b:s7+s13], $0x40, s11, s13, $0xb8;
	[tilespmem:$0x1EE00] =	vst v63  }
0x4c: {  	s12 =	simm.s32 $0x300  }
0x4d: {  	[tilespmem:s20], [sflag:$0x4] =	stream.indirect.gather [hbm4b:s7+s13], $0x40, s12, s13, $0xb8;
	[tilespmem:$0x1EE00] =	vst v63  }
0x4e: {  	s11 =	simm.s32 $0x400  }
0x4f: {  	[tilespmem:s22], [sflag:$0x5] =	stream.indirect.gather [hbm4b:s7+s13], $0x40, s11, s13, $0xb8;
	[tilespmem:$0x1EE00] =	vst v63  }
0x50: {  	s12 =	simm.s32 $0x500  }
0x51: {  	[tilespmem:s24], [sflag:$0x6] =	stream.indirect.gather [hbm4b:s7+s13], $0x40, s12, s13, $0xb8;
	[tilespmem:$0x1EE00] =	vst v63  }
0x52: {  	s11 =	simm.s32 $0x600  }
0x53: {  	[tilespmem:s26], [sflag:$0x7] =	stream.indirect.gather [hbm4b:s7+s13], $0x40, s11, s13, $0xb8;
	[tilespmem:$0x1EE00] =	vst v63  }
0x54: {  	s5 =	simm.s32 $0x0;
	s12 =	simm.s32 $0x700  }
0x55: {  	[tilespmem:s29], [sflag:$0x8] =	stream.indirect.gather [hbm4b:s7+s13], $0x40, s12, s13, $0xb8;
	[tilespmem:$0x1EE00] =	vst v63  }
.LBB2_2:
0x56: {  	_ =	swait.ge [sflag:s30], $0x2000  }
0x57: {  	s11 =	sshra.s32 s5, $0x2;
	[sflag:s30] =	ssyncset.done $0x0  }
0x58: {  	s12 =	sadd.s32 $0x80, s11;
	[sflag:s30] =	ssyncadd.s32 $0xFFFFE000  }
0x59: {  	[spmem:s2] =	stream.indirect.scatter.add.f32 [tilespmem:s14], [sflag:$0x9], $0x40, s12, s13, $0xb8;
	[tilespmem:$0x1EE00] =	vst v63  }
0x5a: {  	_ =	swait.ge [sflag:s31], $0x2000  }
0x5b: {  	[sflag:s31] =	ssyncset.done $0x0  }
0x5c: {  	s12 =	sadd.s32 $0x180, s11;
	[sflag:s31] =	ssyncadd.s32 $0xFFFFE000  }
0x5d: {  	[spmem:s2] =	stream.indirect.scatter.add.f32 [tilespmem:s16], [sflag:$0xA], $0x40, s12, s13, $0xb8;
	[tilespmem:$0x1EE00] =	vst v63  }
0x5e: {  	_ =	swait.ge [sflag:s0], $0x2000  }
0x5f: {  	[sflag:s0] =	ssyncset.done $0x0  }
0x60: {  	s12 =	sadd.s32 $0x280, s11;
	[sflag:s0] =	ssyncadd.s32 $0xFFFFE000  }
0x61: {  	[spmem:s2] =	stream.indirect.scatter.add.f32 [tilespmem:s18], [sflag:$0xB], $0x40, s12, s13, $0xb8;
	[tilespmem:$0x1EE00] =	vst v63  }
0x62: {  	_ =	swait.ge [sflag:s1], $0x2000  }
0x63: {  	[sflag:s1] =	ssyncset.done $0x0  }
0x64: {  	s12 =	sadd.s32 $0x380, s11;
	[sflag:s1] =	ssyncadd.s32 $0xFFFFE000  }
0x65: {  	[spmem:s2] =	stream.indirect.scatter.add.f32 [tilespmem:s20], [sflag:$0xC], $0x40, s12, s13, $0xb8;
	[tilespmem:$0x1EE00] =	vst v63  }
0x66: {  	_ =	swait.ge [sflag:s3], $0x2000  }
0x67: {  	[sflag:s3] =	ssyncset.done $0x0  }
0x68: {  	s12 =	sadd.s32 $0x480, s11;
	[sflag:s3] =	ssyncadd.s32 $0xFFFFE000  }
0x69: {  	[spmem:s2] =	stream.indirect.scatter.add.f32 [tilespmem:s22], [sflag:$0xD], $0x40, s12, s13, $0xb8;
	[tilespmem:$0x1EE00] =	vst v63  }
0x6a: {  	_ =	swait.ge [sflag:s4], $0x2000  }
0x6b: {  	[sflag:s4] =	ssyncset.done $0x0  }
0x6c: {  	s12 =	sadd.s32 $0x580, s11;
	[sflag:s4] =	ssyncadd.s32 $0xFFFFE000  }
0x6d: {  	[spmem:s2] =	stream.indirect.scatter.add.f32 [tilespmem:s24], [sflag:$0xE], $0x40, s12, s13, $0xb8;
	[tilespmem:$0x1EE00] =	vst v63  }
0x6e: {  	_ =	swait.ge [sflag:s6], $0x2000  }
0x6f: {  	[sflag:s6] =	ssyncset.done $0x0  }
0x70: {  	s12 =	sadd.s32 $0x680, s11;
	[sflag:s6] =	ssyncadd.s32 $0xFFFFE000  }
0x71: {  	[spmem:s2] =	stream.indirect.scatter.add.f32 [tilespmem:s26], [sflag:$0xF], $0x40, s12, s13, $0xb8;
	[tilespmem:$0x1EE00] =	vst v63  }
0x72: {  	_ =	swait.ge [sflag:s8], $0x2000  }
0x73: {  	p0 =	seq.s32 s5, $0x12000;
	[sflag:s8] =	ssyncset.done $0x0  }
.Ltmp2:
0x74: {  	s12 =	sadd.s32 $0x780, s11;
	[sflag:s8] =	ssyncadd.s32 $0xFFFFE000;
	(pc) =	sbr.rel @p0 .LBB2_4-.Ltmp2, $4  }
0x75: {  	[spmem:s2] =	stream.indirect.scatter.add.f32 [tilespmem:s29], [sflag:$0x10], $0x40, s12, s13, $0xb8;
	[tilespmem:$0x1EE00] =	vst v63  }
0x76: {  	_ =	swait.ge [sflag:s9], $0x2000  }
0x77: {  	[sflag:s9] =	ssyncset.done $0x0  }
0x78: {  	[sflag:s9] =	ssyncadd.s32 $0xFFFFE000  }
0x79: {  	s12 =	sadd.s32 $0x800, s11  }
0x7a: {  	[tilespmem:s14], [sflag:$0x1] =	stream.indirect.gather [hbm4b:s7+s13], $0x40, s12, s13, $0xb8;
	[tilespmem:$0x1EE00] =	vst v63  }
0x7b: {  	_ =	swait.ge [sflag:s10], $0x2000  }
0x7c: {  	[sflag:s10] =	ssyncset.done $0x0  }
0x7d: {  	s12 =	sadd.s32 $0x900, s11;
	[sflag:s10] =	ssyncadd.s32 $0xFFFFE000  }
0x7e: {  	[tilespmem:s16], [sflag:$0x2] =	stream.indirect.gather [hbm4b:s7+s13], $0x40, s12, s13, $0xb8;
	[tilespmem:$0x1EE00] =	vst v63  }
0x7f: {  	_ =	swait.ge [sflag:s15], $0x2000  }
0x80: {  	[sflag:s15] =	ssyncset.done $0x0  }
0x81: {  	s12 =	sadd.s32 $0xA00, s11;
	[sflag:s15] =	ssyncadd.s32 $0xFFFFE000  }
0x82: {  	[tilespmem:s18], [sflag:$0x3] =	stream.indirect.gather [hbm4b:s7+s13], $0x40, s12, s13, $0xb8;
	[tilespmem:$0x1EE00] =	vst v63  }
0x83: {  	_ =	swait.ge [sflag:s17], $0x2000  }
0x84: {  	[sflag:s17] =	ssyncset.done $0x0  }
0x85: {  	s12 =	sadd.s32 $0xB00, s11;
	[sflag:s17] =	ssyncadd.s32 $0xFFFFE000  }
0x86: {  	[tilespmem:s20], [sflag:$0x4] =	stream.indirect.gather [hbm4b:s7+s13], $0x40, s12, s13, $0xb8;
	[tilespmem:$0x1EE00] =	vst v63  }
0x87: {  	_ =	swait.ge [sflag:s19], $0x2000  }
0x88: {  	[sflag:s19] =	ssyncset.done $0x0  }
0x89: {  	s12 =	sadd.s32 $0xC00, s11;
	[sflag:s19] =	ssyncadd.s32 $0xFFFFE000  }
0x8a: {  	[tilespmem:s22], [sflag:$0x5] =	stream.indirect.gather [hbm4b:s7+s13], $0x40, s12, s13, $0xb8;
	[tilespmem:$0x1EE00] =	vst v63  }
0x8b: {  	_ =	swait.ge [sflag:s21], $0x2000  }
0x8c: {  	[sflag:s21] =	ssyncset.done $0x0  }
0x8d: {  	s12 =	sadd.s32 $0xD00, s11;
	[sflag:s21] =	ssyncadd.s32 $0xFFFFE000  }
0x8e: {  	[tilespmem:s24], [sflag:$0x6] =	stream.indirect.gather [hbm4b:s7+s13], $0x40, s12, s13, $0xb8;
	[tilespmem:$0x1EE00] =	vst v63  }
0x8f: {  	_ =	swait.ge [sflag:s23], $0x2000  }
0x90: {  	[sflag:s23] =	ssyncset.done $0x0  }
0x91: {  	s12 =	sadd.s32 $0xE00, s11;
	[sflag:s23] =	ssyncadd.s32 $0xFFFFE000  }
0x92: {  	[tilespmem:s26], [sflag:$0x7] =	stream.indirect.gather [hbm4b:s7+s13], $0x40, s12, s13, $0xb8;
	[tilespmem:$0x1EE00] =	vst v63  }
.Ltmp3:
0x93: {  	_ = 	snop;
	(pc) =	sbr.rel .LBB2_2-.Ltmp3, $4  }
0x94: {  	_ =	swait.ge [sflag:s25], $0x2000  }
0x95: {  	[sflag:s25] =	ssyncset.done $0x0  }
0x96: {  	s5 =	sadd.s32 $0x2000, s5;
	s12 =	sadd.s32 $0xF00, s11;
	[sflag:s25] =	ssyncadd.s32 $0xFFFFE000  }
0x97: {  	[tilespmem:s29], [sflag:$0x8] =	stream.indirect.gather [hbm4b:s7+s13], $0x40, s12, s13, $0xb8;
	[tilespmem:$0x1EE00] =	vst v63  }
.LBB2_4:
0x98: {  	_ =	swait.ge [sflag:s10], $0x2000  }
0x99: {  	[sflag:s10] =	ssyncset.done $0x0  }
0x9a: {  	[sflag:s10] =	ssyncadd.s32 $0xFFFFE000  }
0x9b: {  	_ =	swait.ge [sflag:s15], $0x2000  }
0x9c: {  	[sflag:s15] =	ssyncset.done $0x0  }
0x9d: {  	[sflag:s15] =	ssyncadd.s32 $0xFFFFE000  }
0x9e: {  	_ =	swait.ge [sflag:s17], $0x2000  }
0x9f: {  	[sflag:s17] =	ssyncset.done $0x0  }
0xa0: {  	[sflag:s17] =	ssyncadd.s32 $0xFFFFE000  }
0xa1: {  	_ =	swait.ge [sflag:s19], $0x2000  }
0xa2: {  	[sflag:s19] =	ssyncset.done $0x0  }
0xa3: {  	[sflag:s19] =	ssyncadd.s32 $0xFFFFE000  }
0xa4: {  	_ =	swait.ge [sflag:s21], $0x2000  }
0xa5: {  	[sflag:s21] =	ssyncset.done $0x0  }
0xa6: {  	[sflag:s21] =	ssyncadd.s32 $0xFFFFE000  }
0xa7: {  	_ =	swait.ge [sflag:s23], $0x2000  }
0xa8: {  	[sflag:s23] =	ssyncset.done $0x0  }
0xa9: {  	[sflag:s23] =	ssyncadd.s32 $0xFFFFE000  }
0xaa: {  	_ =	swait.ge [sflag:s25], $0x2000  }
0xab: {  	s5 =	simm.s32 $0x0;
	[sflag:s25] =	ssyncset.done $0x0  }
0xac: {  	s12 =	simm.s32 $0x11;
	s11 =	rddreg [dreg:$0x6];
	[sflag:s25] =	ssyncadd.s32 $0xFFFFE000  }
0xad: {  	[tilespmem:s5], [sflag:$0x11] =	stream.linear.gather [hbm4b:s11+s5], $0x5000, $0x38;
	[tilespmem:$0x1EE00] =	vst v63  }
0xae: {  	_ =	swait.ge [sflag:s12], $0x5000  }
0xaf: {  	[sflag:s12] =	ssyncset.done $0x0  }
0xb0: {  	[sflag:s12] =	ssyncadd.s32 $0xFFFFB000  }
0xb1: {  	[tilespmem:s14], [sflag:$0x1] =	stream.indirect.gather [hbm4b:s7+s13], $0x40, s5, s13, $0xb8;
	[tilespmem:$0x1EE00] =	vst v63  }
0xb2: {  	_ = 	snop  }
0xb3: {  	[tilespmem:s16], [sflag:$0x2] =	stream.indirect.gather [hbm4b:s7+s13], $0x40, s28, s13, $0xb8;
	[tilespmem:$0x1EE00] =	vst v63  }
0xb4: {  	s12 =	simm.s32 $0x200  }
0xb5: {  	[tilespmem:s18], [sflag:$0x3] =	stream.indirect.gather [hbm4b:s7+s13], $0x40, s12, s13, $0xb8;
	[tilespmem:$0x1EE00] =	vst v63  }
0xb6: {  	s12 =	simm.s32 $0x300  }
0xb7: {  	[tilespmem:s20], [sflag:$0x4] =	stream.indirect.gather [hbm4b:s7+s13], $0x40, s12, s13, $0xb8;
	[tilespmem:$0x1EE00] =	vst v63  }
0xb8: {  	s12 =	simm.s32 $0x400  }
0xb9: {  	[tilespmem:s22], [sflag:$0x5] =	stream.indirect.gather [hbm4b:s7+s13], $0x40, s12, s13, $0xb8;
	[tilespmem:$0x1EE00] =	vst v63  }
0xba: {  	s12 =	simm.s32 $0x500  }
0xbb: {  	[tilespmem:s24], [sflag:$0x6] =	stream.indirect.gather [hbm4b:s7+s13], $0x40, s12, s13, $0xb8;
	[tilespmem:$0x1EE00] =	vst v63  }
0xbc: {  	s12 =	simm.s32 $0x600  }
0xbd: {  	[tilespmem:s26], [sflag:$0x7] =	stream.indirect.gather [hbm4b:s7+s13], $0x40, s12, s13, $0xb8;
	[tilespmem:$0x1EE00] =	vst v63  }
0xbe: {  	s28 =	rddreg [dreg:$0xa];
	s12 =	simm.s32 $0x700  }
0xbf: {  	[tilespmem:s29], [sflag:$0x8] =	stream.indirect.gather [hbm4b:s7+s13], $0x40, s12, s13, $0xb8;
	[tilespmem:$0x1EE00] =	vst v63  }
.LBB2_5:
0xc0: {  	_ =	swait.ge [sflag:s30], $0x2000  }
0xc1: {  	s11 =	sshra.s32 s5, $0x2;
	[sflag:s30] =	ssyncset.done $0x0  }
0xc2: {  	s12 =	sadd.s32 $0x80, s11;
	[sflag:s30] =	ssyncadd.s32 $0xFFFFE000  }
0xc3: {  	[spmem:s2] =	stream.indirect.scatter.add.f32 [tilespmem:s14], [sflag:$0x9], $0x40, s12, s13, $0xb8;
	[tilespmem:$0x1EE00] =	vst v63  }
0xc4: {  	_ =	swait.ge [sflag:s31], $0x2000  }
0xc5: {  	[sflag:s31] =	ssyncset.done $0x0  }
0xc6: {  	s12 =	sadd.s32 $0x180, s11;
	[sflag:s31] =	ssyncadd.s32 $0xFFFFE000  }
0xc7: {  	[spmem:s2] =	stream.indirect.scatter.add.f32 [tilespmem:s16], [sflag:$0xA], $0x40, s12, s13, $0xb8;
	[tilespmem:$0x1EE00] =	vst v63  }
0xc8: {  	_ =	swait.ge [sflag:s0], $0x2000  }
0xc9: {  	[sflag:s0] =	ssyncset.done $0x0  }
0xca: {  	s12 =	sadd.s32 $0x280, s11;
	[sflag:s0] =	ssyncadd.s32 $0xFFFFE000  }
0xcb: {  	[spmem:s2] =	stream.indirect.scatter.add.f32 [tilespmem:s18], [sflag:$0xB], $0x40, s12, s13, $0xb8;
	[tilespmem:$0x1EE00] =	vst v63  }
0xcc: {  	_ =	swait.ge [sflag:s1], $0x2000  }
0xcd: {  	[sflag:s1] =	ssyncset.done $0x0  }
0xce: {  	s12 =	sadd.s32 $0x380, s11;
	[sflag:s1] =	ssyncadd.s32 $0xFFFFE000  }
0xcf: {  	[spmem:s2] =	stream.indirect.scatter.add.f32 [tilespmem:s20], [sflag:$0xC], $0x40, s12, s13, $0xb8;
	[tilespmem:$0x1EE00] =	vst v63  }
0xd0: {  	_ =	swait.ge [sflag:s3], $0x2000  }
0xd1: {  	[sflag:s3] =	ssyncset.done $0x0  }
0xd2: {  	s12 =	sadd.s32 $0x480, s11;
	[sflag:s3] =	ssyncadd.s32 $0xFFFFE000  }
0xd3: {  	[spmem:s2] =	stream.indirect.scatter.add.f32 [tilespmem:s22], [sflag:$0xD], $0x40, s12, s13, $0xb8;
	[tilespmem:$0x1EE00] =	vst v63  }
0xd4: {  	_ =	swait.ge [sflag:s4], $0x2000  }
0xd5: {  	[sflag:s4] =	ssyncset.done $0x0  }
0xd6: {  	s12 =	sadd.s32 $0x580, s11;
	[sflag:s4] =	ssyncadd.s32 $0xFFFFE000  }
0xd7: {  	[spmem:s2] =	stream.indirect.scatter.add.f32 [tilespmem:s24], [sflag:$0xE], $0x40, s12, s13, $0xb8;
	[tilespmem:$0x1EE00] =	vst v63  }
0xd8: {  	_ =	swait.ge [sflag:s6], $0x2000  }
0xd9: {  	[sflag:s6] =	ssyncset.done $0x0  }
0xda: {  	s12 =	sadd.s32 $0x680, s11;
	[sflag:s6] =	ssyncadd.s32 $0xFFFFE000  }
0xdb: {  	[spmem:s2] =	stream.indirect.scatter.add.f32 [tilespmem:s26], [sflag:$0xF], $0x40, s12, s13, $0xb8;
	[tilespmem:$0x1EE00] =	vst v63  }
0xdc: {  	_ =	swait.ge [sflag:s8], $0x2000  }
0xdd: {  	p0 =	seq.s32 s5, $0x12000;
	[sflag:s8] =	ssyncset.done $0x0  }
.Ltmp4:
0xde: {  	s12 =	sadd.s32 $0x780, s11;
	[sflag:s8] =	ssyncadd.s32 $0xFFFFE000;
	(pc) =	sbr.rel @p0 .LBB2_7-.Ltmp4, $4  }
0xdf: {  	[spmem:s2] =	stream.indirect.scatter.add.f32 [tilespmem:s29], [sflag:$0x10], $0x40, s12, s13, $0xb8;
	[tilespmem:$0x1EE00] =	vst v63  }
0xe0: {  	_ =	swait.ge [sflag:s9], $0x2000  }
0xe1: {  	[sflag:s9] =	ssyncset.done $0x0  }
0xe2: {  	[sflag:s9] =	ssyncadd.s32 $0xFFFFE000  }
0xe3: {  	s12 =	sadd.s32 $0x800, s11  }
0xe4: {  	[tilespmem:s14], [sflag:$0x1] =	stream.indirect.gather [hbm4b:s7+s13], $0x40, s12, s13, $0xb8;
	[tilespmem:$0x1EE00] =	vst v63  }
0xe5: {  	_ =	swait.ge [sflag:s10], $0x2000  }
0xe6: {  	[sflag:s10] =	ssyncset.done $0x0  }
0xe7: {  	s12 =	sadd.s32 $0x900, s11;
	[sflag:s10] =	ssyncadd.s32 $0xFFFFE000  }
0xe8: {  	[tilespmem:s16], [sflag:$0x2] =	stream.indirect.gather [hbm4b:s7+s13], $0x40, s12, s13, $0xb8;
	[tilespmem:$0x1EE00] =	vst v63  }
0xe9: {  	_ =	swait.ge [sflag:s15], $0x2000  }
0xea: {  	[sflag:s15] =	ssyncset.done $0x0  }
0xeb: {  	s12 =	sadd.s32 $0xA00, s11;
	[sflag:s15] =	ssyncadd.s32 $0xFFFFE000  }
0xec: {  	[tilespmem:s18], [sflag:$0x3] =	stream.indirect.gather [hbm4b:s7+s13], $0x40, s12, s13, $0xb8;
	[tilespmem:$0x1EE00] =	vst v63  }
0xed: {  	_ =	swait.ge [sflag:s17], $0x2000  }
0xee: {  	[sflag:s17] =	ssyncset.done $0x0  }
0xef: {  	s12 =	sadd.s32 $0xB00, s11;
	[sflag:s17] =	ssyncadd.s32 $0xFFFFE000  }
0xf0: {  	[tilespmem:s20], [sflag:$0x4] =	stream.indirect.gather [hbm4b:s7+s13], $0x40, s12, s13, $0xb8;
	[tilespmem:$0x1EE00] =	vst v63  }
0xf1: {  	_ =	swait.ge [sflag:s19], $0x2000  }
0xf2: {  	[sflag:s19] =	ssyncset.done $0x0  }
0xf3: {  	s12 =	sadd.s32 $0xC00, s11;
	[sflag:s19] =	ssyncadd.s32 $0xFFFFE000  }
0xf4: {  	[tilespmem:s22], [sflag:$0x5] =	stream.indirect.gather [hbm4b:s7+s13], $0x40, s12, s13, $0xb8;
	[tilespmem:$0x1EE00] =	vst v63  }
0xf5: {  	_ =	swait.ge [sflag:s21], $0x2000  }
0xf6: {  	[sflag:s21] =	ssyncset.done $0x0  }
0xf7: {  	s12 =	sadd.s32 $0xD00, s11;
	[sflag:s21] =	ssyncadd.s32 $0xFFFFE000  }
0xf8: {  	[tilespmem:s24], [sflag:$0x6] =	stream.indirect.gather [hbm4b:s7+s13], $0x40, s12, s13, $0xb8;
	[tilespmem:$0x1EE00] =	vst v63  }
0xf9: {  	_ =	swait.ge [sflag:s23], $0x2000  }
0xfa: {  	[sflag:s23] =	ssyncset.done $0x0  }
0xfb: {  	s12 =	sadd.s32 $0xE00, s11;
	[sflag:s23] =	ssyncadd.s32 $0xFFFFE000  }
0xfc: {  	[tilespmem:s26], [sflag:$0x7] =	stream.indirect.gather [hbm4b:s7+s13], $0x40, s12, s13, $0xb8;
	[tilespmem:$0x1EE00] =	vst v63  }
.Ltmp5:
0xfd: {  	_ = 	snop;
	(pc) =	sbr.rel .LBB2_5-.Ltmp5, $4  }
0xfe: {  	_ =	swait.ge [sflag:s25], $0x2000  }
0xff: {  	[sflag:s25] =	ssyncset.done $0x0  }
0x100: {  	s5 =	sadd.s32 $0x2000, s5;
	s12 =	sadd.s32 $0xF00, s11;
	[sflag:s25] =	ssyncadd.s32 $0xFFFFE000  }
0x101: {  	[tilespmem:s29], [sflag:$0x8] =	stream.indirect.gather [hbm4b:s7+s13], $0x40, s12, s13, $0xb8;
	[tilespmem:$0x1EE00] =	vst v63  }
.LBB2_8:
0x102: {  	_ =	sfence.sel $0x180000  }
0x103: {  	[bflag:$0x0] =	sbarrier.arrive $0xFFFF  }
0x104: {  	_ =	strace $0x9000004A  }
0x105: {  	s0 =	stileid.u32;
	[bflag:$0x2] =	sbarrier.arrive $0xFFFF  }
0x106: {  	p0 =	sne.s32 s0, $0x0;
	s0 =	rddreg [dreg:$0x2]  }
0x107: {  	s0 =	sadd.s32 @!p0 $0x100000, s0  }
0x108: {  	[sflag:s0] =	ssyncadd.tile.s32 @!p0 $0x1;
	_ =	shalt  }
.Lfunc_end2:
_tile_overlayer_lowered:
.L_overlay_start_2:
0x109: {  	(tag) =	ssettag $0x2  }
0x10a: {  	s0 =	rddreg [dreg:$0x0];
	s2 =	stileid.u32  }
0x10b: {  	s1 =	rddreg [dreg:$0x1];
	p0 =	sne.s32 s2, $0x0  }
0x10c: {  	s3 =	rddreg [dreg:$0x2];
	[bflag:$0x3] =	sbarrier.arrive $0xFFFF;
	s2 =	simm.s32 @!p0 $0x1C11  }
0x10d: {  	[timem:s3], [sflag:s2] =	dma.local @!p0 [hbm:s0], s1  }
0x10e: {  	s0 =	simm.s32 @!p0 $0x11  }
0x10f: {  	_ =	swait.ge @!p0 [sflag:s0], s1  }
0x110: {  	s1 =	ssub.s32 @!p0 $0x0, s1;
	[sflag:s0] =	ssyncset.done @!p0 $0x0  }
0x111: {  	[sflag:s0] =	ssyncadd.s32 @!p0 s1  }
0x112: {  	[bflag:$0x3] =	sbarrier.arrive $0xFFFF  }
0x113: {  	_ =	shalt  }

</sc_bundles>
